<compile_context>
chip_gen: v7x
topology: tpu7x:2x2x1
jax: 0.10.2.dev20260603
libtpu: 0.0.44.dev20260713+nightly
codegen_flags: <defaults>
</compile_context>

<pallas_src>
import functools

import jax
import jax.numpy as jnp
from jax import lax
from jax.experimental import pallas as pl
from jax.experimental.pallas import tpu as pltpu
from jax.experimental.pallas import tpu_sc as plsc

B0, B1, F = 4096, 200, 65
N = B0 * B1
D = 64
V = 1000
NC, NS = 2, 16
NW = NC * NS
PER_W = N // NW
CHUNK = 128
GROUPS = PER_W // CHUNK

_mesh = plsc.VectorSubcoreMesh(core_axis_name="c", subcore_axis_name="s")


@functools.partial(
    pl.kernel,
    mesh=_mesh,
    out_type=jax.ShapeDtypeStruct((N, 2 * D), jnp.float32),
    scratch_types=[
        pltpu.MemorySpace.VMEM((V * D,), jnp.float32),
        pltpu.MemorySpace.VMEM((CHUNK, F), jnp.float32),
        pltpu.MemorySpace.VMEM((CHUNK, F), jnp.float32),
        pltpu.MemorySpace.VMEM((CHUNK, 2 * D), jnp.float32),
        pltpu.MemorySpace.VMEM((CHUNK, 2 * D), jnp.float32),
        pltpu.MemorySpace.VMEM((CHUNK,), jnp.int32),
        pltpu.MemorySpace.VMEM((CHUNK,), jnp.int32),
        pltpu.SemaphoreType.DMA,
        pltpu.SemaphoreType.DMA,
        pltpu.SemaphoreType.DMA,
        pltpu.SemaphoreType.DMA,
    ],
    compiler_params=pltpu.CompilerParams(
        use_tc_tiling_on_sc=True, needs_layout_passes=False),
)
def _emb_concat(x_hbm, tab_hbm, out_hbm, tabv,
                xv0, xv1, outv0, outv1, idxv0, idxv1,
                si0, si1, so0, so1):
    wid = lax.axis_index("s") * NC + lax.axis_index("c")
    tile_base = wid * PER_W
    pltpu.sync_copy(tab_hbm, tabv)

    bufs = ((xv0, outv0, idxv0, si0, so0), (xv1, outv1, idxv1, si1, so1))

    def x_src(g):
        return x_hbm.at[pl.ds(tile_base + g * CHUNK, CHUNK), :]

    def out_dst(g):
        return out_hbm.at[pl.ds(tile_base + g * CHUNK, CHUNK), :]

    pltpu.async_copy(x_src(0), xv0, si0)
    pltpu.async_copy(x_src(1), xv1, si1)

    def body(h, carry):
        for b in (0, 1):
            xv, outv, idxv, si, so = bufs[b]
            g = 2 * h + b
            pltpu.make_async_copy(x_src(g), xv, si).wait()

            @plsc.parallel_loop(0, CHUNK // 16)
            def group(k):
                lanes = lax.iota(jnp.int32, 16)
                rows = k * 16 + lanes
                opf = plsc.load_gather(xv, [rows, lanes - lanes])
                idxv[pl.ds(k * 16, 16)] = opf.astype(jnp.int32) * D

            @pl.when(h > 0)
            def _():
                pltpu.make_async_copy(outv, out_dst(g - 2), so).wait()

            @plsc.parallel_loop(0, CHUNK // 16, unroll=2)
            def rows(k):
                idx16 = idxv[pl.ds(k * 16, 16)]
                for l in range(16):
                    r = k * 16 + l
                    tb = idx16[l]
                    for j in range(D // 16):
                        outv[r, pl.ds(16 * j, 16)] = (
                            tabv[pl.ds(tb + 16 * j, 16)])
                    for j in range(D // 16):
                        outv[r, pl.ds(D + 16 * j, 16)] = (
                            xv[r, pl.ds(1 + 16 * j, 16)])

            pltpu.async_copy(outv, out_dst(g), so)

            @pl.when(g + 2 < GROUPS)
            def _():
                pltpu.async_copy(x_src(g + 2), xv, si)
        return carry

    lax.fori_loop(0, GROUPS // 2, body, 0)
    pltpu.make_async_copy(outv0, out_dst(GROUPS - 2), so0).wait()
    pltpu.make_async_copy(outv1, out_dst(GROUPS - 1), so1).wait()


def kernel(x, emb_weight):
    out = _emb_concat(x.reshape(N, F), emb_weight.reshape(-1))
    return out.reshape(B0, B1, 2 * D)

# --- scband reference (transcript-rebuilt; emitter-appended) ---
"""Pipeline reference for scband-emedding-input-layer-20169166422018 (READ-ONLY COPY).

The authoritative reference and input builder live on the scoring server;
editing this copy changes nothing except your own understanding.
"""

import jax, jax.numpy as jnp
import numpy as np


def setup_inputs(seed: int = 0) -> dict:
    key = jax.random.key(seed)
    k1, k2 = jax.random.split(key)
    # x: first column is an integer op-code in [0, num_embeddings), remaining 64
    # columns are dense features. Stored as float32, as in the torch module.
    x = jax.random.randint(k1, (4096, 200, 65), 0, 1000).astype(jnp.float32)
    # Learned embedding table per init_kwargs: num_embeddings=1000, emb_size=64.
    emb_weight = jax.random.normal(k2, (1000, 64), dtype=jnp.float32)
    return {"x": x, "emb_weight": emb_weight}


def reference(x, emb_weight):
    # op_code = x[..., 0].long()
    op_code = x[..., 0].astype(jnp.int32)
    # embedding = self.emb(op_code)
    embedding = jnp.take(emb_weight, op_code, axis=0)
    # torch.concatenate([embedding, x[..., 1:]], dim=-1)
    return jnp.concatenate([embedding, x[..., 1:]], axis=-1)

if __name__ == "__main__":
    import jax
    _d = setup_inputs()
    print(jax.jit(kernel)(*tuple(_d.values())))

</pallas_src>

<mosaic_0001>
#map = affine_map<(d0, d1) -> (0, 0)>
#map1 = affine_map<(d0, d1) -> (0)>
module attributes {stable_mosaic.version = 14 : i64} {
  func.func @_emb_concat(%arg0: i32, %arg1: i32, %arg2: memref<819200x65xf32, #tpu.memory_space<hbm>>, %arg3: memref<64000xf32, #tpu.memory_space<hbm>>, %arg4: memref<819200x128xf32, #tpu.memory_space<hbm>>, %arg5: memref<64000xf32, #tpu.memory_space<vmem>>, %arg6: memref<128x65xf32, #tpu.memory_space<vmem>>, %arg7: memref<128x65xf32, #tpu.memory_space<vmem>>, %arg8: memref<128x128xf32, #tpu.memory_space<vmem>>, %arg9: memref<128x128xf32, #tpu.memory_space<vmem>>, %arg10: memref<128xi32, #tpu.memory_space<vmem>>, %arg11: memref<128xi32, #tpu.memory_space<vmem>>, %arg12: memref<!tpu.dma_semaphore, #tpu.memory_space<semaphore_mem>>, %arg13: memref<!tpu.dma_semaphore, #tpu.memory_space<semaphore_mem>>, %arg14: memref<!tpu.dma_semaphore, #tpu.memory_space<semaphore_mem>>, %arg15: memref<!tpu.dma_semaphore, #tpu.memory_space<semaphore_mem>>) attributes {dimension_semantics = [#tpu.dimension_semantics<core_parallel>, #tpu.dimension_semantics<subcore_parallel>], iteration_bounds = array<i64: 2, 16>, scalar_prefetch = 0 : i64, scratch_operands = 11 : i64, tpu.core_type = #tpu.core_type<sc_vector_subcore>, window_params = [{transform_indices = #map}, {transform_indices = #map1}, {transform_indices = #map}]} {
    %mul3A = arith.constant 2 : i32
    %mul3A_0 = arith.muli %arg1, %mul3A : i32
    %add3A = arith.addi %mul3A_0, %arg0 : i32
    %mul3A_1 = arith.constant 25600 : i32
    %mul3A_2 = arith.muli %add3A, %mul3A_1 : i32
    "tpu.region"() ({
      %run_scoped3A = tpu.sem_alloc : memref<!tpu.dma_semaphore, #tpu.memory_space<semaphore_mem>>
      tpu.enqueue_dma source(%arg3 : memref<64000xf32, #tpu.memory_space<hbm>>) target(%arg5 : memref<64000xf32, #tpu.memory_space<vmem>>) target_semaphore(%run_scoped3A : memref<!tpu.dma_semaphore, #tpu.memory_space<semaphore_mem>>)
      tpu.wait_dma2 semaphore(%run_scoped3A : memref<!tpu.dma_semaphore, #tpu.memory_space<semaphore_mem>>) src(%arg3 : memref<64000xf32, #tpu.memory_space<hbm>>) dst(%arg5 : memref<64000xf32, #tpu.memory_space<vmem>>)
      tpu.yield
    }) : () -> ()
    %add3A_3 = arith.constant 0 : i32
    %add3A_4 = arith.addi %mul3A_2, %add3A_3 : i32
    %dma_start3A = arith.constant 0 : i32
    %dma_start3A_5 = tpu.memref_slice %arg2[%add3A_4, %dma_start3A] : memref<819200x65xf32, #tpu.memory_space<hbm>> -> memref<128x65xf32, #tpu.memory_space<hbm>>
    %dma_start3A_6 = arith.constant 0 : i32
    %dma_start3A_7 = tpu.memref_slice %arg2[%add3A_4, %dma_start3A_6] : memref<819200x65xf32, #tpu.memory_space<hbm>> -> memref<128x65xf32, #tpu.memory_space<hbm>>
    tpu.enqueue_dma source(%dma_start3A_7 : memref<128x65xf32, #tpu.memory_space<hbm>>) target(%arg6 : memref<128x65xf32, #tpu.memory_space<vmem>>) target_semaphore(%arg12 : memref<!tpu.dma_semaphore, #tpu.memory_space<semaphore_mem>>)
    %add3A_8 = arith.constant 128 : i32
    %add3A_9 = arith.addi %mul3A_2, %add3A_8 : i32
    %dma_start3A_10 = arith.constant 0 : i32
    %dma_start3A_11 = tpu.memref_slice %arg2[%add3A_9, %dma_start3A_10] : memref<819200x65xf32, #tpu.memory_space<hbm>> -> memref<128x65xf32, #tpu.memory_space<hbm>>
    %dma_start3A_12 = arith.constant 0 : i32
    %dma_start3A_13 = tpu.memref_slice %arg2[%add3A_9, %dma_start3A_12] : memref<819200x65xf32, #tpu.memory_space<hbm>> -> memref<128x65xf32, #tpu.memory_space<hbm>>
    tpu.enqueue_dma source(%dma_start3A_13 : memref<128x65xf32, #tpu.memory_space<hbm>>) target(%arg7 : memref<128x65xf32, #tpu.memory_space<vmem>>) target_semaphore(%arg13 : memref<!tpu.dma_semaphore, #tpu.memory_space<semaphore_mem>>)
    %scan3A = arith.constant 0 : i32
    %scan3A_14 = arith.constant 0 : i32
    %scan3A_15 = arith.constant 100 : i32
    %scan3A_16 = arith.addi %scan3A_14, %scan3A_15 : i32
    %scan3A_17 = arith.constant 1 : i32
    scf.for %scan3A_30 = %scan3A_14 to %scan3A_16 step %scan3A_17  : i32 {
      %mul3A_31 = arith.constant 2 : i32
      %mul3A_32 = arith.muli %mul3A_31, %scan3A_30 : i32
      %add3A_33 = arith.constant 0 : i32
      %add3A_34 = arith.addi %mul3A_32, %add3A_33 : i32
      %mul3A_35 = arith.constant 128 : i32
      %mul3A_36 = arith.muli %add3A_34, %mul3A_35 : i32
      %add3A_37 = arith.addi %mul3A_2, %mul3A_36 : i32
      %dma_wait3A_38 = arith.constant 0 : i32
      %dma_wait3A_39 = tpu.memref_slice %arg2[%add3A_37, %dma_wait3A_38] : memref<819200x65xf32, #tpu.memory_space<hbm>> -> memref<128x65xf32, #tpu.memory_space<hbm>>
      %dma_wait3A_40 = arith.constant 0 : i32
      %dma_wait3A_41 = tpu.memref_slice %arg2[%add3A_37, %dma_wait3A_40] : memref<819200x65xf32, #tpu.memory_space<hbm>> -> memref<128x65xf32, #tpu.memory_space<hbm>>
      tpu.wait_dma2 semaphore(%arg12 : memref<!tpu.dma_semaphore, #tpu.memory_space<semaphore_mem>>) src(%dma_wait3A_41 : memref<128x65xf32, #tpu.memory_space<hbm>>) dst(%arg6 : memref<128x65xf32, #tpu.memory_space<vmem>>)
      %parallel_loop3A = arith.constant 0 : i32
      %parallel_loop3A_42 = arith.constant 8 : i32
      %parallel_loop3A_43 = arith.constant 1 : i32
      scf.for %parallel_loop3A_98 = %parallel_loop3A to %parallel_loop3A_42 step %parallel_loop3A_43  : i32 {
        %parallel_loop3A_99 = tpu.iota {dimensions = array<i32: 0>} : vector<16xi32>
        %parallel_loop3A_100 = arith.constant 16 : i32
        %parallel_loop3A_101 = arith.muli %parallel_loop3A_98, %parallel_loop3A_100 : i32
        %parallel_loop3A_102 = vector.broadcast %parallel_loop3A_101 : i32 to vector<16xi32>
        %parallel_loop3A_103 = arith.addi %parallel_loop3A_102, %parallel_loop3A_99 : vector<16xi32>
        %parallel_loop3A_104 = arith.subi %parallel_loop3A_99, %parallel_loop3A_99 : vector<16xi32>
        %parallel_loop3A_105 = tpu.vector_load_idx %arg6[%parallel_loop3A_103, %parallel_loop3A_104] : memref<128x65xf32, #tpu.memory_space<vmem>>[vector<16xi32>, vector<16xi32>], vector<16xf32>,
        %parallel_loop3A_106 = arith.fptosi %parallel_loop3A_105 : vector<16xf32> to vector<16xi32>
        %parallel_loop3A_107 = arith.constant 64 : i32
        %parallel_loop3A_108 = vector.broadcast %parallel_loop3A_107 : i32 to vector<16xi32>
        %parallel_loop3A_109 = arith.muli %parallel_loop3A_106, %parallel_loop3A_108 : vector<16xi32>
        %parallel_loop3A_110 = arith.constant 16 : i32
        %parallel_loop3A_111 = arith.muli %parallel_loop3A_98, %parallel_loop3A_110 : i32
        %parallel_loop3A_112 = arith.index_cast %parallel_loop3A_111 : i32 to index
        %parallel_loop3A_113 = tpu.vector_load %arg10[%parallel_loop3A_112] {strides = array<i32>} : memref<128xi32, #tpu.memory_space<vmem>>, vector<16xi32>,
        tpu.vector_store %arg10[%parallel_loop3A_112], %parallel_loop3A_109 {strides = array<i32>} : memref<128xi32, #tpu.memory_space<vmem>>, vector<16xi32>,
      } {sc.loop_unroll_factor = 1 : i64, sc.parallel_access}
      %gt3A = arith.constant 0 : i32
      %gt3A_44 = arith.cmpi sgt, %scan3A_30, %gt3A : i32
      %convert_element_type3A = arith.extui %gt3A_44 : i1 to i32
      %cond3A = arith.constant 0 : i32
      %cond3A_45 = arith.cmpi ne, %convert_element_type3A, %cond3A : i32
      scf.if %cond3A_45 {
        %sub3A = arith.constant 2 : i32
        %sub3A_98 = arith.subi %add3A_34, %sub3A : i32
        %mul3A_99 = arith.constant 128 : i32
        %mul3A_100 = arith.muli %sub3A_98, %mul3A_99 : i32
        %add3A_101 = arith.addi %mul3A_2, %mul3A_100 : i32
        %dma_wait3A_102 = arith.constant 0 : i32
        %dma_wait3A_103 = tpu.memref_slice %arg4[%add3A_101, %dma_wait3A_102] : memref<819200x128xf32, #tpu.memory_space<hbm>> -> memref<128x128xf32, #tpu.memory_space<hbm>>
        %dma_wait3A_104 = arith.constant 0 : i32
        %dma_wait3A_105 = tpu.memref_slice %arg4[%add3A_101, %dma_wait3A_104] : memref<819200x128xf32, #tpu.memory_space<hbm>> -> memref<128x128xf32, #tpu.memory_space<hbm>>
        tpu.wait_dma2 semaphore(%arg14 : memref<!tpu.dma_semaphore, #tpu.memory_space<semaphore_mem>>) src(%arg8 : memref<128x128xf32, #tpu.memory_space<vmem>>) dst(%dma_wait3A_105 : memref<128x128xf32, #tpu.memory_space<hbm>>)
      } else {
      }
      %parallel_loop3A_46 = arith.constant 0 : i32
      %parallel_loop3A_47 = arith.constant 8 : i32
      %parallel_loop3A_48 = arith.constant 1 : i32
      scf.for %parallel_loop3A_98 = %parallel_loop3A_46 to %parallel_loop3A_47 step %parallel_loop3A_48  : i32 {
        %parallel_loop3A_99 = arith.constant 16 : i32
        %parallel_loop3A_100 = arith.muli %parallel_loop3A_98, %parallel_loop3A_99 : i32
        %parallel_loop3A_101 = arith.index_cast %parallel_loop3A_100 : i32 to index
        %parallel_loop3A_102 = tpu.vector_load %arg10[%parallel_loop3A_101] {strides = array<i32>} : memref<128xi32, #tpu.memory_space<vmem>>, vector<16xi32>,
        %parallel_loop3A_103 = arith.constant 16 : i32
        %parallel_loop3A_104 = arith.muli %parallel_loop3A_98, %parallel_loop3A_103 : i32
        %parallel_loop3A_105 = arith.constant 0 : i32
        %parallel_loop3A_106 = arith.addi %parallel_loop3A_104, %parallel_loop3A_105 : i32
        %parallel_loop3A_107 = vector.extract_strided_slice %parallel_loop3A_102 {offsets = [0], sizes = [1], strides = [1]} : vector<16xi32> to vector<1xi32>
        %parallel_loop3A_108 = vector.extract %parallel_loop3A_107[0] : i32 from vector<1xi32>
        %parallel_loop3A_109 = arith.constant 0 : i32
        %parallel_loop3A_110 = arith.addi %parallel_loop3A_108, %parallel_loop3A_109 : i32
        %parallel_loop3A_111 = arith.index_cast %parallel_loop3A_110 : i32 to index
        %parallel_loop3A_112 = tpu.vector_load %arg5[%parallel_loop3A_111] {strides = array<i32>} : memref<64000xf32, #tpu.memory_space<vmem>>, vector<16xf32>,
        %parallel_loop3A_113 = arith.index_cast %parallel_loop3A_106 : i32 to index
        %parallel_loop3A_114 = arith.constant 0 : index
        %parallel_loop3A_115 = tpu.vector_load %arg8[%parallel_loop3A_113, %parallel_loop3A_114] {strides = array<i32>} : memref<128x128xf32, #tpu.memory_space<vmem>>, vector<16xf32>,
        tpu.vector_store %arg8[%parallel_loop3A_113, %parallel_loop3A_114], %parallel_loop3A_112 {strides = array<i32>} : memref<128x128xf32, #tpu.memory_space<vmem>>, vector<16xf32>,
        %parallel_loop3A_116 = arith.constant 16 : i32
        %parallel_loop3A_117 = arith.addi %parallel_loop3A_108, %parallel_loop3A_116 : i32
        %parallel_loop3A_118 = arith.index_cast %parallel_loop3A_117 : i32 to index
        %parallel_loop3A_119 = tpu.vector_load %arg5[%parallel_loop3A_118] {strides = array<i32>} : memref<64000xf32, #tpu.memory_space<vmem>>, vector<16xf32>,
        %parallel_loop3A_120 = arith.index_cast %parallel_loop3A_106 : i32 to index
        %parallel_loop3A_121 = arith.constant 16 : index
        %parallel_loop3A_122 = tpu.vector_load %arg8[%parallel_loop3A_120, %parallel_loop3A_121] {strides = array<i32>} : memref<128x128xf32, #tpu.memory_space<vmem>>, vector<16xf32>,
        tpu.vector_store %arg8[%parallel_loop3A_120, %parallel_loop3A_121], %parallel_loop3A_119 {strides = array<i32>} : memref<128x128xf32, #tpu.memory_space<vmem>>, vector<16xf32>,
        %parallel_loop3A_123 = arith.constant 32 : i32
        %parallel_loop3A_124 = arith.addi %parallel_loop3A_108, %parallel_loop3A_123 : i32
        %parallel_loop3A_125 = arith.index_cast %parallel_loop3A_124 : i32 to index
        %parallel_loop3A_126 = tpu.vector_load %arg5[%parallel_loop3A_125] {strides = array<i32>} : memref<64000xf32, #tpu.memory_space<vmem>>, vector<16xf32>,
        %parallel_loop3A_127 = arith.index_cast %parallel_loop3A_106 : i32 to index
        %parallel_loop3A_128 = arith.constant 32 : index
        %parallel_loop3A_129 = tpu.vector_load %arg8[%parallel_loop3A_127, %parallel_loop3A_128] {strides = array<i32>} : memref<128x128xf32, #tpu.memory_space<vmem>>, vector<16xf32>,
        tpu.vector_store %arg8[%parallel_loop3A_127, %parallel_loop3A_128], %parallel_loop3A_126 {strides = array<i32>} : memref<128x128xf32, #tpu.memory_space<vmem>>, vector<16xf32>,
        %parallel_loop3A_130 = arith.constant 48 : i32
        %parallel_loop3A_131 = arith.addi %parallel_loop3A_108, %parallel_loop3A_130 : i32
        %parallel_loop3A_132 = arith.index_cast %parallel_loop3A_131 : i32 to index
        %parallel_loop3A_133 = tpu.vector_load %arg5[%parallel_loop3A_132] {strides = array<i32>} : memref<64000xf32, #tpu.memory_space<vmem>>, vector<16xf32>,
        %parallel_loop3A_134 = arith.index_cast %parallel_loop3A_106 : i32 to index
        %parallel_loop3A_135 = arith.constant 48 : index
        %parallel_loop3A_136 = tpu.vector_load %arg8[%parallel_loop3A_134, %parallel_loop3A_135] {strides = array<i32>} : memref<128x128xf32, #tpu.memory_space<vmem>>, vector<16xf32>,
        tpu.vector_store %arg8[%parallel_loop3A_134, %parallel_loop3A_135], %parallel_loop3A_133 {strides = array<i32>} : memref<128x128xf32, #tpu.memory_space<vmem>>, vector<16xf32>,
        %parallel_loop3A_137 = arith.index_cast %parallel_loop3A_106 : i32 to index
        %parallel_loop3A_138 = arith.constant 1 : index
        %parallel_loop3A_139 = tpu.vector_load %arg6[%parallel_loop3A_137, %parallel_loop3A_138] {strides = array<i32>} : memref<128x65xf32, #tpu.memory_space<vmem>>, vector<16xf32>,
        %parallel_loop3A_140 = arith.index_cast %parallel_loop3A_106 : i32 to index
        %parallel_loop3A_141 = arith.constant 64 : index
        %parallel_loop3A_142 = tpu.vector_load %arg8[%parallel_loop3A_140, %parallel_loop3A_141] {strides = array<i32>} : memref<128x128xf32, #tpu.memory_space<vmem>>, vector<16xf32>,
        tpu.vector_store %arg8[%parallel_loop3A_140, %parallel_loop3A_141], %parallel_loop3A_139 {strides = array<i32>} : memref<128x128xf32, #tpu.memory_space<vmem>>, vector<16xf32>,
        %parallel_loop3A_143 = arith.index_cast %parallel_loop3A_106 : i32 to index
        %parallel_loop3A_144 = arith.constant 17 : index
        %parallel_loop3A_145 = tpu.vector_load %arg6[%parallel_loop3A_143, %parallel_loop3A_144] {strides = array<i32>} : memref<128x65xf32, #tpu.memory_space<vmem>>, vector<16xf32>,
        %parallel_loop3A_146 = arith.index_cast %parallel_loop3A_106 : i32 to index
        %parallel_loop3A_147 = arith.constant 80 : index
        %parallel_loop3A_148 = tpu.vector_load %arg8[%parallel_loop3A_146, %parallel_loop3A_147] {strides = array<i32>} : memref<128x128xf32, #tpu.memory_space<vmem>>, vector<16xf32>,
        tpu.vector_store %arg8[%parallel_loop3A_146, %parallel_loop3A_147], %parallel_loop3A_145 {strides = array<i32>} : memref<128x128xf32, #tpu.memory_space<vmem>>, vector<16xf32>,
        %parallel_loop3A_149 = arith.index_cast %parallel_loop3A_106 : i32 to index
        %parallel_loop3A_150 = arith.constant 33 : index
        %parallel_loop3A_151 = tpu.vector_load %arg6[%parallel_loop3A_149, %parallel_loop3A_150] {strides = array<i32>} : memref<128x65xf32, #tpu.memory_space<vmem>>, vector<16xf32>,
        %parallel_loop3A_152 = arith.index_cast %parallel_loop3A_106 : i32 to index
        %parallel_loop3A_153 = arith.constant 96 : index
        %parallel_loop3A_154 = tpu.vector_load %arg8[%parallel_loop3A_152, %parallel_loop3A_153] {strides = array<i32>} : memref<128x128xf32, #tpu.memory_space<vmem>>, vector<16xf32>,
        tpu.vector_store %arg8[%parallel_loop3A_152, %parallel_loop3A_153], %parallel_loop3A_151 {strides = array<i32>} : memref<128x128xf32, #tpu.memory_space<vmem>>, vector<16xf32>,
        %parallel_loop3A_155 = arith.index_cast %parallel_loop3A_106 : i32 to index
        %parallel_loop3A_156 = arith.constant 49 : index
        %parallel_loop3A_157 = tpu.vector_load %arg6[%parallel_loop3A_155, %parallel_loop3A_156] {strides = array<i32>} : memref<128x65xf32, #tpu.memory_space<vmem>>, vector<16xf32>,
        %parallel_loop3A_158 = arith.index_cast %parallel_loop3A_106 : i32 to index
        %parallel_loop3A_159 = arith.constant 112 : index
        %parallel_loop3A_160 = tpu.vector_load %arg8[%parallel_loop3A_158, %parallel_loop3A_159] {strides = array<i32>} : memref<128x128xf32, #tpu.memory_space<vmem>>, vector<16xf32>,
        tpu.vector_store %arg8[%parallel_loop3A_158, %parallel_loop3A_159], %parallel_loop3A_157 {strides = array<i32>} : memref<128x128xf32, #tpu.memory_space<vmem>>, vector<16xf32>,
        %parallel_loop3A_161 = arith.constant 16 : i32
        %parallel_loop3A_162 = arith.muli %parallel_loop3A_98, %parallel_loop3A_161 : i32
        %parallel_loop3A_163 = arith.constant 1 : i32
        %parallel_loop3A_164 = arith.addi %parallel_loop3A_162, %parallel_loop3A_163 : i32
        %parallel_loop3A_165 = vector.extract_strided_slice %parallel_loop3A_102 {offsets = [1], sizes = [1], strides = [1]} : vector<16xi32> to vector<1xi32>
        %parallel_loop3A_166 = vector.extract %parallel_loop3A_165[0] : i32 from vector<1xi32>
        %parallel_loop3A_167 = arith.constant 0 : i32
        %parallel_loop3A_168 = arith.addi %parallel_loop3A_166, %parallel_loop3A_167 : i32
        %parallel_loop3A_169 = arith.index_cast %parallel_loop3A_168 : i32 to index
        %parallel_loop3A_170 = tpu.vector_load %arg5[%parallel_loop3A_169] {strides = array<i32>} : memref<64000xf32, #tpu.memory_space<vmem>>, vector<16xf32>,
        %parallel_loop3A_171 = arith.index_cast %parallel_loop3A_164 : i32 to index
        %parallel_loop3A_172 = arith.constant 0 : index
        %parallel_loop3A_173 = tpu.vector_load %arg8[%parallel_loop3A_171, %parallel_loop3A_172] {strides = array<i32>} : memref<128x128xf32, #tpu.memory_space<vmem>>, vector<16xf32>,
        tpu.vector_store %arg8[%parallel_loop3A_171, %parallel_loop3A_172], %parallel_loop3A_170 {strides = array<i32>} : memref<128x128xf32, #tpu.memory_space<vmem>>, vector<16xf32>,
        %parallel_loop3A_174 = arith.constant 16 : i32
        %parallel_loop3A_175 = arith.addi %parallel_loop3A_166, %parallel_loop3A_174 : i32
        %parallel_loop3A_176 = arith.index_cast %parallel_loop3A_175 : i32 to index
        %parallel_loop3A_177 = tpu.vector_load %arg5[%parallel_loop3A_176] {strides = array<i32>} : memref<64000xf32, #tpu.memory_space<vmem>>, vector<16xf32>,
        %parallel_loop3A_178 = arith.index_cast %parallel_loop3A_164 : i32 to index
        %parallel_loop3A_179 = arith.constant 16 : index
        %parallel_loop3A_180 = tpu.vector_load %arg8[%parallel_loop3A_178, %parallel_loop3A_179] {strides = array<i32>} : memref<128x128xf32, #tpu.memory_space<vmem>>, vector<16xf32>,
        tpu.vector_store %arg8[%parallel_loop3A_178, %parallel_loop3A_179], %parallel_loop3A_177 {strides = array<i32>} : memref<128x128xf32, #tpu.memory_space<vmem>>, vector<16xf32>,
        %parallel_loop3A_181 = arith.constant 32 : i32
        %parallel_loop3A_182 = arith.addi %parallel_loop3A_166, %parallel_loop3A_181 : i32
        %parallel_loop3A_183 = arith.index_cast %parallel_loop3A_182 : i32 to index
        %parallel_loop3A_184 = tpu.vector_load %arg5[%parallel_loop3A_183] {strides = array<i32>} : memref<64000xf32, #tpu.memory_space<vmem>>, vector<16xf32>,
        %parallel_loop3A_185 = arith.index_cast %parallel_loop3A_164 : i32 to index
        %parallel_loop3A_186 = arith.constant 32 : index
        %parallel_loop3A_187 = tpu.vector_load %arg8[%parallel_loop3A_185, %parallel_loop3A_186] {strides = array<i32>} : memref<128x128xf32, #tpu.memory_space<vmem>>, vector<16xf32>,
        tpu.vector_store %arg8[%parallel_loop3A_185, %parallel_loop3A_186], %parallel_loop3A_184 {strides = array<i32>} : memref<128x128xf32, #tpu.memory_space<vmem>>, vector<16xf32>,
        %parallel_loop3A_188 = arith.constant 48 : i32
        %parallel_loop3A_189 = arith.addi %parallel_loop3A_166, %parallel_loop3A_188 : i32
        %parallel_loop3A_190 = arith.index_cast %parallel_loop3A_189 : i32 to index
        %parallel_loop3A_191 = tpu.vector_load %arg5[%parallel_loop3A_190] {strides = array<i32>} : memref<64000xf32, #tpu.memory_space<vmem>>, vector<16xf32>,
        %parallel_loop3A_192 = arith.index_cast %parallel_loop3A_164 : i32 to index
        %parallel_loop3A_193 = arith.constant 48 : index
        %parallel_loop3A_194 = tpu.vector_load %arg8[%parallel_loop3A_192, %parallel_loop3A_193] {strides = array<i32>} : memref<128x128xf32, #tpu.memory_space<vmem>>, vector<16xf32>,
        tpu.vector_store %arg8[%parallel_loop3A_192, %parallel_loop3A_193], %parallel_loop3A_191 {strides = array<i32>} : memref<128x128xf32, #tpu.memory_space<vmem>>, vector<16xf32>,
        %parallel_loop3A_195 = arith.index_cast %parallel_loop3A_164 : i32 to index
        %parallel_loop3A_196 = arith.constant 1 : index
        %parallel_loop3A_197 = tpu.vector_load %arg6[%parallel_loop3A_195, %parallel_loop3A_196] {strides = array<i32>} : memref<128x65xf32, #tpu.memory_space<vmem>>, vector<16xf32>,
        %parallel_loop3A_198 = arith.index_cast %parallel_loop3A_164 : i32 to index
        %parallel_loop3A_199 = arith.constant 64 : index
        %parallel_loop3A_200 = tpu.vector_load %arg8[%parallel_loop3A_198, %parallel_loop3A_199] {strides = array<i32>} : memref<128x128xf32, #tpu.memory_space<vmem>>, vector<16xf32>,
        tpu.vector_store %arg8[%parallel_loop3A_198, %parallel_loop3A_199], %parallel_loop3A_197 {strides = array<i32>} : memref<128x128xf32, #tpu.memory_space<vmem>>, vector<16xf32>,
        %parallel_loop3A_201 = arith.index_cast %parallel_loop3A_164 : i32 to index
        %parallel_loop3A_202 = arith.constant 17 : index
        %parallel_loop3A_203 = tpu.vector_load %arg6[%parallel_loop3A_201, %parallel_loop3A_202] {strides = array<i32>} : memref<128x65xf32, #tpu.memory_space<vmem>>, vector<16xf32>,
        %parallel_loop3A_204 = arith.index_cast %parallel_loop3A_164 : i32 to index
        %parallel_loop3A_205 = arith.constant 80 : index
        %parallel_loop3A_206 = tpu.vector_load %arg8[%parallel_loop3A_204, %parallel_loop3A_205] {strides = array<i32>} : memref<128x128xf32, #tpu.memory_space<vmem>>, vector<16xf32>,
        tpu.vector_store %arg8[%parallel_loop3A_204, %parallel_loop3A_205], %parallel_loop3A_203 {strides = array<i32>} : memref<128x128xf32, #tpu.memory_space<vmem>>, vector<16xf32>,
        %parallel_loop3A_207 = arith.index_cast %parallel_loop3A_164 : i32 to index
        %parallel_loop3A_208 = arith.constant 33 : index
        %parallel_loop3A_209 = tpu.vector_load %arg6[%parallel_loop3A_207, %parallel_loop3A_208] {strides = array<i32>} : memref<128x65xf32, #tpu.memory_space<vmem>>, vector<16xf32>,
        %parallel_loop3A_210 = arith.index_cast %parallel_loop3A_164 : i32 to index
        %parallel_loop3A_211 = arith.constant 96 : index
        %parallel_loop3A_212 = tpu.vector_load %arg8[%parallel_loop3A_210, %parallel_loop3A_211] {strides = array<i32>} : memref<128x128xf32, #tpu.memory_space<vmem>>, vector<16xf32>,
        tpu.vector_store %arg8[%parallel_loop3A_210, %parallel_loop3A_211], %parallel_loop3A_209 {strides = array<i32>} : memref<128x128xf32, #tpu.memory_space<vmem>>, vector<16xf32>,
        %parallel_loop3A_213 = arith.index_cast %parallel_loop3A_164 : i32 to index
        %parallel_loop3A_214 = arith.constant 49 : index
        %parallel_loop3A_215 = tpu.vector_load %arg6[%parallel_loop3A_213, %parallel_loop3A_214] {strides = array<i32>} : memref<128x65xf32, #tpu.memory_space<vmem>>, vector<16xf32>,
        %parallel_loop3A_216 = arith.index_cast %parallel_loop3A_164 : i32 to index
        %parallel_loop3A_217 = arith.constant 112 : index
        %parallel_loop3A_218 = tpu.vector_load %arg8[%parallel_loop3A_216, %parallel_loop3A_217] {strides = array<i32>} : memref<128x128xf32, #tpu.memory_space<vmem>>, vector<16xf32>,
        tpu.vector_store %arg8[%parallel_loop3A_216, %parallel_loop3A_217], %parallel_loop3A_215 {strides = array<i32>} : memref<128x128xf32, #tpu.memory_space<vmem>>, vector<16xf32>,
        %parallel_loop3A_219 = arith.constant 16 : i32
        %parallel_loop3A_220 = arith.muli %parallel_loop3A_98, %parallel_loop3A_219 : i32
        %parallel_loop3A_221 = arith.constant 2 : i32
        %parallel_loop3A_222 = arith.addi %parallel_loop3A_220, %parallel_loop3A_221 : i32
        %parallel_loop3A_223 = vector.extract_strided_slice %parallel_loop3A_102 {offsets = [2], sizes = [1], strides = [1]} : vector<16xi32> to vector<1xi32>
        %parallel_loop3A_224 = vector.extract %parallel_loop3A_223[0] : i32 from vector<1xi32>
        %parallel_loop3A_225 = arith.constant 0 : i32
        %parallel_loop3A_226 = arith.addi %parallel_loop3A_224, %parallel_loop3A_225 : i32
        %parallel_loop3A_227 = arith.index_cast %parallel_loop3A_226 : i32 to index
        %parallel_loop3A_228 = tpu.vector_load %arg5[%parallel_loop3A_227] {strides = array<i32>} : memref<64000xf32, #tpu.memory_space<vmem>>, vector<16xf32>,
        %parallel_loop3A_229 = arith.index_cast %parallel_loop3A_222 : i32 to index
        %parallel_loop3A_230 = arith.constant 0 : index
        %parallel_loop3A_231 = tpu.vector_load %arg8[%parallel_loop3A_229, %parallel_loop3A_230] {strides = array<i32>} : memref<128x128xf32, #tpu.memory_space<vmem>>, vector<16xf32>,
        tpu.vector_store %arg8[%parallel_loop3A_229, %parallel_loop3A_230], %parallel_loop3A_228 {strides = array<i32>} : memref<128x128xf32, #tpu.memory_space<vmem>>, vector<16xf32>,
        %parallel_loop3A_232 = arith.constant 16 : i32
        %parallel_loop3A_233 = arith.addi %parallel_loop3A_224, %parallel_loop3A_232 : i32
        %parallel_loop3A_234 = arith.index_cast %parallel_loop3A_233 : i32 to index
        %parallel_loop3A_235 = tpu.vector_load %arg5[%parallel_loop3A_234] {strides = array<i32>} : memref<64000xf32, #tpu.memory_space<vmem>>, vector<16xf32>,
        %parallel_loop3A_236 = arith.index_cast %parallel_loop3A_222 : i32 to index
        %parallel_loop3A_237 = arith.constant 16 : index
        %parallel_loop3A_238 = tpu.vector_load %arg8[%parallel_loop3A_236, %parallel_loop3A_237] {strides = array<i32>} : memref<128x128xf32, #tpu.memory_space<vmem>>, vector<16xf32>,
        tpu.vector_store %arg8[%parallel_loop3A_236, %parallel_loop3A_237], %parallel_loop3A_235 {strides = array<i32>} : memref<128x128xf32, #tpu.memory_space<vmem>>, vector<16xf32>,
        %parallel_loop3A_239 = arith.constant 32 : i32
        %parallel_loop3A_240 = arith.addi %parallel_loop3A_224, %parallel_loop3A_239 : i32
        %parallel_loop3A_241 = arith.index_cast %parallel_loop3A_240 : i32 to index
        %parallel_loop3A_242 = tpu.vector_load %arg5[%parallel_loop3A_241] {strides = array<i32>} : memref<64000xf32, #tpu.memory_space<vmem>>, vector<16xf32>,
        %parallel_loop3A_243 = arith.index_cast %parallel_loop3A_222 : i32 to index
        %parallel_loop3A_244 = arith.constant 32 : index
        %parallel_loop3A_245 = tpu.vector_load %arg8[%parallel_loop3A_243, %parallel_loop3A_244] {strides = array<i32>} : memref<128x128xf32, #tpu.memory_space<vmem>>, vector<16xf32>,
        tpu.vector_store %arg8[%parallel_loop3A_243, %parallel_loop3A_244], %parallel_loop3A_242 {strides = array<i32>} : memref<128x128xf32, #tpu.memory_space<vmem>>, vector<16xf32>,
        %parallel_loop3A_246 = arith.constant 48 : i32
        %parallel_loop3A_247 = arith.addi %parallel_loop3A_224, %parallel_loop3A_246 : i32
        %parallel_loop3A_248 = arith.index_cast %parallel_loop3A_247 : i32 to index
        %parallel_loop3A_249 = tpu.vector_load %arg5[%parallel_loop3A_248] {strides = array<i32>} : memref<64000xf32, #tpu.memory_space<vmem>>, vector<16xf32>,
        %parallel_loop3A_250 = arith.index_cast %parallel_loop3A_222 : i32 to index
        %parallel_loop3A_251 = arith.constant 48 : index
        %parallel_loop3A_252 = tpu.vector_load %arg8[%parallel_loop3A_250, %parallel_loop3A_251] {strides = array<i32>} : memref<128x128xf32, #tpu.memory_space<vmem>>, vector<16xf32>,
        tpu.vector_store %arg8[%parallel_loop3A_250, %parallel_loop3A_251], %parallel_loop3A_249 {strides = array<i32>} : memref<128x128xf32, #tpu.memory_space<vmem>>, vector<16xf32>,
        %parallel_loop3A_253 = arith.index_cast %parallel_loop3A_222 : i32 to index
        %parallel_loop3A_254 = arith.constant 1 : index
        %parallel_loop3A_255 = tpu.vector_load %arg6[%parallel_loop3A_253, %parallel_loop3A_254] {strides = array<i32>} : memref<128x65xf32, #tpu.memory_space<vmem>>, vector<16xf32>,
        %parallel_loop3A_256 = arith.index_cast %parallel_loop3A_222 : i32 to index
        %parallel_loop3A_257 = arith.constant 64 : index
        %parallel_loop3A_258 = tpu.vector_load %arg8[%parallel_loop3A_256, %parallel_loop3A_257] {strides = array<i32>} : memref<128x128xf32, #tpu.memory_space<vmem>>, vector<16xf32>,
        tpu.vector_store %arg8[%parallel_loop3A_256, %parallel_loop3A_257], %parallel_loop3A_255 {strides = array<i32>} : memref<128x128xf32, #tpu.memory_space<vmem>>, vector<16xf32>,
        %parallel_loop3A_259 = arith.index_cast %parallel_loop3A_222 : i32 to index
        %parallel_loop3A_260 = arith.constant 17 : index
        %parallel_loop3A_261 = tpu.vector_load %arg6[%parallel_loop3A_259, %parallel_loop3A_260] {strides = array<i32>} : memref<128x65xf32, #tpu.memory_space<vmem>>, vector<16xf32>,
        %parallel_loop3A_262 = arith.index_cast %parallel_loop3A_222 : i32 to index
        %parallel_loop3A_263 = arith.constant 80 : index
        %parallel_loop3A_264 = tpu.vector_load %arg8[%parallel_loop3A_262, %parallel_loop3A_263] {strides = array<i32>} : memref<128x128xf32, #tpu.memory_space<vmem>>, vector<16xf32>,
        tpu.vector_store %arg8[%parallel_loop3A_262, %parallel_loop3A_263], %parallel_loop3A_261 {strides = array<i32>} : memref<128x128xf32, #tpu.memory_space<vmem>>, vector<16xf32>,
        %parallel_loop3A_265 = arith.index_cast %parallel_loop3A_222 : i32 to index
        %parallel_loop3A_266 = arith.constant 33 : index
        %parallel_loop3A_267 = tpu.vector_load %arg6[%parallel_loop3A_265, %parallel_loop3A_266] {strides = array<i32>} : memref<128x65xf32, #tpu.memory_space<vmem>>, vector<16xf32>,
        %parallel_loop3A_268 = arith.index_cast %parallel_loop3A_222 : i32 to index
        %parallel_loop3A_269 = arith.constant 96 : index
        %parallel_loop3A_270 = tpu.vector_load %arg8[%parallel_loop3A_268, %parallel_loop3A_269] {strides = array<i32>} : memref<128x128xf32, #tpu.memory_space<vmem>>, vector<16xf32>,
        tpu.vector_store %arg8[%parallel_loop3A_268, %parallel_loop3A_269], %parallel_loop3A_267 {strides = array<i32>} : memref<128x128xf32, #tpu.memory_space<vmem>>, vector<16xf32>,
        %parallel_loop3A_271 = arith.index_cast %parallel_loop3A_222 : i32 to index
        %parallel_loop3A_272 = arith.constant 49 : index
        %parallel_loop3A_273 = tpu.vector_load %arg6[%parallel_loop3A_271, %parallel_loop3A_272] {strides = array<i32>} : memref<128x65xf32, #tpu.memory_space<vmem>>, vector<16xf32>,
        %parallel_loop3A_274 = arith.index_cast %parallel_loop3A_222 : i32 to index
        %parallel_loop3A_275 = arith.constant 112 : index
        %parallel_loop3A_276 = tpu.vector_load %arg8[%parallel_loop3A_274, %parallel_loop3A_275] {strides = array<i32>} : memref<128x128xf32, #tpu.memory_space<vmem>>, vector<16xf32>,
        tpu.vector_store %arg8[%parallel_loop3A_274, %parallel_loop3A_275], %parallel_loop3A_273 {strides = array<i32>} : memref<128x128xf32, #tpu.memory_space<vmem>>, vector<16xf32>,
        %parallel_loop3A_277 = arith.constant 16 : i32
        %parallel_loop3A_278 = arith.muli %parallel_loop3A_98, %parallel_loop3A_277 : i32
        %parallel_loop3A_279 = arith.constant 3 : i32
        %parallel_loop3A_280 = arith.addi %parallel_loop3A_278, %parallel_loop3A_279 : i32
        %parallel_loop3A_281 = vector.extract_strided_slice %parallel_loop3A_102 {offsets = [3], sizes = [1], strides = [1]} : vector<16xi32> to vector<1xi32>
        %parallel_loop3A_282 = vector.extract %parallel_loop3A_281[0] : i32 from vector<1xi32>
        %parallel_loop3A_283 = arith.constant 0 : i32
        %parallel_loop3A_284 = arith.addi %parallel_loop3A_282, %parallel_loop3A_283 : i32
        %parallel_loop3A_285 = arith.index_cast %parallel_loop3A_284 : i32 to index
        %parallel_loop3A_286 = tpu.vector_load %arg5[%parallel_loop3A_285] {strides = array<i32>} : memref<64000xf32, #tpu.memory_space<vmem>>, vector<16xf32>,
        %parallel_loop3A_287 = arith.index_cast %parallel_loop3A_280 : i32 to index
        %parallel_loop3A_288 = arith.constant 0 : index
        %parallel_loop3A_289 = tpu.vector_load %arg8[%parallel_loop3A_287, %parallel_loop3A_288] {strides = array<i32>} : memref<128x128xf32, #tpu.memory_space<vmem>>, vector<16xf32>,
        tpu.vector_store %arg8[%parallel_loop3A_287, %parallel_loop3A_288], %parallel_loop3A_286 {strides = array<i32>} : memref<128x128xf32, #tpu.memory_space<vmem>>, vector<16xf32>,
        %parallel_loop3A_290 = arith.constant 16 : i32
        %parallel_loop3A_291 = arith.addi %parallel_loop3A_282, %parallel_loop3A_290 : i32
        %parallel_loop3A_292 = arith.index_cast %parallel_loop3A_291 : i32 to index
        %parallel_loop3A_293 = tpu.vector_load %arg5[%parallel_loop3A_292] {strides = array<i32>} : memref<64000xf32, #tpu.memory_space<vmem>>, vector<16xf32>,
        %parallel_loop3A_294 = arith.index_cast %parallel_loop3A_280 : i32 to index
        %parallel_loop3A_295 = arith.constant 16 : index
        %parallel_loop3A_296 = tpu.vector_load %arg8[%parallel_loop3A_294, %parallel_loop3A_295] {strides = array<i32>} : memref<128x128xf32, #tpu.memory_space<vmem>>, vector<16xf32>,
        tpu.vector_store %arg8[%parallel_loop3A_294, %parallel_loop3A_295], %parallel_loop3A_293 {strides = array<i32>} : memref<128x128xf32, #tpu.memory_space<vmem>>, vector<16xf32>,
        %parallel_loop3A_297 = arith.constant 32 : i32
        %parallel_loop3A_298 = arith.addi %parallel_loop3A_282, %parallel_loop3A_297 : i32
        %parallel_loop3A_299 = arith.index_cast %parallel_loop3A_298 : i32 to index
        %parallel_loop3A_300 = tpu.vector_load %arg5[%parallel_loop3A_299] {strides = array<i32>} : memref<64000xf32, #tpu.memory_space<vmem>>, vector<16xf32>,
        %parallel_loop3A_301 = arith.index_cast %parallel_loop3A_280 : i32 to index
        %parallel_loop3A_302 = arith.constant 32 : index
        %parallel_loop3A_303 = tpu.vector_load %arg8[%parallel_loop3A_301, %parallel_loop3A_302] {strides = array<i32>} : memref<128x128xf32, #tpu.memory_space<vmem>>, vector<16xf32>,
        tpu.vector_store %arg8[%parallel_loop3A_301, %parallel_loop3A_302], %parallel_loop3A_300 {strides = array<i32>} : memref<128x128xf32, #tpu.memory_space<vmem>>, vector<16xf32>,
        %parallel_loop3A_304 = arith.constant 48 : i32
        %parallel_loop3A_305 = arith.addi %parallel_loop3A_282, %parallel_loop3A_304 : i32
        %parallel_loop3A_306 = arith.index_cast %parallel_loop3A_305 : i32 to index
        %parallel_loop3A_307 = tpu.vector_load %arg5[%parallel_loop3A_306] {strides = array<i32>} : memref<64000xf32, #tpu.memory_space<vmem>>, vector<16xf32>,
        %parallel_loop3A_308 = arith.index_cast %parallel_loop3A_280 : i32 to index
        %parallel_loop3A_309 = arith.constant 48 : index
        %parallel_loop3A_310 = tpu.vector_load %arg8[%parallel_loop3A_308, %parallel_loop3A_309] {strides = array<i32>} : memref<128x128xf32, #tpu.memory_space<vmem>>, vector<16xf32>,
        tpu.vector_store %arg8[%parallel_loop3A_308, %parallel_loop3A_309], %parallel_loop3A_307 {strides = array<i32>} : memref<128x128xf32, #tpu.memory_space<vmem>>, vector<16xf32>,
        %parallel_loop3A_311 = arith.index_cast %parallel_loop3A_280 : i32 to index
        %parallel_loop3A_312 = arith.constant 1 : index
        %parallel_loop3A_313 = tpu.vector_load %arg6[%parallel_loop3A_311, %parallel_loop3A_312] {strides = array<i32>} : memref<128x65xf32, #tpu.memory_space<vmem>>, vector<16xf32>,
        %parallel_loop3A_314 = arith.index_cast %parallel_loop3A_280 : i32 to index
        %parallel_loop3A_315 = arith.constant 64 : index
        %parallel_loop3A_316 = tpu.vector_load %arg8[%parallel_loop3A_314, %parallel_loop3A_315] {strides = array<i32>} : memref<128x128xf32, #tpu.memory_space<vmem>>, vector<16xf32>,
        tpu.vector_store %arg8[%parallel_loop3A_314, %parallel_loop3A_315], %parallel_loop3A_313 {strides = array<i32>} : memref<128x128xf32, #tpu.memory_space<vmem>>, vector<16xf32>,
        %parallel_loop3A_317 = arith.index_cast %parallel_loop3A_280 : i32 to index
        %parallel_loop3A_318 = arith.constant 17 : index
        %parallel_loop3A_319 = tpu.vector_load %arg6[%parallel_loop3A_317, %parallel_loop3A_318] {strides = array<i32>} : memref<128x65xf32, #tpu.memory_space<vmem>>, vector<16xf32>,
        %parallel_loop3A_320 = arith.index_cast %parallel_loop3A_280 : i32 to index
        %parallel_loop3A_321 = arith.constant 80 : index
        %parallel_loop3A_322 = tpu.vector_load %arg8[%parallel_loop3A_320, %parallel_loop3A_321] {strides = array<i32>} : memref<128x128xf32, #tpu.memory_space<vmem>>, vector<16xf32>,
        tpu.vector_store %arg8[%parallel_loop3A_320, %parallel_loop3A_321], %parallel_loop3A_319 {strides = array<i32>} : memref<128x128xf32, #tpu.memory_space<vmem>>, vector<16xf32>,
        %parallel_loop3A_323 = arith.index_cast %parallel_loop3A_280 : i32 to index
        %parallel_loop3A_324 = arith.constant 33 : index
        %parallel_loop3A_325 = tpu.vector_load %arg6[%parallel_loop3A_323, %parallel_loop3A_324] {strides = array<i32>} : memref<128x65xf32, #tpu.memory_space<vmem>>, vector<16xf32>,
        %parallel_loop3A_326 = arith.index_cast %parallel_loop3A_280 : i32 to index
        %parallel_loop3A_327 = arith.constant 96 : index
        %parallel_loop3A_328 = tpu.vector_load %arg8[%parallel_loop3A_326, %parallel_loop3A_327] {strides = array<i32>} : memref<128x128xf32, #tpu.memory_space<vmem>>, vector<16xf32>,
        tpu.vector_store %arg8[%parallel_loop3A_326, %parallel_loop3A_327], %parallel_loop3A_325 {strides = array<i32>} : memref<128x128xf32, #tpu.memory_space<vmem>>, vector<16xf32>,
        %parallel_loop3A_329 = arith.index_cast %parallel_loop3A_280 : i32 to index
        %parallel_loop3A_330 = arith.constant 49 : index
        %parallel_loop3A_331 = tpu.vector_load %arg6[%parallel_loop3A_329, %parallel_loop3A_330] {strides = array<i32>} : memref<128x65xf32, #tpu.memory_space<vmem>>, vector<16xf32>,
        %parallel_loop3A_332 = arith.index_cast %parallel_loop3A_280 : i32 to index
        %parallel_loop3A_333 = arith.constant 112 : index
        %parallel_loop3A_334 = tpu.vector_load %arg8[%parallel_loop3A_332, %parallel_loop3A_333] {strides = array<i32>} : memref<128x128xf32, #tpu.memory_space<vmem>>, vector<16xf32>,
        tpu.vector_store %arg8[%parallel_loop3A_332, %parallel_loop3A_333], %parallel_loop3A_331 {strides = array<i32>} : memref<128x128xf32, #tpu.memory_space<vmem>>, vector<16xf32>,
        %parallel_loop3A_335 = arith.constant 16 : i32
        %parallel_loop3A_336 = arith.muli %parallel_loop3A_98, %parallel_loop3A_335 : i32
        %parallel_loop3A_337 = arith.constant 4 : i32
        %parallel_loop3A_338 = arith.addi %parallel_loop3A_336, %parallel_loop3A_337 : i32
        %parallel_loop3A_339 = vector.extract_strided_slice %parallel_loop3A_102 {offsets = [4], sizes = [1], strides = [1]} : vector<16xi32> to vector<1xi32>
        %parallel_loop3A_340 = vector.extract %parallel_loop3A_339[0] : i32 from vector<1xi32>
        %parallel_loop3A_341 = arith.constant 0 : i32
        %parallel_loop3A_342 = arith.addi %parallel_loop3A_340, %parallel_loop3A_341 : i32
        %parallel_loop3A_343 = arith.index_cast %parallel_loop3A_342 : i32 to index
        %parallel_loop3A_344 = tpu.vector_load %arg5[%parallel_loop3A_343] {strides = array<i32>} : memref<64000xf32, #tpu.memory_space<vmem>>, vector<16xf32>,
        %parallel_loop3A_345 = arith.index_cast %parallel_loop3A_338 : i32 to index
        %parallel_loop3A_346 = arith.constant 0 : index
        %parallel_loop3A_347 = tpu.vector_load %arg8[%parallel_loop3A_345, %parallel_loop3A_346] {strides = array<i32>} : memref<128x128xf32, #tpu.memory_space<vmem>>, vector<16xf32>,
        tpu.vector_store %arg8[%parallel_loop3A_345, %parallel_loop3A_346], %parallel_loop3A_344 {strides = array<i32>} : memref<128x128xf32, #tpu.memory_space<vmem>>, vector<16xf32>,
        %parallel_loop3A_348 = arith.constant 16 : i32
        %parallel_loop3A_349 = arith.addi %parallel_loop3A_340, %parallel_loop3A_348 : i32
        %parallel_loop3A_350 = arith.index_cast %parallel_loop3A_349 : i32 to index
        %parallel_loop3A_351 = tpu.vector_load %arg5[%parallel_loop3A_350] {strides = array<i32>} : memref<64000xf32, #tpu.memory_space<vmem>>, vector<16xf32>,
        %parallel_loop3A_352 = arith.index_cast %parallel_loop3A_338 : i32 to index
        %parallel_loop3A_353 = arith.constant 16 : index
        %parallel_loop3A_354 = tpu.vector_load %arg8[%parallel_loop3A_352, %parallel_loop3A_353] {strides = array<i32>} : memref<128x128xf32, #tpu.memory_space<vmem>>, vector<16xf32>,
        tpu.vector_store %arg8[%parallel_loop3A_352, %parallel_loop3A_353], %parallel_loop3A_351 {strides = array<i32>} : memref<128x128xf32, #tpu.memory_space<vmem>>, vector<16xf32>,
        %parallel_loop3A_355 = arith.constant 32 : i32
        %parallel_loop3A_356 = arith.addi %parallel_loop3A_340, %parallel_loop3A_355 : i32
        %parallel_loop3A_357 = arith.index_cast %parallel_loop3A_356 : i32 to index
        %parallel_loop3A_358 = tpu.vector_load %arg5[%parallel_loop3A_357] {strides = array<i32>} : memref<64000xf32, #tpu.memory_space<vmem>>, vector<16xf32>,
        %parallel_loop3A_359 = arith.index_cast %parallel_loop3A_338 : i32 to index
        %parallel_loop3A_360 = arith.constant 32 : index
        %parallel_loop3A_361 = tpu.vector_load %arg8[%parallel_loop3A_359, %parallel_loop3A_360] {strides = array<i32>} : memref<128x128xf32, #tpu.memory_space<vmem>>, vector<16xf32>,
        tpu.vector_store %arg8[%parallel_loop3A_359, %parallel_loop3A_360], %parallel_loop3A_358 {strides = array<i32>} : memref<128x128xf32, #tpu.memory_space<vmem>>, vector<16xf32>,
        %parallel_loop3A_362 = arith.constant 48 : i32
        %parallel_loop3A_363 = arith.addi %parallel_loop3A_340, %parallel_loop3A_362 : i32
        %parallel_loop3A_364 = arith.index_cast %parallel_loop3A_363 : i32 to index
        %parallel_loop3A_365 = tpu.vector_load %arg5[%parallel_loop3A_364] {strides = array<i32>} : memref<64000xf32, #tpu.memory_space<vmem>>, vector<16xf32>,
        %parallel_loop3A_366 = arith.index_cast %parallel_loop3A_338 : i32 to index
        %parallel_loop3A_367 = arith.constant 48 : index
        %parallel_loop3A_368 = tpu.vector_load %arg8[%parallel_loop3A_366, %parallel_loop3A_367] {strides = array<i32>} : memref<128x128xf32, #tpu.memory_space<vmem>>, vector<16xf32>,
        tpu.vector_store %arg8[%parallel_loop3A_366, %parallel_loop3A_367], %parallel_loop3A_365 {strides = array<i32>} : memref<128x128xf32, #tpu.memory_space<vmem>>, vector<16xf32>,
        %parallel_loop3A_369 = arith.index_cast %parallel_loop3A_338 : i32 to index
        %parallel_loop3A_370 = arith.constant 1 : index
        %parallel_loop3A_371 = tpu.vector_load %arg6[%parallel_loop3A_369, %parallel_loop3A_370] {strides = array<i32>} : memref<128x65xf32, #tpu.memory_space<vmem>>, vector<16xf32>,
        %parallel_loop3A_372 = arith.index_cast %parallel_loop3A_338 : i32 to index
        %parallel_loop3A_373 = arith.constant 64 : index
        %parallel_loop3A_374 = tpu.vector_load %arg8[%parallel_loop3A_372, %parallel_loop3A_373] {strides = array<i32>} : memref<128x128xf32, #tpu.memory_space<vmem>>, vector<16xf32>,
        tpu.vector_store %arg8[%parallel_loop3A_372, %parallel_loop3A_373], %parallel_loop3A_371 {strides = array<i32>} : memref<128x128xf32, #tpu.memory_space<vmem>>, vector<16xf32>,
        %parallel_loop3A_375 = arith.index_cast %parallel_loop3A_338 : i32 to index
        %parallel_loop3A_376 = arith.constant 17 : index
        %parallel_loop3A_377 = tpu.vector_load %arg6[%parallel_loop3A_375, %parallel_loop3A_376] {strides = array<i32>} : memref<128x65xf32, #tpu.memory_space<vmem>>, vector<16xf32>,
        %parallel_loop3A_378 = arith.index_cast %parallel_loop3A_338 : i32 to index
        %parallel_loop3A_379 = arith.constant 80 : index
        %parallel_loop3A_380 = tpu.vector_load %arg8[%parallel_loop3A_378, %parallel_loop3A_379] {strides = array<i32>} : memref<128x128xf32, #tpu.memory_space<vmem>>, vector<16xf32>,
        tpu.vector_store %arg8[%parallel_loop3A_378, %parallel_loop3A_379], %parallel_loop3A_377 {strides = array<i32>} : memref<128x128xf32, #tpu.memory_space<vmem>>, vector<16xf32>,
        %parallel_loop3A_381 = arith.index_cast %parallel_loop3A_338 : i32 to index
        %parallel_loop3A_382 = arith.constant 33 : index
        %parallel_loop3A_383 = tpu.vector_load %arg6[%parallel_loop3A_381, %parallel_loop3A_382] {strides = array<i32>} : memref<128x65xf32, #tpu.memory_space<vmem>>, vector<16xf32>,
        %parallel_loop3A_384 = arith.index_cast %parallel_loop3A_338 : i32 to index
        %parallel_loop3A_385 = arith.constant 96 : index
        %parallel_loop3A_386 = tpu.vector_load %arg8[%parallel_loop3A_384, %parallel_loop3A_385] {strides = array<i32>} : memref<128x128xf32, #tpu.memory_space<vmem>>, vector<16xf32>,
        tpu.vector_store %arg8[%parallel_loop3A_384, %parallel_loop3A_385], %parallel_loop3A_383 {strides = array<i32>} : memref<128x128xf32, #tpu.memory_space<vmem>>, vector<16xf32>,
        %parallel_loop3A_387 = arith.index_cast %parallel_loop3A_338 : i32 to index
        %parallel_loop3A_388 = arith.constant 49 : index
        %parallel_loop3A_389 = tpu.vector_load %arg6[%parallel_loop3A_387, %parallel_loop3A_388] {strides = array<i32>} : memref<128x65xf32, #tpu.memory_space<vmem>>, vector<16xf32>,
        %parallel_loop3A_390 = arith.index_cast %parallel_loop3A_338 : i32 to index
        %parallel_loop3A_391 = arith.constant 112 : index
        %parallel_loop3A_392 = tpu.vector_load %arg8[%parallel_loop3A_390, %parallel_loop3A_391] {strides = array<i32>} : memref<128x128xf32, #tpu.memory_space<vmem>>, vector<16xf32>,
        tpu.vector_store %arg8[%parallel_loop3A_390, %parallel_loop3A_391], %parallel_loop3A_389 {strides = array<i32>} : memref<128x128xf32, #tpu.memory_space<vmem>>, vector<16xf32>,
        %parallel_loop3A_393 = arith.constant 16 : i32
        %parallel_loop3A_394 = arith.muli %parallel_loop3A_98, %parallel_loop3A_393 : i32
        %parallel_loop3A_395 = arith.constant 5 : i32
        %parallel_loop3A_396 = arith.addi %parallel_loop3A_394, %parallel_loop3A_395 : i32
        %parallel_loop3A_397 = vector.extract_strided_slice %parallel_loop3A_102 {offsets = [5], sizes = [1], strides = [1]} : vector<16xi32> to vector<1xi32>
        %parallel_loop3A_398 = vector.extract %parallel_loop3A_397[0] : i32 from vector<1xi32>
        %parallel_loop3A_399 = arith.constant 0 : i32
        %parallel_loop3A_400 = arith.addi %parallel_loop3A_398, %parallel_loop3A_399 : i32
        %parallel_loop3A_401 = arith.index_cast %parallel_loop3A_400 : i32 to index
        %parallel_loop3A_402 = tpu.vector_load %arg5[%parallel_loop3A_401] {strides = array<i32>} : memref<64000xf32, #tpu.memory_space<vmem>>, vector<16xf32>,
        %parallel_loop3A_403 = arith.index_cast %parallel_loop3A_396 : i32 to index
        %parallel_loop3A_404 = arith.constant 0 : index
        %parallel_loop3A_405 = tpu.vector_load %arg8[%parallel_loop3A_403, %parallel_loop3A_404] {strides = array<i32>} : memref<128x128xf32, #tpu.memory_space<vmem>>, vector<16xf32>,
        tpu.vector_store %arg8[%parallel_loop3A_403, %parallel_loop3A_404], %parallel_loop3A_402 {strides = array<i32>} : memref<128x128xf32, #tpu.memory_space<vmem>>, vector<16xf32>,
        %parallel_loop3A_406 = arith.constant 16 : i32
        %parallel_loop3A_407 = arith.addi %parallel_loop3A_398, %parallel_loop3A_406 : i32
        %parallel_loop3A_408 = arith.index_cast %parallel_loop3A_407 : i32 to index
        %parallel_loop3A_409 = tpu.vector_load %arg5[%parallel_loop3A_408] {strides = array<i32>} : memref<64000xf32, #tpu.memory_space<vmem>>, vector<16xf32>,
        %parallel_loop3A_410 = arith.index_cast %parallel_loop3A_396 : i32 to index
        %parallel_loop3A_411 = arith.constant 16 : index
        %parallel_loop3A_412 = tpu.vector_load %arg8[%parallel_loop3A_410, %parallel_loop3A_411] {strides = array<i32>} : memref<128x128xf32, #tpu.memory_space<vmem>>, vector<16xf32>,
        tpu.vector_store %arg8[%parallel_loop3A_410, %parallel_loop3A_411], %parallel_loop3A_409 {strides = array<i32>} : memref<128x128xf32, #tpu.memory_space<vmem>>, vector<16xf32>,
        %parallel_loop3A_413 = arith.constant 32 : i32
        %parallel_loop3A_414 = arith.addi %parallel_loop3A_398, %parallel_loop3A_413 : i32
        %parallel_loop3A_415 = arith.index_cast %parallel_loop3A_414 : i32 to index
        %parallel_loop3A_416 = tpu.vector_load %arg5[%parallel_loop3A_415] {strides = array<i32>} : memref<64000xf32, #tpu.memory_space<vmem>>, vector<16xf32>,
        %parallel_loop3A_417 = arith.index_cast %parallel_loop3A_396 : i32 to index
        %parallel_loop3A_418 = arith.constant 32 : index
        %parallel_loop3A_419 = tpu.vector_load %arg8[%parallel_loop3A_417, %parallel_loop3A_418] {strides = array<i32>} : memref<128x128xf32, #tpu.memory_space<vmem>>, vector<16xf32>,
        tpu.vector_store %arg8[%parallel_loop3A_417, %parallel_loop3A_418], %parallel_loop3A_416 {strides = array<i32>} : memref<128x128xf32, #tpu.memory_space<vmem>>, vector<16xf32>,
        %parallel_loop3A_420 = arith.constant 48 : i32
        %parallel_loop3A_421 = arith.addi %parallel_loop3A_398, %parallel_loop3A_420 : i32
        %parallel_loop3A_422 = arith.index_cast %parallel_loop3A_421 : i32 to index
        %parallel_loop3A_423 = tpu.vector_load %arg5[%parallel_loop3A_422] {strides = array<i32>} : memref<64000xf32, #tpu.memory_space<vmem>>, vector<16xf32>,
        %parallel_loop3A_424 = arith.index_cast %parallel_loop3A_396 : i32 to index
        %parallel_loop3A_425 = arith.constant 48 : index
        %parallel_loop3A_426 = tpu.vector_load %arg8[%parallel_loop3A_424, %parallel_loop3A_425] {strides = array<i32>} : memref<128x128xf32, #tpu.memory_space<vmem>>, vector<16xf32>,
        tpu.vector_store %arg8[%parallel_loop3A_424, %parallel_loop3A_425], %parallel_loop3A_423 {strides = array<i32>} : memref<128x128xf32, #tpu.memory_space<vmem>>, vector<16xf32>,
        %parallel_loop3A_427 = arith.index_cast %parallel_loop3A_396 : i32 to index
        %parallel_loop3A_428 = arith.constant 1 : index
        %parallel_loop3A_429 = tpu.vector_load %arg6[%parallel_loop3A_427, %parallel_loop3A_428] {strides = array<i32>} : memref<128x65xf32, #tpu.memory_space<vmem>>, vector<16xf32>,
        %parallel_loop3A_430 = arith.index_cast %parallel_loop3A_396 : i32 to index
        %parallel_loop3A_431 = arith.constant 64 : index
        %parallel_loop3A_432 = tpu.vector_load %arg8[%parallel_loop3A_430, %parallel_loop3A_431] {strides = array<i32>} : memref<128x128xf32, #tpu.memory_space<vmem>>, vector<16xf32>,
        tpu.vector_store %arg8[%parallel_loop3A_430, %parallel_loop3A_431], %parallel_loop3A_429 {strides = array<i32>} : memref<128x128xf32, #tpu.memory_space<vmem>>, vector<16xf32>,
        %parallel_loop3A_433 = arith.index_cast %parallel_loop3A_396 : i32 to index
        %parallel_loop3A_434 = arith.constant 17 : index
        %parallel_loop3A_435 = tpu.vector_load %arg6[%parallel_loop3A_433, %parallel_loop3A_434] {strides = array<i32>} : memref<128x65xf32, #tpu.memory_space<vmem>>, vector<16xf32>,
        %parallel_loop3A_436 = arith.index_cast %parallel_loop3A_396 : i32 to index
        %parallel_loop3A_437 = arith.constant 80 : index
        %parallel_loop3A_438 = tpu.vector_load %arg8[%parallel_loop3A_436, %parallel_loop3A_437] {strides = array<i32>} : memref<128x128xf32, #tpu.memory_space<vmem>>, vector<16xf32>,
        tpu.vector_store %arg8[%parallel_loop3A_436, %parallel_loop3A_437], %parallel_loop3A_435 {strides = array<i32>} : memref<128x128xf32, #tpu.memory_space<vmem>>, vector<16xf32>,
        %parallel_loop3A_439 = arith.index_cast %parallel_loop3A_396 : i32 to index
        %parallel_loop3A_440 = arith.constant 33 : index
        %parallel_loop3A_441 = tpu.vector_load %arg6[%parallel_loop3A_439, %parallel_loop3A_440] {strides = array<i32>} : memref<128x65xf32, #tpu.memory_space<vmem>>, vector<16xf32>,
        %parallel_loop3A_442 = arith.index_cast %parallel_loop3A_396 : i32 to index
        %parallel_loop3A_443 = arith.constant 96 : index
        %parallel_loop3A_444 = tpu.vector_load %arg8[%parallel_loop3A_442, %parallel_loop3A_443] {strides = array<i32>} : memref<128x128xf32, #tpu.memory_space<vmem>>, vector<16xf32>,
        tpu.vector_store %arg8[%parallel_loop3A_442, %parallel_loop3A_443], %parallel_loop3A_441 {strides = array<i32>} : memref<128x128xf32, #tpu.memory_space<vmem>>, vector<16xf32>,
        %parallel_loop3A_445 = arith.index_cast %parallel_loop3A_396 : i32 to index
        %parallel_loop3A_446 = arith.constant 49 : index
        %parallel_loop3A_447 = tpu.vector_load %arg6[%parallel_loop3A_445, %parallel_loop3A_446] {strides = array<i32>} : memref<128x65xf32, #tpu.memory_space<vmem>>, vector<16xf32>,
        %parallel_loop3A_448 = arith.index_cast %parallel_loop3A_396 : i32 to index
        %parallel_loop3A_449 = arith.constant 112 : index
        %parallel_loop3A_450 = tpu.vector_load %arg8[%parallel_loop3A_448, %parallel_loop3A_449] {strides = array<i32>} : memref<128x128xf32, #tpu.memory_space<vmem>>, vector<16xf32>,
        tpu.vector_store %arg8[%parallel_loop3A_448, %parallel_loop3A_449], %parallel_loop3A_447 {strides = array<i32>} : memref<128x128xf32, #tpu.memory_space<vmem>>, vector<16xf32>,
        %parallel_loop3A_451 = arith.constant 16 : i32
        %parallel_loop3A_452 = arith.muli %parallel_loop3A_98, %parallel_loop3A_451 : i32
        %parallel_loop3A_453 = arith.constant 6 : i32
        %parallel_loop3A_454 = arith.addi %parallel_loop3A_452, %parallel_loop3A_453 : i32
        %parallel_loop3A_455 = vector.extract_strided_slice %parallel_loop3A_102 {offsets = [6], sizes = [1], strides = [1]} : vector<16xi32> to vector<1xi32>
        %parallel_loop3A_456 = vector.extract %parallel_loop3A_455[0] : i32 from vector<1xi32>
        %parallel_loop3A_457 = arith.constant 0 : i32
        %parallel_loop3A_458 = arith.addi %parallel_loop3A_456, %parallel_loop3A_457 : i32
        %parallel_loop3A_459 = arith.index_cast %parallel_loop3A_458 : i32 to index
        %parallel_loop3A_460 = tpu.vector_load %arg5[%parallel_loop3A_459] {strides = array<i32>} : memref<64000xf32, #tpu.memory_space<vmem>>, vector<16xf32>,
        %parallel_loop3A_461 = arith.index_cast %parallel_loop3A_454 : i32 to index
        %parallel_loop3A_462 = arith.constant 0 : index
        %parallel_loop3A_463 = tpu.vector_load %arg8[%parallel_loop3A_461, %parallel_loop3A_462] {strides = array<i32>} : memref<128x128xf32, #tpu.memory_space<vmem>>, vector<16xf32>,
        tpu.vector_store %arg8[%parallel_loop3A_461, %parallel_loop3A_462], %parallel_loop3A_460 {strides = array<i32>} : memref<128x128xf32, #tpu.memory_space<vmem>>, vector<16xf32>,
        %parallel_loop3A_464 = arith.constant 16 : i32
        %parallel_loop3A_465 = arith.addi %parallel_loop3A_456, %parallel_loop3A_464 : i32
        %parallel_loop3A_466 = arith.index_cast %parallel_loop3A_465 : i32 to index
        %parallel_loop3A_467 = tpu.vector_load %arg5[%parallel_loop3A_466] {strides = array<i32>} : memref<64000xf32, #tpu.memory_space<vmem>>, vector<16xf32>,
        %parallel_loop3A_468 = arith.index_cast %parallel_loop3A_454 : i32 to index
        %parallel_loop3A_469 = arith.constant 16 : index
        %parallel_loop3A_470 = tpu.vector_load %arg8[%parallel_loop3A_468, %parallel_loop3A_469] {strides = array<i32>} : memref<128x128xf32, #tpu.memory_space<vmem>>, vector<16xf32>,
        tpu.vector_store %arg8[%parallel_loop3A_468, %parallel_loop3A_469], %parallel_loop3A_467 {strides = array<i32>} : memref<128x128xf32, #tpu.memory_space<vmem>>, vector<16xf32>,
        %parallel_loop3A_471 = arith.constant 32 : i32
        %parallel_loop3A_472 = arith.addi %parallel_loop3A_456, %parallel_loop3A_471 : i32
        %parallel_loop3A_473 = arith.index_cast %parallel_loop3A_472 : i32 to index
        %parallel_loop3A_474 = tpu.vector_load %arg5[%parallel_loop3A_473] {strides = array<i32>} : memref<64000xf32, #tpu.memory_space<vmem>>, vector<16xf32>,
        %parallel_loop3A_475 = arith.index_cast %parallel_loop3A_454 : i32 to index
        %parallel_loop3A_476 = arith.constant 32 : index
        %parallel_loop3A_477 = tpu.vector_load %arg8[%parallel_loop3A_475, %parallel_loop3A_476] {strides = array<i32>} : memref<128x128xf32, #tpu.memory_space<vmem>>, vector<16xf32>,
        tpu.vector_store %arg8[%parallel_loop3A_475, %parallel_loop3A_476], %parallel_loop3A_474 {strides = array<i32>} : memref<128x128xf32, #tpu.memory_space<vmem>>, vector<16xf32>,
        %parallel_loop3A_478 = arith.constant 48 : i32
        %parallel_loop3A_479 = arith.addi %parallel_loop3A_456, %parallel_loop3A_478 : i32
        %parallel_loop3A_480 = arith.index_cast %parallel_loop3A_479 : i32 to index
        %parallel_loop3A_481 = tpu.vector_load %arg5[%parallel_loop3A_480] {strides = array<i32>} : memref<64000xf32, #tpu.memory_space<vmem>>, vector<16xf32>,
        %parallel_loop3A_482 = arith.index_cast %parallel_loop3A_454 : i32 to index
        %parallel_loop3A_483 = arith.constant 48 : index
        %parallel_loop3A_484 = tpu.vector_load %arg8[%parallel_loop3A_482, %parallel_loop3A_483] {strides = array<i32>} : memref<128x128xf32, #tpu.memory_space<vmem>>, vector<16xf32>,
        tpu.vector_store %arg8[%parallel_loop3A_482, %parallel_loop3A_483], %parallel_loop3A_481 {strides = array<i32>} : memref<128x128xf32, #tpu.memory_space<vmem>>, vector<16xf32>,
        %parallel_loop3A_485 = arith.index_cast %parallel_loop3A_454 : i32 to index
        %parallel_loop3A_486 = arith.constant 1 : index
        %parallel_loop3A_487 = tpu.vector_load %arg6[%parallel_loop3A_485, %parallel_loop3A_486] {strides = array<i32>} : memref<128x65xf32, #tpu.memory_space<vmem>>, vector<16xf32>,
        %parallel_loop3A_488 = arith.index_cast %parallel_loop3A_454 : i32 to index
        %parallel_loop3A_489 = arith.constant 64 : index
        %parallel_loop3A_490 = tpu.vector_load %arg8[%parallel_loop3A_488, %parallel_loop3A_489] {strides = array<i32>} : memref<128x128xf32, #tpu.memory_space<vmem>>, vector<16xf32>,
        tpu.vector_store %arg8[%parallel_loop3A_488, %parallel_loop3A_489], %parallel_loop3A_487 {strides = array<i32>} : memref<128x128xf32, #tpu.memory_space<vmem>>, vector<16xf32>,
        %parallel_loop3A_491 = arith.index_cast %parallel_loop3A_454 : i32 to index
        %parallel_loop3A_492 = arith.constant 17 : index
        %parallel_loop3A_493 = tpu.vector_load %arg6[%parallel_loop3A_491, %parallel_loop3A_492] {strides = array<i32>} : memref<128x65xf32, #tpu.memory_space<vmem>>, vector<16xf32>,
        %parallel_loop3A_494 = arith.index_cast %parallel_loop3A_454 : i32 to index
        %parallel_loop3A_495 = arith.constant 80 : index
        %parallel_loop3A_496 = tpu.vector_load %arg8[%parallel_loop3A_494, %parallel_loop3A_495] {strides = array<i32>} : memref<128x128xf32, #tpu.memory_space<vmem>>, vector<16xf32>,
        tpu.vector_store %arg8[%parallel_loop3A_494, %parallel_loop3A_495], %parallel_loop3A_493 {strides = array<i32>} : memref<128x128xf32, #tpu.memory_space<vmem>>, vector<16xf32>,
        %parallel_loop3A_497 = arith.index_cast %parallel_loop3A_454 : i32 to index
        %parallel_loop3A_498 = arith.constant 33 : index
        %parallel_loop3A_499 = tpu.vector_load %arg6[%parallel_loop3A_497, %parallel_loop3A_498] {strides = array<i32>} : memref<128x65xf32, #tpu.memory_space<vmem>>, vector<16xf32>,
        %parallel_loop3A_500 = arith.index_cast %parallel_loop3A_454 : i32 to index
        %parallel_loop3A_501 = arith.constant 96 : index
        %parallel_loop3A_502 = tpu.vector_load %arg8[%parallel_loop3A_500, %parallel_loop3A_501] {strides = array<i32>} : memref<128x128xf32, #tpu.memory_space<vmem>>, vector<16xf32>,
        tpu.vector_store %arg8[%parallel_loop3A_500, %parallel_loop3A_501], %parallel_loop3A_499 {strides = array<i32>} : memref<128x128xf32, #tpu.memory_space<vmem>>, vector<16xf32>,
        %parallel_loop3A_503 = arith.index_cast %parallel_loop3A_454 : i32 to index
        %parallel_loop3A_504 = arith.constant 49 : index
        %parallel_loop3A_505 = tpu.vector_load %arg6[%parallel_loop3A_503, %parallel_loop3A_504] {strides = array<i32>} : memref<128x65xf32, #tpu.memory_space<vmem>>, vector<16xf32>,
        %parallel_loop3A_506 = arith.index_cast %parallel_loop3A_454 : i32 to index
        %parallel_loop3A_507 = arith.constant 112 : index
        %parallel_loop3A_508 = tpu.vector_load %arg8[%parallel_loop3A_506, %parallel_loop3A_507] {strides = array<i32>} : memref<128x128xf32, #tpu.memory_space<vmem>>, vector<16xf32>,
        tpu.vector_store %arg8[%parallel_loop3A_506, %parallel_loop3A_507], %parallel_loop3A_505 {strides = array<i32>} : memref<128x128xf32, #tpu.memory_space<vmem>>, vector<16xf32>,
        %parallel_loop3A_509 = arith.constant 16 : i32
        %parallel_loop3A_510 = arith.muli %parallel_loop3A_98, %parallel_loop3A_509 : i32
        %parallel_loop3A_511 = arith.constant 7 : i32
        %parallel_loop3A_512 = arith.addi %parallel_loop3A_510, %parallel_loop3A_511 : i32
        %parallel_loop3A_513 = vector.extract_strided_slice %parallel_loop3A_102 {offsets = [7], sizes = [1], strides = [1]} : vector<16xi32> to vector<1xi32>
        %parallel_loop3A_514 = vector.extract %parallel_loop3A_513[0] : i32 from vector<1xi32>
        %parallel_loop3A_515 = arith.constant 0 : i32
        %parallel_loop3A_516 = arith.addi %parallel_loop3A_514, %parallel_loop3A_515 : i32
        %parallel_loop3A_517 = arith.index_cast %parallel_loop3A_516 : i32 to index
        %parallel_loop3A_518 = tpu.vector_load %arg5[%parallel_loop3A_517] {strides = array<i32>} : memref<64000xf32, #tpu.memory_space<vmem>>, vector<16xf32>,
        %parallel_loop3A_519 = arith.index_cast %parallel_loop3A_512 : i32 to index
        %parallel_loop3A_520 = arith.constant 0 : index
        %parallel_loop3A_521 = tpu.vector_load %arg8[%parallel_loop3A_519, %parallel_loop3A_520] {strides = array<i32>} : memref<128x128xf32, #tpu.memory_space<vmem>>, vector<16xf32>,
        tpu.vector_store %arg8[%parallel_loop3A_519, %parallel_loop3A_520], %parallel_loop3A_518 {strides = array<i32>} : memref<128x128xf32, #tpu.memory_space<vmem>>, vector<16xf32>,
        %parallel_loop3A_522 = arith.constant 16 : i32
        %parallel_loop3A_523 = arith.addi %parallel_loop3A_514, %parallel_loop3A_522 : i32
        %parallel_loop3A_524 = arith.index_cast %parallel_loop3A_523 : i32 to index
        %parallel_loop3A_525 = tpu.vector_load %arg5[%parallel_loop3A_524] {strides = array<i32>} : memref<64000xf32, #tpu.memory_space<vmem>>, vector<16xf32>,
        %parallel_loop3A_526 = arith.index_cast %parallel_loop3A_512 : i32 to index
        %parallel_loop3A_527 = arith.constant 16 : index
        %parallel_loop3A_528 = tpu.vector_load %arg8[%parallel_loop3A_526, %parallel_loop3A_527] {strides = array<i32>} : memref<128x128xf32, #tpu.memory_space<vmem>>, vector<16xf32>,
        tpu.vector_store %arg8[%parallel_loop3A_526, %parallel_loop3A_527], %parallel_loop3A_525 {strides = array<i32>} : memref<128x128xf32, #tpu.memory_space<vmem>>, vector<16xf32>,
        %parallel_loop3A_529 = arith.constant 32 : i32
        %parallel_loop3A_530 = arith.addi %parallel_loop3A_514, %parallel_loop3A_529 : i32
        %parallel_loop3A_531 = arith.index_cast %parallel_loop3A_530 : i32 to index
        %parallel_loop3A_532 = tpu.vector_load %arg5[%parallel_loop3A_531] {strides = array<i32>} : memref<64000xf32, #tpu.memory_space<vmem>>, vector<16xf32>,
        %parallel_loop3A_533 = arith.index_cast %parallel_loop3A_512 : i32 to index
        %parallel_loop3A_534 = arith.constant 32 : index
        %parallel_loop3A_535 = tpu.vector_load %arg8[%parallel_loop3A_533, %parallel_loop3A_534] {strides = array<i32>} : memref<128x128xf32, #tpu.memory_space<vmem>>, vector<16xf32>,
        tpu.vector_store %arg8[%parallel_loop3A_533, %parallel_loop3A_534], %parallel_loop3A_532 {strides = array<i32>} : memref<128x128xf32, #tpu.memory_space<vmem>>, vector<16xf32>,
        %parallel_loop3A_536 = arith.constant 48 : i32
        %parallel_loop3A_537 = arith.addi %parallel_loop3A_514, %parallel_loop3A_536 : i32
        %parallel_loop3A_538 = arith.index_cast %parallel_loop3A_537 : i32 to index
        %parallel_loop3A_539 = tpu.vector_load %arg5[%parallel_loop3A_538] {strides = array<i32>} : memref<64000xf32, #tpu.memory_space<vmem>>, vector<16xf32>,
        %parallel_loop3A_540 = arith.index_cast %parallel_loop3A_512 : i32 to index
        %parallel_loop3A_541 = arith.constant 48 : index
        %parallel_loop3A_542 = tpu.vector_load %arg8[%parallel_loop3A_540, %parallel_loop3A_541] {strides = array<i32>} : memref<128x128xf32, #tpu.memory_space<vmem>>, vector<16xf32>,
        tpu.vector_store %arg8[%parallel_loop3A_540, %parallel_loop3A_541], %parallel_loop3A_539 {strides = array<i32>} : memref<128x128xf32, #tpu.memory_space<vmem>>, vector<16xf32>,
        %parallel_loop3A_543 = arith.index_cast %parallel_loop3A_512 : i32 to index
        %parallel_loop3A_544 = arith.constant 1 : index
        %parallel_loop3A_545 = tpu.vector_load %arg6[%parallel_loop3A_543, %parallel_loop3A_544] {strides = array<i32>} : memref<128x65xf32, #tpu.memory_space<vmem>>, vector<16xf32>,
        %parallel_loop3A_546 = arith.index_cast %parallel_loop3A_512 : i32 to index
        %parallel_loop3A_547 = arith.constant 64 : index
        %parallel_loop3A_548 = tpu.vector_load %arg8[%parallel_loop3A_546, %parallel_loop3A_547] {strides = array<i32>} : memref<128x128xf32, #tpu.memory_space<vmem>>, vector<16xf32>,
        tpu.vector_store %arg8[%parallel_loop3A_546, %parallel_loop3A_547], %parallel_loop3A_545 {strides = array<i32>} : memref<128x128xf32, #tpu.memory_space<vmem>>, vector<16xf32>,
        %parallel_loop3A_549 = arith.index_cast %parallel_loop3A_512 : i32 to index
        %parallel_loop3A_550 = arith.constant 17 : index
        %parallel_loop3A_551 = tpu.vector_load %arg6[%parallel_loop3A_549, %parallel_loop3A_550] {strides = array<i32>} : memref<128x65xf32, #tpu.memory_space<vmem>>, vector<16xf32>,
        %parallel_loop3A_552 = arith.index_cast %parallel_loop3A_512 : i32 to index
        %parallel_loop3A_553 = arith.constant 80 : index
        %parallel_loop3A_554 = tpu.vector_load %arg8[%parallel_loop3A_552, %parallel_loop3A_553] {strides = array<i32>} : memref<128x128xf32, #tpu.memory_space<vmem>>, vector<16xf32>,
        tpu.vector_store %arg8[%parallel_loop3A_552, %parallel_loop3A_553], %parallel_loop3A_551 {strides = array<i32>} : memref<128x128xf32, #tpu.memory_space<vmem>>, vector<16xf32>,
        %parallel_loop3A_555 = arith.index_cast %parallel_loop3A_512 : i32 to index
        %parallel_loop3A_556 = arith.constant 33 : index
        %parallel_loop3A_557 = tpu.vector_load %arg6[%parallel_loop3A_555, %parallel_loop3A_556] {strides = array<i32>} : memref<128x65xf32, #tpu.memory_space<vmem>>, vector<16xf32>,
        %parallel_loop3A_558 = arith.index_cast %parallel_loop3A_512 : i32 to index
        %parallel_loop3A_559 = arith.constant 96 : index
        %parallel_loop3A_560 = tpu.vector_load %arg8[%parallel_loop3A_558, %parallel_loop3A_559] {strides = array<i32>} : memref<128x128xf32, #tpu.memory_space<vmem>>, vector<16xf32>,
        tpu.vector_store %arg8[%parallel_loop3A_558, %parallel_loop3A_559], %parallel_loop3A_557 {strides = array<i32>} : memref<128x128xf32, #tpu.memory_space<vmem>>, vector<16xf32>,
        %parallel_loop3A_561 = arith.index_cast %parallel_loop3A_512 : i32 to index
        %parallel_loop3A_562 = arith.constant 49 : index
        %parallel_loop3A_563 = tpu.vector_load %arg6[%parallel_loop3A_561, %parallel_loop3A_562] {strides = array<i32>} : memref<128x65xf32, #tpu.memory_space<vmem>>, vector<16xf32>,
        %parallel_loop3A_564 = arith.index_cast %parallel_loop3A_512 : i32 to index
        %parallel_loop3A_565 = arith.constant 112 : index
        %parallel_loop3A_566 = tpu.vector_load %arg8[%parallel_loop3A_564, %parallel_loop3A_565] {strides = array<i32>} : memref<128x128xf32, #tpu.memory_space<vmem>>, vector<16xf32>,
        tpu.vector_store %arg8[%parallel_loop3A_564, %parallel_loop3A_565], %parallel_loop3A_563 {strides = array<i32>} : memref<128x128xf32, #tpu.memory_space<vmem>>, vector<16xf32>,
        %parallel_loop3A_567 = arith.constant 16 : i32
        %parallel_loop3A_568 = arith.muli %parallel_loop3A_98, %parallel_loop3A_567 : i32
        %parallel_loop3A_569 = arith.constant 8 : i32
        %parallel_loop3A_570 = arith.addi %parallel_loop3A_568, %parallel_loop3A_569 : i32
        %parallel_loop3A_571 = vector.extract_strided_slice %parallel_loop3A_102 {offsets = [8], sizes = [1], strides = [1]} : vector<16xi32> to vector<1xi32>
        %parallel_loop3A_572 = vector.extract %parallel_loop3A_571[0] : i32 from vector<1xi32>
        %parallel_loop3A_573 = arith.constant 0 : i32
        %parallel_loop3A_574 = arith.addi %parallel_loop3A_572, %parallel_loop3A_573 : i32
        %parallel_loop3A_575 = arith.index_cast %parallel_loop3A_574 : i32 to index
        %parallel_loop3A_576 = tpu.vector_load %arg5[%parallel_loop3A_575] {strides = array<i32>} : memref<64000xf32, #tpu.memory_space<vmem>>, vector<16xf32>,
        %parallel_loop3A_577 = arith.index_cast %parallel_loop3A_570 : i32 to index
        %parallel_loop3A_578 = arith.constant 0 : index
        %parallel_loop3A_579 = tpu.vector_load %arg8[%parallel_loop3A_577, %parallel_loop3A_578] {strides = array<i32>} : memref<128x128xf32, #tpu.memory_space<vmem>>, vector<16xf32>,
        tpu.vector_store %arg8[%parallel_loop3A_577, %parallel_loop3A_578], %parallel_loop3A_576 {strides = array<i32>} : memref<128x128xf32, #tpu.memory_space<vmem>>, vector<16xf32>,
        %parallel_loop3A_580 = arith.constant 16 : i32
        %parallel_loop3A_581 = arith.addi %parallel_loop3A_572, %parallel_loop3A_580 : i32
        %parallel_loop3A_582 = arith.index_cast %parallel_loop3A_581 : i32 to index
        %parallel_loop3A_583 = tpu.vector_load %arg5[%parallel_loop3A_582] {strides = array<i32>} : memref<64000xf32, #tpu.memory_space<vmem>>, vector<16xf32>,
        %parallel_loop3A_584 = arith.index_cast %parallel_loop3A_570 : i32 to index
        %parallel_loop3A_585 = arith.constant 16 : index
        %parallel_loop3A_586 = tpu.vector_load %arg8[%parallel_loop3A_584, %parallel_loop3A_585] {strides = array<i32>} : memref<128x128xf32, #tpu.memory_space<vmem>>, vector<16xf32>,
        tpu.vector_store %arg8[%parallel_loop3A_584, %parallel_loop3A_585], %parallel_loop3A_583 {strides = array<i32>} : memref<128x128xf32, #tpu.memory_space<vmem>>, vector<16xf32>,
        %parallel_loop3A_587 = arith.constant 32 : i32
        %parallel_loop3A_588 = arith.addi %parallel_loop3A_572, %parallel_loop3A_587 : i32
        %parallel_loop3A_589 = arith.index_cast %parallel_loop3A_588 : i32 to index
        %parallel_loop3A_590 = tpu.vector_load %arg5[%parallel_loop3A_589] {strides = array<i32>} : memref<64000xf32, #tpu.memory_space<vmem>>, vector<16xf32>,
        %parallel_loop3A_591 = arith.index_cast %parallel_loop3A_570 : i32 to index
        %parallel_loop3A_592 = arith.constant 32 : index
        %parallel_loop3A_593 = tpu.vector_load %arg8[%parallel_loop3A_591, %parallel_loop3A_592] {strides = array<i32>} : memref<128x128xf32, #tpu.memory_space<vmem>>, vector<16xf32>,
        tpu.vector_store %arg8[%parallel_loop3A_591, %parallel_loop3A_592], %parallel_loop3A_590 {strides = array<i32>} : memref<128x128xf32, #tpu.memory_space<vmem>>, vector<16xf32>,
        %parallel_loop3A_594 = arith.constant 48 : i32
        %parallel_loop3A_595 = arith.addi %parallel_loop3A_572, %parallel_loop3A_594 : i32
        %parallel_loop3A_596 = arith.index_cast %parallel_loop3A_595 : i32 to index
        %parallel_loop3A_597 = tpu.vector_load %arg5[%parallel_loop3A_596] {strides = array<i32>} : memref<64000xf32, #tpu.memory_space<vmem>>, vector<16xf32>,
        %parallel_loop3A_598 = arith.index_cast %parallel_loop3A_570 : i32 to index
        %parallel_loop3A_599 = arith.constant 48 : index
        %parallel_loop3A_600 = tpu.vector_load %arg8[%parallel_loop3A_598, %parallel_loop3A_599] {strides = array<i32>} : memref<128x128xf32, #tpu.memory_space<vmem>>, vector<16xf32>,
        tpu.vector_store %arg8[%parallel_loop3A_598, %parallel_loop3A_599], %parallel_loop3A_597 {strides = array<i32>} : memref<128x128xf32, #tpu.memory_space<vmem>>, vector<16xf32>,
        %parallel_loop3A_601 = arith.index_cast %parallel_loop3A_570 : i32 to index
        %parallel_loop3A_602 = arith.constant 1 : index
        %parallel_loop3A_603 = tpu.vector_load %arg6[%parallel_loop3A_601, %parallel_loop3A_602] {strides = array<i32>} : memref<128x65xf32, #tpu.memory_space<vmem>>, vector<16xf32>,
        %parallel_loop3A_604 = arith.index_cast %parallel_loop3A_570 : i32 to index
        %parallel_loop3A_605 = arith.constant 64 : index
        %parallel_loop3A_606 = tpu.vector_load %arg8[%parallel_loop3A_604, %parallel_loop3A_605] {strides = array<i32>} : memref<128x128xf32, #tpu.memory_space<vmem>>, vector<16xf32>,
        tpu.vector_store %arg8[%parallel_loop3A_604, %parallel_loop3A_605], %parallel_loop3A_603 {strides = array<i32>} : memref<128x128xf32, #tpu.memory_space<vmem>>, vector<16xf32>,
        %parallel_loop3A_607 = arith.index_cast %parallel_loop3A_570 : i32 to index
        %parallel_loop3A_608 = arith.constant 17 : index
        %parallel_loop3A_609 = tpu.vector_load %arg6[%parallel_loop3A_607, %parallel_loop3A_608] {strides = array<i32>} : memref<128x65xf32, #tpu.memory_space<vmem>>, vector<16xf32>,
        %parallel_loop3A_610 = arith.index_cast %parallel_loop3A_570 : i32 to index
        %parallel_loop3A_611 = arith.constant 80 : index
        %parallel_loop3A_612 = tpu.vector_load %arg8[%parallel_loop3A_610, %parallel_loop3A_611] {strides = array<i32>} : memref<128x128xf32, #tpu.memory_space<vmem>>, vector<16xf32>,
        tpu.vector_store %arg8[%parallel_loop3A_610, %parallel_loop3A_611], %parallel_loop3A_609 {strides = array<i32>} : memref<128x128xf32, #tpu.memory_space<vmem>>, vector<16xf32>,
        %parallel_loop3A_613 = arith.index_cast %parallel_loop3A_570 : i32 to index
        %parallel_loop3A_614 = arith.constant 33 : index
        %parallel_loop3A_615 = tpu.vector_load %arg6[%parallel_loop3A_613, %parallel_loop3A_614] {strides = array<i32>} : memref<128x65xf32, #tpu.memory_space<vmem>>, vector<16xf32>,
        %parallel_loop3A_616 = arith.index_cast %parallel_loop3A_570 : i32 to index
        %parallel_loop3A_617 = arith.constant 96 : index
        %parallel_loop3A_618 = tpu.vector_load %arg8[%parallel_loop3A_616, %parallel_loop3A_617] {strides = array<i32>} : memref<128x128xf32, #tpu.memory_space<vmem>>, vector<16xf32>,
        tpu.vector_store %arg8[%parallel_loop3A_616, %parallel_loop3A_617], %parallel_loop3A_615 {strides = array<i32>} : memref<128x128xf32, #tpu.memory_space<vmem>>, vector<16xf32>,
        %parallel_loop3A_619 = arith.index_cast %parallel_loop3A_570 : i32 to index
        %parallel_loop3A_620 = arith.constant 49 : index
        %parallel_loop3A_621 = tpu.vector_load %arg6[%parallel_loop3A_619, %parallel_loop3A_620] {strides = array<i32>} : memref<128x65xf32, #tpu.memory_space<vmem>>, vector<16xf32>,
        %parallel_loop3A_622 = arith.index_cast %parallel_loop3A_570 : i32 to index
        %parallel_loop3A_623 = arith.constant 112 : index
        %parallel_loop3A_624 = tpu.vector_load %arg8[%parallel_loop3A_622, %parallel_loop3A_623] {strides = array<i32>} : memref<128x128xf32, #tpu.memory_space<vmem>>, vector<16xf32>,
        tpu.vector_store %arg8[%parallel_loop3A_622, %parallel_loop3A_623], %parallel_loop3A_621 {strides = array<i32>} : memref<128x128xf32, #tpu.memory_space<vmem>>, vector<16xf32>,
        %parallel_loop3A_625 = arith.constant 16 : i32
        %parallel_loop3A_626 = arith.muli %parallel_loop3A_98, %parallel_loop3A_625 : i32
        %parallel_loop3A_627 = arith.constant 9 : i32
        %parallel_loop3A_628 = arith.addi %parallel_loop3A_626, %parallel_loop3A_627 : i32
        %parallel_loop3A_629 = vector.extract_strided_slice %parallel_loop3A_102 {offsets = [9], sizes = [1], strides = [1]} : vector<16xi32> to vector<1xi32>
        %parallel_loop3A_630 = vector.extract %parallel_loop3A_629[0] : i32 from vector<1xi32>
        %parallel_loop3A_631 = arith.constant 0 : i32
        %parallel_loop3A_632 = arith.addi %parallel_loop3A_630, %parallel_loop3A_631 : i32
        %parallel_loop3A_633 = arith.index_cast %parallel_loop3A_632 : i32 to index
        %parallel_loop3A_634 = tpu.vector_load %arg5[%parallel_loop3A_633] {strides = array<i32>} : memref<64000xf32, #tpu.memory_space<vmem>>, vector<16xf32>,
        %parallel_loop3A_635 = arith.index_cast %parallel_loop3A_628 : i32 to index
        %parallel_loop3A_636 = arith.constant 0 : index
        %parallel_loop3A_637 = tpu.vector_load %arg8[%parallel_loop3A_635, %parallel_loop3A_636] {strides = array<i32>} : memref<128x128xf32, #tpu.memory_space<vmem>>, vector<16xf32>,
        tpu.vector_store %arg8[%parallel_loop3A_635, %parallel_loop3A_636], %parallel_loop3A_634 {strides = array<i32>} : memref<128x128xf32, #tpu.memory_space<vmem>>, vector<16xf32>,
        %parallel_loop3A_638 = arith.constant 16 : i32
        %parallel_loop3A_639 = arith.addi %parallel_loop3A_630, %parallel_loop3A_638 : i32
        %parallel_loop3A_640 = arith.index_cast %parallel_loop3A_639 : i32 to index
        %parallel_loop3A_641 = tpu.vector_load %arg5[%parallel_loop3A_640] {strides = array<i32>} : memref<64000xf32, #tpu.memory_space<vmem>>, vector<16xf32>,
        %parallel_loop3A_642 = arith.index_cast %parallel_loop3A_628 : i32 to index
        %parallel_loop3A_643 = arith.constant 16 : index
        %parallel_loop3A_644 = tpu.vector_load %arg8[%parallel_loop3A_642, %parallel_loop3A_643] {strides = array<i32>} : memref<128x128xf32, #tpu.memory_space<vmem>>, vector<16xf32>,
        tpu.vector_store %arg8[%parallel_loop3A_642, %parallel_loop3A_643], %parallel_loop3A_641 {strides = array<i32>} : memref<128x128xf32, #tpu.memory_space<vmem>>, vector<16xf32>,
        %parallel_loop3A_645 = arith.constant 32 : i32
        %parallel_loop3A_646 = arith.addi %parallel_loop3A_630, %parallel_loop3A_645 : i32
        %parallel_loop3A_647 = arith.index_cast %parallel_loop3A_646 : i32 to index
        %parallel_loop3A_648 = tpu.vector_load %arg5[%parallel_loop3A_647] {strides = array<i32>} : memref<64000xf32, #tpu.memory_space<vmem>>, vector<16xf32>,
        %parallel_loop3A_649 = arith.index_cast %parallel_loop3A_628 : i32 to index
        %parallel_loop3A_650 = arith.constant 32 : index
        %parallel_loop3A_651 = tpu.vector_load %arg8[%parallel_loop3A_649, %parallel_loop3A_650] {strides = array<i32>} : memref<128x128xf32, #tpu.memory_space<vmem>>, vector<16xf32>,
        tpu.vector_store %arg8[%parallel_loop3A_649, %parallel_loop3A_650], %parallel_loop3A_648 {strides = array<i32>} : memref<128x128xf32, #tpu.memory_space<vmem>>, vector<16xf32>,
        %parallel_loop3A_652 = arith.constant 48 : i32
        %parallel_loop3A_653 = arith.addi %parallel_loop3A_630, %parallel_loop3A_652 : i32
        %parallel_loop3A_654 = arith.index_cast %parallel_loop3A_653 : i32 to index
        %parallel_loop3A_655 = tpu.vector_load %arg5[%parallel_loop3A_654] {strides = array<i32>} : memref<64000xf32, #tpu.memory_space<vmem>>, vector<16xf32>,
        %parallel_loop3A_656 = arith.index_cast %parallel_loop3A_628 : i32 to index
        %parallel_loop3A_657 = arith.constant 48 : index
        %parallel_loop3A_658 = tpu.vector_load %arg8[%parallel_loop3A_656, %parallel_loop3A_657] {strides = array<i32>} : memref<128x128xf32, #tpu.memory_space<vmem>>, vector<16xf32>,
        tpu.vector_store %arg8[%parallel_loop3A_656, %parallel_loop3A_657], %parallel_loop3A_655 {strides = array<i32>} : memref<128x128xf32, #tpu.memory_space<vmem>>, vector<16xf32>,
        %parallel_loop3A_659 = arith.index_cast %parallel_loop3A_628 : i32 to index
        %parallel_loop3A_660 = arith.constant 1 : index
        %parallel_loop3A_661 = tpu.vector_load %arg6[%parallel_loop3A_659, %parallel_loop3A_660] {strides = array<i32>} : memref<128x65xf32, #tpu.memory_space<vmem>>, vector<16xf32>,
        %parallel_loop3A_662 = arith.index_cast %parallel_loop3A_628 : i32 to index
        %parallel_loop3A_663 = arith.constant 64 : index
        %parallel_loop3A_664 = tpu.vector_load %arg8[%parallel_loop3A_662, %parallel_loop3A_663] {strides = array<i32>} : memref<128x128xf32, #tpu.memory_space<vmem>>, vector<16xf32>,
        tpu.vector_store %arg8[%parallel_loop3A_662, %parallel_loop3A_663], %parallel_loop3A_661 {strides = array<i32>} : memref<128x128xf32, #tpu.memory_space<vmem>>, vector<16xf32>,
        %parallel_loop3A_665 = arith.index_cast %parallel_loop3A_628 : i32 to index
        %parallel_loop3A_666 = arith.constant 17 : index
        %parallel_loop3A_667 = tpu.vector_load %arg6[%parallel_loop3A_665, %parallel_loop3A_666] {strides = array<i32>} : memref<128x65xf32, #tpu.memory_space<vmem>>, vector<16xf32>,
        %parallel_loop3A_668 = arith.index_cast %parallel_loop3A_628 : i32 to index
        %parallel_loop3A_669 = arith.constant 80 : index
        %parallel_loop3A_670 = tpu.vector_load %arg8[%parallel_loop3A_668, %parallel_loop3A_669] {strides = array<i32>} : memref<128x128xf32, #tpu.memory_space<vmem>>, vector<16xf32>,
        tpu.vector_store %arg8[%parallel_loop3A_668, %parallel_loop3A_669], %parallel_loop3A_667 {strides = array<i32>} : memref<128x128xf32, #tpu.memory_space<vmem>>, vector<16xf32>,
        %parallel_loop3A_671 = arith.index_cast %parallel_loop3A_628 : i32 to index
        %parallel_loop3A_672 = arith.constant 33 : index
        %parallel_loop3A_673 = tpu.vector_load %arg6[%parallel_loop3A_671, %parallel_loop3A_672] {strides = array<i32>} : memref<128x65xf32, #tpu.memory_space<vmem>>, vector<16xf32>,
        %parallel_loop3A_674 = arith.index_cast %parallel_loop3A_628 : i32 to index
        %parallel_loop3A_675 = arith.constant 96 : index
        %parallel_loop3A_676 = tpu.vector_load %arg8[%parallel_loop3A_674, %parallel_loop3A_675] {strides = array<i32>} : memref<128x128xf32, #tpu.memory_space<vmem>>, vector<16xf32>,
        tpu.vector_store %arg8[%parallel_loop3A_674, %parallel_loop3A_675], %parallel_loop3A_673 {strides = array<i32>} : memref<128x128xf32, #tpu.memory_space<vmem>>, vector<16xf32>,
        %parallel_loop3A_677 = arith.index_cast %parallel_loop3A_628 : i32 to index
        %parallel_loop3A_678 = arith.constant 49 : index
        %parallel_loop3A_679 = tpu.vector_load %arg6[%parallel_loop3A_677, %parallel_loop3A_678] {strides = array<i32>} : memref<128x65xf32, #tpu.memory_space<vmem>>, vector<16xf32>,
        %parallel_loop3A_680 = arith.index_cast %parallel_loop3A_628 : i32 to index
        %parallel_loop3A_681 = arith.constant 112 : index
        %parallel_loop3A_682 = tpu.vector_load %arg8[%parallel_loop3A_680, %parallel_loop3A_681] {strides = array<i32>} : memref<128x128xf32, #tpu.memory_space<vmem>>, vector<16xf32>,
        tpu.vector_store %arg8[%parallel_loop3A_680, %parallel_loop3A_681], %parallel_loop3A_679 {strides = array<i32>} : memref<128x128xf32, #tpu.memory_space<vmem>>, vector<16xf32>,
        %parallel_loop3A_683 = arith.constant 16 : i32
        %parallel_loop3A_684 = arith.muli %parallel_loop3A_98, %parallel_loop3A_683 : i32
        %parallel_loop3A_685 = arith.constant 10 : i32
        %parallel_loop3A_686 = arith.addi %parallel_loop3A_684, %parallel_loop3A_685 : i32
        %parallel_loop3A_687 = vector.extract_strided_slice %parallel_loop3A_102 {offsets = [10], sizes = [1], strides = [1]} : vector<16xi32> to vector<1xi32>
        %parallel_loop3A_688 = vector.extract %parallel_loop3A_687[0] : i32 from vector<1xi32>
        %parallel_loop3A_689 = arith.constant 0 : i32
        %parallel_loop3A_690 = arith.addi %parallel_loop3A_688, %parallel_loop3A_689 : i32
        %parallel_loop3A_691 = arith.index_cast %parallel_loop3A_690 : i32 to index
        %parallel_loop3A_692 = tpu.vector_load %arg5[%parallel_loop3A_691] {strides = array<i32>} : memref<64000xf32, #tpu.memory_space<vmem>>, vector<16xf32>,
        %parallel_loop3A_693 = arith.index_cast %parallel_loop3A_686 : i32 to index
        %parallel_loop3A_694 = arith.constant 0 : index
        %parallel_loop3A_695 = tpu.vector_load %arg8[%parallel_loop3A_693, %parallel_loop3A_694] {strides = array<i32>} : memref<128x128xf32, #tpu.memory_space<vmem>>, vector<16xf32>,
        tpu.vector_store %arg8[%parallel_loop3A_693, %parallel_loop3A_694], %parallel_loop3A_692 {strides = array<i32>} : memref<128x128xf32, #tpu.memory_space<vmem>>, vector<16xf32>,
        %parallel_loop3A_696 = arith.constant 16 : i32
        %parallel_loop3A_697 = arith.addi %parallel_loop3A_688, %parallel_loop3A_696 : i32
        %parallel_loop3A_698 = arith.index_cast %parallel_loop3A_697 : i32 to index
        %parallel_loop3A_699 = tpu.vector_load %arg5[%parallel_loop3A_698] {strides = array<i32>} : memref<64000xf32, #tpu.memory_space<vmem>>, vector<16xf32>,
        %parallel_loop3A_700 = arith.index_cast %parallel_loop3A_686 : i32 to index
        %parallel_loop3A_701 = arith.constant 16 : index
        %parallel_loop3A_702 = tpu.vector_load %arg8[%parallel_loop3A_700, %parallel_loop3A_701] {strides = array<i32>} : memref<128x128xf32, #tpu.memory_space<vmem>>, vector<16xf32>,
        tpu.vector_store %arg8[%parallel_loop3A_700, %parallel_loop3A_701], %parallel_loop3A_699 {strides = array<i32>} : memref<128x128xf32, #tpu.memory_space<vmem>>, vector<16xf32>,
        %parallel_loop3A_703 = arith.constant 32 : i32
        %parallel_loop3A_704 = arith.addi %parallel_loop3A_688, %parallel_loop3A_703 : i32
        %parallel_loop3A_705 = arith.index_cast %parallel_loop3A_704 : i32 to index
        %parallel_loop3A_706 = tpu.vector_load %arg5[%parallel_loop3A_705] {strides = array<i32>} : memref<64000xf32, #tpu.memory_space<vmem>>, vector<16xf32>,
        %parallel_loop3A_707 = arith.index_cast %parallel_loop3A_686 : i32 to index
        %parallel_loop3A_708 = arith.constant 32 : index
        %parallel_loop3A_709 = tpu.vector_load %arg8[%parallel_loop3A_707, %parallel_loop3A_708] {strides = array<i32>} : memref<128x128xf32, #tpu.memory_space<vmem>>, vector<16xf32>,
        tpu.vector_store %arg8[%parallel_loop3A_707, %parallel_loop3A_708], %parallel_loop3A_706 {strides = array<i32>} : memref<128x128xf32, #tpu.memory_space<vmem>>, vector<16xf32>,
        %parallel_loop3A_710 = arith.constant 48 : i32
        %parallel_loop3A_711 = arith.addi %parallel_loop3A_688, %parallel_loop3A_710 : i32
        %parallel_loop3A_712 = arith.index_cast %parallel_loop3A_711 : i32 to index
        %parallel_loop3A_713 = tpu.vector_load %arg5[%parallel_loop3A_712] {strides = array<i32>} : memref<64000xf32, #tpu.memory_space<vmem>>, vector<16xf32>,
        %parallel_loop3A_714 = arith.index_cast %parallel_loop3A_686 : i32 to index
        %parallel_loop3A_715 = arith.constant 48 : index
        %parallel_loop3A_716 = tpu.vector_load %arg8[%parallel_loop3A_714, %parallel_loop3A_715] {strides = array<i32>} : memref<128x128xf32, #tpu.memory_space<vmem>>, vector<16xf32>,
        tpu.vector_store %arg8[%parallel_loop3A_714, %parallel_loop3A_715], %parallel_loop3A_713 {strides = array<i32>} : memref<128x128xf32, #tpu.memory_space<vmem>>, vector<16xf32>,
        %parallel_loop3A_717 = arith.index_cast %parallel_loop3A_686 : i32 to index
        %parallel_loop3A_718 = arith.constant 1 : index
        %parallel_loop3A_719 = tpu.vector_load %arg6[%parallel_loop3A_717, %parallel_loop3A_718] {strides = array<i32>} : memref<128x65xf32, #tpu.memory_space<vmem>>, vector<16xf32>,
        %parallel_loop3A_720 = arith.index_cast %parallel_loop3A_686 : i32 to index
        %parallel_loop3A_721 = arith.constant 64 : index
        %parallel_loop3A_722 = tpu.vector_load %arg8[%parallel_loop3A_720, %parallel_loop3A_721] {strides = array<i32>} : memref<128x128xf32, #tpu.memory_space<vmem>>, vector<16xf32>,
        tpu.vector_store %arg8[%parallel_loop3A_720, %parallel_loop3A_721], %parallel_loop3A_719 {strides = array<i32>} : memref<128x128xf32, #tpu.memory_space<vmem>>, vector<16xf32>,
        %parallel_loop3A_723 = arith.index_cast %parallel_loop3A_686 : i32 to index
        %parallel_loop3A_724 = arith.constant 17 : index
        %parallel_loop3A_725 = tpu.vector_load %arg6[%parallel_loop3A_723, %parallel_loop3A_724] {strides = array<i32>} : memref<128x65xf32, #tpu.memory_space<vmem>>, vector<16xf32>,
        %parallel_loop3A_726 = arith.index_cast %parallel_loop3A_686 : i32 to index
        %parallel_loop3A_727 = arith.constant 80 : index
        %parallel_loop3A_728 = tpu.vector_load %arg8[%parallel_loop3A_726, %parallel_loop3A_727] {strides = array<i32>} : memref<128x128xf32, #tpu.memory_space<vmem>>, vector<16xf32>,
        tpu.vector_store %arg8[%parallel_loop3A_726, %parallel_loop3A_727], %parallel_loop3A_725 {strides = array<i32>} : memref<128x128xf32, #tpu.memory_space<vmem>>, vector<16xf32>,
        %parallel_loop3A_729 = arith.index_cast %parallel_loop3A_686 : i32 to index
        %parallel_loop3A_730 = arith.constant 33 : index
        %parallel_loop3A_731 = tpu.vector_load %arg6[%parallel_loop3A_729, %parallel_loop3A_730] {strides = array<i32>} : memref<128x65xf32, #tpu.memory_space<vmem>>, vector<16xf32>,
        %parallel_loop3A_732 = arith.index_cast %parallel_loop3A_686 : i32 to index
        %parallel_loop3A_733 = arith.constant 96 : index
        %parallel_loop3A_734 = tpu.vector_load %arg8[%parallel_loop3A_732, %parallel_loop3A_733] {strides = array<i32>} : memref<128x128xf32, #tpu.memory_space<vmem>>, vector<16xf32>,
        tpu.vector_store %arg8[%parallel_loop3A_732, %parallel_loop3A_733], %parallel_loop3A_731 {strides = array<i32>} : memref<128x128xf32, #tpu.memory_space<vmem>>, vector<16xf32>,
        %parallel_loop3A_735 = arith.index_cast %parallel_loop3A_686 : i32 to index
        %parallel_loop3A_736 = arith.constant 49 : index
        %parallel_loop3A_737 = tpu.vector_load %arg6[%parallel_loop3A_735, %parallel_loop3A_736] {strides = array<i32>} : memref<128x65xf32, #tpu.memory_space<vmem>>, vector<16xf32>,
        %parallel_loop3A_738 = arith.index_cast %parallel_loop3A_686 : i32 to index
        %parallel_loop3A_739 = arith.constant 112 : index
        %parallel_loop3A_740 = tpu.vector_load %arg8[%parallel_loop3A_738, %parallel_loop3A_739] {strides = array<i32>} : memref<128x128xf32, #tpu.memory_space<vmem>>, vector<16xf32>,
        tpu.vector_store %arg8[%parallel_loop3A_738, %parallel_loop3A_739], %parallel_loop3A_737 {strides = array<i32>} : memref<128x128xf32, #tpu.memory_space<vmem>>, vector<16xf32>,
        %parallel_loop3A_741 = arith.constant 16 : i32
        %parallel_loop3A_742 = arith.muli %parallel_loop3A_98, %parallel_loop3A_741 : i32
        %parallel_loop3A_743 = arith.constant 11 : i32
        %parallel_loop3A_744 = arith.addi %parallel_loop3A_742, %parallel_loop3A_743 : i32
        %parallel_loop3A_745 = vector.extract_strided_slice %parallel_loop3A_102 {offsets = [11], sizes = [1], strides = [1]} : vector<16xi32> to vector<1xi32>
        %parallel_loop3A_746 = vector.extract %parallel_loop3A_745[0] : i32 from vector<1xi32>
        %parallel_loop3A_747 = arith.constant 0 : i32
        %parallel_loop3A_748 = arith.addi %parallel_loop3A_746, %parallel_loop3A_747 : i32
        %parallel_loop3A_749 = arith.index_cast %parallel_loop3A_748 : i32 to index
        %parallel_loop3A_750 = tpu.vector_load %arg5[%parallel_loop3A_749] {strides = array<i32>} : memref<64000xf32, #tpu.memory_space<vmem>>, vector<16xf32>,
        %parallel_loop3A_751 = arith.index_cast %parallel_loop3A_744 : i32 to index
        %parallel_loop3A_752 = arith.constant 0 : index
        %parallel_loop3A_753 = tpu.vector_load %arg8[%parallel_loop3A_751, %parallel_loop3A_752] {strides = array<i32>} : memref<128x128xf32, #tpu.memory_space<vmem>>, vector<16xf32>,
        tpu.vector_store %arg8[%parallel_loop3A_751, %parallel_loop3A_752], %parallel_loop3A_750 {strides = array<i32>} : memref<128x128xf32, #tpu.memory_space<vmem>>, vector<16xf32>,
        %parallel_loop3A_754 = arith.constant 16 : i32
        %parallel_loop3A_755 = arith.addi %parallel_loop3A_746, %parallel_loop3A_754 : i32
        %parallel_loop3A_756 = arith.index_cast %parallel_loop3A_755 : i32 to index
        %parallel_loop3A_757 = tpu.vector_load %arg5[%parallel_loop3A_756] {strides = array<i32>} : memref<64000xf32, #tpu.memory_space<vmem>>, vector<16xf32>,
        %parallel_loop3A_758 = arith.index_cast %parallel_loop3A_744 : i32 to index
        %parallel_loop3A_759 = arith.constant 16 : index
        %parallel_loop3A_760 = tpu.vector_load %arg8[%parallel_loop3A_758, %parallel_loop3A_759] {strides = array<i32>} : memref<128x128xf32, #tpu.memory_space<vmem>>, vector<16xf32>,
        tpu.vector_store %arg8[%parallel_loop3A_758, %parallel_loop3A_759], %parallel_loop3A_757 {strides = array<i32>} : memref<128x128xf32, #tpu.memory_space<vmem>>, vector<16xf32>,
        %parallel_loop3A_761 = arith.constant 32 : i32
        %parallel_loop3A_762 = arith.addi %parallel_loop3A_746, %parallel_loop3A_761 : i32
        %parallel_loop3A_763 = arith.index_cast %parallel_loop3A_762 : i32 to index
        %parallel_loop3A_764 = tpu.vector_load %arg5[%parallel_loop3A_763] {strides = array<i32>} : memref<64000xf32, #tpu.memory_space<vmem>>, vector<16xf32>,
        %parallel_loop3A_765 = arith.index_cast %parallel_loop3A_744 : i32 to index
        %parallel_loop3A_766 = arith.constant 32 : index
        %parallel_loop3A_767 = tpu.vector_load %arg8[%parallel_loop3A_765, %parallel_loop3A_766] {strides = array<i32>} : memref<128x128xf32, #tpu.memory_space<vmem>>, vector<16xf32>,
        tpu.vector_store %arg8[%parallel_loop3A_765, %parallel_loop3A_766], %parallel_loop3A_764 {strides = array<i32>} : memref<128x128xf32, #tpu.memory_space<vmem>>, vector<16xf32>,
        %parallel_loop3A_768 = arith.constant 48 : i32
        %parallel_loop3A_769 = arith.addi %parallel_loop3A_746, %parallel_loop3A_768 : i32
        %parallel_loop3A_770 = arith.index_cast %parallel_loop3A_769 : i32 to index
        %parallel_loop3A_771 = tpu.vector_load %arg5[%parallel_loop3A_770] {strides = array<i32>} : memref<64000xf32, #tpu.memory_space<vmem>>, vector<16xf32>,
        %parallel_loop3A_772 = arith.index_cast %parallel_loop3A_744 : i32 to index
        %parallel_loop3A_773 = arith.constant 48 : index
        %parallel_loop3A_774 = tpu.vector_load %arg8[%parallel_loop3A_772, %parallel_loop3A_773] {strides = array<i32>} : memref<128x128xf32, #tpu.memory_space<vmem>>, vector<16xf32>,
        tpu.vector_store %arg8[%parallel_loop3A_772, %parallel_loop3A_773], %parallel_loop3A_771 {strides = array<i32>} : memref<128x128xf32, #tpu.memory_space<vmem>>, vector<16xf32>,
        %parallel_loop3A_775 = arith.index_cast %parallel_loop3A_744 : i32 to index
        %parallel_loop3A_776 = arith.constant 1 : index
        %parallel_loop3A_777 = tpu.vector_load %arg6[%parallel_loop3A_775, %parallel_loop3A_776] {strides = array<i32>} : memref<128x65xf32, #tpu.memory_space<vmem>>, vector<16xf32>,
        %parallel_loop3A_778 = arith.index_cast %parallel_loop3A_744 : i32 to index
        %parallel_loop3A_779 = arith.constant 64 : index
        %parallel_loop3A_780 = tpu.vector_load %arg8[%parallel_loop3A_778, %parallel_loop3A_779] {strides = array<i32>} : memref<128x128xf32, #tpu.memory_space<vmem>>, vector<16xf32>,
        tpu.vector_store %arg8[%parallel_loop3A_778, %parallel_loop3A_779], %parallel_loop3A_777 {strides = array<i32>} : memref<128x128xf32, #tpu.memory_space<vmem>>, vector<16xf32>,
        %parallel_loop3A_781 = arith.index_cast %parallel_loop3A_744 : i32 to index
        %parallel_loop3A_782 = arith.constant 17 : index
        %parallel_loop3A_783 = tpu.vector_load %arg6[%parallel_loop3A_781, %parallel_loop3A_782] {strides = array<i32>} : memref<128x65xf32, #tpu.memory_space<vmem>>, vector<16xf32>,
        %parallel_loop3A_784 = arith.index_cast %parallel_loop3A_744 : i32 to index
        %parallel_loop3A_785 = arith.constant 80 : index
        %parallel_loop3A_786 = tpu.vector_load %arg8[%parallel_loop3A_784, %parallel_loop3A_785] {strides = array<i32>} : memref<128x128xf32, #tpu.memory_space<vmem>>, vector<16xf32>,
        tpu.vector_store %arg8[%parallel_loop3A_784, %parallel_loop3A_785], %parallel_loop3A_783 {strides = array<i32>} : memref<128x128xf32, #tpu.memory_space<vmem>>, vector<16xf32>,
        %parallel_loop3A_787 = arith.index_cast %parallel_loop3A_744 : i32 to index
        %parallel_loop3A_788 = arith.constant 33 : index
        %parallel_loop3A_789 = tpu.vector_load %arg6[%parallel_loop3A_787, %parallel_loop3A_788] {strides = array<i32>} : memref<128x65xf32, #tpu.memory_space<vmem>>, vector<16xf32>,
        %parallel_loop3A_790 = arith.index_cast %parallel_loop3A_744 : i32 to index
        %parallel_loop3A_791 = arith.constant 96 : index
        %parallel_loop3A_792 = tpu.vector_load %arg8[%parallel_loop3A_790, %parallel_loop3A_791] {strides = array<i32>} : memref<128x128xf32, #tpu.memory_space<vmem>>, vector<16xf32>,
        tpu.vector_store %arg8[%parallel_loop3A_790, %parallel_loop3A_791], %parallel_loop3A_789 {strides = array<i32>} : memref<128x128xf32, #tpu.memory_space<vmem>>, vector<16xf32>,
        %parallel_loop3A_793 = arith.index_cast %parallel_loop3A_744 : i32 to index
        %parallel_loop3A_794 = arith.constant 49 : index
        %parallel_loop3A_795 = tpu.vector_load %arg6[%parallel_loop3A_793, %parallel_loop3A_794] {strides = array<i32>} : memref<128x65xf32, #tpu.memory_space<vmem>>, vector<16xf32>,
        %parallel_loop3A_796 = arith.index_cast %parallel_loop3A_744 : i32 to index
        %parallel_loop3A_797 = arith.constant 112 : index
        %parallel_loop3A_798 = tpu.vector_load %arg8[%parallel_loop3A_796, %parallel_loop3A_797] {strides = array<i32>} : memref<128x128xf32, #tpu.memory_space<vmem>>, vector<16xf32>,
        tpu.vector_store %arg8[%parallel_loop3A_796, %parallel_loop3A_797], %parallel_loop3A_795 {strides = array<i32>} : memref<128x128xf32, #tpu.memory_space<vmem>>, vector<16xf32>,
        %parallel_loop3A_799 = arith.constant 16 : i32
        %parallel_loop3A_800 = arith.muli %parallel_loop3A_98, %parallel_loop3A_799 : i32
        %parallel_loop3A_801 = arith.constant 12 : i32
        %parallel_loop3A_802 = arith.addi %parallel_loop3A_800, %parallel_loop3A_801 : i32
        %parallel_loop3A_803 = vector.extract_strided_slice %parallel_loop3A_102 {offsets = [12], sizes = [1], strides = [1]} : vector<16xi32> to vector<1xi32>
        %parallel_loop3A_804 = vector.extract %parallel_loop3A_803[0] : i32 from vector<1xi32>
        %parallel_loop3A_805 = arith.constant 0 : i32
        %parallel_loop3A_806 = arith.addi %parallel_loop3A_804, %parallel_loop3A_805 : i32
        %parallel_loop3A_807 = arith.index_cast %parallel_loop3A_806 : i32 to index
        %parallel_loop3A_808 = tpu.vector_load %arg5[%parallel_loop3A_807] {strides = array<i32>} : memref<64000xf32, #tpu.memory_space<vmem>>, vector<16xf32>,
        %parallel_loop3A_809 = arith.index_cast %parallel_loop3A_802 : i32 to index
        %parallel_loop3A_810 = arith.constant 0 : index
        %parallel_loop3A_811 = tpu.vector_load %arg8[%parallel_loop3A_809, %parallel_loop3A_810] {strides = array<i32>} : memref<128x128xf32, #tpu.memory_space<vmem>>, vector<16xf32>,
        tpu.vector_store %arg8[%parallel_loop3A_809, %parallel_loop3A_810], %parallel_loop3A_808 {strides = array<i32>} : memref<128x128xf32, #tpu.memory_space<vmem>>, vector<16xf32>,
        %parallel_loop3A_812 = arith.constant 16 : i32
        %parallel_loop3A_813 = arith.addi %parallel_loop3A_804, %parallel_loop3A_812 : i32
        %parallel_loop3A_814 = arith.index_cast %parallel_loop3A_813 : i32 to index
        %parallel_loop3A_815 = tpu.vector_load %arg5[%parallel_loop3A_814] {strides = array<i32>} : memref<64000xf32, #tpu.memory_space<vmem>>, vector<16xf32>,
        %parallel_loop3A_816 = arith.index_cast %parallel_loop3A_802 : i32 to index
        %parallel_loop3A_817 = arith.constant 16 : index
        %parallel_loop3A_818 = tpu.vector_load %arg8[%parallel_loop3A_816, %parallel_loop3A_817] {strides = array<i32>} : memref<128x128xf32, #tpu.memory_space<vmem>>, vector<16xf32>,
        tpu.vector_store %arg8[%parallel_loop3A_816, %parallel_loop3A_817], %parallel_loop3A_815 {strides = array<i32>} : memref<128x128xf32, #tpu.memory_space<vmem>>, vector<16xf32>,
        %parallel_loop3A_819 = arith.constant 32 : i32
        %parallel_loop3A_820 = arith.addi %parallel_loop3A_804, %parallel_loop3A_819 : i32
        %parallel_loop3A_821 = arith.index_cast %parallel_loop3A_820 : i32 to index
        %parallel_loop3A_822 = tpu.vector_load %arg5[%parallel_loop3A_821] {strides = array<i32>} : memref<64000xf32, #tpu.memory_space<vmem>>, vector<16xf32>,
        %parallel_loop3A_823 = arith.index_cast %parallel_loop3A_802 : i32 to index
        %parallel_loop3A_824 = arith.constant 32 : index
        %parallel_loop3A_825 = tpu.vector_load %arg8[%parallel_loop3A_823, %parallel_loop3A_824] {strides = array<i32>} : memref<128x128xf32, #tpu.memory_space<vmem>>, vector<16xf32>,
        tpu.vector_store %arg8[%parallel_loop3A_823, %parallel_loop3A_824], %parallel_loop3A_822 {strides = array<i32>} : memref<128x128xf32, #tpu.memory_space<vmem>>, vector<16xf32>,
        %parallel_loop3A_826 = arith.constant 48 : i32
        %parallel_loop3A_827 = arith.addi %parallel_loop3A_804, %parallel_loop3A_826 : i32
        %parallel_loop3A_828 = arith.index_cast %parallel_loop3A_827 : i32 to index
        %parallel_loop3A_829 = tpu.vector_load %arg5[%parallel_loop3A_828] {strides = array<i32>} : memref<64000xf32, #tpu.memory_space<vmem>>, vector<16xf32>,
        %parallel_loop3A_830 = arith.index_cast %parallel_loop3A_802 : i32 to index
        %parallel_loop3A_831 = arith.constant 48 : index
        %parallel_loop3A_832 = tpu.vector_load %arg8[%parallel_loop3A_830, %parallel_loop3A_831] {strides = array<i32>} : memref<128x128xf32, #tpu.memory_space<vmem>>, vector<16xf32>,
        tpu.vector_store %arg8[%parallel_loop3A_830, %parallel_loop3A_831], %parallel_loop3A_829 {strides = array<i32>} : memref<128x128xf32, #tpu.memory_space<vmem>>, vector<16xf32>,
        %parallel_loop3A_833 = arith.index_cast %parallel_loop3A_802 : i32 to index
        %parallel_loop3A_834 = arith.constant 1 : index
        %parallel_loop3A_835 = tpu.vector_load %arg6[%parallel_loop3A_833, %parallel_loop3A_834] {strides = array<i32>} : memref<128x65xf32, #tpu.memory_space<vmem>>, vector<16xf32>,
        %parallel_loop3A_836 = arith.index_cast %parallel_loop3A_802 : i32 to index
        %parallel_loop3A_837 = arith.constant 64 : index
        %parallel_loop3A_838 = tpu.vector_load %arg8[%parallel_loop3A_836, %parallel_loop3A_837] {strides = array<i32>} : memref<128x128xf32, #tpu.memory_space<vmem>>, vector<16xf32>,
        tpu.vector_store %arg8[%parallel_loop3A_836, %parallel_loop3A_837], %parallel_loop3A_835 {strides = array<i32>} : memref<128x128xf32, #tpu.memory_space<vmem>>, vector<16xf32>,
        %parallel_loop3A_839 = arith.index_cast %parallel_loop3A_802 : i32 to index
        %parallel_loop3A_840 = arith.constant 17 : index
        %parallel_loop3A_841 = tpu.vector_load %arg6[%parallel_loop3A_839, %parallel_loop3A_840] {strides = array<i32>} : memref<128x65xf32, #tpu.memory_space<vmem>>, vector<16xf32>,
        %parallel_loop3A_842 = arith.index_cast %parallel_loop3A_802 : i32 to index
        %parallel_loop3A_843 = arith.constant 80 : index
        %parallel_loop3A_844 = tpu.vector_load %arg8[%parallel_loop3A_842, %parallel_loop3A_843] {strides = array<i32>} : memref<128x128xf32, #tpu.memory_space<vmem>>, vector<16xf32>,
        tpu.vector_store %arg8[%parallel_loop3A_842, %parallel_loop3A_843], %parallel_loop3A_841 {strides = array<i32>} : memref<128x128xf32, #tpu.memory_space<vmem>>, vector<16xf32>,
        %parallel_loop3A_845 = arith.index_cast %parallel_loop3A_802 : i32 to index
        %parallel_loop3A_846 = arith.constant 33 : index
        %parallel_loop3A_847 = tpu.vector_load %arg6[%parallel_loop3A_845, %parallel_loop3A_846] {strides = array<i32>} : memref<128x65xf32, #tpu.memory_space<vmem>>, vector<16xf32>,
        %parallel_loop3A_848 = arith.index_cast %parallel_loop3A_802 : i32 to index
        %parallel_loop3A_849 = arith.constant 96 : index
        %parallel_loop3A_850 = tpu.vector_load %arg8[%parallel_loop3A_848, %parallel_loop3A_849] {strides = array<i32>} : memref<128x128xf32, #tpu.memory_space<vmem>>, vector<16xf32>,
        tpu.vector_store %arg8[%parallel_loop3A_848, %parallel_loop3A_849], %parallel_loop3A_847 {strides = array<i32>} : memref<128x128xf32, #tpu.memory_space<vmem>>, vector<16xf32>,
        %parallel_loop3A_851 = arith.index_cast %parallel_loop3A_802 : i32 to index
        %parallel_loop3A_852 = arith.constant 49 : index
        %parallel_loop3A_853 = tpu.vector_load %arg6[%parallel_loop3A_851, %parallel_loop3A_852] {strides = array<i32>} : memref<128x65xf32, #tpu.memory_space<vmem>>, vector<16xf32>,
        %parallel_loop3A_854 = arith.index_cast %parallel_loop3A_802 : i32 to index
        %parallel_loop3A_855 = arith.constant 112 : index
        %parallel_loop3A_856 = tpu.vector_load %arg8[%parallel_loop3A_854, %parallel_loop3A_855] {strides = array<i32>} : memref<128x128xf32, #tpu.memory_space<vmem>>, vector<16xf32>,
        tpu.vector_store %arg8[%parallel_loop3A_854, %parallel_loop3A_855], %parallel_loop3A_853 {strides = array<i32>} : memref<128x128xf32, #tpu.memory_space<vmem>>, vector<16xf32>,
        %parallel_loop3A_857 = arith.constant 16 : i32
        %parallel_loop3A_858 = arith.muli %parallel_loop3A_98, %parallel_loop3A_857 : i32
        %parallel_loop3A_859 = arith.constant 13 : i32
        %parallel_loop3A_860 = arith.addi %parallel_loop3A_858, %parallel_loop3A_859 : i32
        %parallel_loop3A_861 = vector.extract_strided_slice %parallel_loop3A_102 {offsets = [13], sizes = [1], strides = [1]} : vector<16xi32> to vector<1xi32>
        %parallel_loop3A_862 = vector.extract %parallel_loop3A_861[0] : i32 from vector<1xi32>
        %parallel_loop3A_863 = arith.constant 0 : i32
        %parallel_loop3A_864 = arith.addi %parallel_loop3A_862, %parallel_loop3A_863 : i32
        %parallel_loop3A_865 = arith.index_cast %parallel_loop3A_864 : i32 to index
        %parallel_loop3A_866 = tpu.vector_load %arg5[%parallel_loop3A_865] {strides = array<i32>} : memref<64000xf32, #tpu.memory_space<vmem>>, vector<16xf32>,
        %parallel_loop3A_867 = arith.index_cast %parallel_loop3A_860 : i32 to index
        %parallel_loop3A_868 = arith.constant 0 : index
        %parallel_loop3A_869 = tpu.vector_load %arg8[%parallel_loop3A_867, %parallel_loop3A_868] {strides = array<i32>} : memref<128x128xf32, #tpu.memory_space<vmem>>, vector<16xf32>,
        tpu.vector_store %arg8[%parallel_loop3A_867, %parallel_loop3A_868], %parallel_loop3A_866 {strides = array<i32>} : memref<128x128xf32, #tpu.memory_space<vmem>>, vector<16xf32>,
        %parallel_loop3A_870 = arith.constant 16 : i32
        %parallel_loop3A_871 = arith.addi %parallel_loop3A_862, %parallel_loop3A_870 : i32
        %parallel_loop3A_872 = arith.index_cast %parallel_loop3A_871 : i32 to index
        %parallel_loop3A_873 = tpu.vector_load %arg5[%parallel_loop3A_872] {strides = array<i32>} : memref<64000xf32, #tpu.memory_space<vmem>>, vector<16xf32>,
        %parallel_loop3A_874 = arith.index_cast %parallel_loop3A_860 : i32 to index
        %parallel_loop3A_875 = arith.constant 16 : index
        %parallel_loop3A_876 = tpu.vector_load %arg8[%parallel_loop3A_874, %parallel_loop3A_875] {strides = array<i32>} : memref<128x128xf32, #tpu.memory_space<vmem>>, vector<16xf32>,
        tpu.vector_store %arg8[%parallel_loop3A_874, %parallel_loop3A_875], %parallel_loop3A_873 {strides = array<i32>} : memref<128x128xf32, #tpu.memory_space<vmem>>, vector<16xf32>,
        %parallel_loop3A_877 = arith.constant 32 : i32
        %parallel_loop3A_878 = arith.addi %parallel_loop3A_862, %parallel_loop3A_877 : i32
        %parallel_loop3A_879 = arith.index_cast %parallel_loop3A_878 : i32 to index
        %parallel_loop3A_880 = tpu.vector_load %arg5[%parallel_loop3A_879] {strides = array<i32>} : memref<64000xf32, #tpu.memory_space<vmem>>, vector<16xf32>,
        %parallel_loop3A_881 = arith.index_cast %parallel_loop3A_860 : i32 to index
        %parallel_loop3A_882 = arith.constant 32 : index
        %parallel_loop3A_883 = tpu.vector_load %arg8[%parallel_loop3A_881, %parallel_loop3A_882] {strides = array<i32>} : memref<128x128xf32, #tpu.memory_space<vmem>>, vector<16xf32>,
        tpu.vector_store %arg8[%parallel_loop3A_881, %parallel_loop3A_882], %parallel_loop3A_880 {strides = array<i32>} : memref<128x128xf32, #tpu.memory_space<vmem>>, vector<16xf32>,
        %parallel_loop3A_884 = arith.constant 48 : i32
        %parallel_loop3A_885 = arith.addi %parallel_loop3A_862, %parallel_loop3A_884 : i32
        %parallel_loop3A_886 = arith.index_cast %parallel_loop3A_885 : i32 to index
        %parallel_loop3A_887 = tpu.vector_load %arg5[%parallel_loop3A_886] {strides = array<i32>} : memref<64000xf32, #tpu.memory_space<vmem>>, vector<16xf32>,
        %parallel_loop3A_888 = arith.index_cast %parallel_loop3A_860 : i32 to index
        %parallel_loop3A_889 = arith.constant 48 : index
        %parallel_loop3A_890 = tpu.vector_load %arg8[%parallel_loop3A_888, %parallel_loop3A_889] {strides = array<i32>} : memref<128x128xf32, #tpu.memory_space<vmem>>, vector<16xf32>,
        tpu.vector_store %arg8[%parallel_loop3A_888, %parallel_loop3A_889], %parallel_loop3A_887 {strides = array<i32>} : memref<128x128xf32, #tpu.memory_space<vmem>>, vector<16xf32>,
        %parallel_loop3A_891 = arith.index_cast %parallel_loop3A_860 : i32 to index
        %parallel_loop3A_892 = arith.constant 1 : index
        %parallel_loop3A_893 = tpu.vector_load %arg6[%parallel_loop3A_891, %parallel_loop3A_892] {strides = array<i32>} : memref<128x65xf32, #tpu.memory_space<vmem>>, vector<16xf32>,
        %parallel_loop3A_894 = arith.index_cast %parallel_loop3A_860 : i32 to index
        %parallel_loop3A_895 = arith.constant 64 : index
        %parallel_loop3A_896 = tpu.vector_load %arg8[%parallel_loop3A_894, %parallel_loop3A_895] {strides = array<i32>} : memref<128x128xf32, #tpu.memory_space<vmem>>, vector<16xf32>,
        tpu.vector_store %arg8[%parallel_loop3A_894, %parallel_loop3A_895], %parallel_loop3A_893 {strides = array<i32>} : memref<128x128xf32, #tpu.memory_space<vmem>>, vector<16xf32>,
        %parallel_loop3A_897 = arith.index_cast %parallel_loop3A_860 : i32 to index
        %parallel_loop3A_898 = arith.constant 17 : index
        %parallel_loop3A_899 = tpu.vector_load %arg6[%parallel_loop3A_897, %parallel_loop3A_898] {strides = array<i32>} : memref<128x65xf32, #tpu.memory_space<vmem>>, vector<16xf32>,
        %parallel_loop3A_900 = arith.index_cast %parallel_loop3A_860 : i32 to index
        %parallel_loop3A_901 = arith.constant 80 : index
        %parallel_loop3A_902 = tpu.vector_load %arg8[%parallel_loop3A_900, %parallel_loop3A_901] {strides = array<i32>} : memref<128x128xf32, #tpu.memory_space<vmem>>, vector<16xf32>,
        tpu.vector_store %arg8[%parallel_loop3A_900, %parallel_loop3A_901], %parallel_loop3A_899 {strides = array<i32>} : memref<128x128xf32, #tpu.memory_space<vmem>>, vector<16xf32>,
        %parallel_loop3A_903 = arith.index_cast %parallel_loop3A_860 : i32 to index
        %parallel_loop3A_904 = arith.constant 33 : index
        %parallel_loop3A_905 = tpu.vector_load %arg6[%parallel_loop3A_903, %parallel_loop3A_904] {strides = array<i32>} : memref<128x65xf32, #tpu.memory_space<vmem>>, vector<16xf32>,
        %parallel_loop3A_906 = arith.index_cast %parallel_loop3A_860 : i32 to index
        %parallel_loop3A_907 = arith.constant 96 : index
        %parallel_loop3A_908 = tpu.vector_load %arg8[%parallel_loop3A_906, %parallel_loop3A_907] {strides = array<i32>} : memref<128x128xf32, #tpu.memory_space<vmem>>, vector<16xf32>,
        tpu.vector_store %arg8[%parallel_loop3A_906, %parallel_loop3A_907], %parallel_loop3A_905 {strides = array<i32>} : memref<128x128xf32, #tpu.memory_space<vmem>>, vector<16xf32>,
        %parallel_loop3A_909 = arith.index_cast %parallel_loop3A_860 : i32 to index
        %parallel_loop3A_910 = arith.constant 49 : index
        %parallel_loop3A_911 = tpu.vector_load %arg6[%parallel_loop3A_909, %parallel_loop3A_910] {strides = array<i32>} : memref<128x65xf32, #tpu.memory_space<vmem>>, vector<16xf32>,
        %parallel_loop3A_912 = arith.index_cast %parallel_loop3A_860 : i32 to index
        %parallel_loop3A_913 = arith.constant 112 : index
        %parallel_loop3A_914 = tpu.vector_load %arg8[%parallel_loop3A_912, %parallel_loop3A_913] {strides = array<i32>} : memref<128x128xf32, #tpu.memory_space<vmem>>, vector<16xf32>,
        tpu.vector_store %arg8[%parallel_loop3A_912, %parallel_loop3A_913], %parallel_loop3A_911 {strides = array<i32>} : memref<128x128xf32, #tpu.memory_space<vmem>>, vector<16xf32>,
        %parallel_loop3A_915 = arith.constant 16 : i32
        %parallel_loop3A_916 = arith.muli %parallel_loop3A_98, %parallel_loop3A_915 : i32
        %parallel_loop3A_917 = arith.constant 14 : i32
        %parallel_loop3A_918 = arith.addi %parallel_loop3A_916, %parallel_loop3A_917 : i32
        %parallel_loop3A_919 = vector.extract_strided_slice %parallel_loop3A_102 {offsets = [14], sizes = [1], strides = [1]} : vector<16xi32> to vector<1xi32>
        %parallel_loop3A_920 = vector.extract %parallel_loop3A_919[0] : i32 from vector<1xi32>
        %parallel_loop3A_921 = arith.constant 0 : i32
        %parallel_loop3A_922 = arith.addi %parallel_loop3A_920, %parallel_loop3A_921 : i32
        %parallel_loop3A_923 = arith.index_cast %parallel_loop3A_922 : i32 to index
        %parallel_loop3A_924 = tpu.vector_load %arg5[%parallel_loop3A_923] {strides = array<i32>} : memref<64000xf32, #tpu.memory_space<vmem>>, vector<16xf32>,
        %parallel_loop3A_925 = arith.index_cast %parallel_loop3A_918 : i32 to index
        %parallel_loop3A_926 = arith.constant 0 : index
        %parallel_loop3A_927 = tpu.vector_load %arg8[%parallel_loop3A_925, %parallel_loop3A_926] {strides = array<i32>} : memref<128x128xf32, #tpu.memory_space<vmem>>, vector<16xf32>,
        tpu.vector_store %arg8[%parallel_loop3A_925, %parallel_loop3A_926], %parallel_loop3A_924 {strides = array<i32>} : memref<128x128xf32, #tpu.memory_space<vmem>>, vector<16xf32>,
        %parallel_loop3A_928 = arith.constant 16 : i32
        %parallel_loop3A_929 = arith.addi %parallel_loop3A_920, %parallel_loop3A_928 : i32
        %parallel_loop3A_930 = arith.index_cast %parallel_loop3A_929 : i32 to index
        %parallel_loop3A_931 = tpu.vector_load %arg5[%parallel_loop3A_930] {strides = array<i32>} : memref<64000xf32, #tpu.memory_space<vmem>>, vector<16xf32>,
        %parallel_loop3A_932 = arith.index_cast %parallel_loop3A_918 : i32 to index
        %parallel_loop3A_933 = arith.constant 16 : index
        %parallel_loop3A_934 = tpu.vector_load %arg8[%parallel_loop3A_932, %parallel_loop3A_933] {strides = array<i32>} : memref<128x128xf32, #tpu.memory_space<vmem>>, vector<16xf32>,
        tpu.vector_store %arg8[%parallel_loop3A_932, %parallel_loop3A_933], %parallel_loop3A_931 {strides = array<i32>} : memref<128x128xf32, #tpu.memory_space<vmem>>, vector<16xf32>,
        %parallel_loop3A_935 = arith.constant 32 : i32
        %parallel_loop3A_936 = arith.addi %parallel_loop3A_920, %parallel_loop3A_935 : i32
        %parallel_loop3A_937 = arith.index_cast %parallel_loop3A_936 : i32 to index
        %parallel_loop3A_938 = tpu.vector_load %arg5[%parallel_loop3A_937] {strides = array<i32>} : memref<64000xf32, #tpu.memory_space<vmem>>, vector<16xf32>,
        %parallel_loop3A_939 = arith.index_cast %parallel_loop3A_918 : i32 to index
        %parallel_loop3A_940 = arith.constant 32 : index
        %parallel_loop3A_941 = tpu.vector_load %arg8[%parallel_loop3A_939, %parallel_loop3A_940] {strides = array<i32>} : memref<128x128xf32, #tpu.memory_space<vmem>>, vector<16xf32>,
        tpu.vector_store %arg8[%parallel_loop3A_939, %parallel_loop3A_940], %parallel_loop3A_938 {strides = array<i32>} : memref<128x128xf32, #tpu.memory_space<vmem>>, vector<16xf32>,
        %parallel_loop3A_942 = arith.constant 48 : i32
        %parallel_loop3A_943 = arith.addi %parallel_loop3A_920, %parallel_loop3A_942 : i32
        %parallel_loop3A_944 = arith.index_cast %parallel_loop3A_943 : i32 to index
        %parallel_loop3A_945 = tpu.vector_load %arg5[%parallel_loop3A_944] {strides = array<i32>} : memref<64000xf32, #tpu.memory_space<vmem>>, vector<16xf32>,
        %parallel_loop3A_946 = arith.index_cast %parallel_loop3A_918 : i32 to index
        %parallel_loop3A_947 = arith.constant 48 : index
        %parallel_loop3A_948 = tpu.vector_load %arg8[%parallel_loop3A_946, %parallel_loop3A_947] {strides = array<i32>} : memref<128x128xf32, #tpu.memory_space<vmem>>, vector<16xf32>,
        tpu.vector_store %arg8[%parallel_loop3A_946, %parallel_loop3A_947], %parallel_loop3A_945 {strides = array<i32>} : memref<128x128xf32, #tpu.memory_space<vmem>>, vector<16xf32>,
        %parallel_loop3A_949 = arith.index_cast %parallel_loop3A_918 : i32 to index
        %parallel_loop3A_950 = arith.constant 1 : index
        %parallel_loop3A_951 = tpu.vector_load %arg6[%parallel_loop3A_949, %parallel_loop3A_950] {strides = array<i32>} : memref<128x65xf32, #tpu.memory_space<vmem>>, vector<16xf32>,
        %parallel_loop3A_952 = arith.index_cast %parallel_loop3A_918 : i32 to index
        %parallel_loop3A_953 = arith.constant 64 : index
        %parallel_loop3A_954 = tpu.vector_load %arg8[%parallel_loop3A_952, %parallel_loop3A_953] {strides = array<i32>} : memref<128x128xf32, #tpu.memory_space<vmem>>, vector<16xf32>,
        tpu.vector_store %arg8[%parallel_loop3A_952, %parallel_loop3A_953], %parallel_loop3A_951 {strides = array<i32>} : memref<128x128xf32, #tpu.memory_space<vmem>>, vector<16xf32>,
        %parallel_loop3A_955 = arith.index_cast %parallel_loop3A_918 : i32 to index
        %parallel_loop3A_956 = arith.constant 17 : index
        %parallel_loop3A_957 = tpu.vector_load %arg6[%parallel_loop3A_955, %parallel_loop3A_956] {strides = array<i32>} : memref<128x65xf32, #tpu.memory_space<vmem>>, vector<16xf32>,
        %parallel_loop3A_958 = arith.index_cast %parallel_loop3A_918 : i32 to index
        %parallel_loop3A_959 = arith.constant 80 : index
        %parallel_loop3A_960 = tpu.vector_load %arg8[%parallel_loop3A_958, %parallel_loop3A_959] {strides = array<i32>} : memref<128x128xf32, #tpu.memory_space<vmem>>, vector<16xf32>,
        tpu.vector_store %arg8[%parallel_loop3A_958, %parallel_loop3A_959], %parallel_loop3A_957 {strides = array<i32>} : memref<128x128xf32, #tpu.memory_space<vmem>>, vector<16xf32>,
        %parallel_loop3A_961 = arith.index_cast %parallel_loop3A_918 : i32 to index
        %parallel_loop3A_962 = arith.constant 33 : index
        %parallel_loop3A_963 = tpu.vector_load %arg6[%parallel_loop3A_961, %parallel_loop3A_962] {strides = array<i32>} : memref<128x65xf32, #tpu.memory_space<vmem>>, vector<16xf32>,
        %parallel_loop3A_964 = arith.index_cast %parallel_loop3A_918 : i32 to index
        %parallel_loop3A_965 = arith.constant 96 : index
        %parallel_loop3A_966 = tpu.vector_load %arg8[%parallel_loop3A_964, %parallel_loop3A_965] {strides = array<i32>} : memref<128x128xf32, #tpu.memory_space<vmem>>, vector<16xf32>,
        tpu.vector_store %arg8[%parallel_loop3A_964, %parallel_loop3A_965], %parallel_loop3A_963 {strides = array<i32>} : memref<128x128xf32, #tpu.memory_space<vmem>>, vector<16xf32>,
        %parallel_loop3A_967 = arith.index_cast %parallel_loop3A_918 : i32 to index
        %parallel_loop3A_968 = arith.constant 49 : index
        %parallel_loop3A_969 = tpu.vector_load %arg6[%parallel_loop3A_967, %parallel_loop3A_968] {strides = array<i32>} : memref<128x65xf32, #tpu.memory_space<vmem>>, vector<16xf32>,
        %parallel_loop3A_970 = arith.index_cast %parallel_loop3A_918 : i32 to index
        %parallel_loop3A_971 = arith.constant 112 : index
        %parallel_loop3A_972 = tpu.vector_load %arg8[%parallel_loop3A_970, %parallel_loop3A_971] {strides = array<i32>} : memref<128x128xf32, #tpu.memory_space<vmem>>, vector<16xf32>,
        tpu.vector_store %arg8[%parallel_loop3A_970, %parallel_loop3A_971], %parallel_loop3A_969 {strides = array<i32>} : memref<128x128xf32, #tpu.memory_space<vmem>>, vector<16xf32>,
        %parallel_loop3A_973 = arith.constant 16 : i32
        %parallel_loop3A_974 = arith.muli %parallel_loop3A_98, %parallel_loop3A_973 : i32
        %parallel_loop3A_975 = arith.constant 15 : i32
        %parallel_loop3A_976 = arith.addi %parallel_loop3A_974, %parallel_loop3A_975 : i32
        %parallel_loop3A_977 = vector.extract_strided_slice %parallel_loop3A_102 {offsets = [15], sizes = [1], strides = [1]} : vector<16xi32> to vector<1xi32>
        %parallel_loop3A_978 = vector.extract %parallel_loop3A_977[0] : i32 from vector<1xi32>
        %parallel_loop3A_979 = arith.constant 0 : i32
        %parallel_loop3A_980 = arith.addi %parallel_loop3A_978, %parallel_loop3A_979 : i32
        %parallel_loop3A_981 = arith.index_cast %parallel_loop3A_980 : i32 to index
        %parallel_loop3A_982 = tpu.vector_load %arg5[%parallel_loop3A_981] {strides = array<i32>} : memref<64000xf32, #tpu.memory_space<vmem>>, vector<16xf32>,
        %parallel_loop3A_983 = arith.index_cast %parallel_loop3A_976 : i32 to index
        %parallel_loop3A_984 = arith.constant 0 : index
        %parallel_loop3A_985 = tpu.vector_load %arg8[%parallel_loop3A_983, %parallel_loop3A_984] {strides = array<i32>} : memref<128x128xf32, #tpu.memory_space<vmem>>, vector<16xf32>,
        tpu.vector_store %arg8[%parallel_loop3A_983, %parallel_loop3A_984], %parallel_loop3A_982 {strides = array<i32>} : memref<128x128xf32, #tpu.memory_space<vmem>>, vector<16xf32>,
        %parallel_loop3A_986 = arith.constant 16 : i32
        %parallel_loop3A_987 = arith.addi %parallel_loop3A_978, %parallel_loop3A_986 : i32
        %parallel_loop3A_988 = arith.index_cast %parallel_loop3A_987 : i32 to index
        %parallel_loop3A_989 = tpu.vector_load %arg5[%parallel_loop3A_988] {strides = array<i32>} : memref<64000xf32, #tpu.memory_space<vmem>>, vector<16xf32>,
        %parallel_loop3A_990 = arith.index_cast %parallel_loop3A_976 : i32 to index
        %parallel_loop3A_991 = arith.constant 16 : index
        %parallel_loop3A_992 = tpu.vector_load %arg8[%parallel_loop3A_990, %parallel_loop3A_991] {strides = array<i32>} : memref<128x128xf32, #tpu.memory_space<vmem>>, vector<16xf32>,
        tpu.vector_store %arg8[%parallel_loop3A_990, %parallel_loop3A_991], %parallel_loop3A_989 {strides = array<i32>} : memref<128x128xf32, #tpu.memory_space<vmem>>, vector<16xf32>,
        %parallel_loop3A_993 = arith.constant 32 : i32
        %parallel_loop3A_994 = arith.addi %parallel_loop3A_978, %parallel_loop3A_993 : i32
        %parallel_loop3A_995 = arith.index_cast %parallel_loop3A_994 : i32 to index
        %parallel_loop3A_996 = tpu.vector_load %arg5[%parallel_loop3A_995] {strides = array<i32>} : memref<64000xf32, #tpu.memory_space<vmem>>, vector<16xf32>,
        %parallel_loop3A_997 = arith.index_cast %parallel_loop3A_976 : i32 to index
        %parallel_loop3A_998 = arith.constant 32 : index
        %parallel_loop3A_999 = tpu.vector_load %arg8[%parallel_loop3A_997, %parallel_loop3A_998] {strides = array<i32>} : memref<128x128xf32, #tpu.memory_space<vmem>>, vector<16xf32>,
        tpu.vector_store %arg8[%parallel_loop3A_997, %parallel_loop3A_998], %parallel_loop3A_996 {strides = array<i32>} : memref<128x128xf32, #tpu.memory_space<vmem>>, vector<16xf32>,
        %parallel_loop3A_1000 = arith.constant 48 : i32
        %parallel_loop3A_1001 = arith.addi %parallel_loop3A_978, %parallel_loop3A_1000 : i32
        %parallel_loop3A_1002 = arith.index_cast %parallel_loop3A_1001 : i32 to index
        %parallel_loop3A_1003 = tpu.vector_load %arg5[%parallel_loop3A_1002] {strides = array<i32>} : memref<64000xf32, #tpu.memory_space<vmem>>, vector<16xf32>,
        %parallel_loop3A_1004 = arith.index_cast %parallel_loop3A_976 : i32 to index
        %parallel_loop3A_1005 = arith.constant 48 : index
        %parallel_loop3A_1006 = tpu.vector_load %arg8[%parallel_loop3A_1004, %parallel_loop3A_1005] {strides = array<i32>} : memref<128x128xf32, #tpu.memory_space<vmem>>, vector<16xf32>,
        tpu.vector_store %arg8[%parallel_loop3A_1004, %parallel_loop3A_1005], %parallel_loop3A_1003 {strides = array<i32>} : memref<128x128xf32, #tpu.memory_space<vmem>>, vector<16xf32>,
        %parallel_loop3A_1007 = arith.index_cast %parallel_loop3A_976 : i32 to index
        %parallel_loop3A_1008 = arith.constant 1 : index
        %parallel_loop3A_1009 = tpu.vector_load %arg6[%parallel_loop3A_1007, %parallel_loop3A_1008] {strides = array<i32>} : memref<128x65xf32, #tpu.memory_space<vmem>>, vector<16xf32>,
        %parallel_loop3A_1010 = arith.index_cast %parallel_loop3A_976 : i32 to index
        %parallel_loop3A_1011 = arith.constant 64 : index
        %parallel_loop3A_1012 = tpu.vector_load %arg8[%parallel_loop3A_1010, %parallel_loop3A_1011] {strides = array<i32>} : memref<128x128xf32, #tpu.memory_space<vmem>>, vector<16xf32>,
        tpu.vector_store %arg8[%parallel_loop3A_1010, %parallel_loop3A_1011], %parallel_loop3A_1009 {strides = array<i32>} : memref<128x128xf32, #tpu.memory_space<vmem>>, vector<16xf32>,
        %parallel_loop3A_1013 = arith.index_cast %parallel_loop3A_976 : i32 to index
        %parallel_loop3A_1014 = arith.constant 17 : index
        %parallel_loop3A_1015 = tpu.vector_load %arg6[%parallel_loop3A_1013, %parallel_loop3A_1014] {strides = array<i32>} : memref<128x65xf32, #tpu.memory_space<vmem>>, vector<16xf32>,
        %parallel_loop3A_1016 = arith.index_cast %parallel_loop3A_976 : i32 to index
        %parallel_loop3A_1017 = arith.constant 80 : index
        %parallel_loop3A_1018 = tpu.vector_load %arg8[%parallel_loop3A_1016, %parallel_loop3A_1017] {strides = array<i32>} : memref<128x128xf32, #tpu.memory_space<vmem>>, vector<16xf32>,
        tpu.vector_store %arg8[%parallel_loop3A_1016, %parallel_loop3A_1017], %parallel_loop3A_1015 {strides = array<i32>} : memref<128x128xf32, #tpu.memory_space<vmem>>, vector<16xf32>,
        %parallel_loop3A_1019 = arith.index_cast %parallel_loop3A_976 : i32 to index
        %parallel_loop3A_1020 = arith.constant 33 : index
        %parallel_loop3A_1021 = tpu.vector_load %arg6[%parallel_loop3A_1019, %parallel_loop3A_1020] {strides = array<i32>} : memref<128x65xf32, #tpu.memory_space<vmem>>, vector<16xf32>,
        %parallel_loop3A_1022 = arith.index_cast %parallel_loop3A_976 : i32 to index
        %parallel_loop3A_1023 = arith.constant 96 : index
        %parallel_loop3A_1024 = tpu.vector_load %arg8[%parallel_loop3A_1022, %parallel_loop3A_1023] {strides = array<i32>} : memref<128x128xf32, #tpu.memory_space<vmem>>, vector<16xf32>,
        tpu.vector_store %arg8[%parallel_loop3A_1022, %parallel_loop3A_1023], %parallel_loop3A_1021 {strides = array<i32>} : memref<128x128xf32, #tpu.memory_space<vmem>>, vector<16xf32>,
        %parallel_loop3A_1025 = arith.index_cast %parallel_loop3A_976 : i32 to index
        %parallel_loop3A_1026 = arith.constant 49 : index
        %parallel_loop3A_1027 = tpu.vector_load %arg6[%parallel_loop3A_1025, %parallel_loop3A_1026] {strides = array<i32>} : memref<128x65xf32, #tpu.memory_space<vmem>>, vector<16xf32>,
        %parallel_loop3A_1028 = arith.index_cast %parallel_loop3A_976 : i32 to index
        %parallel_loop3A_1029 = arith.constant 112 : index
        %parallel_loop3A_1030 = tpu.vector_load %arg8[%parallel_loop3A_1028, %parallel_loop3A_1029] {strides = array<i32>} : memref<128x128xf32, #tpu.memory_space<vmem>>, vector<16xf32>,
        tpu.vector_store %arg8[%parallel_loop3A_1028, %parallel_loop3A_1029], %parallel_loop3A_1027 {strides = array<i32>} : memref<128x128xf32, #tpu.memory_space<vmem>>, vector<16xf32>,
      } {sc.loop_unroll_factor = 2 : i64, sc.parallel_access}
      %mul3A_49 = arith.constant 128 : i32
      %mul3A_50 = arith.muli %add3A_34, %mul3A_49 : i32
      %add3A_51 = arith.addi %mul3A_2, %mul3A_50 : i32
      %dma_start3A_52 = arith.constant 0 : i32
      %dma_start3A_53 = tpu.memref_slice %arg4[%add3A_51, %dma_start3A_52] : memref<819200x128xf32, #tpu.memory_space<hbm>> -> memref<128x128xf32, #tpu.memory_space<hbm>>
      %dma_start3A_54 = arith.constant 0 : i32
      %dma_start3A_55 = tpu.memref_slice %arg4[%add3A_51, %dma_start3A_54] : memref<819200x128xf32, #tpu.memory_space<hbm>> -> memref<128x128xf32, #tpu.memory_space<hbm>>
      tpu.enqueue_dma source(%arg8 : memref<128x128xf32, #tpu.memory_space<vmem>>) target(%dma_start3A_55 : memref<128x128xf32, #tpu.memory_space<hbm>>) target_semaphore(%arg14 : memref<!tpu.dma_semaphore, #tpu.memory_space<semaphore_mem>>)
      %add3A_56 = arith.constant 2 : i32
      %add3A_57 = arith.addi %add3A_34, %add3A_56 : i32
      %lt3A = arith.constant 200 : i32
      %lt3A_58 = arith.cmpi slt, %add3A_57, %lt3A : i32
      %convert_element_type3A_59 = arith.extui %lt3A_58 : i1 to i32
      %cond3A_60 = arith.constant 0 : i32
      %cond3A_61 = arith.cmpi ne, %convert_element_type3A_59, %cond3A_60 : i32
      scf.if %cond3A_61 {
        %add3A_98 = arith.constant 2 : i32
        %add3A_99 = arith.addi %add3A_34, %add3A_98 : i32
        %mul3A_100 = arith.constant 128 : i32
        %mul3A_101 = arith.muli %add3A_99, %mul3A_100 : i32
        %add3A_102 = arith.addi %mul3A_2, %mul3A_101 : i32
        %dma_start3A_103 = arith.constant 0 : i32
        %dma_start3A_104 = tpu.memref_slice %arg2[%add3A_102, %dma_start3A_103] : memref<819200x65xf32, #tpu.memory_space<hbm>> -> memref<128x65xf32, #tpu.memory_space<hbm>>
        %dma_start3A_105 = arith.constant 0 : i32
        %dma_start3A_106 = tpu.memref_slice %arg2[%add3A_102, %dma_start3A_105] : memref<819200x65xf32, #tpu.memory_space<hbm>> -> memref<128x65xf32, #tpu.memory_space<hbm>>
        tpu.enqueue_dma source(%dma_start3A_106 : memref<128x65xf32, #tpu.memory_space<hbm>>) target(%arg6 : memref<128x65xf32, #tpu.memory_space<vmem>>) target_semaphore(%arg12 : memref<!tpu.dma_semaphore, #tpu.memory_space<semaphore_mem>>)
      } else {
      }
      %mul3A_62 = arith.constant 2 : i32
      %mul3A_63 = arith.muli %mul3A_62, %scan3A_30 : i32
      %add3A_64 = arith.constant 1 : i32
      %add3A_65 = arith.addi %mul3A_63, %add3A_64 : i32
      %mul3A_66 = arith.constant 128 : i32
      %mul3A_67 = arith.muli %add3A_65, %mul3A_66 : i32
      %add3A_68 = arith.addi %mul3A_2, %mul3A_67 : i32
      %dma_wait3A_69 = arith.constant 0 : i32
      %dma_wait3A_70 = tpu.memref_slice %arg2[%add3A_68, %dma_wait3A_69] : memref<819200x65xf32, #tpu.memory_space<hbm>> -> memref<128x65xf32, #tpu.memory_space<hbm>>
      %dma_wait3A_71 = arith.constant 0 : i32
      %dma_wait3A_72 = tpu.memref_slice %arg2[%add3A_68, %dma_wait3A_71] : memref<819200x65xf32, #tpu.memory_space<hbm>> -> memref<128x65xf32, #tpu.memory_space<hbm>>
      tpu.wait_dma2 semaphore(%arg13 : memref<!tpu.dma_semaphore, #tpu.memory_space<semaphore_mem>>) src(%dma_wait3A_72 : memref<128x65xf32, #tpu.memory_space<hbm>>) dst(%arg7 : memref<128x65xf32, #tpu.memory_space<vmem>>)
      %parallel_loop3A_73 = arith.constant 0 : i32
      %parallel_loop3A_74 = arith.constant 8 : i32
      %parallel_loop3A_75 = arith.constant 1 : i32
      scf.for %parallel_loop3A_98 = %parallel_loop3A_73 to %parallel_loop3A_74 step %parallel_loop3A_75  : i32 {
        %parallel_loop3A_99 = tpu.iota {dimensions = array<i32: 0>} : vector<16xi32>
        %parallel_loop3A_100 = arith.constant 16 : i32
        %parallel_loop3A_101 = arith.muli %parallel_loop3A_98, %parallel_loop3A_100 : i32
        %parallel_loop3A_102 = vector.broadcast %parallel_loop3A_101 : i32 to vector<16xi32>
        %parallel_loop3A_103 = arith.addi %parallel_loop3A_102, %parallel_loop3A_99 : vector<16xi32>
        %parallel_loop3A_104 = arith.subi %parallel_loop3A_99, %parallel_loop3A_99 : vector<16xi32>
        %parallel_loop3A_105 = tpu.vector_load_idx %arg7[%parallel_loop3A_103, %parallel_loop3A_104] : memref<128x65xf32, #tpu.memory_space<vmem>>[vector<16xi32>, vector<16xi32>], vector<16xf32>,
        %parallel_loop3A_106 = arith.fptosi %parallel_loop3A_105 : vector<16xf32> to vector<16xi32>
        %parallel_loop3A_107 = arith.constant 64 : i32
        %parallel_loop3A_108 = vector.broadcast %parallel_loop3A_107 : i32 to vector<16xi32>
        %parallel_loop3A_109 = arith.muli %parallel_loop3A_106, %parallel_loop3A_108 : vector<16xi32>
        %parallel_loop3A_110 = arith.constant 16 : i32
        %parallel_loop3A_111 = arith.muli %parallel_loop3A_98, %parallel_loop3A_110 : i32
        %parallel_loop3A_112 = arith.index_cast %parallel_loop3A_111 : i32 to index
        %parallel_loop3A_113 = tpu.vector_load %arg11[%parallel_loop3A_112] {strides = array<i32>} : memref<128xi32, #tpu.memory_space<vmem>>, vector<16xi32>,
        tpu.vector_store %arg11[%parallel_loop3A_112], %parallel_loop3A_109 {strides = array<i32>} : memref<128xi32, #tpu.memory_space<vmem>>, vector<16xi32>,
      } {sc.loop_unroll_factor = 1 : i64, sc.parallel_access}
      %gt3A_76 = arith.constant 0 : i32
      %gt3A_77 = arith.cmpi sgt, %scan3A_30, %gt3A_76 : i32
      %convert_element_type3A_78 = arith.extui %gt3A_77 : i1 to i32
      %cond3A_79 = arith.constant 0 : i32
      %cond3A_80 = arith.cmpi ne, %convert_element_type3A_78, %cond3A_79 : i32
      scf.if %cond3A_80 {
        %sub3A = arith.constant 2 : i32
        %sub3A_98 = arith.subi %add3A_65, %sub3A : i32
        %mul3A_99 = arith.constant 128 : i32
        %mul3A_100 = arith.muli %sub3A_98, %mul3A_99 : i32
        %add3A_101 = arith.addi %mul3A_2, %mul3A_100 : i32
        %dma_wait3A_102 = arith.constant 0 : i32
        %dma_wait3A_103 = tpu.memref_slice %arg4[%add3A_101, %dma_wait3A_102] : memref<819200x128xf32, #tpu.memory_space<hbm>> -> memref<128x128xf32, #tpu.memory_space<hbm>>
        %dma_wait3A_104 = arith.constant 0 : i32
        %dma_wait3A_105 = tpu.memref_slice %arg4[%add3A_101, %dma_wait3A_104] : memref<819200x128xf32, #tpu.memory_space<hbm>> -> memref<128x128xf32, #tpu.memory_space<hbm>>
        tpu.wait_dma2 semaphore(%arg15 : memref<!tpu.dma_semaphore, #tpu.memory_space<semaphore_mem>>) src(%arg9 : memref<128x128xf32, #tpu.memory_space<vmem>>) dst(%dma_wait3A_105 : memref<128x128xf32, #tpu.memory_space<hbm>>)
      } else {
      }
      %parallel_loop3A_81 = arith.constant 0 : i32
      %parallel_loop3A_82 = arith.constant 8 : i32
      %parallel_loop3A_83 = arith.constant 1 : i32
      scf.for %parallel_loop3A_98 = %parallel_loop3A_81 to %parallel_loop3A_82 step %parallel_loop3A_83  : i32 {
        %parallel_loop3A_99 = arith.constant 16 : i32
        %parallel_loop3A_100 = arith.muli %parallel_loop3A_98, %parallel_loop3A_99 : i32
        %parallel_loop3A_101 = arith.index_cast %parallel_loop3A_100 : i32 to index
        %parallel_loop3A_102 = tpu.vector_load %arg11[%parallel_loop3A_101] {strides = array<i32>} : memref<128xi32, #tpu.memory_space<vmem>>, vector<16xi32>,
        %parallel_loop3A_103 = arith.constant 16 : i32
        %parallel_loop3A_104 = arith.muli %parallel_loop3A_98, %parallel_loop3A_103 : i32
        %parallel_loop3A_105 = arith.constant 0 : i32
        %parallel_loop3A_106 = arith.addi %parallel_loop3A_104, %parallel_loop3A_105 : i32
        %parallel_loop3A_107 = vector.extract_strided_slice %parallel_loop3A_102 {offsets = [0], sizes = [1], strides = [1]} : vector<16xi32> to vector<1xi32>
        %parallel_loop3A_108 = vector.extract %parallel_loop3A_107[0] : i32 from vector<1xi32>
        %parallel_loop3A_109 = arith.constant 0 : i32
        %parallel_loop3A_110 = arith.addi %parallel_loop3A_108, %parallel_loop3A_109 : i32
        %parallel_loop3A_111 = arith.index_cast %parallel_loop3A_110 : i32 to index
        %parallel_loop3A_112 = tpu.vector_load %arg5[%parallel_loop3A_111] {strides = array<i32>} : memref<64000xf32, #tpu.memory_space<vmem>>, vector<16xf32>,
        %parallel_loop3A_113 = arith.index_cast %parallel_loop3A_106 : i32 to index
        %parallel_loop3A_114 = arith.constant 0 : index
        %parallel_loop3A_115 = tpu.vector_load %arg9[%parallel_loop3A_113, %parallel_loop3A_114] {strides = array<i32>} : memref<128x128xf32, #tpu.memory_space<vmem>>, vector<16xf32>,
        tpu.vector_store %arg9[%parallel_loop3A_113, %parallel_loop3A_114], %parallel_loop3A_112 {strides = array<i32>} : memref<128x128xf32, #tpu.memory_space<vmem>>, vector<16xf32>,
        %parallel_loop3A_116 = arith.constant 16 : i32
        %parallel_loop3A_117 = arith.addi %parallel_loop3A_108, %parallel_loop3A_116 : i32
        %parallel_loop3A_118 = arith.index_cast %parallel_loop3A_117 : i32 to index
        %parallel_loop3A_119 = tpu.vector_load %arg5[%parallel_loop3A_118] {strides = array<i32>} : memref<64000xf32, #tpu.memory_space<vmem>>, vector<16xf32>,
        %parallel_loop3A_120 = arith.index_cast %parallel_loop3A_106 : i32 to index
        %parallel_loop3A_121 = arith.constant 16 : index
        %parallel_loop3A_122 = tpu.vector_load %arg9[%parallel_loop3A_120, %parallel_loop3A_121] {strides = array<i32>} : memref<128x128xf32, #tpu.memory_space<vmem>>, vector<16xf32>,
        tpu.vector_store %arg9[%parallel_loop3A_120, %parallel_loop3A_121], %parallel_loop3A_119 {strides = array<i32>} : memref<128x128xf32, #tpu.memory_space<vmem>>, vector<16xf32>,
        %parallel_loop3A_123 = arith.constant 32 : i32
        %parallel_loop3A_124 = arith.addi %parallel_loop3A_108, %parallel_loop3A_123 : i32
        %parallel_loop3A_125 = arith.index_cast %parallel_loop3A_124 : i32 to index
        %parallel_loop3A_126 = tpu.vector_load %arg5[%parallel_loop3A_125] {strides = array<i32>} : memref<64000xf32, #tpu.memory_space<vmem>>, vector<16xf32>,
        %parallel_loop3A_127 = arith.index_cast %parallel_loop3A_106 : i32 to index
        %parallel_loop3A_128 = arith.constant 32 : index
        %parallel_loop3A_129 = tpu.vector_load %arg9[%parallel_loop3A_127, %parallel_loop3A_128] {strides = array<i32>} : memref<128x128xf32, #tpu.memory_space<vmem>>, vector<16xf32>,
        tpu.vector_store %arg9[%parallel_loop3A_127, %parallel_loop3A_128], %parallel_loop3A_126 {strides = array<i32>} : memref<128x128xf32, #tpu.memory_space<vmem>>, vector<16xf32>,
        %parallel_loop3A_130 = arith.constant 48 : i32
        %parallel_loop3A_131 = arith.addi %parallel_loop3A_108, %parallel_loop3A_130 : i32
        %parallel_loop3A_132 = arith.index_cast %parallel_loop3A_131 : i32 to index
        %parallel_loop3A_133 = tpu.vector_load %arg5[%parallel_loop3A_132] {strides = array<i32>} : memref<64000xf32, #tpu.memory_space<vmem>>, vector<16xf32>,
        %parallel_loop3A_134 = arith.index_cast %parallel_loop3A_106 : i32 to index
        %parallel_loop3A_135 = arith.constant 48 : index
        %parallel_loop3A_136 = tpu.vector_load %arg9[%parallel_loop3A_134, %parallel_loop3A_135] {strides = array<i32>} : memref<128x128xf32, #tpu.memory_space<vmem>>, vector<16xf32>,
        tpu.vector_store %arg9[%parallel_loop3A_134, %parallel_loop3A_135], %parallel_loop3A_133 {strides = array<i32>} : memref<128x128xf32, #tpu.memory_space<vmem>>, vector<16xf32>,
        %parallel_loop3A_137 = arith.index_cast %parallel_loop3A_106 : i32 to index
        %parallel_loop3A_138 = arith.constant 1 : index
        %parallel_loop3A_139 = tpu.vector_load %arg7[%parallel_loop3A_137, %parallel_loop3A_138] {strides = array<i32>} : memref<128x65xf32, #tpu.memory_space<vmem>>, vector<16xf32>,
        %parallel_loop3A_140 = arith.index_cast %parallel_loop3A_106 : i32 to index
        %parallel_loop3A_141 = arith.constant 64 : index
        %parallel_loop3A_142 = tpu.vector_load %arg9[%parallel_loop3A_140, %parallel_loop3A_141] {strides = array<i32>} : memref<128x128xf32, #tpu.memory_space<vmem>>, vector<16xf32>,
        tpu.vector_store %arg9[%parallel_loop3A_140, %parallel_loop3A_141], %parallel_loop3A_139 {strides = array<i32>} : memref<128x128xf32, #tpu.memory_space<vmem>>, vector<16xf32>,
        %parallel_loop3A_143 = arith.index_cast %parallel_loop3A_106 : i32 to index
        %parallel_loop3A_144 = arith.constant 17 : index
        %parallel_loop3A_145 = tpu.vector_load %arg7[%parallel_loop3A_143, %parallel_loop3A_144] {strides = array<i32>} : memref<128x65xf32, #tpu.memory_space<vmem>>, vector<16xf32>,
        %parallel_loop3A_146 = arith.index_cast %parallel_loop3A_106 : i32 to index
        %parallel_loop3A_147 = arith.constant 80 : index
        %parallel_loop3A_148 = tpu.vector_load %arg9[%parallel_loop3A_146, %parallel_loop3A_147] {strides = array<i32>} : memref<128x128xf32, #tpu.memory_space<vmem>>, vector<16xf32>,
        tpu.vector_store %arg9[%parallel_loop3A_146, %parallel_loop3A_147], %parallel_loop3A_145 {strides = array<i32>} : memref<128x128xf32, #tpu.memory_space<vmem>>, vector<16xf32>,
        %parallel_loop3A_149 = arith.index_cast %parallel_loop3A_106 : i32 to index
        %parallel_loop3A_150 = arith.constant 33 : index
        %parallel_loop3A_151 = tpu.vector_load %arg7[%parallel_loop3A_149, %parallel_loop3A_150] {strides = array<i32>} : memref<128x65xf32, #tpu.memory_space<vmem>>, vector<16xf32>,
        %parallel_loop3A_152 = arith.index_cast %parallel_loop3A_106 : i32 to index
        %parallel_loop3A_153 = arith.constant 96 : index
        %parallel_loop3A_154 = tpu.vector_load %arg9[%parallel_loop3A_152, %parallel_loop3A_153] {strides = array<i32>} : memref<128x128xf32, #tpu.memory_space<vmem>>, vector<16xf32>,
        tpu.vector_store %arg9[%parallel_loop3A_152, %parallel_loop3A_153], %parallel_loop3A_151 {strides = array<i32>} : memref<128x128xf32, #tpu.memory_space<vmem>>, vector<16xf32>,
        %parallel_loop3A_155 = arith.index_cast %parallel_loop3A_106 : i32 to index
        %parallel_loop3A_156 = arith.constant 49 : index
        %parallel_loop3A_157 = tpu.vector_load %arg7[%parallel_loop3A_155, %parallel_loop3A_156] {strides = array<i32>} : memref<128x65xf32, #tpu.memory_space<vmem>>, vector<16xf32>,
        %parallel_loop3A_158 = arith.index_cast %parallel_loop3A_106 : i32 to index
        %parallel_loop3A_159 = arith.constant 112 : index
        %parallel_loop3A_160 = tpu.vector_load %arg9[%parallel_loop3A_158, %parallel_loop3A_159] {strides = array<i32>} : memref<128x128xf32, #tpu.memory_space<vmem>>, vector<16xf32>,
        tpu.vector_store %arg9[%parallel_loop3A_158, %parallel_loop3A_159], %parallel_loop3A_157 {strides = array<i32>} : memref<128x128xf32, #tpu.memory_space<vmem>>, vector<16xf32>,
        %parallel_loop3A_161 = arith.constant 16 : i32
        %parallel_loop3A_162 = arith.muli %parallel_loop3A_98, %parallel_loop3A_161 : i32
        %parallel_loop3A_163 = arith.constant 1 : i32
        %parallel_loop3A_164 = arith.addi %parallel_loop3A_162, %parallel_loop3A_163 : i32
        %parallel_loop3A_165 = vector.extract_strided_slice %parallel_loop3A_102 {offsets = [1], sizes = [1], strides = [1]} : vector<16xi32> to vector<1xi32>
        %parallel_loop3A_166 = vector.extract %parallel_loop3A_165[0] : i32 from vector<1xi32>
        %parallel_loop3A_167 = arith.constant 0 : i32
        %parallel_loop3A_168 = arith.addi %parallel_loop3A_166, %parallel_loop3A_167 : i32
        %parallel_loop3A_169 = arith.index_cast %parallel_loop3A_168 : i32 to index
        %parallel_loop3A_170 = tpu.vector_load %arg5[%parallel_loop3A_169] {strides = array<i32>} : memref<64000xf32, #tpu.memory_space<vmem>>, vector<16xf32>,
        %parallel_loop3A_171 = arith.index_cast %parallel_loop3A_164 : i32 to index
        %parallel_loop3A_172 = arith.constant 0 : index
        %parallel_loop3A_173 = tpu.vector_load %arg9[%parallel_loop3A_171, %parallel_loop3A_172] {strides = array<i32>} : memref<128x128xf32, #tpu.memory_space<vmem>>, vector<16xf32>,
        tpu.vector_store %arg9[%parallel_loop3A_171, %parallel_loop3A_172], %parallel_loop3A_170 {strides = array<i32>} : memref<128x128xf32, #tpu.memory_space<vmem>>, vector<16xf32>,
        %parallel_loop3A_174 = arith.constant 16 : i32
        %parallel_loop3A_175 = arith.addi %parallel_loop3A_166, %parallel_loop3A_174 : i32
        %parallel_loop3A_176 = arith.index_cast %parallel_loop3A_175 : i32 to index
        %parallel_loop3A_177 = tpu.vector_load %arg5[%parallel_loop3A_176] {strides = array<i32>} : memref<64000xf32, #tpu.memory_space<vmem>>, vector<16xf32>,
        %parallel_loop3A_178 = arith.index_cast %parallel_loop3A_164 : i32 to index
        %parallel_loop3A_179 = arith.constant 16 : index
        %parallel_loop3A_180 = tpu.vector_load %arg9[%parallel_loop3A_178, %parallel_loop3A_179] {strides = array<i32>} : memref<128x128xf32, #tpu.memory_space<vmem>>, vector<16xf32>,
        tpu.vector_store %arg9[%parallel_loop3A_178, %parallel_loop3A_179], %parallel_loop3A_177 {strides = array<i32>} : memref<128x128xf32, #tpu.memory_space<vmem>>, vector<16xf32>,
        %parallel_loop3A_181 = arith.constant 32 : i32
        %parallel_loop3A_182 = arith.addi %parallel_loop3A_166, %parallel_loop3A_181 : i32
        %parallel_loop3A_183 = arith.index_cast %parallel_loop3A_182 : i32 to index
        %parallel_loop3A_184 = tpu.vector_load %arg5[%parallel_loop3A_183] {strides = array<i32>} : memref<64000xf32, #tpu.memory_space<vmem>>, vector<16xf32>,
        %parallel_loop3A_185 = arith.index_cast %parallel_loop3A_164 : i32 to index
        %parallel_loop3A_186 = arith.constant 32 : index
        %parallel_loop3A_187 = tpu.vector_load %arg9[%parallel_loop3A_185, %parallel_loop3A_186] {strides = array<i32>} : memref<128x128xf32, #tpu.memory_space<vmem>>, vector<16xf32>,
        tpu.vector_store %arg9[%parallel_loop3A_185, %parallel_loop3A_186], %parallel_loop3A_184 {strides = array<i32>} : memref<128x128xf32, #tpu.memory_space<vmem>>, vector<16xf32>,
        %parallel_loop3A_188 = arith.constant 48 : i32
        %parallel_loop3A_189 = arith.addi %parallel_loop3A_166, %parallel_loop3A_188 : i32
        %parallel_loop3A_190 = arith.index_cast %parallel_loop3A_189 : i32 to index
        %parallel_loop3A_191 = tpu.vector_load %arg5[%parallel_loop3A_190] {strides = array<i32>} : memref<64000xf32, #tpu.memory_space<vmem>>, vector<16xf32>,
        %parallel_loop3A_192 = arith.index_cast %parallel_loop3A_164 : i32 to index
        %parallel_loop3A_193 = arith.constant 48 : index
        %parallel_loop3A_194 = tpu.vector_load %arg9[%parallel_loop3A_192, %parallel_loop3A_193] {strides = array<i32>} : memref<128x128xf32, #tpu.memory_space<vmem>>, vector<16xf32>,
        tpu.vector_store %arg9[%parallel_loop3A_192, %parallel_loop3A_193], %parallel_loop3A_191 {strides = array<i32>} : memref<128x128xf32, #tpu.memory_space<vmem>>, vector<16xf32>,
        %parallel_loop3A_195 = arith.index_cast %parallel_loop3A_164 : i32 to index
        %parallel_loop3A_196 = arith.constant 1 : index
        %parallel_loop3A_197 = tpu.vector_load %arg7[%parallel_loop3A_195, %parallel_loop3A_196] {strides = array<i32>} : memref<128x65xf32, #tpu.memory_space<vmem>>, vector<16xf32>,
        %parallel_loop3A_198 = arith.index_cast %parallel_loop3A_164 : i32 to index
        %parallel_loop3A_199 = arith.constant 64 : index
        %parallel_loop3A_200 = tpu.vector_load %arg9[%parallel_loop3A_198, %parallel_loop3A_199] {strides = array<i32>} : memref<128x128xf32, #tpu.memory_space<vmem>>, vector<16xf32>,
        tpu.vector_store %arg9[%parallel_loop3A_198, %parallel_loop3A_199], %parallel_loop3A_197 {strides = array<i32>} : memref<128x128xf32, #tpu.memory_space<vmem>>, vector<16xf32>,
        %parallel_loop3A_201 = arith.index_cast %parallel_loop3A_164 : i32 to index
        %parallel_loop3A_202 = arith.constant 17 : index
        %parallel_loop3A_203 = tpu.vector_load %arg7[%parallel_loop3A_201, %parallel_loop3A_202] {strides = array<i32>} : memref<128x65xf32, #tpu.memory_space<vmem>>, vector<16xf32>,
        %parallel_loop3A_204 = arith.index_cast %parallel_loop3A_164 : i32 to index
        %parallel_loop3A_205 = arith.constant 80 : index
        %parallel_loop3A_206 = tpu.vector_load %arg9[%parallel_loop3A_204, %parallel_loop3A_205] {strides = array<i32>} : memref<128x128xf32, #tpu.memory_space<vmem>>, vector<16xf32>,
        tpu.vector_store %arg9[%parallel_loop3A_204, %parallel_loop3A_205], %parallel_loop3A_203 {strides = array<i32>} : memref<128x128xf32, #tpu.memory_space<vmem>>, vector<16xf32>,
        %parallel_loop3A_207 = arith.index_cast %parallel_loop3A_164 : i32 to index
        %parallel_loop3A_208 = arith.constant 33 : index
        %parallel_loop3A_209 = tpu.vector_load %arg7[%parallel_loop3A_207, %parallel_loop3A_208] {strides = array<i32>} : memref<128x65xf32, #tpu.memory_space<vmem>>, vector<16xf32>,
        %parallel_loop3A_210 = arith.index_cast %parallel_loop3A_164 : i32 to index
        %parallel_loop3A_211 = arith.constant 96 : index
        %parallel_loop3A_212 = tpu.vector_load %arg9[%parallel_loop3A_210, %parallel_loop3A_211] {strides = array<i32>} : memref<128x128xf32, #tpu.memory_space<vmem>>, vector<16xf32>,
        tpu.vector_store %arg9[%parallel_loop3A_210, %parallel_loop3A_211], %parallel_loop3A_209 {strides = array<i32>} : memref<128x128xf32, #tpu.memory_space<vmem>>, vector<16xf32>,
        %parallel_loop3A_213 = arith.index_cast %parallel_loop3A_164 : i32 to index
        %parallel_loop3A_214 = arith.constant 49 : index
        %parallel_loop3A_215 = tpu.vector_load %arg7[%parallel_loop3A_213, %parallel_loop3A_214] {strides = array<i32>} : memref<128x65xf32, #tpu.memory_space<vmem>>, vector<16xf32>,
        %parallel_loop3A_216 = arith.index_cast %parallel_loop3A_164 : i32 to index
        %parallel_loop3A_217 = arith.constant 112 : index
        %parallel_loop3A_218 = tpu.vector_load %arg9[%parallel_loop3A_216, %parallel_loop3A_217] {strides = array<i32>} : memref<128x128xf32, #tpu.memory_space<vmem>>, vector<16xf32>,
        tpu.vector_store %arg9[%parallel_loop3A_216, %parallel_loop3A_217], %parallel_loop3A_215 {strides = array<i32>} : memref<128x128xf32, #tpu.memory_space<vmem>>, vector<16xf32>,
        %parallel_loop3A_219 = arith.constant 16 : i32
        %parallel_loop3A_220 = arith.muli %parallel_loop3A_98, %parallel_loop3A_219 : i32
        %parallel_loop3A_221 = arith.constant 2 : i32
        %parallel_loop3A_222 = arith.addi %parallel_loop3A_220, %parallel_loop3A_221 : i32
        %parallel_loop3A_223 = vector.extract_strided_slice %parallel_loop3A_102 {offsets = [2], sizes = [1], strides = [1]} : vector<16xi32> to vector<1xi32>
        %parallel_loop3A_224 = vector.extract %parallel_loop3A_223[0] : i32 from vector<1xi32>
        %parallel_loop3A_225 = arith.constant 0 : i32
        %parallel_loop3A_226 = arith.addi %parallel_loop3A_224, %parallel_loop3A_225 : i32
        %parallel_loop3A_227 = arith.index_cast %parallel_loop3A_226 : i32 to index
        %parallel_loop3A_228 = tpu.vector_load %arg5[%parallel_loop3A_227] {strides = array<i32>} : memref<64000xf32, #tpu.memory_space<vmem>>, vector<16xf32>,
        %parallel_loop3A_229 = arith.index_cast %parallel_loop3A_222 : i32 to index
        %parallel_loop3A_230 = arith.constant 0 : index
        %parallel_loop3A_231 = tpu.vector_load %arg9[%parallel_loop3A_229, %parallel_loop3A_230] {strides = array<i32>} : memref<128x128xf32, #tpu.memory_space<vmem>>, vector<16xf32>,
        tpu.vector_store %arg9[%parallel_loop3A_229, %parallel_loop3A_230], %parallel_loop3A_228 {strides = array<i32>} : memref<128x128xf32, #tpu.memory_space<vmem>>, vector<16xf32>,
        %parallel_loop3A_232 = arith.constant 16 : i32
        %parallel_loop3A_233 = arith.addi %parallel_loop3A_224, %parallel_loop3A_232 : i32
        %parallel_loop3A_234 = arith.index_cast %parallel_loop3A_233 : i32 to index
        %parallel_loop3A_235 = tpu.vector_load %arg5[%parallel_loop3A_234] {strides = array<i32>} : memref<64000xf32, #tpu.memory_space<vmem>>, vector<16xf32>,
        %parallel_loop3A_236 = arith.index_cast %parallel_loop3A_222 : i32 to index
        %parallel_loop3A_237 = arith.constant 16 : index
        %parallel_loop3A_238 = tpu.vector_load %arg9[%parallel_loop3A_236, %parallel_loop3A_237] {strides = array<i32>} : memref<128x128xf32, #tpu.memory_space<vmem>>, vector<16xf32>,
        tpu.vector_store %arg9[%parallel_loop3A_236, %parallel_loop3A_237], %parallel_loop3A_235 {strides = array<i32>} : memref<128x128xf32, #tpu.memory_space<vmem>>, vector<16xf32>,
        %parallel_loop3A_239 = arith.constant 32 : i32
        %parallel_loop3A_240 = arith.addi %parallel_loop3A_224, %parallel_loop3A_239 : i32
        %parallel_loop3A_241 = arith.index_cast %parallel_loop3A_240 : i32 to index
        %parallel_loop3A_242 = tpu.vector_load %arg5[%parallel_loop3A_241] {strides = array<i32>} : memref<64000xf32, #tpu.memory_space<vmem>>, vector<16xf32>,
        %parallel_loop3A_243 = arith.index_cast %parallel_loop3A_222 : i32 to index
        %parallel_loop3A_244 = arith.constant 32 : index
        %parallel_loop3A_245 = tpu.vector_load %arg9[%parallel_loop3A_243, %parallel_loop3A_244] {strides = array<i32>} : memref<128x128xf32, #tpu.memory_space<vmem>>, vector<16xf32>,
        tpu.vector_store %arg9[%parallel_loop3A_243, %parallel_loop3A_244], %parallel_loop3A_242 {strides = array<i32>} : memref<128x128xf32, #tpu.memory_space<vmem>>, vector<16xf32>,
        %parallel_loop3A_246 = arith.constant 48 : i32
        %parallel_loop3A_247 = arith.addi %parallel_loop3A_224, %parallel_loop3A_246 : i32
        %parallel_loop3A_248 = arith.index_cast %parallel_loop3A_247 : i32 to index
        %parallel_loop3A_249 = tpu.vector_load %arg5[%parallel_loop3A_248] {strides = array<i32>} : memref<64000xf32, #tpu.memory_space<vmem>>, vector<16xf32>,
        %parallel_loop3A_250 = arith.index_cast %parallel_loop3A_222 : i32 to index
        %parallel_loop3A_251 = arith.constant 48 : index
        %parallel_loop3A_252 = tpu.vector_load %arg9[%parallel_loop3A_250, %parallel_loop3A_251] {strides = array<i32>} : memref<128x128xf32, #tpu.memory_space<vmem>>, vector<16xf32>,
        tpu.vector_store %arg9[%parallel_loop3A_250, %parallel_loop3A_251], %parallel_loop3A_249 {strides = array<i32>} : memref<128x128xf32, #tpu.memory_space<vmem>>, vector<16xf32>,
        %parallel_loop3A_253 = arith.index_cast %parallel_loop3A_222 : i32 to index
        %parallel_loop3A_254 = arith.constant 1 : index
        %parallel_loop3A_255 = tpu.vector_load %arg7[%parallel_loop3A_253, %parallel_loop3A_254] {strides = array<i32>} : memref<128x65xf32, #tpu.memory_space<vmem>>, vector<16xf32>,
        %parallel_loop3A_256 = arith.index_cast %parallel_loop3A_222 : i32 to index
        %parallel_loop3A_257 = arith.constant 64 : index
        %parallel_loop3A_258 = tpu.vector_load %arg9[%parallel_loop3A_256, %parallel_loop3A_257] {strides = array<i32>} : memref<128x128xf32, #tpu.memory_space<vmem>>, vector<16xf32>,
        tpu.vector_store %arg9[%parallel_loop3A_256, %parallel_loop3A_257], %parallel_loop3A_255 {strides = array<i32>} : memref<128x128xf32, #tpu.memory_space<vmem>>, vector<16xf32>,
        %parallel_loop3A_259 = arith.index_cast %parallel_loop3A_222 : i32 to index
        %parallel_loop3A_260 = arith.constant 17 : index
        %parallel_loop3A_261 = tpu.vector_load %arg7[%parallel_loop3A_259, %parallel_loop3A_260] {strides = array<i32>} : memref<128x65xf32, #tpu.memory_space<vmem>>, vector<16xf32>,
        %parallel_loop3A_262 = arith.index_cast %parallel_loop3A_222 : i32 to index
        %parallel_loop3A_263 = arith.constant 80 : index
        %parallel_loop3A_264 = tpu.vector_load %arg9[%parallel_loop3A_262, %parallel_loop3A_263] {strides = array<i32>} : memref<128x128xf32, #tpu.memory_space<vmem>>, vector<16xf32>,
        tpu.vector_store %arg9[%parallel_loop3A_262, %parallel_loop3A_263], %parallel_loop3A_261 {strides = array<i32>} : memref<128x128xf32, #tpu.memory_space<vmem>>, vector<16xf32>,
        %parallel_loop3A_265 = arith.index_cast %parallel_loop3A_222 : i32 to index
        %parallel_loop3A_266 = arith.constant 33 : index
        %parallel_loop3A_267 = tpu.vector_load %arg7[%parallel_loop3A_265, %parallel_loop3A_266] {strides = array<i32>} : memref<128x65xf32, #tpu.memory_space<vmem>>, vector<16xf32>,
        %parallel_loop3A_268 = arith.index_cast %parallel_loop3A_222 : i32 to index
        %parallel_loop3A_269 = arith.constant 96 : index
        %parallel_loop3A_270 = tpu.vector_load %arg9[%parallel_loop3A_268, %parallel_loop3A_269] {strides = array<i32>} : memref<128x128xf32, #tpu.memory_space<vmem>>, vector<16xf32>,
        tpu.vector_store %arg9[%parallel_loop3A_268, %parallel_loop3A_269], %parallel_loop3A_267 {strides = array<i32>} : memref<128x128xf32, #tpu.memory_space<vmem>>, vector<16xf32>,
        %parallel_loop3A_271 = arith.index_cast %parallel_loop3A_222 : i32 to index
        %parallel_loop3A_272 = arith.constant 49 : index
        %parallel_loop3A_273 = tpu.vector_load %arg7[%parallel_loop3A_271, %parallel_loop3A_272] {strides = array<i32>} : memref<128x65xf32, #tpu.memory_space<vmem>>, vector<16xf32>,
        %parallel_loop3A_274 = arith.index_cast %parallel_loop3A_222 : i32 to index
        %parallel_loop3A_275 = arith.constant 112 : index
        %parallel_loop3A_276 = tpu.vector_load %arg9[%parallel_loop3A_274, %parallel_loop3A_275] {strides = array<i32>} : memref<128x128xf32, #tpu.memory_space<vmem>>, vector<16xf32>,
        tpu.vector_store %arg9[%parallel_loop3A_274, %parallel_loop3A_275], %parallel_loop3A_273 {strides = array<i32>} : memref<128x128xf32, #tpu.memory_space<vmem>>, vector<16xf32>,
        %parallel_loop3A_277 = arith.constant 16 : i32
        %parallel_loop3A_278 = arith.muli %parallel_loop3A_98, %parallel_loop3A_277 : i32
        %parallel_loop3A_279 = arith.constant 3 : i32
        %parallel_loop3A_280 = arith.addi %parallel_loop3A_278, %parallel_loop3A_279 : i32
        %parallel_loop3A_281 = vector.extract_strided_slice %parallel_loop3A_102 {offsets = [3], sizes = [1], strides = [1]} : vector<16xi32> to vector<1xi32>
        %parallel_loop3A_282 = vector.extract %parallel_loop3A_281[0] : i32 from vector<1xi32>
        %parallel_loop3A_283 = arith.constant 0 : i32
        %parallel_loop3A_284 = arith.addi %parallel_loop3A_282, %parallel_loop3A_283 : i32
        %parallel_loop3A_285 = arith.index_cast %parallel_loop3A_284 : i32 to index
        %parallel_loop3A_286 = tpu.vector_load %arg5[%parallel_loop3A_285] {strides = array<i32>} : memref<64000xf32, #tpu.memory_space<vmem>>, vector<16xf32>,
        %parallel_loop3A_287 = arith.index_cast %parallel_loop3A_280 : i32 to index
        %parallel_loop3A_288 = arith.constant 0 : index
        %parallel_loop3A_289 = tpu.vector_load %arg9[%parallel_loop3A_287, %parallel_loop3A_288] {strides = array<i32>} : memref<128x128xf32, #tpu.memory_space<vmem>>, vector<16xf32>,
        tpu.vector_store %arg9[%parallel_loop3A_287, %parallel_loop3A_288], %parallel_loop3A_286 {strides = array<i32>} : memref<128x128xf32, #tpu.memory_space<vmem>>, vector<16xf32>,
        %parallel_loop3A_290 = arith.constant 16 : i32
        %parallel_loop3A_291 = arith.addi %parallel_loop3A_282, %parallel_loop3A_290 : i32
        %parallel_loop3A_292 = arith.index_cast %parallel_loop3A_291 : i32 to index
        %parallel_loop3A_293 = tpu.vector_load %arg5[%parallel_loop3A_292] {strides = array<i32>} : memref<64000xf32, #tpu.memory_space<vmem>>, vector<16xf32>,
        %parallel_loop3A_294 = arith.index_cast %parallel_loop3A_280 : i32 to index
        %parallel_loop3A_295 = arith.constant 16 : index
        %parallel_loop3A_296 = tpu.vector_load %arg9[%parallel_loop3A_294, %parallel_loop3A_295] {strides = array<i32>} : memref<128x128xf32, #tpu.memory_space<vmem>>, vector<16xf32>,
        tpu.vector_store %arg9[%parallel_loop3A_294, %parallel_loop3A_295], %parallel_loop3A_293 {strides = array<i32>} : memref<128x128xf32, #tpu.memory_space<vmem>>, vector<16xf32>,
        %parallel_loop3A_297 = arith.constant 32 : i32
        %parallel_loop3A_298 = arith.addi %parallel_loop3A_282, %parallel_loop3A_297 : i32
        %parallel_loop3A_299 = arith.index_cast %parallel_loop3A_298 : i32 to index
        %parallel_loop3A_300 = tpu.vector_load %arg5[%parallel_loop3A_299] {strides = array<i32>} : memref<64000xf32, #tpu.memory_space<vmem>>, vector<16xf32>,
        %parallel_loop3A_301 = arith.index_cast %parallel_loop3A_280 : i32 to index
        %parallel_loop3A_302 = arith.constant 32 : index
        %parallel_loop3A_303 = tpu.vector_load %arg9[%parallel_loop3A_301, %parallel_loop3A_302] {strides = array<i32>} : memref<128x128xf32, #tpu.memory_space<vmem>>, vector<16xf32>,
        tpu.vector_store %arg9[%parallel_loop3A_301, %parallel_loop3A_302], %parallel_loop3A_300 {strides = array<i32>} : memref<128x128xf32, #tpu.memory_space<vmem>>, vector<16xf32>,
        %parallel_loop3A_304 = arith.constant 48 : i32
        %parallel_loop3A_305 = arith.addi %parallel_loop3A_282, %parallel_loop3A_304 : i32
        %parallel_loop3A_306 = arith.index_cast %parallel_loop3A_305 : i32 to index
        %parallel_loop3A_307 = tpu.vector_load %arg5[%parallel_loop3A_306] {strides = array<i32>} : memref<64000xf32, #tpu.memory_space<vmem>>, vector<16xf32>,
        %parallel_loop3A_308 = arith.index_cast %parallel_loop3A_280 : i32 to index
        %parallel_loop3A_309 = arith.constant 48 : index
        %parallel_loop3A_310 = tpu.vector_load %arg9[%parallel_loop3A_308, %parallel_loop3A_309] {strides = array<i32>} : memref<128x128xf32, #tpu.memory_space<vmem>>, vector<16xf32>,
        tpu.vector_store %arg9[%parallel_loop3A_308, %parallel_loop3A_309], %parallel_loop3A_307 {strides = array<i32>} : memref<128x128xf32, #tpu.memory_space<vmem>>, vector<16xf32>,
        %parallel_loop3A_311 = arith.index_cast %parallel_loop3A_280 : i32 to index
        %parallel_loop3A_312 = arith.constant 1 : index
        %parallel_loop3A_313 = tpu.vector_load %arg7[%parallel_loop3A_311, %parallel_loop3A_312] {strides = array<i32>} : memref<128x65xf32, #tpu.memory_space<vmem>>, vector<16xf32>,
        %parallel_loop3A_314 = arith.index_cast %parallel_loop3A_280 : i32 to index
        %parallel_loop3A_315 = arith.constant 64 : index
        %parallel_loop3A_316 = tpu.vector_load %arg9[%parallel_loop3A_314, %parallel_loop3A_315] {strides = array<i32>} : memref<128x128xf32, #tpu.memory_space<vmem>>, vector<16xf32>,
        tpu.vector_store %arg9[%parallel_loop3A_314, %parallel_loop3A_315], %parallel_loop3A_313 {strides = array<i32>} : memref<128x128xf32, #tpu.memory_space<vmem>>, vector<16xf32>,
        %parallel_loop3A_317 = arith.index_cast %parallel_loop3A_280 : i32 to index
        %parallel_loop3A_318 = arith.constant 17 : index
        %parallel_loop3A_319 = tpu.vector_load %arg7[%parallel_loop3A_317, %parallel_loop3A_318] {strides = array<i32>} : memref<128x65xf32, #tpu.memory_space<vmem>>, vector<16xf32>,
        %parallel_loop3A_320 = arith.index_cast %parallel_loop3A_280 : i32 to index
        %parallel_loop3A_321 = arith.constant 80 : index
        %parallel_loop3A_322 = tpu.vector_load %arg9[%parallel_loop3A_320, %parallel_loop3A_321] {strides = array<i32>} : memref<128x128xf32, #tpu.memory_space<vmem>>, vector<16xf32>,
        tpu.vector_store %arg9[%parallel_loop3A_320, %parallel_loop3A_321], %parallel_loop3A_319 {strides = array<i32>} : memref<128x128xf32, #tpu.memory_space<vmem>>, vector<16xf32>,
        %parallel_loop3A_323 = arith.index_cast %parallel_loop3A_280 : i32 to index
        %parallel_loop3A_324 = arith.constant 33 : index
        %parallel_loop3A_325 = tpu.vector_load %arg7[%parallel_loop3A_323, %parallel_loop3A_324] {strides = array<i32>} : memref<128x65xf32, #tpu.memory_space<vmem>>, vector<16xf32>,
        %parallel_loop3A_326 = arith.index_cast %parallel_loop3A_280 : i32 to index
        %parallel_loop3A_327 = arith.constant 96 : index
        %parallel_loop3A_328 = tpu.vector_load %arg9[%parallel_loop3A_326, %parallel_loop3A_327] {strides = array<i32>} : memref<128x128xf32, #tpu.memory_space<vmem>>, vector<16xf32>,
        tpu.vector_store %arg9[%parallel_loop3A_326, %parallel_loop3A_327], %parallel_loop3A_325 {strides = array<i32>} : memref<128x128xf32, #tpu.memory_space<vmem>>, vector<16xf32>,
        %parallel_loop3A_329 = arith.index_cast %parallel_loop3A_280 : i32 to index
        %parallel_loop3A_330 = arith.constant 49 : index
        %parallel_loop3A_331 = tpu.vector_load %arg7[%parallel_loop3A_329, %parallel_loop3A_330] {strides = array<i32>} : memref<128x65xf32, #tpu.memory_space<vmem>>, vector<16xf32>,
        %parallel_loop3A_332 = arith.index_cast %parallel_loop3A_280 : i32 to index
        %parallel_loop3A_333 = arith.constant 112 : index
        %parallel_loop3A_334 = tpu.vector_load %arg9[%parallel_loop3A_332, %parallel_loop3A_333] {strides = array<i32>} : memref<128x128xf32, #tpu.memory_space<vmem>>, vector<16xf32>,
        tpu.vector_store %arg9[%parallel_loop3A_332, %parallel_loop3A_333], %parallel_loop3A_331 {strides = array<i32>} : memref<128x128xf32, #tpu.memory_space<vmem>>, vector<16xf32>,
        %parallel_loop3A_335 = arith.constant 16 : i32
        %parallel_loop3A_336 = arith.muli %parallel_loop3A_98, %parallel_loop3A_335 : i32
        %parallel_loop3A_337 = arith.constant 4 : i32
        %parallel_loop3A_338 = arith.addi %parallel_loop3A_336, %parallel_loop3A_337 : i32
        %parallel_loop3A_339 = vector.extract_strided_slice %parallel_loop3A_102 {offsets = [4], sizes = [1], strides = [1]} : vector<16xi32> to vector<1xi32>
        %parallel_loop3A_340 = vector.extract %parallel_loop3A_339[0] : i32 from vector<1xi32>
        %parallel_loop3A_341 = arith.constant 0 : i32
        %parallel_loop3A_342 = arith.addi %parallel_loop3A_340, %parallel_loop3A_341 : i32
        %parallel_loop3A_343 = arith.index_cast %parallel_loop3A_342 : i32 to index
        %parallel_loop3A_344 = tpu.vector_load %arg5[%parallel_loop3A_343] {strides = array<i32>} : memref<64000xf32, #tpu.memory_space<vmem>>, vector<16xf32>,
        %parallel_loop3A_345 = arith.index_cast %parallel_loop3A_338 : i32 to index
        %parallel_loop3A_346 = arith.constant 0 : index
        %parallel_loop3A_347 = tpu.vector_load %arg9[%parallel_loop3A_345, %parallel_loop3A_346] {strides = array<i32>} : memref<128x128xf32, #tpu.memory_space<vmem>>, vector<16xf32>,
        tpu.vector_store %arg9[%parallel_loop3A_345, %parallel_loop3A_346], %parallel_loop3A_344 {strides = array<i32>} : memref<128x128xf32, #tpu.memory_space<vmem>>, vector<16xf32>,
        %parallel_loop3A_348 = arith.constant 16 : i32
        %parallel_loop3A_349 = arith.addi %parallel_loop3A_340, %parallel_loop3A_348 : i32
        %parallel_loop3A_350 = arith.index_cast %parallel_loop3A_349 : i32 to index
        %parallel_loop3A_351 = tpu.vector_load %arg5[%parallel_loop3A_350] {strides = array<i32>} : memref<64000xf32, #tpu.memory_space<vmem>>, vector<16xf32>,
        %parallel_loop3A_352 = arith.index_cast %parallel_loop3A_338 : i32 to index
        %parallel_loop3A_353 = arith.constant 16 : index
        %parallel_loop3A_354 = tpu.vector_load %arg9[%parallel_loop3A_352, %parallel_loop3A_353] {strides = array<i32>} : memref<128x128xf32, #tpu.memory_space<vmem>>, vector<16xf32>,
        tpu.vector_store %arg9[%parallel_loop3A_352, %parallel_loop3A_353], %parallel_loop3A_351 {strides = array<i32>} : memref<128x128xf32, #tpu.memory_space<vmem>>, vector<16xf32>,
        %parallel_loop3A_355 = arith.constant 32 : i32
        %parallel_loop3A_356 = arith.addi %parallel_loop3A_340, %parallel_loop3A_355 : i32
        %parallel_loop3A_357 = arith.index_cast %parallel_loop3A_356 : i32 to index
        %parallel_loop3A_358 = tpu.vector_load %arg5[%parallel_loop3A_357] {strides = array<i32>} : memref<64000xf32, #tpu.memory_space<vmem>>, vector<16xf32>,
        %parallel_loop3A_359 = arith.index_cast %parallel_loop3A_338 : i32 to index
        %parallel_loop3A_360 = arith.constant 32 : index
        %parallel_loop3A_361 = tpu.vector_load %arg9[%parallel_loop3A_359, %parallel_loop3A_360] {strides = array<i32>} : memref<128x128xf32, #tpu.memory_space<vmem>>, vector<16xf32>,
        tpu.vector_store %arg9[%parallel_loop3A_359, %parallel_loop3A_360], %parallel_loop3A_358 {strides = array<i32>} : memref<128x128xf32, #tpu.memory_space<vmem>>, vector<16xf32>,
        %parallel_loop3A_362 = arith.constant 48 : i32
        %parallel_loop3A_363 = arith.addi %parallel_loop3A_340, %parallel_loop3A_362 : i32
        %parallel_loop3A_364 = arith.index_cast %parallel_loop3A_363 : i32 to index
        %parallel_loop3A_365 = tpu.vector_load %arg5[%parallel_loop3A_364] {strides = array<i32>} : memref<64000xf32, #tpu.memory_space<vmem>>, vector<16xf32>,
        %parallel_loop3A_366 = arith.index_cast %parallel_loop3A_338 : i32 to index
        %parallel_loop3A_367 = arith.constant 48 : index
        %parallel_loop3A_368 = tpu.vector_load %arg9[%parallel_loop3A_366, %parallel_loop3A_367] {strides = array<i32>} : memref<128x128xf32, #tpu.memory_space<vmem>>, vector<16xf32>,
        tpu.vector_store %arg9[%parallel_loop3A_366, %parallel_loop3A_367], %parallel_loop3A_365 {strides = array<i32>} : memref<128x128xf32, #tpu.memory_space<vmem>>, vector<16xf32>,
        %parallel_loop3A_369 = arith.index_cast %parallel_loop3A_338 : i32 to index
        %parallel_loop3A_370 = arith.constant 1 : index
        %parallel_loop3A_371 = tpu.vector_load %arg7[%parallel_loop3A_369, %parallel_loop3A_370] {strides = array<i32>} : memref<128x65xf32, #tpu.memory_space<vmem>>, vector<16xf32>,
        %parallel_loop3A_372 = arith.index_cast %parallel_loop3A_338 : i32 to index
        %parallel_loop3A_373 = arith.constant 64 : index
        %parallel_loop3A_374 = tpu.vector_load %arg9[%parallel_loop3A_372, %parallel_loop3A_373] {strides = array<i32>} : memref<128x128xf32, #tpu.memory_space<vmem>>, vector<16xf32>,
        tpu.vector_store %arg9[%parallel_loop3A_372, %parallel_loop3A_373], %parallel_loop3A_371 {strides = array<i32>} : memref<128x128xf32, #tpu.memory_space<vmem>>, vector<16xf32>,
        %parallel_loop3A_375 = arith.index_cast %parallel_loop3A_338 : i32 to index
        %parallel_loop3A_376 = arith.constant 17 : index
        %parallel_loop3A_377 = tpu.vector_load %arg7[%parallel_loop3A_375, %parallel_loop3A_376] {strides = array<i32>} : memref<128x65xf32, #tpu.memory_space<vmem>>, vector<16xf32>,
        %parallel_loop3A_378 = arith.index_cast %parallel_loop3A_338 : i32 to index
        %parallel_loop3A_379 = arith.constant 80 : index
        %parallel_loop3A_380 = tpu.vector_load %arg9[%parallel_loop3A_378, %parallel_loop3A_379] {strides = array<i32>} : memref<128x128xf32, #tpu.memory_space<vmem>>, vector<16xf32>,
        tpu.vector_store %arg9[%parallel_loop3A_378, %parallel_loop3A_379], %parallel_loop3A_377 {strides = array<i32>} : memref<128x128xf32, #tpu.memory_space<vmem>>, vector<16xf32>,
        %parallel_loop3A_381 = arith.index_cast %parallel_loop3A_338 : i32 to index
        %parallel_loop3A_382 = arith.constant 33 : index
        %parallel_loop3A_383 = tpu.vector_load %arg7[%parallel_loop3A_381, %parallel_loop3A_382] {strides = array<i32>} : memref<128x65xf32, #tpu.memory_space<vmem>>, vector<16xf32>,
        %parallel_loop3A_384 = arith.index_cast %parallel_loop3A_338 : i32 to index
        %parallel_loop3A_385 = arith.constant 96 : index
        %parallel_loop3A_386 = tpu.vector_load %arg9[%parallel_loop3A_384, %parallel_loop3A_385] {strides = array<i32>} : memref<128x128xf32, #tpu.memory_space<vmem>>, vector<16xf32>,
        tpu.vector_store %arg9[%parallel_loop3A_384, %parallel_loop3A_385], %parallel_loop3A_383 {strides = array<i32>} : memref<128x128xf32, #tpu.memory_space<vmem>>, vector<16xf32>,
        %parallel_loop3A_387 = arith.index_cast %parallel_loop3A_338 : i32 to index
        %parallel_loop3A_388 = arith.constant 49 : index
        %parallel_loop3A_389 = tpu.vector_load %arg7[%parallel_loop3A_387, %parallel_loop3A_388] {strides = array<i32>} : memref<128x65xf32, #tpu.memory_space<vmem>>, vector<16xf32>,
        %parallel_loop3A_390 = arith.index_cast %parallel_loop3A_338 : i32 to index
        %parallel_loop3A_391 = arith.constant 112 : index
        %parallel_loop3A_392 = tpu.vector_load %arg9[%parallel_loop3A_390, %parallel_loop3A_391] {strides = array<i32>} : memref<128x128xf32, #tpu.memory_space<vmem>>, vector<16xf32>,
        tpu.vector_store %arg9[%parallel_loop3A_390, %parallel_loop3A_391], %parallel_loop3A_389 {strides = array<i32>} : memref<128x128xf32, #tpu.memory_space<vmem>>, vector<16xf32>,
        %parallel_loop3A_393 = arith.constant 16 : i32
        %parallel_loop3A_394 = arith.muli %parallel_loop3A_98, %parallel_loop3A_393 : i32
        %parallel_loop3A_395 = arith.constant 5 : i32
        %parallel_loop3A_396 = arith.addi %parallel_loop3A_394, %parallel_loop3A_395 : i32
        %parallel_loop3A_397 = vector.extract_strided_slice %parallel_loop3A_102 {offsets = [5], sizes = [1], strides = [1]} : vector<16xi32> to vector<1xi32>
        %parallel_loop3A_398 = vector.extract %parallel_loop3A_397[0] : i32 from vector<1xi32>
        %parallel_loop3A_399 = arith.constant 0 : i32
        %parallel_loop3A_400 = arith.addi %parallel_loop3A_398, %parallel_loop3A_399 : i32
        %parallel_loop3A_401 = arith.index_cast %parallel_loop3A_400 : i32 to index
        %parallel_loop3A_402 = tpu.vector_load %arg5[%parallel_loop3A_401] {strides = array<i32>} : memref<64000xf32, #tpu.memory_space<vmem>>, vector<16xf32>,
        %parallel_loop3A_403 = arith.index_cast %parallel_loop3A_396 : i32 to index
        %parallel_loop3A_404 = arith.constant 0 : index
        %parallel_loop3A_405 = tpu.vector_load %arg9[%parallel_loop3A_403, %parallel_loop3A_404] {strides = array<i32>} : memref<128x128xf32, #tpu.memory_space<vmem>>, vector<16xf32>,
        tpu.vector_store %arg9[%parallel_loop3A_403, %parallel_loop3A_404], %parallel_loop3A_402 {strides = array<i32>} : memref<128x128xf32, #tpu.memory_space<vmem>>, vector<16xf32>,
        %parallel_loop3A_406 = arith.constant 16 : i32
        %parallel_loop3A_407 = arith.addi %parallel_loop3A_398, %parallel_loop3A_406 : i32
        %parallel_loop3A_408 = arith.index_cast %parallel_loop3A_407 : i32 to index
        %parallel_loop3A_409 = tpu.vector_load %arg5[%parallel_loop3A_408] {strides = array<i32>} : memref<64000xf32, #tpu.memory_space<vmem>>, vector<16xf32>,
        %parallel_loop3A_410 = arith.index_cast %parallel_loop3A_396 : i32 to index
        %parallel_loop3A_411 = arith.constant 16 : index
        %parallel_loop3A_412 = tpu.vector_load %arg9[%parallel_loop3A_410, %parallel_loop3A_411] {strides = array<i32>} : memref<128x128xf32, #tpu.memory_space<vmem>>, vector<16xf32>,
        tpu.vector_store %arg9[%parallel_loop3A_410, %parallel_loop3A_411], %parallel_loop3A_409 {strides = array<i32>} : memref<128x128xf32, #tpu.memory_space<vmem>>, vector<16xf32>,
        %parallel_loop3A_413 = arith.constant 32 : i32
        %parallel_loop3A_414 = arith.addi %parallel_loop3A_398, %parallel_loop3A_413 : i32
        %parallel_loop3A_415 = arith.index_cast %parallel_loop3A_414 : i32 to index
        %parallel_loop3A_416 = tpu.vector_load %arg5[%parallel_loop3A_415] {strides = array<i32>} : memref<64000xf32, #tpu.memory_space<vmem>>, vector<16xf32>,
        %parallel_loop3A_417 = arith.index_cast %parallel_loop3A_396 : i32 to index
        %parallel_loop3A_418 = arith.constant 32 : index
        %parallel_loop3A_419 = tpu.vector_load %arg9[%parallel_loop3A_417, %parallel_loop3A_418] {strides = array<i32>} : memref<128x128xf32, #tpu.memory_space<vmem>>, vector<16xf32>,
        tpu.vector_store %arg9[%parallel_loop3A_417, %parallel_loop3A_418], %parallel_loop3A_416 {strides = array<i32>} : memref<128x128xf32, #tpu.memory_space<vmem>>, vector<16xf32>,
        %parallel_loop3A_420 = arith.constant 48 : i32
        %parallel_loop3A_421 = arith.addi %parallel_loop3A_398, %parallel_loop3A_420 : i32
        %parallel_loop3A_422 = arith.index_cast %parallel_loop3A_421 : i32 to index
        %parallel_loop3A_423 = tpu.vector_load %arg5[%parallel_loop3A_422] {strides = array<i32>} : memref<64000xf32, #tpu.memory_space<vmem>>, vector<16xf32>,
        %parallel_loop3A_424 = arith.index_cast %parallel_loop3A_396 : i32 to index
        %parallel_loop3A_425 = arith.constant 48 : index
        %parallel_loop3A_426 = tpu.vector_load %arg9[%parallel_loop3A_424, %parallel_loop3A_425] {strides = array<i32>} : memref<128x128xf32, #tpu.memory_space<vmem>>, vector<16xf32>,
        tpu.vector_store %arg9[%parallel_loop3A_424, %parallel_loop3A_425], %parallel_loop3A_423 {strides = array<i32>} : memref<128x128xf32, #tpu.memory_space<vmem>>, vector<16xf32>,
        %parallel_loop3A_427 = arith.index_cast %parallel_loop3A_396 : i32 to index
        %parallel_loop3A_428 = arith.constant 1 : index
        %parallel_loop3A_429 = tpu.vector_load %arg7[%parallel_loop3A_427, %parallel_loop3A_428] {strides = array<i32>} : memref<128x65xf32, #tpu.memory_space<vmem>>, vector<16xf32>,
        %parallel_loop3A_430 = arith.index_cast %parallel_loop3A_396 : i32 to index
        %parallel_loop3A_431 = arith.constant 64 : index
        %parallel_loop3A_432 = tpu.vector_load %arg9[%parallel_loop3A_430, %parallel_loop3A_431] {strides = array<i32>} : memref<128x128xf32, #tpu.memory_space<vmem>>, vector<16xf32>,
        tpu.vector_store %arg9[%parallel_loop3A_430, %parallel_loop3A_431], %parallel_loop3A_429 {strides = array<i32>} : memref<128x128xf32, #tpu.memory_space<vmem>>, vector<16xf32>,
        %parallel_loop3A_433 = arith.index_cast %parallel_loop3A_396 : i32 to index
        %parallel_loop3A_434 = arith.constant 17 : index
        %parallel_loop3A_435 = tpu.vector_load %arg7[%parallel_loop3A_433, %parallel_loop3A_434] {strides = array<i32>} : memref<128x65xf32, #tpu.memory_space<vmem>>, vector<16xf32>,
        %parallel_loop3A_436 = arith.index_cast %parallel_loop3A_396 : i32 to index
        %parallel_loop3A_437 = arith.constant 80 : index
        %parallel_loop3A_438 = tpu.vector_load %arg9[%parallel_loop3A_436, %parallel_loop3A_437] {strides = array<i32>} : memref<128x128xf32, #tpu.memory_space<vmem>>, vector<16xf32>,
        tpu.vector_store %arg9[%parallel_loop3A_436, %parallel_loop3A_437], %parallel_loop3A_435 {strides = array<i32>} : memref<128x128xf32, #tpu.memory_space<vmem>>, vector<16xf32>,
        %parallel_loop3A_439 = arith.index_cast %parallel_loop3A_396 : i32 to index
        %parallel_loop3A_440 = arith.constant 33 : index
        %parallel_loop3A_441 = tpu.vector_load %arg7[%parallel_loop3A_439, %parallel_loop3A_440] {strides = array<i32>} : memref<128x65xf32, #tpu.memory_space<vmem>>, vector<16xf32>,
        %parallel_loop3A_442 = arith.index_cast %parallel_loop3A_396 : i32 to index
        %parallel_loop3A_443 = arith.constant 96 : index
        %parallel_loop3A_444 = tpu.vector_load %arg9[%parallel_loop3A_442, %parallel_loop3A_443] {strides = array<i32>} : memref<128x128xf32, #tpu.memory_space<vmem>>, vector<16xf32>,
        tpu.vector_store %arg9[%parallel_loop3A_442, %parallel_loop3A_443], %parallel_loop3A_441 {strides = array<i32>} : memref<128x128xf32, #tpu.memory_space<vmem>>, vector<16xf32>,
        %parallel_loop3A_445 = arith.index_cast %parallel_loop3A_396 : i32 to index
        %parallel_loop3A_446 = arith.constant 49 : index
        %parallel_loop3A_447 = tpu.vector_load %arg7[%parallel_loop3A_445, %parallel_loop3A_446] {strides = array<i32>} : memref<128x65xf32, #tpu.memory_space<vmem>>, vector<16xf32>,
        %parallel_loop3A_448 = arith.index_cast %parallel_loop3A_396 : i32 to index
        %parallel_loop3A_449 = arith.constant 112 : index
        %parallel_loop3A_450 = tpu.vector_load %arg9[%parallel_loop3A_448, %parallel_loop3A_449] {strides = array<i32>} : memref<128x128xf32, #tpu.memory_space<vmem>>, vector<16xf32>,
        tpu.vector_store %arg9[%parallel_loop3A_448, %parallel_loop3A_449], %parallel_loop3A_447 {strides = array<i32>} : memref<128x128xf32, #tpu.memory_space<vmem>>, vector<16xf32>,
        %parallel_loop3A_451 = arith.constant 16 : i32
        %parallel_loop3A_452 = arith.muli %parallel_loop3A_98, %parallel_loop3A_451 : i32
        %parallel_loop3A_453 = arith.constant 6 : i32
        %parallel_loop3A_454 = arith.addi %parallel_loop3A_452, %parallel_loop3A_453 : i32
        %parallel_loop3A_455 = vector.extract_strided_slice %parallel_loop3A_102 {offsets = [6], sizes = [1], strides = [1]} : vector<16xi32> to vector<1xi32>
        %parallel_loop3A_456 = vector.extract %parallel_loop3A_455[0] : i32 from vector<1xi32>
        %parallel_loop3A_457 = arith.constant 0 : i32
        %parallel_loop3A_458 = arith.addi %parallel_loop3A_456, %parallel_loop3A_457 : i32
        %parallel_loop3A_459 = arith.index_cast %parallel_loop3A_458 : i32 to index
        %parallel_loop3A_460 = tpu.vector_load %arg5[%parallel_loop3A_459] {strides = array<i32>} : memref<64000xf32, #tpu.memory_space<vmem>>, vector<16xf32>,
        %parallel_loop3A_461 = arith.index_cast %parallel_loop3A_454 : i32 to index
        %parallel_loop3A_462 = arith.constant 0 : index
        %parallel_loop3A_463 = tpu.vector_load %arg9[%parallel_loop3A_461, %parallel_loop3A_462] {strides = array<i32>} : memref<128x128xf32, #tpu.memory_space<vmem>>, vector<16xf32>,
        tpu.vector_store %arg9[%parallel_loop3A_461, %parallel_loop3A_462], %parallel_loop3A_460 {strides = array<i32>} : memref<128x128xf32, #tpu.memory_space<vmem>>, vector<16xf32>,
        %parallel_loop3A_464 = arith.constant 16 : i32
        %parallel_loop3A_465 = arith.addi %parallel_loop3A_456, %parallel_loop3A_464 : i32
        %parallel_loop3A_466 = arith.index_cast %parallel_loop3A_465 : i32 to index
        %parallel_loop3A_467 = tpu.vector_load %arg5[%parallel_loop3A_466] {strides = array<i32>} : memref<64000xf32, #tpu.memory_space<vmem>>, vector<16xf32>,
        %parallel_loop3A_468 = arith.index_cast %parallel_loop3A_454 : i32 to index
        %parallel_loop3A_469 = arith.constant 16 : index
        %parallel_loop3A_470 = tpu.vector_load %arg9[%parallel_loop3A_468, %parallel_loop3A_469] {strides = array<i32>} : memref<128x128xf32, #tpu.memory_space<vmem>>, vector<16xf32>,
        tpu.vector_store %arg9[%parallel_loop3A_468, %parallel_loop3A_469], %parallel_loop3A_467 {strides = array<i32>} : memref<128x128xf32, #tpu.memory_space<vmem>>, vector<16xf32>,
        %parallel_loop3A_471 = arith.constant 32 : i32
        %parallel_loop3A_472 = arith.addi %parallel_loop3A_456, %parallel_loop3A_471 : i32
        %parallel_loop3A_473 = arith.index_cast %parallel_loop3A_472 : i32 to index
        %parallel_loop3A_474 = tpu.vector_load %arg5[%parallel_loop3A_473] {strides = array<i32>} : memref<64000xf32, #tpu.memory_space<vmem>>, vector<16xf32>,
        %parallel_loop3A_475 = arith.index_cast %parallel_loop3A_454 : i32 to index
        %parallel_loop3A_476 = arith.constant 32 : index
        %parallel_loop3A_477 = tpu.vector_load %arg9[%parallel_loop3A_475, %parallel_loop3A_476] {strides = array<i32>} : memref<128x128xf32, #tpu.memory_space<vmem>>, vector<16xf32>,
        tpu.vector_store %arg9[%parallel_loop3A_475, %parallel_loop3A_476], %parallel_loop3A_474 {strides = array<i32>} : memref<128x128xf32, #tpu.memory_space<vmem>>, vector<16xf32>,
        %parallel_loop3A_478 = arith.constant 48 : i32
        %parallel_loop3A_479 = arith.addi %parallel_loop3A_456, %parallel_loop3A_478 : i32
        %parallel_loop3A_480 = arith.index_cast %parallel_loop3A_479 : i32 to index
        %parallel_loop3A_481 = tpu.vector_load %arg5[%parallel_loop3A_480] {strides = array<i32>} : memref<64000xf32, #tpu.memory_space<vmem>>, vector<16xf32>,
        %parallel_loop3A_482 = arith.index_cast %parallel_loop3A_454 : i32 to index
        %parallel_loop3A_483 = arith.constant 48 : index
        %parallel_loop3A_484 = tpu.vector_load %arg9[%parallel_loop3A_482, %parallel_loop3A_483] {strides = array<i32>} : memref<128x128xf32, #tpu.memory_space<vmem>>, vector<16xf32>,
        tpu.vector_store %arg9[%parallel_loop3A_482, %parallel_loop3A_483], %parallel_loop3A_481 {strides = array<i32>} : memref<128x128xf32, #tpu.memory_space<vmem>>, vector<16xf32>,
        %parallel_loop3A_485 = arith.index_cast %parallel_loop3A_454 : i32 to index
        %parallel_loop3A_486 = arith.constant 1 : index
        %parallel_loop3A_487 = tpu.vector_load %arg7[%parallel_loop3A_485, %parallel_loop3A_486] {strides = array<i32>} : memref<128x65xf32, #tpu.memory_space<vmem>>, vector<16xf32>,
        %parallel_loop3A_488 = arith.index_cast %parallel_loop3A_454 : i32 to index
        %parallel_loop3A_489 = arith.constant 64 : index
        %parallel_loop3A_490 = tpu.vector_load %arg9[%parallel_loop3A_488, %parallel_loop3A_489] {strides = array<i32>} : memref<128x128xf32, #tpu.memory_space<vmem>>, vector<16xf32>,
        tpu.vector_store %arg9[%parallel_loop3A_488, %parallel_loop3A_489], %parallel_loop3A_487 {strides = array<i32>} : memref<128x128xf32, #tpu.memory_space<vmem>>, vector<16xf32>,
        %parallel_loop3A_491 = arith.index_cast %parallel_loop3A_454 : i32 to index
        %parallel_loop3A_492 = arith.constant 17 : index
        %parallel_loop3A_493 = tpu.vector_load %arg7[%parallel_loop3A_491, %parallel_loop3A_492] {strides = array<i32>} : memref<128x65xf32, #tpu.memory_space<vmem>>, vector<16xf32>,
        %parallel_loop3A_494 = arith.index_cast %parallel_loop3A_454 : i32 to index
        %parallel_loop3A_495 = arith.constant 80 : index
        %parallel_loop3A_496 = tpu.vector_load %arg9[%parallel_loop3A_494, %parallel_loop3A_495] {strides = array<i32>} : memref<128x128xf32, #tpu.memory_space<vmem>>, vector<16xf32>,
        tpu.vector_store %arg9[%parallel_loop3A_494, %parallel_loop3A_495], %parallel_loop3A_493 {strides = array<i32>} : memref<128x128xf32, #tpu.memory_space<vmem>>, vector<16xf32>,
        %parallel_loop3A_497 = arith.index_cast %parallel_loop3A_454 : i32 to index
        %parallel_loop3A_498 = arith.constant 33 : index
        %parallel_loop3A_499 = tpu.vector_load %arg7[%parallel_loop3A_497, %parallel_loop3A_498] {strides = array<i32>} : memref<128x65xf32, #tpu.memory_space<vmem>>, vector<16xf32>,
        %parallel_loop3A_500 = arith.index_cast %parallel_loop3A_454 : i32 to index
        %parallel_loop3A_501 = arith.constant 96 : index
        %parallel_loop3A_502 = tpu.vector_load %arg9[%parallel_loop3A_500, %parallel_loop3A_501] {strides = array<i32>} : memref<128x128xf32, #tpu.memory_space<vmem>>, vector<16xf32>,
        tpu.vector_store %arg9[%parallel_loop3A_500, %parallel_loop3A_501], %parallel_loop3A_499 {strides = array<i32>} : memref<128x128xf32, #tpu.memory_space<vmem>>, vector<16xf32>,
        %parallel_loop3A_503 = arith.index_cast %parallel_loop3A_454 : i32 to index
        %parallel_loop3A_504 = arith.constant 49 : index
        %parallel_loop3A_505 = tpu.vector_load %arg7[%parallel_loop3A_503, %parallel_loop3A_504] {strides = array<i32>} : memref<128x65xf32, #tpu.memory_space<vmem>>, vector<16xf32>,
        %parallel_loop3A_506 = arith.index_cast %parallel_loop3A_454 : i32 to index
        %parallel_loop3A_507 = arith.constant 112 : index
        %parallel_loop3A_508 = tpu.vector_load %arg9[%parallel_loop3A_506, %parallel_loop3A_507] {strides = array<i32>} : memref<128x128xf32, #tpu.memory_space<vmem>>, vector<16xf32>,
        tpu.vector_store %arg9[%parallel_loop3A_506, %parallel_loop3A_507], %parallel_loop3A_505 {strides = array<i32>} : memref<128x128xf32, #tpu.memory_space<vmem>>, vector<16xf32>,
        %parallel_loop3A_509 = arith.constant 16 : i32
        %parallel_loop3A_510 = arith.muli %parallel_loop3A_98, %parallel_loop3A_509 : i32
        %parallel_loop3A_511 = arith.constant 7 : i32
        %parallel_loop3A_512 = arith.addi %parallel_loop3A_510, %parallel_loop3A_511 : i32
        %parallel_loop3A_513 = vector.extract_strided_slice %parallel_loop3A_102 {offsets = [7], sizes = [1], strides = [1]} : vector<16xi32> to vector<1xi32>
        %parallel_loop3A_514 = vector.extract %parallel_loop3A_513[0] : i32 from vector<1xi32>
        %parallel_loop3A_515 = arith.constant 0 : i32
        %parallel_loop3A_516 = arith.addi %parallel_loop3A_514, %parallel_loop3A_515 : i32
        %parallel_loop3A_517 = arith.index_cast %parallel_loop3A_516 : i32 to index
        %parallel_loop3A_518 = tpu.vector_load %arg5[%parallel_loop3A_517] {strides = array<i32>} : memref<64000xf32, #tpu.memory_space<vmem>>, vector<16xf32>,
        %parallel_loop3A_519 = arith.index_cast %parallel_loop3A_512 : i32 to index
        %parallel_loop3A_520 = arith.constant 0 : index
        %parallel_loop3A_521 = tpu.vector_load %arg9[%parallel_loop3A_519, %parallel_loop3A_520] {strides = array<i32>} : memref<128x128xf32, #tpu.memory_space<vmem>>, vector<16xf32>,
        tpu.vector_store %arg9[%parallel_loop3A_519, %parallel_loop3A_520], %parallel_loop3A_518 {strides = array<i32>} : memref<128x128xf32, #tpu.memory_space<vmem>>, vector<16xf32>,
        %parallel_loop3A_522 = arith.constant 16 : i32
        %parallel_loop3A_523 = arith.addi %parallel_loop3A_514, %parallel_loop3A_522 : i32
        %parallel_loop3A_524 = arith.index_cast %parallel_loop3A_523 : i32 to index
        %parallel_loop3A_525 = tpu.vector_load %arg5[%parallel_loop3A_524] {strides = array<i32>} : memref<64000xf32, #tpu.memory_space<vmem>>, vector<16xf32>,
        %parallel_loop3A_526 = arith.index_cast %parallel_loop3A_512 : i32 to index
        %parallel_loop3A_527 = arith.constant 16 : index
        %parallel_loop3A_528 = tpu.vector_load %arg9[%parallel_loop3A_526, %parallel_loop3A_527] {strides = array<i32>} : memref<128x128xf32, #tpu.memory_space<vmem>>, vector<16xf32>,
        tpu.vector_store %arg9[%parallel_loop3A_526, %parallel_loop3A_527], %parallel_loop3A_525 {strides = array<i32>} : memref<128x128xf32, #tpu.memory_space<vmem>>, vector<16xf32>,
        %parallel_loop3A_529 = arith.constant 32 : i32
        %parallel_loop3A_530 = arith.addi %parallel_loop3A_514, %parallel_loop3A_529 : i32
        %parallel_loop3A_531 = arith.index_cast %parallel_loop3A_530 : i32 to index
        %parallel_loop3A_532 = tpu.vector_load %arg5[%parallel_loop3A_531] {strides = array<i32>} : memref<64000xf32, #tpu.memory_space<vmem>>, vector<16xf32>,
        %parallel_loop3A_533 = arith.index_cast %parallel_loop3A_512 : i32 to index
        %parallel_loop3A_534 = arith.constant 32 : index
        %parallel_loop3A_535 = tpu.vector_load %arg9[%parallel_loop3A_533, %parallel_loop3A_534] {strides = array<i32>} : memref<128x128xf32, #tpu.memory_space<vmem>>, vector<16xf32>,
        tpu.vector_store %arg9[%parallel_loop3A_533, %parallel_loop3A_534], %parallel_loop3A_532 {strides = array<i32>} : memref<128x128xf32, #tpu.memory_space<vmem>>, vector<16xf32>,
        %parallel_loop3A_536 = arith.constant 48 : i32
        %parallel_loop3A_537 = arith.addi %parallel_loop3A_514, %parallel_loop3A_536 : i32
        %parallel_loop3A_538 = arith.index_cast %parallel_loop3A_537 : i32 to index
        %parallel_loop3A_539 = tpu.vector_load %arg5[%parallel_loop3A_538] {strides = array<i32>} : memref<64000xf32, #tpu.memory_space<vmem>>, vector<16xf32>,
        %parallel_loop3A_540 = arith.index_cast %parallel_loop3A_512 : i32 to index
        %parallel_loop3A_541 = arith.constant 48 : index
        %parallel_loop3A_542 = tpu.vector_load %arg9[%parallel_loop3A_540, %parallel_loop3A_541] {strides = array<i32>} : memref<128x128xf32, #tpu.memory_space<vmem>>, vector<16xf32>,
        tpu.vector_store %arg9[%parallel_loop3A_540, %parallel_loop3A_541], %parallel_loop3A_539 {strides = array<i32>} : memref<128x128xf32, #tpu.memory_space<vmem>>, vector<16xf32>,
        %parallel_loop3A_543 = arith.index_cast %parallel_loop3A_512 : i32 to index
        %parallel_loop3A_544 = arith.constant 1 : index
        %parallel_loop3A_545 = tpu.vector_load %arg7[%parallel_loop3A_543, %parallel_loop3A_544] {strides = array<i32>} : memref<128x65xf32, #tpu.memory_space<vmem>>, vector<16xf32>,
        %parallel_loop3A_546 = arith.index_cast %parallel_loop3A_512 : i32 to index
        %parallel_loop3A_547 = arith.constant 64 : index
        %parallel_loop3A_548 = tpu.vector_load %arg9[%parallel_loop3A_546, %parallel_loop3A_547] {strides = array<i32>} : memref<128x128xf32, #tpu.memory_space<vmem>>, vector<16xf32>,
        tpu.vector_store %arg9[%parallel_loop3A_546, %parallel_loop3A_547], %parallel_loop3A_545 {strides = array<i32>} : memref<128x128xf32, #tpu.memory_space<vmem>>, vector<16xf32>,
        %parallel_loop3A_549 = arith.index_cast %parallel_loop3A_512 : i32 to index
        %parallel_loop3A_550 = arith.constant 17 : index
        %parallel_loop3A_551 = tpu.vector_load %arg7[%parallel_loop3A_549, %parallel_loop3A_550] {strides = array<i32>} : memref<128x65xf32, #tpu.memory_space<vmem>>, vector<16xf32>,
        %parallel_loop3A_552 = arith.index_cast %parallel_loop3A_512 : i32 to index
        %parallel_loop3A_553 = arith.constant 80 : index
        %parallel_loop3A_554 = tpu.vector_load %arg9[%parallel_loop3A_552, %parallel_loop3A_553] {strides = array<i32>} : memref<128x128xf32, #tpu.memory_space<vmem>>, vector<16xf32>,
        tpu.vector_store %arg9[%parallel_loop3A_552, %parallel_loop3A_553], %parallel_loop3A_551 {strides = array<i32>} : memref<128x128xf32, #tpu.memory_space<vmem>>, vector<16xf32>,
        %parallel_loop3A_555 = arith.index_cast %parallel_loop3A_512 : i32 to index
        %parallel_loop3A_556 = arith.constant 33 : index
        %parallel_loop3A_557 = tpu.vector_load %arg7[%parallel_loop3A_555, %parallel_loop3A_556] {strides = array<i32>} : memref<128x65xf32, #tpu.memory_space<vmem>>, vector<16xf32>,
        %parallel_loop3A_558 = arith.index_cast %parallel_loop3A_512 : i32 to index
        %parallel_loop3A_559 = arith.constant 96 : index
        %parallel_loop3A_560 = tpu.vector_load %arg9[%parallel_loop3A_558, %parallel_loop3A_559] {strides = array<i32>} : memref<128x128xf32, #tpu.memory_space<vmem>>, vector<16xf32>,
        tpu.vector_store %arg9[%parallel_loop3A_558, %parallel_loop3A_559], %parallel_loop3A_557 {strides = array<i32>} : memref<128x128xf32, #tpu.memory_space<vmem>>, vector<16xf32>,
        %parallel_loop3A_561 = arith.index_cast %parallel_loop3A_512 : i32 to index
        %parallel_loop3A_562 = arith.constant 49 : index
        %parallel_loop3A_563 = tpu.vector_load %arg7[%parallel_loop3A_561, %parallel_loop3A_562] {strides = array<i32>} : memref<128x65xf32, #tpu.memory_space<vmem>>, vector<16xf32>,
        %parallel_loop3A_564 = arith.index_cast %parallel_loop3A_512 : i32 to index
        %parallel_loop3A_565 = arith.constant 112 : index
        %parallel_loop3A_566 = tpu.vector_load %arg9[%parallel_loop3A_564, %parallel_loop3A_565] {strides = array<i32>} : memref<128x128xf32, #tpu.memory_space<vmem>>, vector<16xf32>,
        tpu.vector_store %arg9[%parallel_loop3A_564, %parallel_loop3A_565], %parallel_loop3A_563 {strides = array<i32>} : memref<128x128xf32, #tpu.memory_space<vmem>>, vector<16xf32>,
        %parallel_loop3A_567 = arith.constant 16 : i32
        %parallel_loop3A_568 = arith.muli %parallel_loop3A_98, %parallel_loop3A_567 : i32
        %parallel_loop3A_569 = arith.constant 8 : i32
        %parallel_loop3A_570 = arith.addi %parallel_loop3A_568, %parallel_loop3A_569 : i32
        %parallel_loop3A_571 = vector.extract_strided_slice %parallel_loop3A_102 {offsets = [8], sizes = [1], strides = [1]} : vector<16xi32> to vector<1xi32>
        %parallel_loop3A_572 = vector.extract %parallel_loop3A_571[0] : i32 from vector<1xi32>
        %parallel_loop3A_573 = arith.constant 0 : i32
        %parallel_loop3A_574 = arith.addi %parallel_loop3A_572, %parallel_loop3A_573 : i32
        %parallel_loop3A_575 = arith.index_cast %parallel_loop3A_574 : i32 to index
        %parallel_loop3A_576 = tpu.vector_load %arg5[%parallel_loop3A_575] {strides = array<i32>} : memref<64000xf32, #tpu.memory_space<vmem>>, vector<16xf32>,
        %parallel_loop3A_577 = arith.index_cast %parallel_loop3A_570 : i32 to index
        %parallel_loop3A_578 = arith.constant 0 : index
        %parallel_loop3A_579 = tpu.vector_load %arg9[%parallel_loop3A_577, %parallel_loop3A_578] {strides = array<i32>} : memref<128x128xf32, #tpu.memory_space<vmem>>, vector<16xf32>,
        tpu.vector_store %arg9[%parallel_loop3A_577, %parallel_loop3A_578], %parallel_loop3A_576 {strides = array<i32>} : memref<128x128xf32, #tpu.memory_space<vmem>>, vector<16xf32>,
        %parallel_loop3A_580 = arith.constant 16 : i32
        %parallel_loop3A_581 = arith.addi %parallel_loop3A_572, %parallel_loop3A_580 : i32
        %parallel_loop3A_582 = arith.index_cast %parallel_loop3A_581 : i32 to index
        %parallel_loop3A_583 = tpu.vector_load %arg5[%parallel_loop3A_582] {strides = array<i32>} : memref<64000xf32, #tpu.memory_space<vmem>>, vector<16xf32>,
        %parallel_loop3A_584 = arith.index_cast %parallel_loop3A_570 : i32 to index
        %parallel_loop3A_585 = arith.constant 16 : index
        %parallel_loop3A_586 = tpu.vector_load %arg9[%parallel_loop3A_584, %parallel_loop3A_585] {strides = array<i32>} : memref<128x128xf32, #tpu.memory_space<vmem>>, vector<16xf32>,
        tpu.vector_store %arg9[%parallel_loop3A_584, %parallel_loop3A_585], %parallel_loop3A_583 {strides = array<i32>} : memref<128x128xf32, #tpu.memory_space<vmem>>, vector<16xf32>,
        %parallel_loop3A_587 = arith.constant 32 : i32
        %parallel_loop3A_588 = arith.addi %parallel_loop3A_572, %parallel_loop3A_587 : i32
        %parallel_loop3A_589 = arith.index_cast %parallel_loop3A_588 : i32 to index
        %parallel_loop3A_590 = tpu.vector_load %arg5[%parallel_loop3A_589] {strides = array<i32>} : memref<64000xf32, #tpu.memory_space<vmem>>, vector<16xf32>,
        %parallel_loop3A_591 = arith.index_cast %parallel_loop3A_570 : i32 to index
        %parallel_loop3A_592 = arith.constant 32 : index
        %parallel_loop3A_593 = tpu.vector_load %arg9[%parallel_loop3A_591, %parallel_loop3A_592] {strides = array<i32>} : memref<128x128xf32, #tpu.memory_space<vmem>>, vector<16xf32>,
        tpu.vector_store %arg9[%parallel_loop3A_591, %parallel_loop3A_592], %parallel_loop3A_590 {strides = array<i32>} : memref<128x128xf32, #tpu.memory_space<vmem>>, vector<16xf32>,
        %parallel_loop3A_594 = arith.constant 48 : i32
        %parallel_loop3A_595 = arith.addi %parallel_loop3A_572, %parallel_loop3A_594 : i32
        %parallel_loop3A_596 = arith.index_cast %parallel_loop3A_595 : i32 to index
        %parallel_loop3A_597 = tpu.vector_load %arg5[%parallel_loop3A_596] {strides = array<i32>} : memref<64000xf32, #tpu.memory_space<vmem>>, vector<16xf32>,
        %parallel_loop3A_598 = arith.index_cast %parallel_loop3A_570 : i32 to index
        %parallel_loop3A_599 = arith.constant 48 : index
        %parallel_loop3A_600 = tpu.vector_load %arg9[%parallel_loop3A_598, %parallel_loop3A_599] {strides = array<i32>} : memref<128x128xf32, #tpu.memory_space<vmem>>, vector<16xf32>,
        tpu.vector_store %arg9[%parallel_loop3A_598, %parallel_loop3A_599], %parallel_loop3A_597 {strides = array<i32>} : memref<128x128xf32, #tpu.memory_space<vmem>>, vector<16xf32>,
        %parallel_loop3A_601 = arith.index_cast %parallel_loop3A_570 : i32 to index
        %parallel_loop3A_602 = arith.constant 1 : index
        %parallel_loop3A_603 = tpu.vector_load %arg7[%parallel_loop3A_601, %parallel_loop3A_602] {strides = array<i32>} : memref<128x65xf32, #tpu.memory_space<vmem>>, vector<16xf32>,
        %parallel_loop3A_604 = arith.index_cast %parallel_loop3A_570 : i32 to index
        %parallel_loop3A_605 = arith.constant 64 : index
        %parallel_loop3A_606 = tpu.vector_load %arg9[%parallel_loop3A_604, %parallel_loop3A_605] {strides = array<i32>} : memref<128x128xf32, #tpu.memory_space<vmem>>, vector<16xf32>,
        tpu.vector_store %arg9[%parallel_loop3A_604, %parallel_loop3A_605], %parallel_loop3A_603 {strides = array<i32>} : memref<128x128xf32, #tpu.memory_space<vmem>>, vector<16xf32>,
        %parallel_loop3A_607 = arith.index_cast %parallel_loop3A_570 : i32 to index
        %parallel_loop3A_608 = arith.constant 17 : index
        %parallel_loop3A_609 = tpu.vector_load %arg7[%parallel_loop3A_607, %parallel_loop3A_608] {strides = array<i32>} : memref<128x65xf32, #tpu.memory_space<vmem>>, vector<16xf32>,
        %parallel_loop3A_610 = arith.index_cast %parallel_loop3A_570 : i32 to index
        %parallel_loop3A_611 = arith.constant 80 : index
        %parallel_loop3A_612 = tpu.vector_load %arg9[%parallel_loop3A_610, %parallel_loop3A_611] {strides = array<i32>} : memref<128x128xf32, #tpu.memory_space<vmem>>, vector<16xf32>,
        tpu.vector_store %arg9[%parallel_loop3A_610, %parallel_loop3A_611], %parallel_loop3A_609 {strides = array<i32>} : memref<128x128xf32, #tpu.memory_space<vmem>>, vector<16xf32>,
        %parallel_loop3A_613 = arith.index_cast %parallel_loop3A_570 : i32 to index
        %parallel_loop3A_614 = arith.constant 33 : index
        %parallel_loop3A_615 = tpu.vector_load %arg7[%parallel_loop3A_613, %parallel_loop3A_614] {strides = array<i32>} : memref<128x65xf32, #tpu.memory_space<vmem>>, vector<16xf32>,
        %parallel_loop3A_616 = arith.index_cast %parallel_loop3A_570 : i32 to index
        %parallel_loop3A_617 = arith.constant 96 : index
        %parallel_loop3A_618 = tpu.vector_load %arg9[%parallel_loop3A_616, %parallel_loop3A_617] {strides = array<i32>} : memref<128x128xf32, #tpu.memory_space<vmem>>, vector<16xf32>,
        tpu.vector_store %arg9[%parallel_loop3A_616, %parallel_loop3A_617], %parallel_loop3A_615 {strides = array<i32>} : memref<128x128xf32, #tpu.memory_space<vmem>>, vector<16xf32>,
        %parallel_loop3A_619 = arith.index_cast %parallel_loop3A_570 : i32 to index
        %parallel_loop3A_620 = arith.constant 49 : index
        %parallel_loop3A_621 = tpu.vector_load %arg7[%parallel_loop3A_619, %parallel_loop3A_620] {strides = array<i32>} : memref<128x65xf32, #tpu.memory_space<vmem>>, vector<16xf32>,
        %parallel_loop3A_622 = arith.index_cast %parallel_loop3A_570 : i32 to index
        %parallel_loop3A_623 = arith.constant 112 : index
        %parallel_loop3A_624 = tpu.vector_load %arg9[%parallel_loop3A_622, %parallel_loop3A_623] {strides = array<i32>} : memref<128x128xf32, #tpu.memory_space<vmem>>, vector<16xf32>,
        tpu.vector_store %arg9[%parallel_loop3A_622, %parallel_loop3A_623], %parallel_loop3A_621 {strides = array<i32>} : memref<128x128xf32, #tpu.memory_space<vmem>>, vector<16xf32>,
        %parallel_loop3A_625 = arith.constant 16 : i32
        %parallel_loop3A_626 = arith.muli %parallel_loop3A_98, %parallel_loop3A_625 : i32
        %parallel_loop3A_627 = arith.constant 9 : i32
        %parallel_loop3A_628 = arith.addi %parallel_loop3A_626, %parallel_loop3A_627 : i32
        %parallel_loop3A_629 = vector.extract_strided_slice %parallel_loop3A_102 {offsets = [9], sizes = [1], strides = [1]} : vector<16xi32> to vector<1xi32>
        %parallel_loop3A_630 = vector.extract %parallel_loop3A_629[0] : i32 from vector<1xi32>
        %parallel_loop3A_631 = arith.constant 0 : i32
        %parallel_loop3A_632 = arith.addi %parallel_loop3A_630, %parallel_loop3A_631 : i32
        %parallel_loop3A_633 = arith.index_cast %parallel_loop3A_632 : i32 to index
        %parallel_loop3A_634 = tpu.vector_load %arg5[%parallel_loop3A_633] {strides = array<i32>} : memref<64000xf32, #tpu.memory_space<vmem>>, vector<16xf32>,
        %parallel_loop3A_635 = arith.index_cast %parallel_loop3A_628 : i32 to index
        %parallel_loop3A_636 = arith.constant 0 : index
        %parallel_loop3A_637 = tpu.vector_load %arg9[%parallel_loop3A_635, %parallel_loop3A_636] {strides = array<i32>} : memref<128x128xf32, #tpu.memory_space<vmem>>, vector<16xf32>,
        tpu.vector_store %arg9[%parallel_loop3A_635, %parallel_loop3A_636], %parallel_loop3A_634 {strides = array<i32>} : memref<128x128xf32, #tpu.memory_space<vmem>>, vector<16xf32>,
        %parallel_loop3A_638 = arith.constant 16 : i32
        %parallel_loop3A_639 = arith.addi %parallel_loop3A_630, %parallel_loop3A_638 : i32
        %parallel_loop3A_640 = arith.index_cast %parallel_loop3A_639 : i32 to index
        %parallel_loop3A_641 = tpu.vector_load %arg5[%parallel_loop3A_640] {strides = array<i32>} : memref<64000xf32, #tpu.memory_space<vmem>>, vector<16xf32>,
        %parallel_loop3A_642 = arith.index_cast %parallel_loop3A_628 : i32 to index
        %parallel_loop3A_643 = arith.constant 16 : index
        %parallel_loop3A_644 = tpu.vector_load %arg9[%parallel_loop3A_642, %parallel_loop3A_643] {strides = array<i32>} : memref<128x128xf32, #tpu.memory_space<vmem>>, vector<16xf32>,
        tpu.vector_store %arg9[%parallel_loop3A_642, %parallel_loop3A_643], %parallel_loop3A_641 {strides = array<i32>} : memref<128x128xf32, #tpu.memory_space<vmem>>, vector<16xf32>,
        %parallel_loop3A_645 = arith.constant 32 : i32
        %parallel_loop3A_646 = arith.addi %parallel_loop3A_630, %parallel_loop3A_645 : i32
        %parallel_loop3A_647 = arith.index_cast %parallel_loop3A_646 : i32 to index
        %parallel_loop3A_648 = tpu.vector_load %arg5[%parallel_loop3A_647] {strides = array<i32>} : memref<64000xf32, #tpu.memory_space<vmem>>, vector<16xf32>,
        %parallel_loop3A_649 = arith.index_cast %parallel_loop3A_628 : i32 to index
        %parallel_loop3A_650 = arith.constant 32 : index
        %parallel_loop3A_651 = tpu.vector_load %arg9[%parallel_loop3A_649, %parallel_loop3A_650] {strides = array<i32>} : memref<128x128xf32, #tpu.memory_space<vmem>>, vector<16xf32>,
        tpu.vector_store %arg9[%parallel_loop3A_649, %parallel_loop3A_650], %parallel_loop3A_648 {strides = array<i32>} : memref<128x128xf32, #tpu.memory_space<vmem>>, vector<16xf32>,
        %parallel_loop3A_652 = arith.constant 48 : i32
        %parallel_loop3A_653 = arith.addi %parallel_loop3A_630, %parallel_loop3A_652 : i32
        %parallel_loop3A_654 = arith.index_cast %parallel_loop3A_653 : i32 to index
        %parallel_loop3A_655 = tpu.vector_load %arg5[%parallel_loop3A_654] {strides = array<i32>} : memref<64000xf32, #tpu.memory_space<vmem>>, vector<16xf32>,
        %parallel_loop3A_656 = arith.index_cast %parallel_loop3A_628 : i32 to index
        %parallel_loop3A_657 = arith.constant 48 : index
        %parallel_loop3A_658 = tpu.vector_load %arg9[%parallel_loop3A_656, %parallel_loop3A_657] {strides = array<i32>} : memref<128x128xf32, #tpu.memory_space<vmem>>, vector<16xf32>,
        tpu.vector_store %arg9[%parallel_loop3A_656, %parallel_loop3A_657], %parallel_loop3A_655 {strides = array<i32>} : memref<128x128xf32, #tpu.memory_space<vmem>>, vector<16xf32>,
        %parallel_loop3A_659 = arith.index_cast %parallel_loop3A_628 : i32 to index
        %parallel_loop3A_660 = arith.constant 1 : index
        %parallel_loop3A_661 = tpu.vector_load %arg7[%parallel_loop3A_659, %parallel_loop3A_660] {strides = array<i32>} : memref<128x65xf32, #tpu.memory_space<vmem>>, vector<16xf32>,
        %parallel_loop3A_662 = arith.index_cast %parallel_loop3A_628 : i32 to index
        %parallel_loop3A_663 = arith.constant 64 : index
        %parallel_loop3A_664 = tpu.vector_load %arg9[%parallel_loop3A_662, %parallel_loop3A_663] {strides = array<i32>} : memref<128x128xf32, #tpu.memory_space<vmem>>, vector<16xf32>,
        tpu.vector_store %arg9[%parallel_loop3A_662, %parallel_loop3A_663], %parallel_loop3A_661 {strides = array<i32>} : memref<128x128xf32, #tpu.memory_space<vmem>>, vector<16xf32>,
        %parallel_loop3A_665 = arith.index_cast %parallel_loop3A_628 : i32 to index
        %parallel_loop3A_666 = arith.constant 17 : index
        %parallel_loop3A_667 = tpu.vector_load %arg7[%parallel_loop3A_665, %parallel_loop3A_666] {strides = array<i32>} : memref<128x65xf32, #tpu.memory_space<vmem>>, vector<16xf32>,
        %parallel_loop3A_668 = arith.index_cast %parallel_loop3A_628 : i32 to index
        %parallel_loop3A_669 = arith.constant 80 : index
        %parallel_loop3A_670 = tpu.vector_load %arg9[%parallel_loop3A_668, %parallel_loop3A_669] {strides = array<i32>} : memref<128x128xf32, #tpu.memory_space<vmem>>, vector<16xf32>,
        tpu.vector_store %arg9[%parallel_loop3A_668, %parallel_loop3A_669], %parallel_loop3A_667 {strides = array<i32>} : memref<128x128xf32, #tpu.memory_space<vmem>>, vector<16xf32>,
        %parallel_loop3A_671 = arith.index_cast %parallel_loop3A_628 : i32 to index
        %parallel_loop3A_672 = arith.constant 33 : index
        %parallel_loop3A_673 = tpu.vector_load %arg7[%parallel_loop3A_671, %parallel_loop3A_672] {strides = array<i32>} : memref<128x65xf32, #tpu.memory_space<vmem>>, vector<16xf32>,
        %parallel_loop3A_674 = arith.index_cast %parallel_loop3A_628 : i32 to index
        %parallel_loop3A_675 = arith.constant 96 : index
        %parallel_loop3A_676 = tpu.vector_load %arg9[%parallel_loop3A_674, %parallel_loop3A_675] {strides = array<i32>} : memref<128x128xf32, #tpu.memory_space<vmem>>, vector<16xf32>,
        tpu.vector_store %arg9[%parallel_loop3A_674, %parallel_loop3A_675], %parallel_loop3A_673 {strides = array<i32>} : memref<128x128xf32, #tpu.memory_space<vmem>>, vector<16xf32>,
        %parallel_loop3A_677 = arith.index_cast %parallel_loop3A_628 : i32 to index
        %parallel_loop3A_678 = arith.constant 49 : index
        %parallel_loop3A_679 = tpu.vector_load %arg7[%parallel_loop3A_677, %parallel_loop3A_678] {strides = array<i32>} : memref<128x65xf32, #tpu.memory_space<vmem>>, vector<16xf32>,
        %parallel_loop3A_680 = arith.index_cast %parallel_loop3A_628 : i32 to index
        %parallel_loop3A_681 = arith.constant 112 : index
        %parallel_loop3A_682 = tpu.vector_load %arg9[%parallel_loop3A_680, %parallel_loop3A_681] {strides = array<i32>} : memref<128x128xf32, #tpu.memory_space<vmem>>, vector<16xf32>,
        tpu.vector_store %arg9[%parallel_loop3A_680, %parallel_loop3A_681], %parallel_loop3A_679 {strides = array<i32>} : memref<128x128xf32, #tpu.memory_space<vmem>>, vector<16xf32>,
        %parallel_loop3A_683 = arith.constant 16 : i32
        %parallel_loop3A_684 = arith.muli %parallel_loop3A_98, %parallel_loop3A_683 : i32
        %parallel_loop3A_685 = arith.constant 10 : i32
        %parallel_loop3A_686 = arith.addi %parallel_loop3A_684, %parallel_loop3A_685 : i32
        %parallel_loop3A_687 = vector.extract_strided_slice %parallel_loop3A_102 {offsets = [10], sizes = [1], strides = [1]} : vector<16xi32> to vector<1xi32>
        %parallel_loop3A_688 = vector.extract %parallel_loop3A_687[0] : i32 from vector<1xi32>
        %parallel_loop3A_689 = arith.constant 0 : i32
        %parallel_loop3A_690 = arith.addi %parallel_loop3A_688, %parallel_loop3A_689 : i32
        %parallel_loop3A_691 = arith.index_cast %parallel_loop3A_690 : i32 to index
        %parallel_loop3A_692 = tpu.vector_load %arg5[%parallel_loop3A_691] {strides = array<i32>} : memref<64000xf32, #tpu.memory_space<vmem>>, vector<16xf32>,
        %parallel_loop3A_693 = arith.index_cast %parallel_loop3A_686 : i32 to index
        %parallel_loop3A_694 = arith.constant 0 : index
        %parallel_loop3A_695 = tpu.vector_load %arg9[%parallel_loop3A_693, %parallel_loop3A_694] {strides = array<i32>} : memref<128x128xf32, #tpu.memory_space<vmem>>, vector<16xf32>,
        tpu.vector_store %arg9[%parallel_loop3A_693, %parallel_loop3A_694], %parallel_loop3A_692 {strides = array<i32>} : memref<128x128xf32, #tpu.memory_space<vmem>>, vector<16xf32>,
        %parallel_loop3A_696 = arith.constant 16 : i32
        %parallel_loop3A_697 = arith.addi %parallel_loop3A_688, %parallel_loop3A_696 : i32
        %parallel_loop3A_698 = arith.index_cast %parallel_loop3A_697 : i32 to index
        %parallel_loop3A_699 = tpu.vector_load %arg5[%parallel_loop3A_698] {strides = array<i32>} : memref<64000xf32, #tpu.memory_space<vmem>>, vector<16xf32>,
        %parallel_loop3A_700 = arith.index_cast %parallel_loop3A_686 : i32 to index
        %parallel_loop3A_701 = arith.constant 16 : index
        %parallel_loop3A_702 = tpu.vector_load %arg9[%parallel_loop3A_700, %parallel_loop3A_701] {strides = array<i32>} : memref<128x128xf32, #tpu.memory_space<vmem>>, vector<16xf32>,
        tpu.vector_store %arg9[%parallel_loop3A_700, %parallel_loop3A_701], %parallel_loop3A_699 {strides = array<i32>} : memref<128x128xf32, #tpu.memory_space<vmem>>, vector<16xf32>,
        %parallel_loop3A_703 = arith.constant 32 : i32
        %parallel_loop3A_704 = arith.addi %parallel_loop3A_688, %parallel_loop3A_703 : i32
        %parallel_loop3A_705 = arith.index_cast %parallel_loop3A_704 : i32 to index
        %parallel_loop3A_706 = tpu.vector_load %arg5[%parallel_loop3A_705] {strides = array<i32>} : memref<64000xf32, #tpu.memory_space<vmem>>, vector<16xf32>,
        %parallel_loop3A_707 = arith.index_cast %parallel_loop3A_686 : i32 to index
        %parallel_loop3A_708 = arith.constant 32 : index
        %parallel_loop3A_709 = tpu.vector_load %arg9[%parallel_loop3A_707, %parallel_loop3A_708] {strides = array<i32>} : memref<128x128xf32, #tpu.memory_space<vmem>>, vector<16xf32>,
        tpu.vector_store %arg9[%parallel_loop3A_707, %parallel_loop3A_708], %parallel_loop3A_706 {strides = array<i32>} : memref<128x128xf32, #tpu.memory_space<vmem>>, vector<16xf32>,
        %parallel_loop3A_710 = arith.constant 48 : i32
        %parallel_loop3A_711 = arith.addi %parallel_loop3A_688, %parallel_loop3A_710 : i32
        %parallel_loop3A_712 = arith.index_cast %parallel_loop3A_711 : i32 to index
        %parallel_loop3A_713 = tpu.vector_load %arg5[%parallel_loop3A_712] {strides = array<i32>} : memref<64000xf32, #tpu.memory_space<vmem>>, vector<16xf32>,
        %parallel_loop3A_714 = arith.index_cast %parallel_loop3A_686 : i32 to index
        %parallel_loop3A_715 = arith.constant 48 : index
        %parallel_loop3A_716 = tpu.vector_load %arg9[%parallel_loop3A_714, %parallel_loop3A_715] {strides = array<i32>} : memref<128x128xf32, #tpu.memory_space<vmem>>, vector<16xf32>,
        tpu.vector_store %arg9[%parallel_loop3A_714, %parallel_loop3A_715], %parallel_loop3A_713 {strides = array<i32>} : memref<128x128xf32, #tpu.memory_space<vmem>>, vector<16xf32>,
        %parallel_loop3A_717 = arith.index_cast %parallel_loop3A_686 : i32 to index
        %parallel_loop3A_718 = arith.constant 1 : index
        %parallel_loop3A_719 = tpu.vector_load %arg7[%parallel_loop3A_717, %parallel_loop3A_718] {strides = array<i32>} : memref<128x65xf32, #tpu.memory_space<vmem>>, vector<16xf32>,
        %parallel_loop3A_720 = arith.index_cast %parallel_loop3A_686 : i32 to index
        %parallel_loop3A_721 = arith.constant 64 : index
        %parallel_loop3A_722 = tpu.vector_load %arg9[%parallel_loop3A_720, %parallel_loop3A_721] {strides = array<i32>} : memref<128x128xf32, #tpu.memory_space<vmem>>, vector<16xf32>,
        tpu.vector_store %arg9[%parallel_loop3A_720, %parallel_loop3A_721], %parallel_loop3A_719 {strides = array<i32>} : memref<128x128xf32, #tpu.memory_space<vmem>>, vector<16xf32>,
        %parallel_loop3A_723 = arith.index_cast %parallel_loop3A_686 : i32 to index
        %parallel_loop3A_724 = arith.constant 17 : index
        %parallel_loop3A_725 = tpu.vector_load %arg7[%parallel_loop3A_723, %parallel_loop3A_724] {strides = array<i32>} : memref<128x65xf32, #tpu.memory_space<vmem>>, vector<16xf32>,
        %parallel_loop3A_726 = arith.index_cast %parallel_loop3A_686 : i32 to index
        %parallel_loop3A_727 = arith.constant 80 : index
        %parallel_loop3A_728 = tpu.vector_load %arg9[%parallel_loop3A_726, %parallel_loop3A_727] {strides = array<i32>} : memref<128x128xf32, #tpu.memory_space<vmem>>, vector<16xf32>,
        tpu.vector_store %arg9[%parallel_loop3A_726, %parallel_loop3A_727], %parallel_loop3A_725 {strides = array<i32>} : memref<128x128xf32, #tpu.memory_space<vmem>>, vector<16xf32>,
        %parallel_loop3A_729 = arith.index_cast %parallel_loop3A_686 : i32 to index
        %parallel_loop3A_730 = arith.constant 33 : index
        %parallel_loop3A_731 = tpu.vector_load %arg7[%parallel_loop3A_729, %parallel_loop3A_730] {strides = array<i32>} : memref<128x65xf32, #tpu.memory_space<vmem>>, vector<16xf32>,
        %parallel_loop3A_732 = arith.index_cast %parallel_loop3A_686 : i32 to index
        %parallel_loop3A_733 = arith.constant 96 : index
        %parallel_loop3A_734 = tpu.vector_load %arg9[%parallel_loop3A_732, %parallel_loop3A_733] {strides = array<i32>} : memref<128x128xf32, #tpu.memory_space<vmem>>, vector<16xf32>,
        tpu.vector_store %arg9[%parallel_loop3A_732, %parallel_loop3A_733], %parallel_loop3A_731 {strides = array<i32>} : memref<128x128xf32, #tpu.memory_space<vmem>>, vector<16xf32>,
        %parallel_loop3A_735 = arith.index_cast %parallel_loop3A_686 : i32 to index
        %parallel_loop3A_736 = arith.constant 49 : index
        %parallel_loop3A_737 = tpu.vector_load %arg7[%parallel_loop3A_735, %parallel_loop3A_736] {strides = array<i32>} : memref<128x65xf32, #tpu.memory_space<vmem>>, vector<16xf32>,
        %parallel_loop3A_738 = arith.index_cast %parallel_loop3A_686 : i32 to index
        %parallel_loop3A_739 = arith.constant 112 : index
        %parallel_loop3A_740 = tpu.vector_load %arg9[%parallel_loop3A_738, %parallel_loop3A_739] {strides = array<i32>} : memref<128x128xf32, #tpu.memory_space<vmem>>, vector<16xf32>,
        tpu.vector_store %arg9[%parallel_loop3A_738, %parallel_loop3A_739], %parallel_loop3A_737 {strides = array<i32>} : memref<128x128xf32, #tpu.memory_space<vmem>>, vector<16xf32>,
        %parallel_loop3A_741 = arith.constant 16 : i32
        %parallel_loop3A_742 = arith.muli %parallel_loop3A_98, %parallel_loop3A_741 : i32
        %parallel_loop3A_743 = arith.constant 11 : i32
        %parallel_loop3A_744 = arith.addi %parallel_loop3A_742, %parallel_loop3A_743 : i32
        %parallel_loop3A_745 = vector.extract_strided_slice %parallel_loop3A_102 {offsets = [11], sizes = [1], strides = [1]} : vector<16xi32> to vector<1xi32>
        %parallel_loop3A_746 = vector.extract %parallel_loop3A_745[0] : i32 from vector<1xi32>
        %parallel_loop3A_747 = arith.constant 0 : i32
        %parallel_loop3A_748 = arith.addi %parallel_loop3A_746, %parallel_loop3A_747 : i32
        %parallel_loop3A_749 = arith.index_cast %parallel_loop3A_748 : i32 to index
        %parallel_loop3A_750 = tpu.vector_load %arg5[%parallel_loop3A_749] {strides = array<i32>} : memref<64000xf32, #tpu.memory_space<vmem>>, vector<16xf32>,
        %parallel_loop3A_751 = arith.index_cast %parallel_loop3A_744 : i32 to index
        %parallel_loop3A_752 = arith.constant 0 : index
        %parallel_loop3A_753 = tpu.vector_load %arg9[%parallel_loop3A_751, %parallel_loop3A_752] {strides = array<i32>} : memref<128x128xf32, #tpu.memory_space<vmem>>, vector<16xf32>,
        tpu.vector_store %arg9[%parallel_loop3A_751, %parallel_loop3A_752], %parallel_loop3A_750 {strides = array<i32>} : memref<128x128xf32, #tpu.memory_space<vmem>>, vector<16xf32>,
        %parallel_loop3A_754 = arith.constant 16 : i32
        %parallel_loop3A_755 = arith.addi %parallel_loop3A_746, %parallel_loop3A_754 : i32
        %parallel_loop3A_756 = arith.index_cast %parallel_loop3A_755 : i32 to index
        %parallel_loop3A_757 = tpu.vector_load %arg5[%parallel_loop3A_756] {strides = array<i32>} : memref<64000xf32, #tpu.memory_space<vmem>>, vector<16xf32>,
        %parallel_loop3A_758 = arith.index_cast %parallel_loop3A_744 : i32 to index
        %parallel_loop3A_759 = arith.constant 16 : index
        %parallel_loop3A_760 = tpu.vector_load %arg9[%parallel_loop3A_758, %parallel_loop3A_759] {strides = array<i32>} : memref<128x128xf32, #tpu.memory_space<vmem>>, vector<16xf32>,
        tpu.vector_store %arg9[%parallel_loop3A_758, %parallel_loop3A_759], %parallel_loop3A_757 {strides = array<i32>} : memref<128x128xf32, #tpu.memory_space<vmem>>, vector<16xf32>,
        %parallel_loop3A_761 = arith.constant 32 : i32
        %parallel_loop3A_762 = arith.addi %parallel_loop3A_746, %parallel_loop3A_761 : i32
        %parallel_loop3A_763 = arith.index_cast %parallel_loop3A_762 : i32 to index
        %parallel_loop3A_764 = tpu.vector_load %arg5[%parallel_loop3A_763] {strides = array<i32>} : memref<64000xf32, #tpu.memory_space<vmem>>, vector<16xf32>,
        %parallel_loop3A_765 = arith.index_cast %parallel_loop3A_744 : i32 to index
        %parallel_loop3A_766 = arith.constant 32 : index
        %parallel_loop3A_767 = tpu.vector_load %arg9[%parallel_loop3A_765, %parallel_loop3A_766] {strides = array<i32>} : memref<128x128xf32, #tpu.memory_space<vmem>>, vector<16xf32>,
        tpu.vector_store %arg9[%parallel_loop3A_765, %parallel_loop3A_766], %parallel_loop3A_764 {strides = array<i32>} : memref<128x128xf32, #tpu.memory_space<vmem>>, vector<16xf32>,
        %parallel_loop3A_768 = arith.constant 48 : i32
        %parallel_loop3A_769 = arith.addi %parallel_loop3A_746, %parallel_loop3A_768 : i32
        %parallel_loop3A_770 = arith.index_cast %parallel_loop3A_769 : i32 to index
        %parallel_loop3A_771 = tpu.vector_load %arg5[%parallel_loop3A_770] {strides = array<i32>} : memref<64000xf32, #tpu.memory_space<vmem>>, vector<16xf32>,
        %parallel_loop3A_772 = arith.index_cast %parallel_loop3A_744 : i32 to index
        %parallel_loop3A_773 = arith.constant 48 : index
        %parallel_loop3A_774 = tpu.vector_load %arg9[%parallel_loop3A_772, %parallel_loop3A_773] {strides = array<i32>} : memref<128x128xf32, #tpu.memory_space<vmem>>, vector<16xf32>,
        tpu.vector_store %arg9[%parallel_loop3A_772, %parallel_loop3A_773], %parallel_loop3A_771 {strides = array<i32>} : memref<128x128xf32, #tpu.memory_space<vmem>>, vector<16xf32>,
        %parallel_loop3A_775 = arith.index_cast %parallel_loop3A_744 : i32 to index
        %parallel_loop3A_776 = arith.constant 1 : index
        %parallel_loop3A_777 = tpu.vector_load %arg7[%parallel_loop3A_775, %parallel_loop3A_776] {strides = array<i32>} : memref<128x65xf32, #tpu.memory_space<vmem>>, vector<16xf32>,
        %parallel_loop3A_778 = arith.index_cast %parallel_loop3A_744 : i32 to index
        %parallel_loop3A_779 = arith.constant 64 : index
        %parallel_loop3A_780 = tpu.vector_load %arg9[%parallel_loop3A_778, %parallel_loop3A_779] {strides = array<i32>} : memref<128x128xf32, #tpu.memory_space<vmem>>, vector<16xf32>,
        tpu.vector_store %arg9[%parallel_loop3A_778, %parallel_loop3A_779], %parallel_loop3A_777 {strides = array<i32>} : memref<128x128xf32, #tpu.memory_space<vmem>>, vector<16xf32>,
        %parallel_loop3A_781 = arith.index_cast %parallel_loop3A_744 : i32 to index
        %parallel_loop3A_782 = arith.constant 17 : index
        %parallel_loop3A_783 = tpu.vector_load %arg7[%parallel_loop3A_781, %parallel_loop3A_782] {strides = array<i32>} : memref<128x65xf32, #tpu.memory_space<vmem>>, vector<16xf32>,
        %parallel_loop3A_784 = arith.index_cast %parallel_loop3A_744 : i32 to index
        %parallel_loop3A_785 = arith.constant 80 : index
        %parallel_loop3A_786 = tpu.vector_load %arg9[%parallel_loop3A_784, %parallel_loop3A_785] {strides = array<i32>} : memref<128x128xf32, #tpu.memory_space<vmem>>, vector<16xf32>,
        tpu.vector_store %arg9[%parallel_loop3A_784, %parallel_loop3A_785], %parallel_loop3A_783 {strides = array<i32>} : memref<128x128xf32, #tpu.memory_space<vmem>>, vector<16xf32>,
        %parallel_loop3A_787 = arith.index_cast %parallel_loop3A_744 : i32 to index
        %parallel_loop3A_788 = arith.constant 33 : index
        %parallel_loop3A_789 = tpu.vector_load %arg7[%parallel_loop3A_787, %parallel_loop3A_788] {strides = array<i32>} : memref<128x65xf32, #tpu.memory_space<vmem>>, vector<16xf32>,
        %parallel_loop3A_790 = arith.index_cast %parallel_loop3A_744 : i32 to index
        %parallel_loop3A_791 = arith.constant 96 : index
        %parallel_loop3A_792 = tpu.vector_load %arg9[%parallel_loop3A_790, %parallel_loop3A_791] {strides = array<i32>} : memref<128x128xf32, #tpu.memory_space<vmem>>, vector<16xf32>,
        tpu.vector_store %arg9[%parallel_loop3A_790, %parallel_loop3A_791], %parallel_loop3A_789 {strides = array<i32>} : memref<128x128xf32, #tpu.memory_space<vmem>>, vector<16xf32>,
        %parallel_loop3A_793 = arith.index_cast %parallel_loop3A_744 : i32 to index
        %parallel_loop3A_794 = arith.constant 49 : index
        %parallel_loop3A_795 = tpu.vector_load %arg7[%parallel_loop3A_793, %parallel_loop3A_794] {strides = array<i32>} : memref<128x65xf32, #tpu.memory_space<vmem>>, vector<16xf32>,
        %parallel_loop3A_796 = arith.index_cast %parallel_loop3A_744 : i32 to index
        %parallel_loop3A_797 = arith.constant 112 : index
        %parallel_loop3A_798 = tpu.vector_load %arg9[%parallel_loop3A_796, %parallel_loop3A_797] {strides = array<i32>} : memref<128x128xf32, #tpu.memory_space<vmem>>, vector<16xf32>,
        tpu.vector_store %arg9[%parallel_loop3A_796, %parallel_loop3A_797], %parallel_loop3A_795 {strides = array<i32>} : memref<128x128xf32, #tpu.memory_space<vmem>>, vector<16xf32>,
        %parallel_loop3A_799 = arith.constant 16 : i32
        %parallel_loop3A_800 = arith.muli %parallel_loop3A_98, %parallel_loop3A_799 : i32
        %parallel_loop3A_801 = arith.constant 12 : i32
        %parallel_loop3A_802 = arith.addi %parallel_loop3A_800, %parallel_loop3A_801 : i32
        %parallel_loop3A_803 = vector.extract_strided_slice %parallel_loop3A_102 {offsets = [12], sizes = [1], strides = [1]} : vector<16xi32> to vector<1xi32>
        %parallel_loop3A_804 = vector.extract %parallel_loop3A_803[0] : i32 from vector<1xi32>
        %parallel_loop3A_805 = arith.constant 0 : i32
        %parallel_loop3A_806 = arith.addi %parallel_loop3A_804, %parallel_loop3A_805 : i32
        %parallel_loop3A_807 = arith.index_cast %parallel_loop3A_806 : i32 to index
        %parallel_loop3A_808 = tpu.vector_load %arg5[%parallel_loop3A_807] {strides = array<i32>} : memref<64000xf32, #tpu.memory_space<vmem>>, vector<16xf32>,
        %parallel_loop3A_809 = arith.index_cast %parallel_loop3A_802 : i32 to index
        %parallel_loop3A_810 = arith.constant 0 : index
        %parallel_loop3A_811 = tpu.vector_load %arg9[%parallel_loop3A_809, %parallel_loop3A_810] {strides = array<i32>} : memref<128x128xf32, #tpu.memory_space<vmem>>, vector<16xf32>,
        tpu.vector_store %arg9[%parallel_loop3A_809, %parallel_loop3A_810], %parallel_loop3A_808 {strides = array<i32>} : memref<128x128xf32, #tpu.memory_space<vmem>>, vector<16xf32>,
        %parallel_loop3A_812 = arith.constant 16 : i32
        %parallel_loop3A_813 = arith.addi %parallel_loop3A_804, %parallel_loop3A_812 : i32
        %parallel_loop3A_814 = arith.index_cast %parallel_loop3A_813 : i32 to index
        %parallel_loop3A_815 = tpu.vector_load %arg5[%parallel_loop3A_814] {strides = array<i32>} : memref<64000xf32, #tpu.memory_space<vmem>>, vector<16xf32>,
        %parallel_loop3A_816 = arith.index_cast %parallel_loop3A_802 : i32 to index
        %parallel_loop3A_817 = arith.constant 16 : index
        %parallel_loop3A_818 = tpu.vector_load %arg9[%parallel_loop3A_816, %parallel_loop3A_817] {strides = array<i32>} : memref<128x128xf32, #tpu.memory_space<vmem>>, vector<16xf32>,
        tpu.vector_store %arg9[%parallel_loop3A_816, %parallel_loop3A_817], %parallel_loop3A_815 {strides = array<i32>} : memref<128x128xf32, #tpu.memory_space<vmem>>, vector<16xf32>,
        %parallel_loop3A_819 = arith.constant 32 : i32
        %parallel_loop3A_820 = arith.addi %parallel_loop3A_804, %parallel_loop3A_819 : i32
        %parallel_loop3A_821 = arith.index_cast %parallel_loop3A_820 : i32 to index
        %parallel_loop3A_822 = tpu.vector_load %arg5[%parallel_loop3A_821] {strides = array<i32>} : memref<64000xf32, #tpu.memory_space<vmem>>, vector<16xf32>,
        %parallel_loop3A_823 = arith.index_cast %parallel_loop3A_802 : i32 to index
        %parallel_loop3A_824 = arith.constant 32 : index
        %parallel_loop3A_825 = tpu.vector_load %arg9[%parallel_loop3A_823, %parallel_loop3A_824] {strides = array<i32>} : memref<128x128xf32, #tpu.memory_space<vmem>>, vector<16xf32>,
        tpu.vector_store %arg9[%parallel_loop3A_823, %parallel_loop3A_824], %parallel_loop3A_822 {strides = array<i32>} : memref<128x128xf32, #tpu.memory_space<vmem>>, vector<16xf32>,
        %parallel_loop3A_826 = arith.constant 48 : i32
        %parallel_loop3A_827 = arith.addi %parallel_loop3A_804, %parallel_loop3A_826 : i32
        %parallel_loop3A_828 = arith.index_cast %parallel_loop3A_827 : i32 to index
        %parallel_loop3A_829 = tpu.vector_load %arg5[%parallel_loop3A_828] {strides = array<i32>} : memref<64000xf32, #tpu.memory_space<vmem>>, vector<16xf32>,
        %parallel_loop3A_830 = arith.index_cast %parallel_loop3A_802 : i32 to index
        %parallel_loop3A_831 = arith.constant 48 : index
        %parallel_loop3A_832 = tpu.vector_load %arg9[%parallel_loop3A_830, %parallel_loop3A_831] {strides = array<i32>} : memref<128x128xf32, #tpu.memory_space<vmem>>, vector<16xf32>,
        tpu.vector_store %arg9[%parallel_loop3A_830, %parallel_loop3A_831], %parallel_loop3A_829 {strides = array<i32>} : memref<128x128xf32, #tpu.memory_space<vmem>>, vector<16xf32>,
        %parallel_loop3A_833 = arith.index_cast %parallel_loop3A_802 : i32 to index
        %parallel_loop3A_834 = arith.constant 1 : index
        %parallel_loop3A_835 = tpu.vector_load %arg7[%parallel_loop3A_833, %parallel_loop3A_834] {strides = array<i32>} : memref<128x65xf32, #tpu.memory_space<vmem>>, vector<16xf32>,
        %parallel_loop3A_836 = arith.index_cast %parallel_loop3A_802 : i32 to index
        %parallel_loop3A_837 = arith.constant 64 : index
        %parallel_loop3A_838 = tpu.vector_load %arg9[%parallel_loop3A_836, %parallel_loop3A_837] {strides = array<i32>} : memref<128x128xf32, #tpu.memory_space<vmem>>, vector<16xf32>,
        tpu.vector_store %arg9[%parallel_loop3A_836, %parallel_loop3A_837], %parallel_loop3A_835 {strides = array<i32>} : memref<128x128xf32, #tpu.memory_space<vmem>>, vector<16xf32>,
        %parallel_loop3A_839 = arith.index_cast %parallel_loop3A_802 : i32 to index
        %parallel_loop3A_840 = arith.constant 17 : index
        %parallel_loop3A_841 = tpu.vector_load %arg7[%parallel_loop3A_839, %parallel_loop3A_840] {strides = array<i32>} : memref<128x65xf32, #tpu.memory_space<vmem>>, vector<16xf32>,
        %parallel_loop3A_842 = arith.index_cast %parallel_loop3A_802 : i32 to index
        %parallel_loop3A_843 = arith.constant 80 : index
        %parallel_loop3A_844 = tpu.vector_load %arg9[%parallel_loop3A_842, %parallel_loop3A_843] {strides = array<i32>} : memref<128x128xf32, #tpu.memory_space<vmem>>, vector<16xf32>,
        tpu.vector_store %arg9[%parallel_loop3A_842, %parallel_loop3A_843], %parallel_loop3A_841 {strides = array<i32>} : memref<128x128xf32, #tpu.memory_space<vmem>>, vector<16xf32>,
        %parallel_loop3A_845 = arith.index_cast %parallel_loop3A_802 : i32 to index
        %parallel_loop3A_846 = arith.constant 33 : index
        %parallel_loop3A_847 = tpu.vector_load %arg7[%parallel_loop3A_845, %parallel_loop3A_846] {strides = array<i32>} : memref<128x65xf32, #tpu.memory_space<vmem>>, vector<16xf32>,
        %parallel_loop3A_848 = arith.index_cast %parallel_loop3A_802 : i32 to index
        %parallel_loop3A_849 = arith.constant 96 : index
        %parallel_loop3A_850 = tpu.vector_load %arg9[%parallel_loop3A_848, %parallel_loop3A_849] {strides = array<i32>} : memref<128x128xf32, #tpu.memory_space<vmem>>, vector<16xf32>,
        tpu.vector_store %arg9[%parallel_loop3A_848, %parallel_loop3A_849], %parallel_loop3A_847 {strides = array<i32>} : memref<128x128xf32, #tpu.memory_space<vmem>>, vector<16xf32>,
        %parallel_loop3A_851 = arith.index_cast %parallel_loop3A_802 : i32 to index
        %parallel_loop3A_852 = arith.constant 49 : index
        %parallel_loop3A_853 = tpu.vector_load %arg7[%parallel_loop3A_851, %parallel_loop3A_852] {strides = array<i32>} : memref<128x65xf32, #tpu.memory_space<vmem>>, vector<16xf32>,
        %parallel_loop3A_854 = arith.index_cast %parallel_loop3A_802 : i32 to index
        %parallel_loop3A_855 = arith.constant 112 : index
        %parallel_loop3A_856 = tpu.vector_load %arg9[%parallel_loop3A_854, %parallel_loop3A_855] {strides = array<i32>} : memref<128x128xf32, #tpu.memory_space<vmem>>, vector<16xf32>,
        tpu.vector_store %arg9[%parallel_loop3A_854, %parallel_loop3A_855], %parallel_loop3A_853 {strides = array<i32>} : memref<128x128xf32, #tpu.memory_space<vmem>>, vector<16xf32>,
        %parallel_loop3A_857 = arith.constant 16 : i32
        %parallel_loop3A_858 = arith.muli %parallel_loop3A_98, %parallel_loop3A_857 : i32
        %parallel_loop3A_859 = arith.constant 13 : i32
        %parallel_loop3A_860 = arith.addi %parallel_loop3A_858, %parallel_loop3A_859 : i32
        %parallel_loop3A_861 = vector.extract_strided_slice %parallel_loop3A_102 {offsets = [13], sizes = [1], strides = [1]} : vector<16xi32> to vector<1xi32>
        %parallel_loop3A_862 = vector.extract %parallel_loop3A_861[0] : i32 from vector<1xi32>
        %parallel_loop3A_863 = arith.constant 0 : i32
        %parallel_loop3A_864 = arith.addi %parallel_loop3A_862, %parallel_loop3A_863 : i32
        %parallel_loop3A_865 = arith.index_cast %parallel_loop3A_864 : i32 to index
        %parallel_loop3A_866 = tpu.vector_load %arg5[%parallel_loop3A_865] {strides = array<i32>} : memref<64000xf32, #tpu.memory_space<vmem>>, vector<16xf32>,
        %parallel_loop3A_867 = arith.index_cast %parallel_loop3A_860 : i32 to index
        %parallel_loop3A_868 = arith.constant 0 : index
        %parallel_loop3A_869 = tpu.vector_load %arg9[%parallel_loop3A_867, %parallel_loop3A_868] {strides = array<i32>} : memref<128x128xf32, #tpu.memory_space<vmem>>, vector<16xf32>,
        tpu.vector_store %arg9[%parallel_loop3A_867, %parallel_loop3A_868], %parallel_loop3A_866 {strides = array<i32>} : memref<128x128xf32, #tpu.memory_space<vmem>>, vector<16xf32>,
        %parallel_loop3A_870 = arith.constant 16 : i32
        %parallel_loop3A_871 = arith.addi %parallel_loop3A_862, %parallel_loop3A_870 : i32
        %parallel_loop3A_872 = arith.index_cast %parallel_loop3A_871 : i32 to index
        %parallel_loop3A_873 = tpu.vector_load %arg5[%parallel_loop3A_872] {strides = array<i32>} : memref<64000xf32, #tpu.memory_space<vmem>>, vector<16xf32>,
        %parallel_loop3A_874 = arith.index_cast %parallel_loop3A_860 : i32 to index
        %parallel_loop3A_875 = arith.constant 16 : index
        %parallel_loop3A_876 = tpu.vector_load %arg9[%parallel_loop3A_874, %parallel_loop3A_875] {strides = array<i32>} : memref<128x128xf32, #tpu.memory_space<vmem>>, vector<16xf32>,
        tpu.vector_store %arg9[%parallel_loop3A_874, %parallel_loop3A_875], %parallel_loop3A_873 {strides = array<i32>} : memref<128x128xf32, #tpu.memory_space<vmem>>, vector<16xf32>,
        %parallel_loop3A_877 = arith.constant 32 : i32
        %parallel_loop3A_878 = arith.addi %parallel_loop3A_862, %parallel_loop3A_877 : i32
        %parallel_loop3A_879 = arith.index_cast %parallel_loop3A_878 : i32 to index
        %parallel_loop3A_880 = tpu.vector_load %arg5[%parallel_loop3A_879] {strides = array<i32>} : memref<64000xf32, #tpu.memory_space<vmem>>, vector<16xf32>,
        %parallel_loop3A_881 = arith.index_cast %parallel_loop3A_860 : i32 to index
        %parallel_loop3A_882 = arith.constant 32 : index
        %parallel_loop3A_883 = tpu.vector_load %arg9[%parallel_loop3A_881, %parallel_loop3A_882] {strides = array<i32>} : memref<128x128xf32, #tpu.memory_space<vmem>>, vector<16xf32>,
        tpu.vector_store %arg9[%parallel_loop3A_881, %parallel_loop3A_882], %parallel_loop3A_880 {strides = array<i32>} : memref<128x128xf32, #tpu.memory_space<vmem>>, vector<16xf32>,
        %parallel_loop3A_884 = arith.constant 48 : i32
        %parallel_loop3A_885 = arith.addi %parallel_loop3A_862, %parallel_loop3A_884 : i32
        %parallel_loop3A_886 = arith.index_cast %parallel_loop3A_885 : i32 to index
        %parallel_loop3A_887 = tpu.vector_load %arg5[%parallel_loop3A_886] {strides = array<i32>} : memref<64000xf32, #tpu.memory_space<vmem>>, vector<16xf32>,
        %parallel_loop3A_888 = arith.index_cast %parallel_loop3A_860 : i32 to index
        %parallel_loop3A_889 = arith.constant 48 : index
        %parallel_loop3A_890 = tpu.vector_load %arg9[%parallel_loop3A_888, %parallel_loop3A_889] {strides = array<i32>} : memref<128x128xf32, #tpu.memory_space<vmem>>, vector<16xf32>,
        tpu.vector_store %arg9[%parallel_loop3A_888, %parallel_loop3A_889], %parallel_loop3A_887 {strides = array<i32>} : memref<128x128xf32, #tpu.memory_space<vmem>>, vector<16xf32>,
        %parallel_loop3A_891 = arith.index_cast %parallel_loop3A_860 : i32 to index
        %parallel_loop3A_892 = arith.constant 1 : index
        %parallel_loop3A_893 = tpu.vector_load %arg7[%parallel_loop3A_891, %parallel_loop3A_892] {strides = array<i32>} : memref<128x65xf32, #tpu.memory_space<vmem>>, vector<16xf32>,
        %parallel_loop3A_894 = arith.index_cast %parallel_loop3A_860 : i32 to index
        %parallel_loop3A_895 = arith.constant 64 : index
        %parallel_loop3A_896 = tpu.vector_load %arg9[%parallel_loop3A_894, %parallel_loop3A_895] {strides = array<i32>} : memref<128x128xf32, #tpu.memory_space<vmem>>, vector<16xf32>,
        tpu.vector_store %arg9[%parallel_loop3A_894, %parallel_loop3A_895], %parallel_loop3A_893 {strides = array<i32>} : memref<128x128xf32, #tpu.memory_space<vmem>>, vector<16xf32>,
        %parallel_loop3A_897 = arith.index_cast %parallel_loop3A_860 : i32 to index
        %parallel_loop3A_898 = arith.constant 17 : index
        %parallel_loop3A_899 = tpu.vector_load %arg7[%parallel_loop3A_897, %parallel_loop3A_898] {strides = array<i32>} : memref<128x65xf32, #tpu.memory_space<vmem>>, vector<16xf32>,
        %parallel_loop3A_900 = arith.index_cast %parallel_loop3A_860 : i32 to index
        %parallel_loop3A_901 = arith.constant 80 : index
        %parallel_loop3A_902 = tpu.vector_load %arg9[%parallel_loop3A_900, %parallel_loop3A_901] {strides = array<i32>} : memref<128x128xf32, #tpu.memory_space<vmem>>, vector<16xf32>,
        tpu.vector_store %arg9[%parallel_loop3A_900, %parallel_loop3A_901], %parallel_loop3A_899 {strides = array<i32>} : memref<128x128xf32, #tpu.memory_space<vmem>>, vector<16xf32>,
        %parallel_loop3A_903 = arith.index_cast %parallel_loop3A_860 : i32 to index
        %parallel_loop3A_904 = arith.constant 33 : index
        %parallel_loop3A_905 = tpu.vector_load %arg7[%parallel_loop3A_903, %parallel_loop3A_904] {strides = array<i32>} : memref<128x65xf32, #tpu.memory_space<vmem>>, vector<16xf32>,
        %parallel_loop3A_906 = arith.index_cast %parallel_loop3A_860 : i32 to index
        %parallel_loop3A_907 = arith.constant 96 : index
        %parallel_loop3A_908 = tpu.vector_load %arg9[%parallel_loop3A_906, %parallel_loop3A_907] {strides = array<i32>} : memref<128x128xf32, #tpu.memory_space<vmem>>, vector<16xf32>,
        tpu.vector_store %arg9[%parallel_loop3A_906, %parallel_loop3A_907], %parallel_loop3A_905 {strides = array<i32>} : memref<128x128xf32, #tpu.memory_space<vmem>>, vector<16xf32>,
        %parallel_loop3A_909 = arith.index_cast %parallel_loop3A_860 : i32 to index
        %parallel_loop3A_910 = arith.constant 49 : index
        %parallel_loop3A_911 = tpu.vector_load %arg7[%parallel_loop3A_909, %parallel_loop3A_910] {strides = array<i32>} : memref<128x65xf32, #tpu.memory_space<vmem>>, vector<16xf32>,
        %parallel_loop3A_912 = arith.index_cast %parallel_loop3A_860 : i32 to index
        %parallel_loop3A_913 = arith.constant 112 : index
        %parallel_loop3A_914 = tpu.vector_load %arg9[%parallel_loop3A_912, %parallel_loop3A_913] {strides = array<i32>} : memref<128x128xf32, #tpu.memory_space<vmem>>, vector<16xf32>,
        tpu.vector_store %arg9[%parallel_loop3A_912, %parallel_loop3A_913], %parallel_loop3A_911 {strides = array<i32>} : memref<128x128xf32, #tpu.memory_space<vmem>>, vector<16xf32>,
        %parallel_loop3A_915 = arith.constant 16 : i32
        %parallel_loop3A_916 = arith.muli %parallel_loop3A_98, %parallel_loop3A_915 : i32
        %parallel_loop3A_917 = arith.constant 14 : i32
        %parallel_loop3A_918 = arith.addi %parallel_loop3A_916, %parallel_loop3A_917 : i32
        %parallel_loop3A_919 = vector.extract_strided_slice %parallel_loop3A_102 {offsets = [14], sizes = [1], strides = [1]} : vector<16xi32> to vector<1xi32>
        %parallel_loop3A_920 = vector.extract %parallel_loop3A_919[0] : i32 from vector<1xi32>
        %parallel_loop3A_921 = arith.constant 0 : i32
        %parallel_loop3A_922 = arith.addi %parallel_loop3A_920, %parallel_loop3A_921 : i32
        %parallel_loop3A_923 = arith.index_cast %parallel_loop3A_922 : i32 to index
        %parallel_loop3A_924 = tpu.vector_load %arg5[%parallel_loop3A_923] {strides = array<i32>} : memref<64000xf32, #tpu.memory_space<vmem>>, vector<16xf32>,
        %parallel_loop3A_925 = arith.index_cast %parallel_loop3A_918 : i32 to index
        %parallel_loop3A_926 = arith.constant 0 : index
        %parallel_loop3A_927 = tpu.vector_load %arg9[%parallel_loop3A_925, %parallel_loop3A_926] {strides = array<i32>} : memref<128x128xf32, #tpu.memory_space<vmem>>, vector<16xf32>,
        tpu.vector_store %arg9[%parallel_loop3A_925, %parallel_loop3A_926], %parallel_loop3A_924 {strides = array<i32>} : memref<128x128xf32, #tpu.memory_space<vmem>>, vector<16xf32>,
        %parallel_loop3A_928 = arith.constant 16 : i32
        %parallel_loop3A_929 = arith.addi %parallel_loop3A_920, %parallel_loop3A_928 : i32
        %parallel_loop3A_930 = arith.index_cast %parallel_loop3A_929 : i32 to index
        %parallel_loop3A_931 = tpu.vector_load %arg5[%parallel_loop3A_930] {strides = array<i32>} : memref<64000xf32, #tpu.memory_space<vmem>>, vector<16xf32>,
        %parallel_loop3A_932 = arith.index_cast %parallel_loop3A_918 : i32 to index
        %parallel_loop3A_933 = arith.constant 16 : index
        %parallel_loop3A_934 = tpu.vector_load %arg9[%parallel_loop3A_932, %parallel_loop3A_933] {strides = array<i32>} : memref<128x128xf32, #tpu.memory_space<vmem>>, vector<16xf32>,
        tpu.vector_store %arg9[%parallel_loop3A_932, %parallel_loop3A_933], %parallel_loop3A_931 {strides = array<i32>} : memref<128x128xf32, #tpu.memory_space<vmem>>, vector<16xf32>,
        %parallel_loop3A_935 = arith.constant 32 : i32
        %parallel_loop3A_936 = arith.addi %parallel_loop3A_920, %parallel_loop3A_935 : i32
        %parallel_loop3A_937 = arith.index_cast %parallel_loop3A_936 : i32 to index
        %parallel_loop3A_938 = tpu.vector_load %arg5[%parallel_loop3A_937] {strides = array<i32>} : memref<64000xf32, #tpu.memory_space<vmem>>, vector<16xf32>,
        %parallel_loop3A_939 = arith.index_cast %parallel_loop3A_918 : i32 to index
        %parallel_loop3A_940 = arith.constant 32 : index
        %parallel_loop3A_941 = tpu.vector_load %arg9[%parallel_loop3A_939, %parallel_loop3A_940] {strides = array<i32>} : memref<128x128xf32, #tpu.memory_space<vmem>>, vector<16xf32>,
        tpu.vector_store %arg9[%parallel_loop3A_939, %parallel_loop3A_940], %parallel_loop3A_938 {strides = array<i32>} : memref<128x128xf32, #tpu.memory_space<vmem>>, vector<16xf32>,
        %parallel_loop3A_942 = arith.constant 48 : i32
        %parallel_loop3A_943 = arith.addi %parallel_loop3A_920, %parallel_loop3A_942 : i32
        %parallel_loop3A_944 = arith.index_cast %parallel_loop3A_943 : i32 to index
        %parallel_loop3A_945 = tpu.vector_load %arg5[%parallel_loop3A_944] {strides = array<i32>} : memref<64000xf32, #tpu.memory_space<vmem>>, vector<16xf32>,
        %parallel_loop3A_946 = arith.index_cast %parallel_loop3A_918 : i32 to index
        %parallel_loop3A_947 = arith.constant 48 : index
        %parallel_loop3A_948 = tpu.vector_load %arg9[%parallel_loop3A_946, %parallel_loop3A_947] {strides = array<i32>} : memref<128x128xf32, #tpu.memory_space<vmem>>, vector<16xf32>,
        tpu.vector_store %arg9[%parallel_loop3A_946, %parallel_loop3A_947], %parallel_loop3A_945 {strides = array<i32>} : memref<128x128xf32, #tpu.memory_space<vmem>>, vector<16xf32>,
        %parallel_loop3A_949 = arith.index_cast %parallel_loop3A_918 : i32 to index
        %parallel_loop3A_950 = arith.constant 1 : index
        %parallel_loop3A_951 = tpu.vector_load %arg7[%parallel_loop3A_949, %parallel_loop3A_950] {strides = array<i32>} : memref<128x65xf32, #tpu.memory_space<vmem>>, vector<16xf32>,
        %parallel_loop3A_952 = arith.index_cast %parallel_loop3A_918 : i32 to index
        %parallel_loop3A_953 = arith.constant 64 : index
        %parallel_loop3A_954 = tpu.vector_load %arg9[%parallel_loop3A_952, %parallel_loop3A_953] {strides = array<i32>} : memref<128x128xf32, #tpu.memory_space<vmem>>, vector<16xf32>,
        tpu.vector_store %arg9[%parallel_loop3A_952, %parallel_loop3A_953], %parallel_loop3A_951 {strides = array<i32>} : memref<128x128xf32, #tpu.memory_space<vmem>>, vector<16xf32>,
        %parallel_loop3A_955 = arith.index_cast %parallel_loop3A_918 : i32 to index
        %parallel_loop3A_956 = arith.constant 17 : index
        %parallel_loop3A_957 = tpu.vector_load %arg7[%parallel_loop3A_955, %parallel_loop3A_956] {strides = array<i32>} : memref<128x65xf32, #tpu.memory_space<vmem>>, vector<16xf32>,
        %parallel_loop3A_958 = arith.index_cast %parallel_loop3A_918 : i32 to index
        %parallel_loop3A_959 = arith.constant 80 : index
        %parallel_loop3A_960 = tpu.vector_load %arg9[%parallel_loop3A_958, %parallel_loop3A_959] {strides = array<i32>} : memref<128x128xf32, #tpu.memory_space<vmem>>, vector<16xf32>,
        tpu.vector_store %arg9[%parallel_loop3A_958, %parallel_loop3A_959], %parallel_loop3A_957 {strides = array<i32>} : memref<128x128xf32, #tpu.memory_space<vmem>>, vector<16xf32>,
        %parallel_loop3A_961 = arith.index_cast %parallel_loop3A_918 : i32 to index
        %parallel_loop3A_962 = arith.constant 33 : index
        %parallel_loop3A_963 = tpu.vector_load %arg7[%parallel_loop3A_961, %parallel_loop3A_962] {strides = array<i32>} : memref<128x65xf32, #tpu.memory_space<vmem>>, vector<16xf32>,
        %parallel_loop3A_964 = arith.index_cast %parallel_loop3A_918 : i32 to index
        %parallel_loop3A_965 = arith.constant 96 : index
        %parallel_loop3A_966 = tpu.vector_load %arg9[%parallel_loop3A_964, %parallel_loop3A_965] {strides = array<i32>} : memref<128x128xf32, #tpu.memory_space<vmem>>, vector<16xf32>,
        tpu.vector_store %arg9[%parallel_loop3A_964, %parallel_loop3A_965], %parallel_loop3A_963 {strides = array<i32>} : memref<128x128xf32, #tpu.memory_space<vmem>>, vector<16xf32>,
        %parallel_loop3A_967 = arith.index_cast %parallel_loop3A_918 : i32 to index
        %parallel_loop3A_968 = arith.constant 49 : index
        %parallel_loop3A_969 = tpu.vector_load %arg7[%parallel_loop3A_967, %parallel_loop3A_968] {strides = array<i32>} : memref<128x65xf32, #tpu.memory_space<vmem>>, vector<16xf32>,
        %parallel_loop3A_970 = arith.index_cast %parallel_loop3A_918 : i32 to index
        %parallel_loop3A_971 = arith.constant 112 : index
        %parallel_loop3A_972 = tpu.vector_load %arg9[%parallel_loop3A_970, %parallel_loop3A_971] {strides = array<i32>} : memref<128x128xf32, #tpu.memory_space<vmem>>, vector<16xf32>,
        tpu.vector_store %arg9[%parallel_loop3A_970, %parallel_loop3A_971], %parallel_loop3A_969 {strides = array<i32>} : memref<128x128xf32, #tpu.memory_space<vmem>>, vector<16xf32>,
        %parallel_loop3A_973 = arith.constant 16 : i32
        %parallel_loop3A_974 = arith.muli %parallel_loop3A_98, %parallel_loop3A_973 : i32
        %parallel_loop3A_975 = arith.constant 15 : i32
        %parallel_loop3A_976 = arith.addi %parallel_loop3A_974, %parallel_loop3A_975 : i32
        %parallel_loop3A_977 = vector.extract_strided_slice %parallel_loop3A_102 {offsets = [15], sizes = [1], strides = [1]} : vector<16xi32> to vector<1xi32>
        %parallel_loop3A_978 = vector.extract %parallel_loop3A_977[0] : i32 from vector<1xi32>
        %parallel_loop3A_979 = arith.constant 0 : i32
        %parallel_loop3A_980 = arith.addi %parallel_loop3A_978, %parallel_loop3A_979 : i32
        %parallel_loop3A_981 = arith.index_cast %parallel_loop3A_980 : i32 to index
        %parallel_loop3A_982 = tpu.vector_load %arg5[%parallel_loop3A_981] {strides = array<i32>} : memref<64000xf32, #tpu.memory_space<vmem>>, vector<16xf32>,
        %parallel_loop3A_983 = arith.index_cast %parallel_loop3A_976 : i32 to index
        %parallel_loop3A_984 = arith.constant 0 : index
        %parallel_loop3A_985 = tpu.vector_load %arg9[%parallel_loop3A_983, %parallel_loop3A_984] {strides = array<i32>} : memref<128x128xf32, #tpu.memory_space<vmem>>, vector<16xf32>,
        tpu.vector_store %arg9[%parallel_loop3A_983, %parallel_loop3A_984], %parallel_loop3A_982 {strides = array<i32>} : memref<128x128xf32, #tpu.memory_space<vmem>>, vector<16xf32>,
        %parallel_loop3A_986 = arith.constant 16 : i32
        %parallel_loop3A_987 = arith.addi %parallel_loop3A_978, %parallel_loop3A_986 : i32
        %parallel_loop3A_988 = arith.index_cast %parallel_loop3A_987 : i32 to index
        %parallel_loop3A_989 = tpu.vector_load %arg5[%parallel_loop3A_988] {strides = array<i32>} : memref<64000xf32, #tpu.memory_space<vmem>>, vector<16xf32>,
        %parallel_loop3A_990 = arith.index_cast %parallel_loop3A_976 : i32 to index
        %parallel_loop3A_991 = arith.constant 16 : index
        %parallel_loop3A_992 = tpu.vector_load %arg9[%parallel_loop3A_990, %parallel_loop3A_991] {strides = array<i32>} : memref<128x128xf32, #tpu.memory_space<vmem>>, vector<16xf32>,
        tpu.vector_store %arg9[%parallel_loop3A_990, %parallel_loop3A_991], %parallel_loop3A_989 {strides = array<i32>} : memref<128x128xf32, #tpu.memory_space<vmem>>, vector<16xf32>,
        %parallel_loop3A_993 = arith.constant 32 : i32
        %parallel_loop3A_994 = arith.addi %parallel_loop3A_978, %parallel_loop3A_993 : i32
        %parallel_loop3A_995 = arith.index_cast %parallel_loop3A_994 : i32 to index
        %parallel_loop3A_996 = tpu.vector_load %arg5[%parallel_loop3A_995] {strides = array<i32>} : memref<64000xf32, #tpu.memory_space<vmem>>, vector<16xf32>,
        %parallel_loop3A_997 = arith.index_cast %parallel_loop3A_976 : i32 to index
        %parallel_loop3A_998 = arith.constant 32 : index
        %parallel_loop3A_999 = tpu.vector_load %arg9[%parallel_loop3A_997, %parallel_loop3A_998] {strides = array<i32>} : memref<128x128xf32, #tpu.memory_space<vmem>>, vector<16xf32>,
        tpu.vector_store %arg9[%parallel_loop3A_997, %parallel_loop3A_998], %parallel_loop3A_996 {strides = array<i32>} : memref<128x128xf32, #tpu.memory_space<vmem>>, vector<16xf32>,
        %parallel_loop3A_1000 = arith.constant 48 : i32
        %parallel_loop3A_1001 = arith.addi %parallel_loop3A_978, %parallel_loop3A_1000 : i32
        %parallel_loop3A_1002 = arith.index_cast %parallel_loop3A_1001 : i32 to index
        %parallel_loop3A_1003 = tpu.vector_load %arg5[%parallel_loop3A_1002] {strides = array<i32>} : memref<64000xf32, #tpu.memory_space<vmem>>, vector<16xf32>,
        %parallel_loop3A_1004 = arith.index_cast %parallel_loop3A_976 : i32 to index
        %parallel_loop3A_1005 = arith.constant 48 : index
        %parallel_loop3A_1006 = tpu.vector_load %arg9[%parallel_loop3A_1004, %parallel_loop3A_1005] {strides = array<i32>} : memref<128x128xf32, #tpu.memory_space<vmem>>, vector<16xf32>,
        tpu.vector_store %arg9[%parallel_loop3A_1004, %parallel_loop3A_1005], %parallel_loop3A_1003 {strides = array<i32>} : memref<128x128xf32, #tpu.memory_space<vmem>>, vector<16xf32>,
        %parallel_loop3A_1007 = arith.index_cast %parallel_loop3A_976 : i32 to index
        %parallel_loop3A_1008 = arith.constant 1 : index
        %parallel_loop3A_1009 = tpu.vector_load %arg7[%parallel_loop3A_1007, %parallel_loop3A_1008] {strides = array<i32>} : memref<128x65xf32, #tpu.memory_space<vmem>>, vector<16xf32>,
        %parallel_loop3A_1010 = arith.index_cast %parallel_loop3A_976 : i32 to index
        %parallel_loop3A_1011 = arith.constant 64 : index
        %parallel_loop3A_1012 = tpu.vector_load %arg9[%parallel_loop3A_1010, %parallel_loop3A_1011] {strides = array<i32>} : memref<128x128xf32, #tpu.memory_space<vmem>>, vector<16xf32>,
        tpu.vector_store %arg9[%parallel_loop3A_1010, %parallel_loop3A_1011], %parallel_loop3A_1009 {strides = array<i32>} : memref<128x128xf32, #tpu.memory_space<vmem>>, vector<16xf32>,
        %parallel_loop3A_1013 = arith.index_cast %parallel_loop3A_976 : i32 to index
        %parallel_loop3A_1014 = arith.constant 17 : index
        %parallel_loop3A_1015 = tpu.vector_load %arg7[%parallel_loop3A_1013, %parallel_loop3A_1014] {strides = array<i32>} : memref<128x65xf32, #tpu.memory_space<vmem>>, vector<16xf32>,
        %parallel_loop3A_1016 = arith.index_cast %parallel_loop3A_976 : i32 to index
        %parallel_loop3A_1017 = arith.constant 80 : index
        %parallel_loop3A_1018 = tpu.vector_load %arg9[%parallel_loop3A_1016, %parallel_loop3A_1017] {strides = array<i32>} : memref<128x128xf32, #tpu.memory_space<vmem>>, vector<16xf32>,
        tpu.vector_store %arg9[%parallel_loop3A_1016, %parallel_loop3A_1017], %parallel_loop3A_1015 {strides = array<i32>} : memref<128x128xf32, #tpu.memory_space<vmem>>, vector<16xf32>,
        %parallel_loop3A_1019 = arith.index_cast %parallel_loop3A_976 : i32 to index
        %parallel_loop3A_1020 = arith.constant 33 : index
        %parallel_loop3A_1021 = tpu.vector_load %arg7[%parallel_loop3A_1019, %parallel_loop3A_1020] {strides = array<i32>} : memref<128x65xf32, #tpu.memory_space<vmem>>, vector<16xf32>,
        %parallel_loop3A_1022 = arith.index_cast %parallel_loop3A_976 : i32 to index
        %parallel_loop3A_1023 = arith.constant 96 : index
        %parallel_loop3A_1024 = tpu.vector_load %arg9[%parallel_loop3A_1022, %parallel_loop3A_1023] {strides = array<i32>} : memref<128x128xf32, #tpu.memory_space<vmem>>, vector<16xf32>,
        tpu.vector_store %arg9[%parallel_loop3A_1022, %parallel_loop3A_1023], %parallel_loop3A_1021 {strides = array<i32>} : memref<128x128xf32, #tpu.memory_space<vmem>>, vector<16xf32>,
        %parallel_loop3A_1025 = arith.index_cast %parallel_loop3A_976 : i32 to index
        %parallel_loop3A_1026 = arith.constant 49 : index
        %parallel_loop3A_1027 = tpu.vector_load %arg7[%parallel_loop3A_1025, %parallel_loop3A_1026] {strides = array<i32>} : memref<128x65xf32, #tpu.memory_space<vmem>>, vector<16xf32>,
        %parallel_loop3A_1028 = arith.index_cast %parallel_loop3A_976 : i32 to index
        %parallel_loop3A_1029 = arith.constant 112 : index
        %parallel_loop3A_1030 = tpu.vector_load %arg9[%parallel_loop3A_1028, %parallel_loop3A_1029] {strides = array<i32>} : memref<128x128xf32, #tpu.memory_space<vmem>>, vector<16xf32>,
        tpu.vector_store %arg9[%parallel_loop3A_1028, %parallel_loop3A_1029], %parallel_loop3A_1027 {strides = array<i32>} : memref<128x128xf32, #tpu.memory_space<vmem>>, vector<16xf32>,
      } {sc.loop_unroll_factor = 2 : i64, sc.parallel_access}
      %mul3A_84 = arith.constant 128 : i32
      %mul3A_85 = arith.muli %add3A_65, %mul3A_84 : i32
      %add3A_86 = arith.addi %mul3A_2, %mul3A_85 : i32
      %dma_start3A_87 = arith.constant 0 : i32
      %dma_start3A_88 = tpu.memref_slice %arg4[%add3A_86, %dma_start3A_87] : memref<819200x128xf32, #tpu.memory_space<hbm>> -> memref<128x128xf32, #tpu.memory_space<hbm>>
      %dma_start3A_89 = arith.constant 0 : i32
      %dma_start3A_90 = tpu.memref_slice %arg4[%add3A_86, %dma_start3A_89] : memref<819200x128xf32, #tpu.memory_space<hbm>> -> memref<128x128xf32, #tpu.memory_space<hbm>>
      tpu.enqueue_dma source(%arg9 : memref<128x128xf32, #tpu.memory_space<vmem>>) target(%dma_start3A_90 : memref<128x128xf32, #tpu.memory_space<hbm>>) target_semaphore(%arg15 : memref<!tpu.dma_semaphore, #tpu.memory_space<semaphore_mem>>)
      %add3A_91 = arith.constant 2 : i32
      %add3A_92 = arith.addi %add3A_65, %add3A_91 : i32
      %lt3A_93 = arith.constant 200 : i32
      %lt3A_94 = arith.cmpi slt, %add3A_92, %lt3A_93 : i32
      %convert_element_type3A_95 = arith.extui %lt3A_94 : i1 to i32
      %cond3A_96 = arith.constant 0 : i32
      %cond3A_97 = arith.cmpi ne, %convert_element_type3A_95, %cond3A_96 : i32
      scf.if %cond3A_97 {
        %add3A_98 = arith.constant 2 : i32
        %add3A_99 = arith.addi %add3A_65, %add3A_98 : i32
        %mul3A_100 = arith.constant 128 : i32
        %mul3A_101 = arith.muli %add3A_99, %mul3A_100 : i32
        %add3A_102 = arith.addi %mul3A_2, %mul3A_101 : i32
        %dma_start3A_103 = arith.constant 0 : i32
        %dma_start3A_104 = tpu.memref_slice %arg2[%add3A_102, %dma_start3A_103] : memref<819200x65xf32, #tpu.memory_space<hbm>> -> memref<128x65xf32, #tpu.memory_space<hbm>>
        %dma_start3A_105 = arith.constant 0 : i32
        %dma_start3A_106 = tpu.memref_slice %arg2[%add3A_102, %dma_start3A_105] : memref<819200x65xf32, #tpu.memory_space<hbm>> -> memref<128x65xf32, #tpu.memory_space<hbm>>
        tpu.enqueue_dma source(%dma_start3A_106 : memref<128x65xf32, #tpu.memory_space<hbm>>) target(%arg7 : memref<128x65xf32, #tpu.memory_space<vmem>>) target_semaphore(%arg13 : memref<!tpu.dma_semaphore, #tpu.memory_space<semaphore_mem>>)
      } else {
      }
    }
    %scan3A_18 = arith.constant 100 : i32
    %add3A_19 = arith.constant 25344 : i32
    %add3A_20 = arith.addi %mul3A_2, %add3A_19 : i32
    %dma_wait3A = arith.constant 0 : i32
    %dma_wait3A_21 = tpu.memref_slice %arg4[%add3A_20, %dma_wait3A] : memref<819200x128xf32, #tpu.memory_space<hbm>> -> memref<128x128xf32, #tpu.memory_space<hbm>>
    %dma_wait3A_22 = arith.constant 0 : i32
    %dma_wait3A_23 = tpu.memref_slice %arg4[%add3A_20, %dma_wait3A_22] : memref<819200x128xf32, #tpu.memory_space<hbm>> -> memref<128x128xf32, #tpu.memory_space<hbm>>
    tpu.wait_dma2 semaphore(%arg14 : memref<!tpu.dma_semaphore, #tpu.memory_space<semaphore_mem>>) src(%arg8 : memref<128x128xf32, #tpu.memory_space<vmem>>) dst(%dma_wait3A_23 : memref<128x128xf32, #tpu.memory_space<hbm>>)
    %add3A_24 = arith.constant 25472 : i32
    %add3A_25 = arith.addi %mul3A_2, %add3A_24 : i32
    %dma_wait3A_26 = arith.constant 0 : i32
    %dma_wait3A_27 = tpu.memref_slice %arg4[%add3A_25, %dma_wait3A_26] : memref<819200x128xf32, #tpu.memory_space<hbm>> -> memref<128x128xf32, #tpu.memory_space<hbm>>
    %dma_wait3A_28 = arith.constant 0 : i32
    %dma_wait3A_29 = tpu.memref_slice %arg4[%add3A_25, %dma_wait3A_28] : memref<819200x128xf32, #tpu.memory_space<hbm>> -> memref<128x128xf32, #tpu.memory_space<hbm>>
    tpu.wait_dma2 semaphore(%arg15 : memref<!tpu.dma_semaphore, #tpu.memory_space<semaphore_mem>>) src(%arg9 : memref<128x128xf32, #tpu.memory_space<vmem>>) dst(%dma_wait3A_29 : memref<128x128xf32, #tpu.memory_space<hbm>>)
    return
  }
}

</mosaic_0001>

<sc_bundles>
// kernel: kernel.3.cloned.1.call-start
scs
__scs_entry_jumppad:
0x0: {  	(pc) =	sbr.rel $0x88, $3  }
0x1: {  	(tag) =	ssettag $0x0;
	lr =	simm.s32 $0x1  }
0x2: {  	[smem:$0x3F9F] =	sst lr;
	_ =	strace $0xD0000000  }
0x3: {  	_ = 	snop  }
0x4: {  	_ = 	snop  }
0x5: {  	_ = 	snop  }
0x6: {  	_ = 	snop  }
0x7: {  	_ = 	snop  }
__scs_overlays_trampoline_lowered:
0x8: {  	[smem:$0x3FAE] =	sst s0  }
0x9: {  	[smem:$0x3FAF] =	sst s1  }
0xa: {  	[smem:$0x3FB0] =	sst s2  }
0xb: {  	[smem:$0x3FB1] =	sst s3  }
0xc: {  	[smem:$0x3FB2] =	sst s4  }
0xd: {  	[smem:$0x3FB3] =	sst s5  }
0xe: {  	[smem:$0x3FB4] =	sst s6  }
0xf: {  	[smem:$0x3FB5] =	sst s7  }
0x10: {  	[smem:$0x3FB6] =	sst s8  }
0x11: {  	[smem:$0x3FB7] =	sst s9;
	s0 =	simm.s32 @!p0 $0x0  }
0x12: {  	s1 =	sld [smem:$0x3F9D];
	s0 =	simm.s32 @p0 $0x1  }
0x13: {  	[smem:$0x3FB8] =	sst s0;
	s0 =	simm.s32 @!p1 $0x0  }
0x14: {  	s2 =	sld [smem:$0x3F9C];
	s0 =	simm.s32 @p1 $0x1  }
0x15: {  	[smem:$0x3FB9] =	sst s0;
	s0 =	simm.s32 @!p2 $0x0  }
0x16: {  	s3 =	sld [smem:$0x3FDB];
	s0 =	simm.s32 @p2 $0x1  }
0x17: {  	s4 =	simm.s32 $0x1BF5;
	[smem:$0x3FBB] =	sst s0  }
0x18: {  	s0 =	sld [smem:$0x3F9E];
	_ =	swait.ge [sflag:s4], $0x0  }
0x19: {  	s7 =	sld [smem:$0x3F9F]  }
0x1a: {  	s8 =	sadd.s32 $0xFFFFE003, lr  }
0x1b: {  	s9 =	sadd.s32 $0xFFFFFEF7, lr;
	s5 =	simm.s32 $0xFFFFFFFF;
	p2 =	slt.u32 s8, $0xFFFFF086  }
0x1c: {  	p1 =	slt.u32 s9, $0xF7A;
	s5 =	simm.s32 @!p2 $0x0  }
0x1d: {  	s5 =	simm.s32 @p1 $0x1;
	p0 =	seq.s32 s7, s2  }
0x1e: {  	s7 =	smul.u32 @!p0 $0xF7A, s2;
	p2 =	seq.s32 @!p0 s5, $0x0  }
0x1f: {  	s9 =	smul.u32 $0xF7A, s1;
	s8 =	simm.s32 @!p0 $0x1BF5;
	p2 =	por !p2, p0  }
0x20: {  	[sflag:s8] =	ssyncset.s32 @!p0 $0xFFFFF086;
	s6 =	sadd.s32 @!p0 s3, s7;
	s7 =	simm.s32 @!p0 $0x108  }
0x21: {  	s3 =	sadd.s32 s3, s9;
	s6 =	sadd.s32 @!p0 $0x88, s6;
	s7 =	simm.s32 @p2 $0x1082  }
0x22: {  	[simem:s7], [sflag:s8] =	dma.local @!p0 [hbm:s6], $0xF7A  }
0x23: {  	s9 =	sor.u32 $0xD0000000, s2;
	s6 =	simm.s32 $0x108;
	_ =	swait.ge @!p0 [sflag:s8], $0x0  }
0x24: {  	s3 =	sadd.s32 $0x88, s3;
	s6 =	simm.s32 @!p1 $0x1082;
	[sflag:s4] =	ssyncset.s32 $0xFFFFF086  }
0x25: {  	[simem:s6], [sflag:s4] =	dma.local [hbm:s3], $0xF7A  }
0x26: {  	[smem:$0x3F9F] =	sst s1;
	(tag) =	ssettag s2;
	_ =	strace s9  }
0x27: {  	s1 =	sld [smem:$0x3FAF]  }
0x28: {  	s2 =	sld [smem:$0x3FB0]  }
0x29: {  	s4 =	sld [smem:$0x3FB2]  }
0x2a: {  	p0 =	seq.s32 s5, $0x0;
	s5 =	sld [smem:$0x3FB3]  }
0x2b: {  	s6 =	sld [smem:$0x3FB4]  }
0x2c: {  	s7 =	sld [smem:$0x3FB5]  }
0x2d: {  	s3 =	simm.s32 $0x108;
	s8 =	sld [smem:$0x3FB6]  }
0x2e: {  	s3 =	simm.s32 @!p0 $0x1082;
	s9 =	sld [smem:$0x3FB7]  }
0x2f: {  	lr =	sadd.s32 s0, s3;
	s0 =	sld [smem:$0x3FAE]  }
0x30: {  	s3 =	sld [smem:$0x3FB1]  }
0x31: {  	[smem:$0x3FBA] =	sst s10  }
0x32: {  	s10 =	sld [smem:$0x3FB8];
	_ =	sdelay $0x3  }
0x33: {  	p0 =	seq.s32 s10, $0x1;
	s10 =	sld [smem:$0x3FBA];
	_ =	sdelay $0x3  }
0x34: {  	[smem:$0x3FBA] =	sst s10  }
0x35: {  	s10 =	sld [smem:$0x3FB9];
	_ =	sdelay $0x3  }
0x36: {  	p1 =	seq.s32 s10, $0x1;
	s10 =	sld [smem:$0x3FBA];
	_ =	sdelay $0x3  }
0x37: {  	[smem:$0x3FBA] =	sst s10  }
0x38: {  	s10 =	sld [smem:$0x3FBB]  }
0x39: {  	_ = 	snop;
	(pc) =	sbr.ind lr, $3  }
0x3a: {  	_ = 	snop  }
0x3b: {  	_ = 	snop  }
0x3c: {  	p2 =	seq.s32 s10, $0x1;
	s10 =	sld [smem:$0x3FBA]  }
0x3d: {  	_ =	shalt  }
0x3e: {  	_ =	shalt  }
0x3f: {  	_ =	shalt  }
0x40: {  	_ =	shalt  }
0x41: {  	_ =	shalt  }
0x42: {  	_ =	shalt  }
0x43: {  	_ =	shalt  }
0x44: {  	_ =	shalt  }
0x45: {  	_ =	shalt  }
0x46: {  	_ =	shalt  }
0x47: {  	_ =	shalt  }
0x48: {  	_ =	shalt  }
0x49: {  	_ =	shalt  }
0x4a: {  	_ =	shalt  }
0x4b: {  	_ =	shalt  }
0x4c: {  	_ =	shalt  }
0x4d: {  	_ =	shalt  }
0x4e: {  	_ =	shalt  }
0x4f: {  	_ =	shalt  }
0x50: {  	_ =	shalt  }
0x51: {  	_ =	shalt  }
0x52: {  	_ =	shalt  }
0x53: {  	_ =	shalt  }
0x54: {  	_ =	shalt  }
0x55: {  	_ =	shalt  }
0x56: {  	_ =	shalt  }
0x57: {  	_ =	shalt  }
0x58: {  	_ =	shalt  }
0x59: {  	_ =	shalt  }
0x5a: {  	_ =	shalt  }
0x5b: {  	_ =	shalt  }
0x5c: {  	_ =	shalt  }
0x5d: {  	_ =	shalt  }
0x5e: {  	_ =	shalt  }
0x5f: {  	_ =	shalt  }
0x60: {  	_ =	shalt  }
0x61: {  	_ =	shalt  }
0x62: {  	_ =	shalt  }
0x63: {  	_ =	shalt  }
0x64: {  	_ =	shalt  }
0x65: {  	_ =	shalt  }
0x66: {  	_ =	shalt  }
0x67: {  	_ =	shalt  }
0x68: {  	_ =	shalt  }
0x69: {  	_ =	shalt  }
0x6a: {  	_ =	shalt  }
0x6b: {  	_ =	shalt  }
0x6c: {  	_ =	shalt  }
0x6d: {  	_ =	shalt  }
0x6e: {  	_ =	shalt  }
0x6f: {  	_ =	shalt  }
0x70: {  	_ =	shalt  }
0x71: {  	_ =	shalt  }
0x72: {  	_ =	shalt  }
0x73: {  	_ =	shalt  }
0x74: {  	_ =	shalt  }
0x75: {  	_ =	shalt  }
0x76: {  	_ =	shalt  }
0x77: {  	_ =	shalt  }
0x78: {  	_ =	shalt  }
0x79: {  	_ =	shalt  }
0x7a: {  	_ =	shalt  }
0x7b: {  	_ =	shalt  }
0x7c: {  	_ =	shalt  }
0x7d: {  	_ =	shalt  }
0x7e: {  	_ =	shalt  }
0x7f: {  	_ =	shalt  }
0x80: {  	_ =	shalt  }
0x81: {  	_ =	shalt  }
0x82: {  	_ =	shalt  }
0x83: {  	_ =	shalt  }
0x84: {  	_ =	shalt  }
0x85: {  	_ =	shalt  }
0x86: {  	_ =	shalt  }
0x87: {  	_ =	shalt  }
.Lfunc_end0:
.L_simem_size_0:
called_computation_lowered:
.L_overlay_start_0:
0x88: {  	s2 =	sld [smem:$0x3FD9]  }
0x89: {  	s3 =	sld [smem:$0x3FFE];
	_ =	sdelay $0x1  }
0x8a: {  	s1 =	srdreg.scid  }
0x8b: {  	s0 =	sand.u32 $0x1, s1  }
0x8c: {  	s17 =	sshll.u32 s0, $0xA;
	s2 =	sadd.s32 s3, s2  }
0x8d: {  	s2 =	sadd.s32 s2, s17  }
0x8e: {  	[smem:$0x3FC6] =	sst s2  }
0x8f: {  	_ = 	snop  }
0x90: {  	s2 =	sld [smem:$0x3FD0];
	(tm) =	ssettm $0x1  }
0x91: {  	s18 =	sld [smem:$0x3FFB];
	_ =	sdelay $0x3  }
0x92: {  	_ =	strace s18  }
0x93: {  	s3 =	sld [smem:$0x3FFC];
	_ =	sdelay $0x3  }
0x94: {  	_ =	strace s3  }
0x95: {  	s3 =	sld [smem:$0x3FFD];
	_ =	sdelay $0x3  }
0x96: {  	_ =	strace s3  }
0x97: {  	_ =	strace $0x8FFFFFFF  }
0x98: {  	s19 =	sld [smem:$0x3FDB];
	_ =	sdelay $0x1  }
0x99: {  	s4 =	simm.s32 $_scs_section_size  }
0x9a: {  	s5 =	simm.s32 $_size__tile_overlayer_lowered;
	s6 =	simm.s32 $_tile_overlayer_lowered  }
0x9b: {  	s22 =	simm.s32 $0x1BFF;
	s21 =	sshll.u32 s6, $0x1;
	s3 =	sadd.s32 s4, s19  }
0x9c: {  	s7 =	simm.s32 $0x0;
	s20 =	sshll.u32 s5, $0x1;
	s5 =	sadd.s32 s21, s3  }
0x9d: {  	[timem:s7], [sflag:s22] =	dma.local [hbm:s5], s20  }
0x9e: {  	_ =	swait.ge [sflag:s22], s20  }
0x9f: {  	s4 =	ssub.s32 $0x0, s20;
	[sflag:s22] =	ssyncset.done $0x0  }
0xa0: {  	[sflag:s22] =	ssyncadd.s32 s4;
	_ =	sdelay $0x1  }
0xa1: {  	s23 =	simm.s32 $0x1B8B  }
0xa2: {  	_ =	swait.ge [sflag:s23], $0x1  }
0xa3: {  	[sflag:s23] =	ssyncset.done $0x0  }
0xa4: {  	s25 =	simm.s32 $0x1B8E;
	s24 =	sld [smem:$0x3FFE];
	[sflag:s23] =	ssyncadd.s32 $0xFFFFFFFF  }
0xa5: {  	s26 =	simm.s32 $execute0_lowered;
	[smem:$0x3FD2] =	sst s25  }
0xa6: {  	s5 =	sshll.u32 s26, $0x1;
	_ =	strace $0x80000046;
	[dreg:$0x1] =	wrdreg $0xFFFFFFFF  }
0xa7: {  	s28 =	simm.s32 $_size_execute0_lowered;
	s3 =	sadd.s32 s3, s5;
	[dreg:$0x0] =	wrdreg $0x0  }
0xa8: {  	s5 =	sshll.u32 s28, $0x1;
	[dreg:$0x2] =	wrdreg s3  }
0xa9: {  	[dreg:$0x3] =	wrdreg s5  }
0xaa: {  	[dreg:$0x4] =	wrdreg $0xC0  }
0xab: {  	_ =	task [dreg:s7], $0x5FFFF  }
0xac: {  	[dreg:$0x1] =	wrdreg $0xFFFFFFFF  }
0xad: {  	[dreg:$0x0] =	wrdreg $0x60  }
0xae: {  	[dreg:$0x2] =	wrdreg s24  }
0xaf: {  	[dreg:$0x3] =	wrdreg s2  }
0xb0: {  	[dreg:$0x4] =	wrdreg $0x9  }
0xb1: {  	_ =	task.clear_ibuf [dreg:s7], $0x5FFFF;
	_ =	strace $0x90000046  }
0xb2: {  	s29 =	simm.s32 $0x9;
	_ =	strace $0x80000048  }
0xb3: {  	_ =	swait.ge [sflag:s29], $0x1  }
0xb4: {  	[sflag:s29] =	ssyncadd.s32 $0xFFFFFFFF  }
0xb5: {  	_ =	strace $0x90000048  }
0xb6: {  	_ =	sfence  }
0xb7: {  	s30 =	sld [smem:$0x0];
	_ =	sdelay $0x2  }
0xb8: {  	s31 =	sshll.u32 s1, $0xD;
	s1 =	sshrl.u32 s1, $0x2  }
0xb9: {  	s3 =	sand.u32 $0x4000, s31;
	s1 =	sadd.s32 s1, s30  }
0xba: {  	s0 =	sor.u32 s3, s0;
	s1 =	sshll.u32 s1, $0x11  }
0xbb: {  	s0 =	sor.u32 s1, s0  }
0xbc: {  	s0 =	sadd.s32 $0x8F2B, s0  }
0xbd: {  	[sflag:s0] =	ssyncadd.remote.s32 $0x1  }
0xbe: {  	_ =	sfence.sel $0xFFFF  }
0xbf: {  	[dreg:$0x0] =	wrdreg $0xFFFFFFFF;
	(pc) =	sbr.abs _section_cstart, $3  }
0xc0: {  	[dreg:$0x1] =	wrdreg $0xFFFFFFFF  }
0xc1: {  	_ =	task.clear_ibuf [dreg:s7], $0x2FFFF;
	_ =	strace $0x9FFFFFFF  }
0xc2: {  	(tm) =	ssettm $0x7FFFFFFF  }
0xc3: {  	_ =	shalt  }
tec
execute0_lowered:
.L_overlay_start_1:
0x0: {  	(tag) =	ssettag $0x1  }
0x1: {  	s0 =	rddreg [dreg:$0x0]  }
0x2: {  	s1 =	srdreg.scid;
	s3 =	stileid.u32  }
0x3: {  	s2 =	rddreg [dreg:$0x1];
	s14 =	simm.s32 $0xFA00;
	s15 =	simm.s32 $0x13A00  }
0x4: {  	s16 =	simm.s32 $0x1;
	s17 =	simm.s32 $0x17A00;
	s18 =	simm.s32 $0x2  }
0x5: {  	s19 =	simm.s32 $0x1BA00;
	s1 =	sand.u32 $0x1, s1;
	s4 =	sshll.u32 s3, $0x1  }
0x6: {  	s22 =	simm.s32 $0x0;
	s3 =	simm.s32 $0x0;
	s5 =	sor.u32 s1, s4  }
0x7: {  	[smem:$0x7FF] =	sst s3;
	s4 =	sadd.s32 $0x2400, s0;
	s7 =	smul.u32 $0x64000, s5  }
0x8: {  	s1 =	ssub.s32 $0x2, s1;
	s0 =	sadd.s32 $0x400, s0;
	s6 =	smul.u32 $0x320000, s5  }
.Ltmp0:
0x9: {  	_ =	strace $0x80000047;
	s8 =	sshrl.u32 s1, $0x1;
	(pc) =	sbr.rel .LBB2_1-.Ltmp0, $4  }
0xa: {  	[dreg:$0x4] =	wrdreg s0;
	s29 =	ssub.s32 s1, s8;
	s9 =	sadd.s32 s4, s7  }
0xb: {  	s10 =	sor.u32 $0xC000, s6;
	s0 =	smax.u32 s29, $0x1;
	[dreg:$0x3] =	wrdreg s9  }
0xc: {  	v0 =	vlaneseq.u32;
	s31 =	sadd.s32 s7, s2;
	s30 =	sadd.s32 $0x800, s9;
	[dreg:$0x6] =	wrdreg s0  }
0xd: {  	v0 =	vmul.u32 $0x80, v0;
	s9 =	sor.u32 $0x8000, s6;
	s12 =	sadd.s32 $0x800, s31;
	[dreg:$0x5] =	wrdreg s30  }
.LBB2_12:
0xe: {  	s0 =	simm.s32 $0x3  }
0xf: {  	_ =	swait.ge [sflag:s0], $0x4000  }
0x10: {  	[sflag:s0] =	ssyncset.done $0x0  }
0x11: {  	s1 =	simm.s32 $0x4;
	[sflag:s0] =	ssyncadd.s32 $0xFFFFC000  }
0x12: {  	_ =	swait.ge [sflag:s1], $0x4000  }
0x13: {  	s22 =	sadd.s32 $0x1, s22;
	s31 =	rddreg [dreg:$0x6]  }
0x14: {  	p0 =	sne.s32 s22, s31  }
.Ltmp1:
0x15: {  	_ = 	snop;
	(pc) =	sbr.rel @!p0 .LBB2_13-.Ltmp1, $3  }
0x16: {  	_ =	sdelay $0x1  }
0x17: {  	[sflag:s1] =	ssyncset.done $0x0  }
0x18: {  	[sflag:s1] =	ssyncadd.s32 $0xFFFFC000  }
.LBB2_1:
0x19: {  	s0 =	rddreg [dreg:$0x4];
	s29 =	simm.s32 $0x5  }
0x1a: {  	[tilespmem:s3], [sflag:$0x5] =	stream.linear.gather [hbm4b:s0+s3], $0xFA00, $0x38;
	[tilespmem:$0x1FB00] =	vst v63  }
0x1b: {  	_ =	swait.ge [sflag:s29], $0xFA00  }
0x1c: {  	[sflag:s29] =	ssyncset.done $0x0  }
0x1d: {  	s30 =	rddreg [dreg:$0x3];
	[sflag:s29] =	ssyncadd.s32 $0xFFFF0600  }
0x1e: {  	[tilespmem:s14], [sflag:$0x1] =	stream.linear.gather [hbm4b:s30+s3], $0x4000, $0x38;
	[tilespmem:$0x1FB00] =	vst v63  }
0x1f: {  	s23 =	simm.s32 $0x0;
	s31 =	rddreg [dreg:$0x5]  }
0x20: {  	[tilespmem:s15], [sflag:$0x2] =	stream.linear.gather [hbm4b:s31+s3], $0x4000, $0x38;
	[tilespmem:$0x1FB00] =	vst v63  }
.LBB2_2:
0x21: {  	s0 =	simm.s32 $0x0  }
0x22: {  	v1 =	vmov s0  }
0x23: {  	v1 =	vshll.u32 v1, $0x7  }
0x24: {  	v1 =	vor.u32 v0, v1;
	_ =	sdelay $0x1  }
0x25: {  	_ =	swait.ge [sflag:s16], $0x4000  }
0x26: {  	[sflag:s16] =	ssyncset.done $0x0  }
0x27: {  	[sflag:s16] =	ssyncadd.s32 $0xFFFFC000  }
0x28: {  	s30 =	simm.s32 $0x10;
	v1 =	vld.idx.msk [tilespmem:v1+s14+$0x0], $0xffff  }
0x29: {  	v2 =	vmov s30  }
0x2a: {  	v2 =	vshll.u32 v2, $0x7  }
0x2b: {  	v2 =	vor.u32 v0, v2;
	_ =	sdelay $0x1  }
0x2c: {  	s31 =	simm.s32 $0x20;
	v1 =	vtrunc.f32 v1  }
0x2d: {  	v3 =	vmov s31;
	v1 =	vcvt.f32.s32 v1  }
0x2e: {  	v3 =	vshll.u32 v3, $0x7  }
0x2f: {  	v4 =	vshll.u32 v1, $0x6;
	v1 =	vld.idx.msk [tilespmem:v2+s14+$0x0], $0xffff;
	v2 =	vor.u32 v0, v3;
	_ =	sdelay $0x1  }
0x30: {  	s0 =	simm.s32 $0x1FA00  }
0x31: {  	s1 =	simm.s32 $0x30;
	[tilespmem:s0+$0x0] =	vst v4  }
.LBB2_3:
0x32: {  	v3 =	vmov s1;
	p0 =	sne.s32 s1, $0x70;
	s1 =	sadd.s32 $0x10, s1  }
.Ltmp2:
0x33: {  	v4 =	vtrunc.f32 v1;
	v3 =	vshll.u32 v3, $0x7;
	v1 =	vld.idx.msk [tilespmem:v2+s14+$0x0], $0xffff;
	(pc) =	sbr.rel @p0 .LBB2_3-.Ltmp2, $3  }
0x34: {  	v2 =	vor.u32 v0, v3;
	v3 =	vcvt.f32.s32 v4;
	_ =	sdelay $0x1  }
0x35: {  	s0 =	sadd.s32 $0x10, s0;
	v3 =	vshll.u32 v3, $0x6  }
0x36: {  	[tilespmem:s0+$0x0] =	vst v3  }
0x37: {  	_ =	sdelay $0x3  }
0x38: {  	v2 =	vld.idx.msk [tilespmem:v2+s14+$0x0], $0xffff;
	_ =	sdelay $0x3  }
0x39: {  	v1 =	vtrunc.f32 v1  }
0x3a: {  	v1 =	vcvt.f32.s32 v1;
	v2 =	vtrunc.f32 v2  }
0x3b: {  	v2 =	vcvt.f32.s32 v2  }
0x3c: {  	s0 =	sadd.s32 $0x10, s0;
	v1 =	vshll.u32 v1, $0x6  }
0x3d: {  	p0 =	seq.s32 s23, $0x0;
	[tilespmem:s0+$0x0] =	vst v1;
	s0 =	sadd.s32 $0x10, s0;
	v1 =	vshll.u32 v2, $0x6  }
0x3e: {  	[tilespmem:s0+$0x0] =	vst v1;
	s0 =	simm.s32 @!p0 $0x3  }
0x3f: {  	_ =	swait.ge @!p0 [sflag:s0], $0x4000  }
0x40: {  	[sflag:s0] =	ssyncset.done @!p0 $0x0  }
0x41: {  	s24 =	sshll.u32 s23, $0xF;
	s25 =	simm.s32 $0x0;
	[sflag:s0] =	ssyncadd.s32 @!p0 $0xFFFFC000  }
.LBB2_5:
0x42: {  	s0 =	sshll.u32 s25, $0x4  }
0x43: {  	s1 =	sand.u32 $0x3FFFFFF0, s0  }
0x44: {  	v2 =	vld [tilespmem:s1+$0x1FA00];
	_ =	sdelay $0x4  }
0x45: {  	(v2sf) =	vpush v2, $0x0;
	_ =	sdelay $0xe  }
0x46: {  	s8 =	spop (v2sf)  }
0x47: {  	v1 =	vld [tilespmem:s8+$0x0];
	_ =	sdelay $0x3  }
0x48: {  	s26 =	sshll.u32 s25, $0xB  }
0x49: {  	[tilespmem:s26+$0x17A00] =	vst v1  }
0x4a: {  	v1 =	vld [tilespmem:s8+$0x10];
	_ =	sdelay $0x1  }
0x4b: {  	(v2sf) =	vpush v2, $0x1;
	_ =	sdelay $0x2  }
0x4c: {  	[tilespmem:s26+$0x17A10] =	vst v1  }
0x4d: {  	v1 =	vld [tilespmem:s8+$0x20];
	_ =	sdelay $0x1  }
0x4e: {  	v3 =	vld [tilespmem:s26+$0xFA01]  }
0x4f: {  	v4 =	vld [tilespmem:s26+$0xFA11]  }
0x50: {  	v5 =	vld [tilespmem:s26+$0xFA21]  }
0x51: {  	v6 =	vld [tilespmem:s26+$0xFA31];
	[tilespmem:s26+$0x17A20] =	vst v1  }
0x52: {  	v1 =	vld [tilespmem:s8+$0x30]  }
0x53: {  	[tilespmem:s26+$0x17A40] =	vst v3  }
0x54: {  	[tilespmem:s26+$0x17A50] =	vst v4  }
0x55: {  	[tilespmem:s26+$0x17A60] =	vst v5  }
0x56: {  	[tilespmem:s26+$0x17A70] =	vst v6  }
0x57: {  	s11 =	spop (v2sf);
	[tilespmem:s26+$0x17A30] =	vst v1  }
0x58: {  	v1 =	vld [tilespmem:s11+$0x0];
	_ =	sdelay $0x4  }
0x59: {  	[tilespmem:s26+$0x17A80] =	vst v1  }
0x5a: {  	v1 =	vld [tilespmem:s11+$0x10];
	_ =	sdelay $0x1  }
0x5b: {  	(v2sf) =	vpush v2, $0x2;
	_ =	sdelay $0x2  }
0x5c: {  	[tilespmem:s26+$0x17A90] =	vst v1  }
0x5d: {  	v1 =	vld [tilespmem:s11+$0x20];
	_ =	sdelay $0x1  }
0x5e: {  	v3 =	vld [tilespmem:s26+$0xFA81]  }
0x5f: {  	v30 =	vld [tilespmem:s26+$0xFA91]  }
0x60: {  	v31 =	vld [tilespmem:s26+$0xFAA1]  }
0x61: {  	v32 =	vld [tilespmem:s26+$0xFAB1];
	[tilespmem:s26+$0x17AA0] =	vst v1  }
0x62: {  	v1 =	vld [tilespmem:s11+$0x30]  }
0x63: {  	[tilespmem:s26+$0x17AC0] =	vst v3  }
0x64: {  	[tilespmem:s26+$0x17AD0] =	vst v30  }
0x65: {  	[tilespmem:s26+$0x17AE0] =	vst v31  }
0x66: {  	[tilespmem:s26+$0x17AF0] =	vst v32  }
0x67: {  	s13 =	spop (v2sf);
	[tilespmem:s26+$0x17AB0] =	vst v1  }
0x68: {  	v1 =	vld [tilespmem:s13+$0x0];
	_ =	sdelay $0x4  }
0x69: {  	[tilespmem:s26+$0x17B00] =	vst v1  }
0x6a: {  	v1 =	vld [tilespmem:s13+$0x10];
	_ =	sdelay $0x1  }
0x6b: {  	(v2sf) =	vpush v2, $0x3;
	_ =	sdelay $0x2  }
0x6c: {  	[tilespmem:s26+$0x17B10] =	vst v1  }
0x6d: {  	v1 =	vld [tilespmem:s13+$0x20];
	_ =	sdelay $0x1  }
0x6e: {  	v3 =	vld [tilespmem:s26+$0xFB01]  }
0x6f: {  	v33 =	vld [tilespmem:s26+$0xFB11]  }
0x70: {  	v34 =	vld [tilespmem:s26+$0xFB21]  }
0x71: {  	v35 =	vld [tilespmem:s26+$0xFB31];
	[tilespmem:s26+$0x17B20] =	vst v1  }
0x72: {  	v1 =	vld [tilespmem:s13+$0x30]  }
0x73: {  	[tilespmem:s26+$0x17B40] =	vst v3  }
0x74: {  	[tilespmem:s26+$0x17B50] =	vst v33  }
0x75: {  	[tilespmem:s26+$0x17B60] =	vst v34  }
0x76: {  	[tilespmem:s26+$0x17B70] =	vst v35  }
0x77: {  	s20 =	spop (v2sf);
	[tilespmem:s26+$0x17B30] =	vst v1  }
0x78: {  	v1 =	vld [tilespmem:s20+$0x0];
	_ =	sdelay $0x4  }
0x79: {  	[tilespmem:s26+$0x17B80] =	vst v1  }
0x7a: {  	v1 =	vld [tilespmem:s20+$0x10];
	_ =	sdelay $0x1  }
0x7b: {  	(v2sf) =	vpush v2, $0x4;
	_ =	sdelay $0x2  }
0x7c: {  	[tilespmem:s26+$0x17B90] =	vst v1  }
0x7d: {  	v1 =	vld [tilespmem:s20+$0x20];
	_ =	sdelay $0x1  }
0x7e: {  	v3 =	vld [tilespmem:s26+$0xFB81]  }
0x7f: {  	v36 =	vld [tilespmem:s26+$0xFB91]  }
0x80: {  	v37 =	vld [tilespmem:s26+$0xFBA1]  }
0x81: {  	v38 =	vld [tilespmem:s26+$0xFBB1];
	[tilespmem:s26+$0x17BA0] =	vst v1  }
0x82: {  	v1 =	vld [tilespmem:s20+$0x30]  }
0x83: {  	[tilespmem:s26+$0x17BC0] =	vst v3  }
0x84: {  	[tilespmem:s26+$0x17BD0] =	vst v36  }
0x85: {  	[tilespmem:s26+$0x17BE0] =	vst v37  }
0x86: {  	[tilespmem:s26+$0x17BF0] =	vst v38  }
0x87: {  	s20 =	spop (v2sf);
	[tilespmem:s26+$0x17BB0] =	vst v1  }
0x88: {  	v1 =	vld [tilespmem:s20+$0x0];
	_ =	sdelay $0x4  }
0x89: {  	[tilespmem:s26+$0x17C00] =	vst v1  }
0x8a: {  	v1 =	vld [tilespmem:s20+$0x10];
	_ =	sdelay $0x4  }
0x8b: {  	[tilespmem:s26+$0x17C10] =	vst v1  }
0x8c: {  	(v2sf) =	vpush v2, $0x5  }
0x8d: {  	(v2sf) =	vpush v2, $0x6  }
0x8e: {  	(v2sf) =	vpush v2, $0x7  }
0x8f: {  	(v2sf) =	vpush v2, $0x8  }
0x90: {  	(v2sf) =	vpush v2, $0x9  }
0x91: {  	(v2sf) =	vpush v2, $0xA  }
0x92: {  	v1 =	vld [tilespmem:s0+$0x1FA10];
	(v2sf) =	vpush v2, $0xB  }
0x93: {  	(v2sf) =	vpush v2, $0xC  }
0x94: {  	(v2sf) =	vpush v2, $0xD  }
0x95: {  	(v2sf) =	vpush v2, $0xE  }
0x96: {  	(v2sf) =	vpush v2, $0xF  }
0x97: {  	(v2sf) =	vpush v1, $0x0;
	_ =	sdelay $0x3  }
0x98: {  	s13 =	spop (v2sf)  }
0x99: {  	s5 =	spop (v2sf)  }
0x9a: {  	s11 =	spop (v2sf)  }
0x9b: {  	s8 =	spop (v2sf)  }
0x9c: {  	s7 =	spop (v2sf)  }
0x9d: {  	s0 =	spop (v2sf)  }
0x9e: {  	s1 =	spop (v2sf)  }
0x9f: {  	s31 =	spop (v2sf)  }
0xa0: {  	s30 =	spop (v2sf)  }
0xa1: {  	s29 =	spop (v2sf)  }
0xa2: {  	s28 =	spop (v2sf)  }
0xa3: {  	s21 =	spop (v2sf)  }
0xa4: {  	v2 =	vld [tilespmem:s21+$0x0];
	_ =	sdelay $0x4  }
0xa5: {  	[tilespmem:s26+$0x18200] =	vst v2  }
0xa6: {  	v2 =	vld [tilespmem:s21+$0x10];
	_ =	sdelay $0x1  }
0xa7: {  	(v2sf) =	vpush v1, $0x1;
	_ =	sdelay $0x2  }
0xa8: {  	[tilespmem:s26+$0x18210] =	vst v2  }
0xa9: {  	v2 =	vld [tilespmem:s21+$0x20];
	_ =	sdelay $0x1  }
0xaa: {  	v3 =	vld [tilespmem:s26+$0x10201]  }
0xab: {  	v39 =	vld [tilespmem:s26+$0x10211]  }
0xac: {  	v40 =	vld [tilespmem:s26+$0x10221]  }
0xad: {  	v41 =	vld [tilespmem:s26+$0x10231];
	[tilespmem:s26+$0x18220] =	vst v2  }
0xae: {  	v2 =	vld [tilespmem:s21+$0x30]  }
0xaf: {  	[tilespmem:s26+$0x18240] =	vst v3  }
0xb0: {  	[tilespmem:s26+$0x18250] =	vst v39  }
0xb1: {  	[tilespmem:s26+$0x18260] =	vst v40  }
0xb2: {  	[tilespmem:s26+$0x18270] =	vst v41  }
0xb3: {  	s21 =	spop (v2sf);
	[tilespmem:s26+$0x18230] =	vst v2  }
0xb4: {  	v2 =	vld [tilespmem:s21+$0x0];
	_ =	sdelay $0x4  }
0xb5: {  	[tilespmem:s26+$0x18280] =	vst v2  }
0xb6: {  	v2 =	vld [tilespmem:s21+$0x10];
	_ =	sdelay $0x1  }
0xb7: {  	(v2sf) =	vpush v1, $0x2;
	_ =	sdelay $0x2  }
0xb8: {  	[tilespmem:s26+$0x18290] =	vst v2  }
0xb9: {  	v2 =	vld [tilespmem:s21+$0x20];
	_ =	sdelay $0x1  }
0xba: {  	v3 =	vld [tilespmem:s26+$0x10281]  }
0xbb: {  	v42 =	vld [tilespmem:s26+$0x10291]  }
0xbc: {  	v43 =	vld [tilespmem:s26+$0x102A1]  }
0xbd: {  	v44 =	vld [tilespmem:s26+$0x102B1];
	[tilespmem:s26+$0x182A0] =	vst v2  }
0xbe: {  	v2 =	vld [tilespmem:s21+$0x30]  }
0xbf: {  	[tilespmem:s26+$0x182C0] =	vst v3  }
0xc0: {  	[tilespmem:s26+$0x182D0] =	vst v42  }
0xc1: {  	[tilespmem:s26+$0x182E0] =	vst v43  }
0xc2: {  	[tilespmem:s26+$0x182F0] =	vst v44  }
0xc3: {  	s21 =	spop (v2sf);
	[tilespmem:s26+$0x182B0] =	vst v2  }
0xc4: {  	v2 =	vld [tilespmem:s21+$0x0];
	_ =	sdelay $0x4  }
0xc5: {  	[tilespmem:s26+$0x18300] =	vst v2  }
0xc6: {  	v2 =	vld [tilespmem:s21+$0x10];
	_ =	sdelay $0x1  }
0xc7: {  	(v2sf) =	vpush v1, $0x3;
	_ =	sdelay $0x2  }
0xc8: {  	[tilespmem:s26+$0x18310] =	vst v2  }
0xc9: {  	v2 =	vld [tilespmem:s21+$0x20];
	_ =	sdelay $0x1  }
0xca: {  	v3 =	vld [tilespmem:s26+$0x10301]  }
0xcb: {  	v45 =	vld [tilespmem:s26+$0x10311]  }
0xcc: {  	v46 =	vld [tilespmem:s26+$0x10321]  }
0xcd: {  	v47 =	vld [tilespmem:s26+$0x10331];
	[tilespmem:s26+$0x18320] =	vst v2  }
0xce: {  	v2 =	vld [tilespmem:s21+$0x30]  }
0xcf: {  	[tilespmem:s26+$0x18340] =	vst v3  }
0xd0: {  	[tilespmem:s26+$0x18350] =	vst v45  }
0xd1: {  	[tilespmem:s26+$0x18360] =	vst v46  }
0xd2: {  	[tilespmem:s26+$0x18370] =	vst v47  }
0xd3: {  	s21 =	spop (v2sf);
	[tilespmem:s26+$0x18330] =	vst v2  }
0xd4: {  	v2 =	vld [tilespmem:s21+$0x0];
	_ =	sdelay $0x4  }
0xd5: {  	[tilespmem:s26+$0x18380] =	vst v2  }
0xd6: {  	v2 =	vld [tilespmem:s21+$0x10];
	_ =	sdelay $0x1  }
0xd7: {  	(v2sf) =	vpush v1, $0x4;
	_ =	sdelay $0x2  }
0xd8: {  	[tilespmem:s26+$0x18390] =	vst v2  }
0xd9: {  	v2 =	vld [tilespmem:s21+$0x20];
	_ =	sdelay $0x1  }
0xda: {  	v3 =	vld [tilespmem:s26+$0x10381]  }
0xdb: {  	v48 =	vld [tilespmem:s26+$0x10391]  }
0xdc: {  	v49 =	vld [tilespmem:s26+$0x103A1]  }
0xdd: {  	v50 =	vld [tilespmem:s26+$0x103B1];
	[tilespmem:s26+$0x183A0] =	vst v2  }
0xde: {  	v2 =	vld [tilespmem:s21+$0x30]  }
0xdf: {  	[tilespmem:s26+$0x183C0] =	vst v3  }
0xe0: {  	[tilespmem:s26+$0x183D0] =	vst v48  }
0xe1: {  	[tilespmem:s26+$0x183E0] =	vst v49  }
0xe2: {  	[tilespmem:s26+$0x183F0] =	vst v50  }
0xe3: {  	s21 =	spop (v2sf);
	[tilespmem:s26+$0x183B0] =	vst v2  }
0xe4: {  	v2 =	vld [tilespmem:s21+$0x0];
	_ =	sdelay $0x4  }
0xe5: {  	[tilespmem:s26+$0x18400] =	vst v2  }
0xe6: {  	v2 =	vld [tilespmem:s21+$0x10]  }
0xe7: {  	v3 =	vld [tilespmem:s20+$0x20];
	_ =	sdelay $0x3  }
0xe8: {  	[tilespmem:s26+$0x18410] =	vst v2  }
0xe9: {  	(v2sf) =	vpush v1, $0x5;
	[tilespmem:s26+$0x17C20] =	vst v3;
	v2 =	vld [tilespmem:s21+$0x20]  }
0xea: {  	v3 =	vld [tilespmem:s20+$0x30]  }
0xeb: {  	v51 =	vld [tilespmem:s26+$0xFC01]  }
0xec: {  	v52 =	vld [tilespmem:s26+$0xFC11]  }
0xed: {  	v53 =	vld [tilespmem:s26+$0xFC21]  }
0xee: {  	[tilespmem:s26+$0x18420] =	vst v2;
	v2 =	vld [tilespmem:s26+$0xFC31]  }
0xef: {  	[tilespmem:s26+$0x17C30] =	vst v3;
	v3 =	vld [tilespmem:s21+$0x30]  }
0xf0: {  	v54 =	vld [tilespmem:s26+$0x10401];
	[tilespmem:s26+$0x17C40] =	vst v51  }
0xf1: {  	v55 =	vld [tilespmem:s26+$0x10411];
	[tilespmem:s26+$0x17C50] =	vst v52  }
0xf2: {  	v56 =	vld [tilespmem:s26+$0x10421];
	[tilespmem:s26+$0x17C60] =	vst v53  }
0xf3: {  	[tilespmem:s26+$0x17C70] =	vst v2;
	v2 =	vld [tilespmem:s26+$0x10431]  }
0xf4: {  	[tilespmem:s26+$0x18430] =	vst v3;
	v3 =	vld [tilespmem:s13+$0x0]  }
0xf5: {  	[tilespmem:s26+$0x18440] =	vst v54  }
0xf6: {  	[tilespmem:s26+$0x18450] =	vst v55  }
0xf7: {  	[tilespmem:s26+$0x18460] =	vst v56  }
0xf8: {  	s21 =	spop (v2sf);
	[tilespmem:s26+$0x18470] =	vst v2  }
0xf9: {  	[tilespmem:s26+$0x17C80] =	vst v3;
	v2 =	vld [tilespmem:s21+$0x0]  }
0xfa: {  	v3 =	vld [tilespmem:s13+$0x10];
	_ =	sdelay $0x3  }
0xfb: {  	[tilespmem:s26+$0x18480] =	vst v2  }
0xfc: {  	[tilespmem:s26+$0x17C90] =	vst v3;
	v2 =	vld [tilespmem:s21+$0x10]  }
0xfd: {  	v3 =	vld [tilespmem:s13+$0x20];
	_ =	sdelay $0x3  }
0xfe: {  	[tilespmem:s26+$0x18490] =	vst v2  }
0xff: {  	(v2sf) =	vpush v1, $0x6;
	[tilespmem:s26+$0x17CA0] =	vst v3;
	v2 =	vld [tilespmem:s21+$0x20]  }
0x100: {  	v3 =	vld [tilespmem:s13+$0x30]  }
0x101: {  	v57 =	vld [tilespmem:s26+$0xFC81]  }
0x102: {  	v58 =	vld [tilespmem:s26+$0xFC91]  }
0x103: {  	v59 =	vld [tilespmem:s26+$0xFCA1]  }
0x104: {  	[tilespmem:s26+$0x184A0] =	vst v2;
	v2 =	vld [tilespmem:s26+$0xFCB1]  }
0x105: {  	[tilespmem:s26+$0x17CB0] =	vst v3;
	v3 =	vld [tilespmem:s21+$0x30]  }
0x106: {  	v60 =	vld [tilespmem:s26+$0x10481];
	[tilespmem:s26+$0x17CC0] =	vst v57  }
0x107: {  	v61 =	vld [tilespmem:s26+$0x10491];
	[tilespmem:s26+$0x17CD0] =	vst v58  }
0x108: {  	v62 =	vld [tilespmem:s26+$0x104A1];
	[tilespmem:s26+$0x17CE0] =	vst v59  }
0x109: {  	[tilespmem:s26+$0x17CF0] =	vst v2;
	v2 =	vld [tilespmem:s26+$0x104B1]  }
0x10a: {  	[tilespmem:s26+$0x184B0] =	vst v3;
	v3 =	vld [tilespmem:s5+$0x0]  }
0x10b: {  	[tilespmem:s26+$0x184C0] =	vst v60  }
0x10c: {  	[tilespmem:s26+$0x184D0] =	vst v61  }
0x10d: {  	[tilespmem:s26+$0x184E0] =	vst v62  }
0x10e: {  	s21 =	spop (v2sf);
	[tilespmem:s26+$0x184F0] =	vst v2  }
0x10f: {  	[tilespmem:s26+$0x17D00] =	vst v3;
	v2 =	vld [tilespmem:s21+$0x0]  }
0x110: {  	v3 =	vld [tilespmem:s5+$0x10];
	_ =	sdelay $0x3  }
0x111: {  	[tilespmem:s26+$0x18500] =	vst v2  }
0x112: {  	[tilespmem:s26+$0x17D10] =	vst v3;
	v2 =	vld [tilespmem:s21+$0x10]  }
0x113: {  	v3 =	vld [tilespmem:s5+$0x20];
	_ =	sdelay $0x3  }
0x114: {  	[tilespmem:s26+$0x18510] =	vst v2  }
0x115: {  	(v2sf) =	vpush v1, $0x7;
	[tilespmem:s26+$0x17D20] =	vst v3;
	v2 =	vld [tilespmem:s21+$0x20]  }
0x116: {  	v3 =	vld [tilespmem:s5+$0x30]  }
0x117: {  	v63 =	vld [tilespmem:s26+$0xFD01]  }
0x118: {  	v9 =	vld [tilespmem:s26+$0xFD11]  }
0x119: {  	v10 =	vld [tilespmem:s26+$0xFD21]  }
0x11a: {  	[tilespmem:s26+$0x18520] =	vst v2;
	v2 =	vld [tilespmem:s26+$0xFD31]  }
0x11b: {  	[tilespmem:s26+$0x17D30] =	vst v3;
	v3 =	vld [tilespmem:s21+$0x30]  }
0x11c: {  	v11 =	vld [tilespmem:s26+$0x10501];
	[tilespmem:s26+$0x17D40] =	vst v63  }
0x11d: {  	v12 =	vld [tilespmem:s26+$0x10511];
	[tilespmem:s26+$0x17D50] =	vst v9  }
0x11e: {  	v13 =	vld [tilespmem:s26+$0x10521];
	[tilespmem:s26+$0x17D60] =	vst v10  }
0x11f: {  	[tilespmem:s26+$0x17D70] =	vst v2;
	v2 =	vld [tilespmem:s26+$0x10531]  }
0x120: {  	[tilespmem:s26+$0x18530] =	vst v3;
	v3 =	vld [tilespmem:s11+$0x0]  }
0x121: {  	[tilespmem:s26+$0x18540] =	vst v11  }
0x122: {  	[tilespmem:s26+$0x18550] =	vst v12  }
0x123: {  	[tilespmem:s26+$0x18560] =	vst v13  }
0x124: {  	s13 =	spop (v2sf);
	[tilespmem:s26+$0x18570] =	vst v2  }
0x125: {  	[tilespmem:s26+$0x17D80] =	vst v3;
	v2 =	vld [tilespmem:s13+$0x0]  }
0x126: {  	v3 =	vld [tilespmem:s11+$0x10];
	_ =	sdelay $0x3  }
0x127: {  	[tilespmem:s26+$0x18580] =	vst v2  }
0x128: {  	[tilespmem:s26+$0x17D90] =	vst v3;
	v2 =	vld [tilespmem:s13+$0x10]  }
0x129: {  	v3 =	vld [tilespmem:s11+$0x20];
	_ =	sdelay $0x3  }
0x12a: {  	[tilespmem:s26+$0x18590] =	vst v2  }
0x12b: {  	(v2sf) =	vpush v1, $0x8;
	[tilespmem:s26+$0x17DA0] =	vst v3;
	v2 =	vld [tilespmem:s13+$0x20]  }
0x12c: {  	v3 =	vld [tilespmem:s11+$0x30]  }
0x12d: {  	v14 =	vld [tilespmem:s26+$0xFD81]  }
0x12e: {  	v15 =	vld [tilespmem:s26+$0xFD91]  }
0x12f: {  	v16 =	vld [tilespmem:s26+$0xFDA1]  }
0x130: {  	[tilespmem:s26+$0x185A0] =	vst v2;
	v2 =	vld [tilespmem:s26+$0xFDB1]  }
0x131: {  	[tilespmem:s26+$0x17DB0] =	vst v3;
	v3 =	vld [tilespmem:s13+$0x30]  }
0x132: {  	v17 =	vld [tilespmem:s26+$0x10581];
	[tilespmem:s26+$0x17DC0] =	vst v14  }
0x133: {  	v18 =	vld [tilespmem:s26+$0x10591];
	[tilespmem:s26+$0x17DD0] =	vst v15  }
0x134: {  	v19 =	vld [tilespmem:s26+$0x105A1];
	[tilespmem:s26+$0x17DE0] =	vst v16  }
0x135: {  	[tilespmem:s26+$0x17DF0] =	vst v2;
	v2 =	vld [tilespmem:s26+$0x105B1]  }
0x136: {  	[tilespmem:s26+$0x185B0] =	vst v3;
	v3 =	vld [tilespmem:s8+$0x0]  }
0x137: {  	[tilespmem:s26+$0x185C0] =	vst v17  }
0x138: {  	[tilespmem:s26+$0x185D0] =	vst v18  }
0x139: {  	[tilespmem:s26+$0x185E0] =	vst v19  }
0x13a: {  	s20 =	spop (v2sf);
	[tilespmem:s26+$0x185F0] =	vst v2  }
0x13b: {  	[tilespmem:s26+$0x17E00] =	vst v3;
	v2 =	vld [tilespmem:s20+$0x0]  }
0x13c: {  	v3 =	vld [tilespmem:s8+$0x10];
	_ =	sdelay $0x3  }
0x13d: {  	[tilespmem:s26+$0x18600] =	vst v2  }
0x13e: {  	[tilespmem:s26+$0x17E10] =	vst v3;
	v2 =	vld [tilespmem:s20+$0x10]  }
0x13f: {  	v3 =	vld [tilespmem:s8+$0x20];
	_ =	sdelay $0x3  }
0x140: {  	[tilespmem:s26+$0x18610] =	vst v2  }
0x141: {  	(v2sf) =	vpush v1, $0x9;
	[tilespmem:s26+$0x17E20] =	vst v3;
	v2 =	vld [tilespmem:s20+$0x20]  }
0x142: {  	v3 =	vld [tilespmem:s8+$0x30]  }
0x143: {  	v20 =	vld [tilespmem:s26+$0xFE01]  }
0x144: {  	v21 =	vld [tilespmem:s26+$0xFE11]  }
0x145: {  	v22 =	vld [tilespmem:s26+$0xFE21]  }
0x146: {  	[tilespmem:s26+$0x18620] =	vst v2;
	v2 =	vld [tilespmem:s26+$0xFE31]  }
0x147: {  	[tilespmem:s26+$0x17E30] =	vst v3;
	v3 =	vld [tilespmem:s20+$0x30]  }
0x148: {  	v23 =	vld [tilespmem:s26+$0x10601];
	[tilespmem:s26+$0x17E40] =	vst v20  }
0x149: {  	v24 =	vld [tilespmem:s26+$0x10611];
	[tilespmem:s26+$0x17E50] =	vst v21  }
0x14a: {  	v25 =	vld [tilespmem:s26+$0x10621];
	[tilespmem:s26+$0x17E60] =	vst v22  }
0x14b: {  	[tilespmem:s26+$0x17E70] =	vst v2;
	v2 =	vld [tilespmem:s26+$0x10631]  }
0x14c: {  	[tilespmem:s26+$0x18630] =	vst v3;
	v3 =	vld [tilespmem:s7+$0x0]  }
0x14d: {  	[tilespmem:s26+$0x18640] =	vst v23  }
0x14e: {  	[tilespmem:s26+$0x18650] =	vst v24  }
0x14f: {  	[tilespmem:s26+$0x18660] =	vst v25  }
0x150: {  	s21 =	spop (v2sf);
	[tilespmem:s26+$0x18670] =	vst v2  }
0x151: {  	[tilespmem:s26+$0x17E80] =	vst v3;
	v2 =	vld [tilespmem:s21+$0x0]  }
0x152: {  	v3 =	vld [tilespmem:s7+$0x10];
	_ =	sdelay $0x3  }
0x153: {  	[tilespmem:s26+$0x18680] =	vst v2  }
0x154: {  	[tilespmem:s26+$0x17E90] =	vst v3;
	v2 =	vld [tilespmem:s21+$0x10]  }
0x155: {  	v3 =	vld [tilespmem:s7+$0x20];
	_ =	sdelay $0x3  }
0x156: {  	[tilespmem:s26+$0x18690] =	vst v2  }
0x157: {  	(v2sf) =	vpush v1, $0xA;
	[tilespmem:s26+$0x17EA0] =	vst v3;
	v2 =	vld [tilespmem:s21+$0x20]  }
0x158: {  	v3 =	vld [tilespmem:s7+$0x30]  }
0x159: {  	v26 =	vld [tilespmem:s26+$0xFE81]  }
0x15a: {  	v27 =	vld [tilespmem:s26+$0xFE91]  }
0x15b: {  	v28 =	vld [tilespmem:s26+$0xFEA1]  }
0x15c: {  	[tilespmem:s26+$0x186A0] =	vst v2;
	v2 =	vld [tilespmem:s26+$0xFEB1]  }
0x15d: {  	[tilespmem:s26+$0x17EB0] =	vst v3;
	v3 =	vld [tilespmem:s21+$0x30]  }
0x15e: {  	v29 =	vld [tilespmem:s26+$0x10681];
	[tilespmem:s26+$0x17EC0] =	vst v26  }
0x15f: {  	v30 =	vld [tilespmem:s26+$0x10691];
	[tilespmem:s26+$0x17ED0] =	vst v27  }
0x160: {  	v31 =	vld [tilespmem:s26+$0x106A1];
	[tilespmem:s26+$0x17EE0] =	vst v28  }
0x161: {  	[tilespmem:s26+$0x17EF0] =	vst v2;
	v2 =	vld [tilespmem:s26+$0x106B1]  }
0x162: {  	[tilespmem:s26+$0x186B0] =	vst v3;
	v3 =	vld [tilespmem:s0+$0x0]  }
0x163: {  	[tilespmem:s26+$0x186C0] =	vst v29  }
0x164: {  	[tilespmem:s26+$0x186D0] =	vst v30  }
0x165: {  	[tilespmem:s26+$0x186E0] =	vst v31  }
0x166: {  	s8 =	spop (v2sf);
	[tilespmem:s26+$0x186F0] =	vst v2  }
0x167: {  	[tilespmem:s26+$0x17F00] =	vst v3;
	v2 =	vld [tilespmem:s8+$0x0]  }
0x168: {  	v3 =	vld [tilespmem:s0+$0x10];
	_ =	sdelay $0x3  }
0x169: {  	[tilespmem:s26+$0x18700] =	vst v2  }
0x16a: {  	[tilespmem:s26+$0x17F10] =	vst v3;
	v2 =	vld [tilespmem:s8+$0x10]  }
0x16b: {  	v3 =	vld [tilespmem:s0+$0x20];
	_ =	sdelay $0x3  }
0x16c: {  	[tilespmem:s26+$0x18710] =	vst v2  }
0x16d: {  	(v2sf) =	vpush v1, $0xB;
	[tilespmem:s26+$0x17F20] =	vst v3;
	v2 =	vld [tilespmem:s8+$0x20]  }
0x16e: {  	v3 =	vld [tilespmem:s0+$0x30]  }
0x16f: {  	v32 =	vld [tilespmem:s26+$0xFF01]  }
0x170: {  	v33 =	vld [tilespmem:s26+$0xFF11]  }
0x171: {  	v34 =	vld [tilespmem:s26+$0xFF21]  }
0x172: {  	[tilespmem:s26+$0x18720] =	vst v2;
	v2 =	vld [tilespmem:s26+$0xFF31]  }
0x173: {  	[tilespmem:s26+$0x17F30] =	vst v3;
	v3 =	vld [tilespmem:s8+$0x30]  }
0x174: {  	v35 =	vld [tilespmem:s26+$0x10701];
	[tilespmem:s26+$0x17F40] =	vst v32  }
0x175: {  	v36 =	vld [tilespmem:s26+$0x10711];
	[tilespmem:s26+$0x17F50] =	vst v33  }
0x176: {  	v37 =	vld [tilespmem:s26+$0x10721];
	[tilespmem:s26+$0x17F60] =	vst v34  }
0x177: {  	[tilespmem:s26+$0x17F70] =	vst v2;
	v2 =	vld [tilespmem:s26+$0x10731]  }
0x178: {  	[tilespmem:s26+$0x18730] =	vst v3;
	v3 =	vld [tilespmem:s1+$0x0]  }
0x179: {  	[tilespmem:s26+$0x18740] =	vst v35  }
0x17a: {  	[tilespmem:s26+$0x18750] =	vst v36  }
0x17b: {  	[tilespmem:s26+$0x18760] =	vst v37  }
0x17c: {  	s11 =	spop (v2sf);
	[tilespmem:s26+$0x18770] =	vst v2  }
0x17d: {  	[tilespmem:s26+$0x17F80] =	vst v3;
	v2 =	vld [tilespmem:s11+$0x0]  }
0x17e: {  	v3 =	vld [tilespmem:s1+$0x10];
	_ =	sdelay $0x3  }
0x17f: {  	[tilespmem:s26+$0x18780] =	vst v2  }
0x180: {  	[tilespmem:s26+$0x17F90] =	vst v3;
	v2 =	vld [tilespmem:s11+$0x10]  }
0x181: {  	v3 =	vld [tilespmem:s1+$0x20];
	_ =	sdelay $0x3  }
0x182: {  	[tilespmem:s26+$0x18790] =	vst v2  }
0x183: {  	(v2sf) =	vpush v1, $0xC;
	[tilespmem:s26+$0x17FA0] =	vst v3;
	v2 =	vld [tilespmem:s11+$0x20]  }
0x184: {  	v3 =	vld [tilespmem:s1+$0x30]  }
0x185: {  	v38 =	vld [tilespmem:s26+$0xFF81]  }
0x186: {  	v39 =	vld [tilespmem:s26+$0xFF91]  }
0x187: {  	v40 =	vld [tilespmem:s26+$0xFFA1]  }
0x188: {  	[tilespmem:s26+$0x187A0] =	vst v2;
	v2 =	vld [tilespmem:s26+$0xFFB1]  }
0x189: {  	[tilespmem:s26+$0x17FB0] =	vst v3;
	v3 =	vld [tilespmem:s11+$0x30]  }
0x18a: {  	v41 =	vld [tilespmem:s26+$0x10781];
	[tilespmem:s26+$0x17FC0] =	vst v38  }
0x18b: {  	v42 =	vld [tilespmem:s26+$0x10791];
	[tilespmem:s26+$0x17FD0] =	vst v39  }
0x18c: {  	v43 =	vld [tilespmem:s26+$0x107A1];
	[tilespmem:s26+$0x17FE0] =	vst v40  }
0x18d: {  	[tilespmem:s26+$0x17FF0] =	vst v2;
	v2 =	vld [tilespmem:s26+$0x107B1]  }
0x18e: {  	[tilespmem:s26+$0x187B0] =	vst v3;
	v3 =	vld [tilespmem:s31+$0x0]  }
0x18f: {  	[tilespmem:s26+$0x187C0] =	vst v41  }
0x190: {  	[tilespmem:s26+$0x187D0] =	vst v42  }
0x191: {  	[tilespmem:s26+$0x187E0] =	vst v43  }
0x192: {  	s13 =	spop (v2sf);
	[tilespmem:s26+$0x187F0] =	vst v2  }
0x193: {  	[tilespmem:s26+$0x18000] =	vst v3;
	v2 =	vld [tilespmem:s13+$0x0]  }
0x194: {  	v3 =	vld [tilespmem:s31+$0x10];
	_ =	sdelay $0x3  }
0x195: {  	[tilespmem:s26+$0x18800] =	vst v2  }
0x196: {  	[tilespmem:s26+$0x18010] =	vst v3;
	v2 =	vld [tilespmem:s13+$0x10]  }
0x197: {  	v3 =	vld [tilespmem:s31+$0x20];
	_ =	sdelay $0x3  }
0x198: {  	[tilespmem:s26+$0x18810] =	vst v2  }
0x199: {  	(v2sf) =	vpush v1, $0xD;
	[tilespmem:s26+$0x18020] =	vst v3;
	v2 =	vld [tilespmem:s13+$0x20]  }
0x19a: {  	v3 =	vld [tilespmem:s31+$0x30]  }
0x19b: {  	v44 =	vld [tilespmem:s26+$0x10001]  }
0x19c: {  	v45 =	vld [tilespmem:s26+$0x10011]  }
0x19d: {  	v46 =	vld [tilespmem:s26+$0x10021]  }
0x19e: {  	[tilespmem:s26+$0x18820] =	vst v2;
	v2 =	vld [tilespmem:s26+$0x10031]  }
0x19f: {  	[tilespmem:s26+$0x18030] =	vst v3;
	v3 =	vld [tilespmem:s13+$0x30]  }
0x1a0: {  	v47 =	vld [tilespmem:s26+$0x10801];
	[tilespmem:s26+$0x18040] =	vst v44  }
0x1a1: {  	v48 =	vld [tilespmem:s26+$0x10811];
	[tilespmem:s26+$0x18050] =	vst v45  }
0x1a2: {  	v49 =	vld [tilespmem:s26+$0x10821];
	[tilespmem:s26+$0x18060] =	vst v46  }
0x1a3: {  	[tilespmem:s26+$0x18070] =	vst v2;
	v2 =	vld [tilespmem:s26+$0x10831]  }
0x1a4: {  	[tilespmem:s26+$0x18830] =	vst v3;
	v3 =	vld [tilespmem:s30+$0x0]  }
0x1a5: {  	[tilespmem:s26+$0x18840] =	vst v47  }
0x1a6: {  	[tilespmem:s26+$0x18850] =	vst v48  }
0x1a7: {  	[tilespmem:s26+$0x18860] =	vst v49  }
0x1a8: {  	s20 =	spop (v2sf);
	[tilespmem:s26+$0x18870] =	vst v2  }
0x1a9: {  	[tilespmem:s26+$0x18080] =	vst v3;
	v2 =	vld [tilespmem:s20+$0x0]  }
0x1aa: {  	v3 =	vld [tilespmem:s30+$0x10];
	_ =	sdelay $0x3  }
0x1ab: {  	[tilespmem:s26+$0x18880] =	vst v2  }
0x1ac: {  	[tilespmem:s26+$0x18090] =	vst v3;
	v2 =	vld [tilespmem:s20+$0x10]  }
0x1ad: {  	v3 =	vld [tilespmem:s30+$0x20];
	_ =	sdelay $0x3  }
0x1ae: {  	[tilespmem:s26+$0x18890] =	vst v2  }
0x1af: {  	(v2sf) =	vpush v1, $0xE;
	[tilespmem:s26+$0x180A0] =	vst v3;
	v2 =	vld [tilespmem:s20+$0x20]  }
0x1b0: {  	v3 =	vld [tilespmem:s30+$0x30]  }
0x1b1: {  	v50 =	vld [tilespmem:s26+$0x10081]  }
0x1b2: {  	v51 =	vld [tilespmem:s26+$0x10091]  }
0x1b3: {  	v52 =	vld [tilespmem:s26+$0x100A1]  }
0x1b4: {  	[tilespmem:s26+$0x188A0] =	vst v2;
	v2 =	vld [tilespmem:s26+$0x100B1]  }
0x1b5: {  	[tilespmem:s26+$0x180B0] =	vst v3;
	v3 =	vld [tilespmem:s20+$0x30]  }
0x1b6: {  	v53 =	vld [tilespmem:s26+$0x10881];
	[tilespmem:s26+$0x180C0] =	vst v50  }
0x1b7: {  	v54 =	vld [tilespmem:s26+$0x10891];
	[tilespmem:s26+$0x180D0] =	vst v51  }
0x1b8: {  	v55 =	vld [tilespmem:s26+$0x108A1];
	[tilespmem:s26+$0x180E0] =	vst v52  }
0x1b9: {  	[tilespmem:s26+$0x180F0] =	vst v2;
	v2 =	vld [tilespmem:s26+$0x108B1]  }
0x1ba: {  	[tilespmem:s26+$0x188B0] =	vst v3;
	v3 =	vld [tilespmem:s29+$0x0]  }
0x1bb: {  	[tilespmem:s26+$0x188C0] =	vst v53  }
0x1bc: {  	[tilespmem:s26+$0x188D0] =	vst v54  }
0x1bd: {  	[tilespmem:s26+$0x188E0] =	vst v55  }
0x1be: {  	s21 =	spop (v2sf);
	[tilespmem:s26+$0x188F0] =	vst v2  }
0x1bf: {  	[tilespmem:s26+$0x18100] =	vst v3;
	v2 =	vld [tilespmem:s21+$0x0]  }
0x1c0: {  	v3 =	vld [tilespmem:s29+$0x10];
	_ =	sdelay $0x3  }
0x1c1: {  	[tilespmem:s26+$0x18900] =	vst v2  }
0x1c2: {  	[tilespmem:s26+$0x18110] =	vst v3;
	v2 =	vld [tilespmem:s21+$0x10]  }
0x1c3: {  	v3 =	vld [tilespmem:s29+$0x20];
	_ =	sdelay $0x3  }
0x1c4: {  	[tilespmem:s26+$0x18910] =	vst v2  }
0x1c5: {  	(v2sf) =	vpush v1, $0xF;
	[tilespmem:s26+$0x18120] =	vst v3;
	v2 =	vld [tilespmem:s21+$0x20]  }
0x1c6: {  	v1 =	vld [tilespmem:s29+$0x30]  }
0x1c7: {  	v56 =	vld [tilespmem:s26+$0x10111]  }
0x1c8: {  	v57 =	vld [tilespmem:s26+$0x10121]  }
0x1c9: {  	v3 =	vld [tilespmem:s26+$0x10101]  }
0x1ca: {  	[tilespmem:s26+$0x18920] =	vst v2;
	v2 =	vld [tilespmem:s26+$0x10131]  }
0x1cb: {  	[tilespmem:s26+$0x18130] =	vst v1;
	v1 =	vld [tilespmem:s21+$0x30]  }
0x1cc: {  	v58 =	vld [tilespmem:s26+$0x10911];
	[tilespmem:s26+$0x18150] =	vst v56  }
0x1cd: {  	v59 =	vld [tilespmem:s26+$0x10921];
	[tilespmem:s26+$0x18160] =	vst v57  }
0x1ce: {  	[tilespmem:s26+$0x18140] =	vst v3;
	v3 =	vld [tilespmem:s26+$0x10901]  }
0x1cf: {  	[tilespmem:s26+$0x18170] =	vst v2;
	v2 =	vld [tilespmem:s26+$0x10931]  }
0x1d0: {  	[tilespmem:s26+$0x18930] =	vst v1;
	v1 =	vld [tilespmem:s28+$0x0]  }
0x1d1: {  	[tilespmem:s26+$0x18950] =	vst v58  }
0x1d2: {  	[tilespmem:s26+$0x18960] =	vst v59  }
0x1d3: {  	[tilespmem:s26+$0x18940] =	vst v3  }
0x1d4: {  	s30 =	spop (v2sf);
	[tilespmem:s26+$0x18970] =	vst v2  }
0x1d5: {  	[tilespmem:s26+$0x18180] =	vst v1;
	v1 =	vld [tilespmem:s30+$0x0];
	_ =	sdelay $0x3  }
0x1d6: {  	v2 =	vld [tilespmem:s28+$0x10]  }
0x1d7: {  	[tilespmem:s26+$0x18980] =	vst v1  }
0x1d8: {  	v1 =	vld [tilespmem:s30+$0x10];
	_ =	sdelay $0x2  }
0x1d9: {  	[tilespmem:s26+$0x18190] =	vst v2  }
0x1da: {  	v2 =	vld [tilespmem:s28+$0x20]  }
0x1db: {  	[tilespmem:s26+$0x18990] =	vst v1  }
0x1dc: {  	v1 =	vld [tilespmem:s30+$0x20]  }
0x1dd: {  	v3 =	vld [tilespmem:s26+$0x10181]  }
0x1de: {  	v60 =	vld [tilespmem:s26+$0x10191]  }
0x1df: {  	v61 =	vld [tilespmem:s26+$0x101A1];
	[tilespmem:s26+$0x181A0] =	vst v2  }
0x1e0: {  	v2 =	vld [tilespmem:s28+$0x30]  }
0x1e1: {  	[tilespmem:s26+$0x189A0] =	vst v1;
	v1 =	vld [tilespmem:s26+$0x101B1]  }
0x1e2: {  	[tilespmem:s26+$0x181C0] =	vst v3;
	v3 =	vld [tilespmem:s26+$0x10981]  }
0x1e3: {  	v62 =	vld [tilespmem:s26+$0x10991];
	[tilespmem:s26+$0x181D0] =	vst v60  }
0x1e4: {  	v63 =	vld [tilespmem:s26+$0x109A1];
	[tilespmem:s26+$0x181E0] =	vst v61  }
0x1e5: {  	[tilespmem:s26+$0x181B0] =	vst v2;
	v2 =	vld [tilespmem:s30+$0x30]  }
0x1e6: {  	p1 =	slt.u32 s25, $0x6;
	[tilespmem:s26+$0x181F0] =	vst v1;
	v1 =	vld [tilespmem:s26+$0x109B1]  }
.Ltmp3:
0x1e7: {  	[tilespmem:s26+$0x189C0] =	vst v3;
	(pc) =	sbr.rel @p1 .LBB2_5-.Ltmp3, $4  }
0x1e8: {  	[tilespmem:s26+$0x189D0] =	vst v62  }
0x1e9: {  	[tilespmem:s26+$0x189E0] =	vst v63  }
0x1ea: {  	s31 =	sadd.s32 $0x2, s25;
	[tilespmem:s26+$0x189B0] =	vst v2  }
0x1eb: {  	s25 =	smov.u32 s31;
	[tilespmem:s26+$0x189F0] =	vst v1  }
0x1ec: {  	s0 =	sadd.s32 s6, s24  }
0x1ed: {  	p1 =	seq.s32 s23, $0x63;
	s0 =	sshrl.u32 s0, $0x3  }
0x1ee: {  	s29 =	simm.s32 $0x0;
	s1 =	sadd.s32 @!p1 s24, s9;
	s0 =	sadd.s32 s2, s0  }
0x1ef: {  	v1 =	vmov s29;
	[hbm4b:s0+s3] =	stream.linear.scatter [tilespmem:s17], [sflag:$0x3], $0x4000, $0x38;
	[tilespmem:$0x1FB00] =	vst v63  }
0x1f0: {  	v1 =	vshll.u32 v1, $0x7;
	s0 =	sshrl.u32 @!p1 s1, $0x3  }
0x1f1: {  	s5 =	simm.s32 @!p1 $0xFA00;
	s1 =	simm.s32 @!p1 $0x0;
	v1 =	vor.u32 v0, v1;
	s0 =	sadd.s32 @!p1 s4, s0  }
0x1f2: {  	[tilespmem:s5], [sflag:$0x1] =	stream.linear.gather @!p1 [hbm4b:s0+s1], $0x4000, $0x38;
	[tilespmem:$0x1FB00] =	vst v63  }
0x1f3: {  	_ =	swait.ge [sflag:s18], $0x4000  }
0x1f4: {  	[sflag:s18] =	ssyncset.done $0x0  }
0x1f5: {  	[sflag:s18] =	ssyncadd.s32 $0xFFFFC000  }
0x1f6: {  	s30 =	simm.s32 $0x10;
	v1 =	vld.idx.msk [tilespmem:v1+s15+$0x0], $0xffff  }
0x1f7: {  	v2 =	vmov s30  }
0x1f8: {  	v2 =	vshll.u32 v2, $0x7  }
0x1f9: {  	v2 =	vor.u32 v0, v2;
	_ =	sdelay $0x1  }
0x1fa: {  	s31 =	simm.s32 $0x20;
	v1 =	vtrunc.f32 v1  }
0x1fb: {  	v3 =	vmov s31;
	v1 =	vcvt.f32.s32 v1  }
0x1fc: {  	v3 =	vshll.u32 v3, $0x7  }
0x1fd: {  	v4 =	vshll.u32 v1, $0x6;
	v1 =	vld.idx.msk [tilespmem:v2+s15+$0x0], $0xffff;
	v2 =	vor.u32 v0, v3;
	_ =	sdelay $0x1  }
0x1fe: {  	s0 =	simm.s32 $0x1FA80  }
0x1ff: {  	s1 =	simm.s32 $0x30;
	[tilespmem:s0+$0x0] =	vst v4  }
.LBB2_7:
0x200: {  	v3 =	vmov s1;
	p2 =	sne.s32 s1, $0x70;
	s1 =	sadd.s32 $0x10, s1  }
.Ltmp4:
0x201: {  	v4 =	vtrunc.f32 v1;
	v3 =	vshll.u32 v3, $0x7;
	v1 =	vld.idx.msk [tilespmem:v2+s15+$0x0], $0xffff;
	(pc) =	sbr.rel @p2 .LBB2_7-.Ltmp4, $3  }
0x202: {  	v2 =	vor.u32 v0, v3;
	v3 =	vcvt.f32.s32 v4;
	_ =	sdelay $0x1  }
0x203: {  	s0 =	sadd.s32 $0x10, s0;
	v3 =	vshll.u32 v3, $0x6  }
0x204: {  	[tilespmem:s0+$0x0] =	vst v3  }
0x205: {  	_ =	sdelay $0x3  }
0x206: {  	v2 =	vld.idx.msk [tilespmem:v2+s15+$0x0], $0xffff;
	_ =	sdelay $0x3  }
0x207: {  	v1 =	vtrunc.f32 v1  }
0x208: {  	v1 =	vcvt.f32.s32 v1;
	v2 =	vtrunc.f32 v2  }
0x209: {  	v2 =	vcvt.f32.s32 v2  }
0x20a: {  	s0 =	sadd.s32 $0x10, s0;
	v1 =	vshll.u32 v1, $0x6  }
0x20b: {  	[tilespmem:s0+$0x0] =	vst v1;
	s0 =	sadd.s32 $0x10, s0;
	v1 =	vshll.u32 v2, $0x6  }
0x20c: {  	[tilespmem:s0+$0x0] =	vst v1;
	s0 =	simm.s32 @!p0 $0x4  }
0x20d: {  	_ =	swait.ge @!p0 [sflag:s0], $0x4000  }
0x20e: {  	[sflag:s0] =	ssyncset.done @!p0 $0x0  }
0x20f: {  	s25 =	simm.s32 $0x0;
	[sflag:s0] =	ssyncadd.s32 @!p0 $0xFFFFC000  }
.LBB2_9:
0x210: {  	s0 =	sshll.u32 s25, $0x4  }
0x211: {  	s1 =	sand.u32 $0x3FFFFFF0, s0  }
0x212: {  	v2 =	vld [tilespmem:s1+$0x1FA80];
	_ =	sdelay $0x4  }
0x213: {  	(v2sf) =	vpush v2, $0x0;
	_ =	sdelay $0xe  }
0x214: {  	s8 =	spop (v2sf)  }
0x215: {  	v1 =	vld [tilespmem:s8+$0x0];
	_ =	sdelay $0x3  }
0x216: {  	s26 =	sshll.u32 s25, $0xB  }
0x217: {  	[tilespmem:s26+$0x1BA00] =	vst v1  }
0x218: {  	v1 =	vld [tilespmem:s8+$0x10];
	_ =	sdelay $0x1  }
0x219: {  	(v2sf) =	vpush v2, $0x1;
	_ =	sdelay $0x2  }
0x21a: {  	[tilespmem:s26+$0x1BA10] =	vst v1  }
0x21b: {  	v1 =	vld [tilespmem:s8+$0x20];
	_ =	sdelay $0x1  }
0x21c: {  	v3 =	vld [tilespmem:s26+$0x13A01]  }
0x21d: {  	v4 =	vld [tilespmem:s26+$0x13A11]  }
0x21e: {  	v5 =	vld [tilespmem:s26+$0x13A21]  }
0x21f: {  	v6 =	vld [tilespmem:s26+$0x13A31];
	[tilespmem:s26+$0x1BA20] =	vst v1  }
0x220: {  	v1 =	vld [tilespmem:s8+$0x30]  }
0x221: {  	[tilespmem:s26+$0x1BA40] =	vst v3  }
0x222: {  	[tilespmem:s26+$0x1BA50] =	vst v4  }
0x223: {  	[tilespmem:s26+$0x1BA60] =	vst v5  }
0x224: {  	[tilespmem:s26+$0x1BA70] =	vst v6  }
0x225: {  	s11 =	spop (v2sf);
	[tilespmem:s26+$0x1BA30] =	vst v1  }
0x226: {  	v1 =	vld [tilespmem:s11+$0x0];
	_ =	sdelay $0x4  }
0x227: {  	[tilespmem:s26+$0x1BA80] =	vst v1  }
0x228: {  	v1 =	vld [tilespmem:s11+$0x10];
	_ =	sdelay $0x1  }
0x229: {  	(v2sf) =	vpush v2, $0x2;
	_ =	sdelay $0x2  }
0x22a: {  	[tilespmem:s26+$0x1BA90] =	vst v1  }
0x22b: {  	v1 =	vld [tilespmem:s11+$0x20];
	_ =	sdelay $0x1  }
0x22c: {  	v3 =	vld [tilespmem:s26+$0x13A81]  }
0x22d: {  	v30 =	vld [tilespmem:s26+$0x13A91]  }
0x22e: {  	v31 =	vld [tilespmem:s26+$0x13AA1]  }
0x22f: {  	v32 =	vld [tilespmem:s26+$0x13AB1];
	[tilespmem:s26+$0x1BAA0] =	vst v1  }
0x230: {  	v1 =	vld [tilespmem:s11+$0x30]  }
0x231: {  	[tilespmem:s26+$0x1BAC0] =	vst v3  }
0x232: {  	[tilespmem:s26+$0x1BAD0] =	vst v30  }
0x233: {  	[tilespmem:s26+$0x1BAE0] =	vst v31  }
0x234: {  	[tilespmem:s26+$0x1BAF0] =	vst v32  }
0x235: {  	s13 =	spop (v2sf);
	[tilespmem:s26+$0x1BAB0] =	vst v1  }
0x236: {  	v1 =	vld [tilespmem:s13+$0x0];
	_ =	sdelay $0x4  }
0x237: {  	[tilespmem:s26+$0x1BB00] =	vst v1  }
0x238: {  	v1 =	vld [tilespmem:s13+$0x10];
	_ =	sdelay $0x1  }
0x239: {  	(v2sf) =	vpush v2, $0x3;
	_ =	sdelay $0x2  }
0x23a: {  	[tilespmem:s26+$0x1BB10] =	vst v1  }
0x23b: {  	v1 =	vld [tilespmem:s13+$0x20];
	_ =	sdelay $0x1  }
0x23c: {  	v3 =	vld [tilespmem:s26+$0x13B01]  }
0x23d: {  	v33 =	vld [tilespmem:s26+$0x13B11]  }
0x23e: {  	v34 =	vld [tilespmem:s26+$0x13B21]  }
0x23f: {  	v35 =	vld [tilespmem:s26+$0x13B31];
	[tilespmem:s26+$0x1BB20] =	vst v1  }
0x240: {  	v1 =	vld [tilespmem:s13+$0x30]  }
0x241: {  	[tilespmem:s26+$0x1BB40] =	vst v3  }
0x242: {  	[tilespmem:s26+$0x1BB50] =	vst v33  }
0x243: {  	[tilespmem:s26+$0x1BB60] =	vst v34  }
0x244: {  	[tilespmem:s26+$0x1BB70] =	vst v35  }
0x245: {  	s20 =	spop (v2sf);
	[tilespmem:s26+$0x1BB30] =	vst v1  }
0x246: {  	v1 =	vld [tilespmem:s20+$0x0];
	_ =	sdelay $0x4  }
0x247: {  	[tilespmem:s26+$0x1BB80] =	vst v1  }
0x248: {  	v1 =	vld [tilespmem:s20+$0x10];
	_ =	sdelay $0x1  }
0x249: {  	(v2sf) =	vpush v2, $0x4;
	_ =	sdelay $0x2  }
0x24a: {  	[tilespmem:s26+$0x1BB90] =	vst v1  }
0x24b: {  	v1 =	vld [tilespmem:s20+$0x20];
	_ =	sdelay $0x1  }
0x24c: {  	v3 =	vld [tilespmem:s26+$0x13B81]  }
0x24d: {  	v36 =	vld [tilespmem:s26+$0x13B91]  }
0x24e: {  	v37 =	vld [tilespmem:s26+$0x13BA1]  }
0x24f: {  	v38 =	vld [tilespmem:s26+$0x13BB1];
	[tilespmem:s26+$0x1BBA0] =	vst v1  }
0x250: {  	v1 =	vld [tilespmem:s20+$0x30]  }
0x251: {  	[tilespmem:s26+$0x1BBC0] =	vst v3  }
0x252: {  	[tilespmem:s26+$0x1BBD0] =	vst v36  }
0x253: {  	[tilespmem:s26+$0x1BBE0] =	vst v37  }
0x254: {  	[tilespmem:s26+$0x1BBF0] =	vst v38  }
0x255: {  	s20 =	spop (v2sf);
	[tilespmem:s26+$0x1BBB0] =	vst v1  }
0x256: {  	v1 =	vld [tilespmem:s20+$0x0];
	_ =	sdelay $0x4  }
0x257: {  	[tilespmem:s26+$0x1BC00] =	vst v1  }
0x258: {  	v1 =	vld [tilespmem:s20+$0x10];
	_ =	sdelay $0x4  }
0x259: {  	[tilespmem:s26+$0x1BC10] =	vst v1  }
0x25a: {  	(v2sf) =	vpush v2, $0x5  }
0x25b: {  	(v2sf) =	vpush v2, $0x6  }
0x25c: {  	(v2sf) =	vpush v2, $0x7  }
0x25d: {  	(v2sf) =	vpush v2, $0x8  }
0x25e: {  	(v2sf) =	vpush v2, $0x9  }
0x25f: {  	(v2sf) =	vpush v2, $0xA  }
0x260: {  	v1 =	vld [tilespmem:s0+$0x1FA90];
	(v2sf) =	vpush v2, $0xB  }
0x261: {  	(v2sf) =	vpush v2, $0xC  }
0x262: {  	(v2sf) =	vpush v2, $0xD  }
0x263: {  	(v2sf) =	vpush v2, $0xE  }
0x264: {  	(v2sf) =	vpush v2, $0xF  }
0x265: {  	(v2sf) =	vpush v1, $0x0;
	_ =	sdelay $0x3  }
0x266: {  	s13 =	spop (v2sf)  }
0x267: {  	s5 =	spop (v2sf)  }
0x268: {  	s11 =	spop (v2sf)  }
0x269: {  	s8 =	spop (v2sf)  }
0x26a: {  	s7 =	spop (v2sf)  }
0x26b: {  	s0 =	spop (v2sf)  }
0x26c: {  	s1 =	spop (v2sf)  }
0x26d: {  	s31 =	spop (v2sf)  }
0x26e: {  	s30 =	spop (v2sf)  }
0x26f: {  	s29 =	spop (v2sf)  }
0x270: {  	s28 =	spop (v2sf)  }
0x271: {  	s21 =	spop (v2sf)  }
0x272: {  	v2 =	vld [tilespmem:s21+$0x0];
	_ =	sdelay $0x4  }
0x273: {  	[tilespmem:s26+$0x1C200] =	vst v2  }
0x274: {  	v2 =	vld [tilespmem:s21+$0x10];
	_ =	sdelay $0x1  }
0x275: {  	(v2sf) =	vpush v1, $0x1;
	_ =	sdelay $0x2  }
0x276: {  	[tilespmem:s26+$0x1C210] =	vst v2  }
0x277: {  	v2 =	vld [tilespmem:s21+$0x20];
	_ =	sdelay $0x1  }
0x278: {  	v3 =	vld [tilespmem:s26+$0x14201]  }
0x279: {  	v39 =	vld [tilespmem:s26+$0x14211]  }
0x27a: {  	v40 =	vld [tilespmem:s26+$0x14221]  }
0x27b: {  	v41 =	vld [tilespmem:s26+$0x14231];
	[tilespmem:s26+$0x1C220] =	vst v2  }
0x27c: {  	v2 =	vld [tilespmem:s21+$0x30]  }
0x27d: {  	[tilespmem:s26+$0x1C240] =	vst v3  }
0x27e: {  	[tilespmem:s26+$0x1C250] =	vst v39  }
0x27f: {  	[tilespmem:s26+$0x1C260] =	vst v40  }
0x280: {  	[tilespmem:s26+$0x1C270] =	vst v41  }
0x281: {  	s21 =	spop (v2sf);
	[tilespmem:s26+$0x1C230] =	vst v2  }
0x282: {  	v2 =	vld [tilespmem:s21+$0x0];
	_ =	sdelay $0x4  }
0x283: {  	[tilespmem:s26+$0x1C280] =	vst v2  }
0x284: {  	v2 =	vld [tilespmem:s21+$0x10];
	_ =	sdelay $0x1  }
0x285: {  	(v2sf) =	vpush v1, $0x2;
	_ =	sdelay $0x2  }
0x286: {  	[tilespmem:s26+$0x1C290] =	vst v2  }
0x287: {  	v2 =	vld [tilespmem:s21+$0x20];
	_ =	sdelay $0x1  }
0x288: {  	v3 =	vld [tilespmem:s26+$0x14281]  }
0x289: {  	v42 =	vld [tilespmem:s26+$0x14291]  }
0x28a: {  	v43 =	vld [tilespmem:s26+$0x142A1]  }
0x28b: {  	v44 =	vld [tilespmem:s26+$0x142B1];
	[tilespmem:s26+$0x1C2A0] =	vst v2  }
0x28c: {  	v2 =	vld [tilespmem:s21+$0x30]  }
0x28d: {  	[tilespmem:s26+$0x1C2C0] =	vst v3  }
0x28e: {  	[tilespmem:s26+$0x1C2D0] =	vst v42  }
0x28f: {  	[tilespmem:s26+$0x1C2E0] =	vst v43  }
0x290: {  	[tilespmem:s26+$0x1C2F0] =	vst v44  }
0x291: {  	s21 =	spop (v2sf);
	[tilespmem:s26+$0x1C2B0] =	vst v2  }
0x292: {  	v2 =	vld [tilespmem:s21+$0x0];
	_ =	sdelay $0x4  }
0x293: {  	[tilespmem:s26+$0x1C300] =	vst v2  }
0x294: {  	v2 =	vld [tilespmem:s21+$0x10];
	_ =	sdelay $0x1  }
0x295: {  	(v2sf) =	vpush v1, $0x3;
	_ =	sdelay $0x2  }
0x296: {  	[tilespmem:s26+$0x1C310] =	vst v2  }
0x297: {  	v2 =	vld [tilespmem:s21+$0x20];
	_ =	sdelay $0x1  }
0x298: {  	v3 =	vld [tilespmem:s26+$0x14301]  }
0x299: {  	v45 =	vld [tilespmem:s26+$0x14311]  }
0x29a: {  	v46 =	vld [tilespmem:s26+$0x14321]  }
0x29b: {  	v47 =	vld [tilespmem:s26+$0x14331];
	[tilespmem:s26+$0x1C320] =	vst v2  }
0x29c: {  	v2 =	vld [tilespmem:s21+$0x30]  }
0x29d: {  	[tilespmem:s26+$0x1C340] =	vst v3  }
0x29e: {  	[tilespmem:s26+$0x1C350] =	vst v45  }
0x29f: {  	[tilespmem:s26+$0x1C360] =	vst v46  }
0x2a0: {  	[tilespmem:s26+$0x1C370] =	vst v47  }
0x2a1: {  	s21 =	spop (v2sf);
	[tilespmem:s26+$0x1C330] =	vst v2  }
0x2a2: {  	v2 =	vld [tilespmem:s21+$0x0];
	_ =	sdelay $0x4  }
0x2a3: {  	[tilespmem:s26+$0x1C380] =	vst v2  }
0x2a4: {  	v2 =	vld [tilespmem:s21+$0x10];
	_ =	sdelay $0x1  }
0x2a5: {  	(v2sf) =	vpush v1, $0x4;
	_ =	sdelay $0x2  }
0x2a6: {  	[tilespmem:s26+$0x1C390] =	vst v2  }
0x2a7: {  	v2 =	vld [tilespmem:s21+$0x20];
	_ =	sdelay $0x1  }
0x2a8: {  	v3 =	vld [tilespmem:s26+$0x14381]  }
0x2a9: {  	v48 =	vld [tilespmem:s26+$0x14391]  }
0x2aa: {  	v49 =	vld [tilespmem:s26+$0x143A1]  }
0x2ab: {  	v50 =	vld [tilespmem:s26+$0x143B1];
	[tilespmem:s26+$0x1C3A0] =	vst v2  }
0x2ac: {  	v2 =	vld [tilespmem:s21+$0x30]  }
0x2ad: {  	[tilespmem:s26+$0x1C3C0] =	vst v3  }
0x2ae: {  	[tilespmem:s26+$0x1C3D0] =	vst v48  }
0x2af: {  	[tilespmem:s26+$0x1C3E0] =	vst v49  }
0x2b0: {  	[tilespmem:s26+$0x1C3F0] =	vst v50  }
0x2b1: {  	s21 =	spop (v2sf);
	[tilespmem:s26+$0x1C3B0] =	vst v2  }
0x2b2: {  	v2 =	vld [tilespmem:s21+$0x0];
	_ =	sdelay $0x4  }
0x2b3: {  	[tilespmem:s26+$0x1C400] =	vst v2  }
0x2b4: {  	v2 =	vld [tilespmem:s21+$0x10]  }
0x2b5: {  	v3 =	vld [tilespmem:s20+$0x20];
	_ =	sdelay $0x3  }
0x2b6: {  	[tilespmem:s26+$0x1C410] =	vst v2  }
0x2b7: {  	(v2sf) =	vpush v1, $0x5;
	[tilespmem:s26+$0x1BC20] =	vst v3;
	v2 =	vld [tilespmem:s21+$0x20]  }
0x2b8: {  	v3 =	vld [tilespmem:s20+$0x30]  }
0x2b9: {  	v51 =	vld [tilespmem:s26+$0x13C01]  }
0x2ba: {  	v52 =	vld [tilespmem:s26+$0x13C11]  }
0x2bb: {  	v53 =	vld [tilespmem:s26+$0x13C21]  }
0x2bc: {  	[tilespmem:s26+$0x1C420] =	vst v2;
	v2 =	vld [tilespmem:s26+$0x13C31]  }
0x2bd: {  	[tilespmem:s26+$0x1BC30] =	vst v3;
	v3 =	vld [tilespmem:s21+$0x30]  }
0x2be: {  	v54 =	vld [tilespmem:s26+$0x14401];
	[tilespmem:s26+$0x1BC40] =	vst v51  }
0x2bf: {  	v55 =	vld [tilespmem:s26+$0x14411];
	[tilespmem:s26+$0x1BC50] =	vst v52  }
0x2c0: {  	v56 =	vld [tilespmem:s26+$0x14421];
	[tilespmem:s26+$0x1BC60] =	vst v53  }
0x2c1: {  	[tilespmem:s26+$0x1BC70] =	vst v2;
	v2 =	vld [tilespmem:s26+$0x14431]  }
0x2c2: {  	[tilespmem:s26+$0x1C430] =	vst v3;
	v3 =	vld [tilespmem:s13+$0x0]  }
0x2c3: {  	[tilespmem:s26+$0x1C440] =	vst v54  }
0x2c4: {  	[tilespmem:s26+$0x1C450] =	vst v55  }
0x2c5: {  	[tilespmem:s26+$0x1C460] =	vst v56  }
0x2c6: {  	s21 =	spop (v2sf);
	[tilespmem:s26+$0x1C470] =	vst v2  }
0x2c7: {  	[tilespmem:s26+$0x1BC80] =	vst v3;
	v2 =	vld [tilespmem:s21+$0x0]  }
0x2c8: {  	v3 =	vld [tilespmem:s13+$0x10];
	_ =	sdelay $0x3  }
0x2c9: {  	[tilespmem:s26+$0x1C480] =	vst v2  }
0x2ca: {  	[tilespmem:s26+$0x1BC90] =	vst v3;
	v2 =	vld [tilespmem:s21+$0x10]  }
0x2cb: {  	v3 =	vld [tilespmem:s13+$0x20];
	_ =	sdelay $0x3  }
0x2cc: {  	[tilespmem:s26+$0x1C490] =	vst v2  }
0x2cd: {  	(v2sf) =	vpush v1, $0x6;
	[tilespmem:s26+$0x1BCA0] =	vst v3;
	v2 =	vld [tilespmem:s21+$0x20]  }
0x2ce: {  	v3 =	vld [tilespmem:s13+$0x30]  }
0x2cf: {  	v57 =	vld [tilespmem:s26+$0x13C81]  }
0x2d0: {  	v58 =	vld [tilespmem:s26+$0x13C91]  }
0x2d1: {  	v59 =	vld [tilespmem:s26+$0x13CA1]  }
0x2d2: {  	[tilespmem:s26+$0x1C4A0] =	vst v2;
	v2 =	vld [tilespmem:s26+$0x13CB1]  }
0x2d3: {  	[tilespmem:s26+$0x1BCB0] =	vst v3;
	v3 =	vld [tilespmem:s21+$0x30]  }
0x2d4: {  	v60 =	vld [tilespmem:s26+$0x14481];
	[tilespmem:s26+$0x1BCC0] =	vst v57  }
0x2d5: {  	v61 =	vld [tilespmem:s26+$0x14491];
	[tilespmem:s26+$0x1BCD0] =	vst v58  }
0x2d6: {  	v62 =	vld [tilespmem:s26+$0x144A1];
	[tilespmem:s26+$0x1BCE0] =	vst v59  }
0x2d7: {  	[tilespmem:s26+$0x1BCF0] =	vst v2;
	v2 =	vld [tilespmem:s26+$0x144B1]  }
0x2d8: {  	[tilespmem:s26+$0x1C4B0] =	vst v3;
	v3 =	vld [tilespmem:s5+$0x0]  }
0x2d9: {  	[tilespmem:s26+$0x1C4C0] =	vst v60  }
0x2da: {  	[tilespmem:s26+$0x1C4D0] =	vst v61  }
0x2db: {  	[tilespmem:s26+$0x1C4E0] =	vst v62  }
0x2dc: {  	s21 =	spop (v2sf);
	[tilespmem:s26+$0x1C4F0] =	vst v2  }
0x2dd: {  	[tilespmem:s26+$0x1BD00] =	vst v3;
	v2 =	vld [tilespmem:s21+$0x0]  }
0x2de: {  	v3 =	vld [tilespmem:s5+$0x10];
	_ =	sdelay $0x3  }
0x2df: {  	[tilespmem:s26+$0x1C500] =	vst v2  }
0x2e0: {  	[tilespmem:s26+$0x1BD10] =	vst v3;
	v2 =	vld [tilespmem:s21+$0x10]  }
0x2e1: {  	v3 =	vld [tilespmem:s5+$0x20];
	_ =	sdelay $0x3  }
0x2e2: {  	[tilespmem:s26+$0x1C510] =	vst v2  }
0x2e3: {  	(v2sf) =	vpush v1, $0x7;
	[tilespmem:s26+$0x1BD20] =	vst v3;
	v2 =	vld [tilespmem:s21+$0x20]  }
0x2e4: {  	v3 =	vld [tilespmem:s5+$0x30]  }
0x2e5: {  	v63 =	vld [tilespmem:s26+$0x13D01]  }
0x2e6: {  	v9 =	vld [tilespmem:s26+$0x13D11]  }
0x2e7: {  	v10 =	vld [tilespmem:s26+$0x13D21]  }
0x2e8: {  	[tilespmem:s26+$0x1C520] =	vst v2;
	v2 =	vld [tilespmem:s26+$0x13D31]  }
0x2e9: {  	[tilespmem:s26+$0x1BD30] =	vst v3;
	v3 =	vld [tilespmem:s21+$0x30]  }
0x2ea: {  	v11 =	vld [tilespmem:s26+$0x14501];
	[tilespmem:s26+$0x1BD40] =	vst v63  }
0x2eb: {  	v12 =	vld [tilespmem:s26+$0x14511];
	[tilespmem:s26+$0x1BD50] =	vst v9  }
0x2ec: {  	v13 =	vld [tilespmem:s26+$0x14521];
	[tilespmem:s26+$0x1BD60] =	vst v10  }
0x2ed: {  	[tilespmem:s26+$0x1BD70] =	vst v2;
	v2 =	vld [tilespmem:s26+$0x14531]  }
0x2ee: {  	[tilespmem:s26+$0x1C530] =	vst v3;
	v3 =	vld [tilespmem:s11+$0x0]  }
0x2ef: {  	[tilespmem:s26+$0x1C540] =	vst v11  }
0x2f0: {  	[tilespmem:s26+$0x1C550] =	vst v12  }
0x2f1: {  	[tilespmem:s26+$0x1C560] =	vst v13  }
0x2f2: {  	s13 =	spop (v2sf);
	[tilespmem:s26+$0x1C570] =	vst v2  }
0x2f3: {  	[tilespmem:s26+$0x1BD80] =	vst v3;
	v2 =	vld [tilespmem:s13+$0x0]  }
0x2f4: {  	v3 =	vld [tilespmem:s11+$0x10];
	_ =	sdelay $0x3  }
0x2f5: {  	[tilespmem:s26+$0x1C580] =	vst v2  }
0x2f6: {  	[tilespmem:s26+$0x1BD90] =	vst v3;
	v2 =	vld [tilespmem:s13+$0x10]  }
0x2f7: {  	v3 =	vld [tilespmem:s11+$0x20];
	_ =	sdelay $0x3  }
0x2f8: {  	[tilespmem:s26+$0x1C590] =	vst v2  }
0x2f9: {  	(v2sf) =	vpush v1, $0x8;
	[tilespmem:s26+$0x1BDA0] =	vst v3;
	v2 =	vld [tilespmem:s13+$0x20]  }
0x2fa: {  	v3 =	vld [tilespmem:s11+$0x30]  }
0x2fb: {  	v14 =	vld [tilespmem:s26+$0x13D81]  }
0x2fc: {  	v15 =	vld [tilespmem:s26+$0x13D91]  }
0x2fd: {  	v16 =	vld [tilespmem:s26+$0x13DA1]  }
0x2fe: {  	[tilespmem:s26+$0x1C5A0] =	vst v2;
	v2 =	vld [tilespmem:s26+$0x13DB1]  }
0x2ff: {  	[tilespmem:s26+$0x1BDB0] =	vst v3;
	v3 =	vld [tilespmem:s13+$0x30]  }
0x300: {  	v17 =	vld [tilespmem:s26+$0x14581];
	[tilespmem:s26+$0x1BDC0] =	vst v14  }
0x301: {  	v18 =	vld [tilespmem:s26+$0x14591];
	[tilespmem:s26+$0x1BDD0] =	vst v15  }
0x302: {  	v19 =	vld [tilespmem:s26+$0x145A1];
	[tilespmem:s26+$0x1BDE0] =	vst v16  }
0x303: {  	[tilespmem:s26+$0x1BDF0] =	vst v2;
	v2 =	vld [tilespmem:s26+$0x145B1]  }
0x304: {  	[tilespmem:s26+$0x1C5B0] =	vst v3;
	v3 =	vld [tilespmem:s8+$0x0]  }
0x305: {  	[tilespmem:s26+$0x1C5C0] =	vst v17  }
0x306: {  	[tilespmem:s26+$0x1C5D0] =	vst v18  }
0x307: {  	[tilespmem:s26+$0x1C5E0] =	vst v19  }
0x308: {  	s20 =	spop (v2sf);
	[tilespmem:s26+$0x1C5F0] =	vst v2  }
0x309: {  	[tilespmem:s26+$0x1BE00] =	vst v3;
	v2 =	vld [tilespmem:s20+$0x0]  }
0x30a: {  	v3 =	vld [tilespmem:s8+$0x10];
	_ =	sdelay $0x3  }
0x30b: {  	[tilespmem:s26+$0x1C600] =	vst v2  }
0x30c: {  	[tilespmem:s26+$0x1BE10] =	vst v3;
	v2 =	vld [tilespmem:s20+$0x10]  }
0x30d: {  	v3 =	vld [tilespmem:s8+$0x20];
	_ =	sdelay $0x3  }
0x30e: {  	[tilespmem:s26+$0x1C610] =	vst v2  }
0x30f: {  	(v2sf) =	vpush v1, $0x9;
	[tilespmem:s26+$0x1BE20] =	vst v3;
	v2 =	vld [tilespmem:s20+$0x20]  }
0x310: {  	v3 =	vld [tilespmem:s8+$0x30]  }
0x311: {  	v20 =	vld [tilespmem:s26+$0x13E01]  }
0x312: {  	v21 =	vld [tilespmem:s26+$0x13E11]  }
0x313: {  	v22 =	vld [tilespmem:s26+$0x13E21]  }
0x314: {  	[tilespmem:s26+$0x1C620] =	vst v2;
	v2 =	vld [tilespmem:s26+$0x13E31]  }
0x315: {  	[tilespmem:s26+$0x1BE30] =	vst v3;
	v3 =	vld [tilespmem:s20+$0x30]  }
0x316: {  	v23 =	vld [tilespmem:s26+$0x14601];
	[tilespmem:s26+$0x1BE40] =	vst v20  }
0x317: {  	v24 =	vld [tilespmem:s26+$0x14611];
	[tilespmem:s26+$0x1BE50] =	vst v21  }
0x318: {  	v25 =	vld [tilespmem:s26+$0x14621];
	[tilespmem:s26+$0x1BE60] =	vst v22  }
0x319: {  	[tilespmem:s26+$0x1BE70] =	vst v2;
	v2 =	vld [tilespmem:s26+$0x14631]  }
0x31a: {  	[tilespmem:s26+$0x1C630] =	vst v3;
	v3 =	vld [tilespmem:s7+$0x0]  }
0x31b: {  	[tilespmem:s26+$0x1C640] =	vst v23  }
0x31c: {  	[tilespmem:s26+$0x1C650] =	vst v24  }
0x31d: {  	[tilespmem:s26+$0x1C660] =	vst v25  }
0x31e: {  	s21 =	spop (v2sf);
	[tilespmem:s26+$0x1C670] =	vst v2  }
0x31f: {  	[tilespmem:s26+$0x1BE80] =	vst v3;
	v2 =	vld [tilespmem:s21+$0x0]  }
0x320: {  	v3 =	vld [tilespmem:s7+$0x10];
	_ =	sdelay $0x3  }
0x321: {  	[tilespmem:s26+$0x1C680] =	vst v2  }
0x322: {  	[tilespmem:s26+$0x1BE90] =	vst v3;
	v2 =	vld [tilespmem:s21+$0x10]  }
0x323: {  	v3 =	vld [tilespmem:s7+$0x20];
	_ =	sdelay $0x3  }
0x324: {  	[tilespmem:s26+$0x1C690] =	vst v2  }
0x325: {  	(v2sf) =	vpush v1, $0xA;
	[tilespmem:s26+$0x1BEA0] =	vst v3;
	v2 =	vld [tilespmem:s21+$0x20]  }
0x326: {  	v3 =	vld [tilespmem:s7+$0x30]  }
0x327: {  	v26 =	vld [tilespmem:s26+$0x13E81]  }
0x328: {  	v27 =	vld [tilespmem:s26+$0x13E91]  }
0x329: {  	v28 =	vld [tilespmem:s26+$0x13EA1]  }
0x32a: {  	[tilespmem:s26+$0x1C6A0] =	vst v2;
	v2 =	vld [tilespmem:s26+$0x13EB1]  }
0x32b: {  	[tilespmem:s26+$0x1BEB0] =	vst v3;
	v3 =	vld [tilespmem:s21+$0x30]  }
0x32c: {  	v29 =	vld [tilespmem:s26+$0x14681];
	[tilespmem:s26+$0x1BEC0] =	vst v26  }
0x32d: {  	v30 =	vld [tilespmem:s26+$0x14691];
	[tilespmem:s26+$0x1BED0] =	vst v27  }
0x32e: {  	v31 =	vld [tilespmem:s26+$0x146A1];
	[tilespmem:s26+$0x1BEE0] =	vst v28  }
0x32f: {  	[tilespmem:s26+$0x1BEF0] =	vst v2;
	v2 =	vld [tilespmem:s26+$0x146B1]  }
0x330: {  	[tilespmem:s26+$0x1C6B0] =	vst v3;
	v3 =	vld [tilespmem:s0+$0x0]  }
0x331: {  	[tilespmem:s26+$0x1C6C0] =	vst v29  }
0x332: {  	[tilespmem:s26+$0x1C6D0] =	vst v30  }
0x333: {  	[tilespmem:s26+$0x1C6E0] =	vst v31  }
0x334: {  	s8 =	spop (v2sf);
	[tilespmem:s26+$0x1C6F0] =	vst v2  }
0x335: {  	[tilespmem:s26+$0x1BF00] =	vst v3;
	v2 =	vld [tilespmem:s8+$0x0]  }
0x336: {  	v3 =	vld [tilespmem:s0+$0x10];
	_ =	sdelay $0x3  }
0x337: {  	[tilespmem:s26+$0x1C700] =	vst v2  }
0x338: {  	[tilespmem:s26+$0x1BF10] =	vst v3;
	v2 =	vld [tilespmem:s8+$0x10]  }
0x339: {  	v3 =	vld [tilespmem:s0+$0x20];
	_ =	sdelay $0x3  }
0x33a: {  	[tilespmem:s26+$0x1C710] =	vst v2  }
0x33b: {  	(v2sf) =	vpush v1, $0xB;
	[tilespmem:s26+$0x1BF20] =	vst v3;
	v2 =	vld [tilespmem:s8+$0x20]  }
0x33c: {  	v3 =	vld [tilespmem:s0+$0x30]  }
0x33d: {  	v32 =	vld [tilespmem:s26+$0x13F01]  }
0x33e: {  	v33 =	vld [tilespmem:s26+$0x13F11]  }
0x33f: {  	v34 =	vld [tilespmem:s26+$0x13F21]  }
0x340: {  	[tilespmem:s26+$0x1C720] =	vst v2;
	v2 =	vld [tilespmem:s26+$0x13F31]  }
0x341: {  	[tilespmem:s26+$0x1BF30] =	vst v3;
	v3 =	vld [tilespmem:s8+$0x30]  }
0x342: {  	v35 =	vld [tilespmem:s26+$0x14701];
	[tilespmem:s26+$0x1BF40] =	vst v32  }
0x343: {  	v36 =	vld [tilespmem:s26+$0x14711];
	[tilespmem:s26+$0x1BF50] =	vst v33  }
0x344: {  	v37 =	vld [tilespmem:s26+$0x14721];
	[tilespmem:s26+$0x1BF60] =	vst v34  }
0x345: {  	[tilespmem:s26+$0x1BF70] =	vst v2;
	v2 =	vld [tilespmem:s26+$0x14731]  }
0x346: {  	[tilespmem:s26+$0x1C730] =	vst v3;
	v3 =	vld [tilespmem:s1+$0x0]  }
0x347: {  	[tilespmem:s26+$0x1C740] =	vst v35  }
0x348: {  	[tilespmem:s26+$0x1C750] =	vst v36  }
0x349: {  	[tilespmem:s26+$0x1C760] =	vst v37  }
0x34a: {  	s11 =	spop (v2sf);
	[tilespmem:s26+$0x1C770] =	vst v2  }
0x34b: {  	[tilespmem:s26+$0x1BF80] =	vst v3;
	v2 =	vld [tilespmem:s11+$0x0]  }
0x34c: {  	v3 =	vld [tilespmem:s1+$0x10];
	_ =	sdelay $0x3  }
0x34d: {  	[tilespmem:s26+$0x1C780] =	vst v2  }
0x34e: {  	[tilespmem:s26+$0x1BF90] =	vst v3;
	v2 =	vld [tilespmem:s11+$0x10]  }
0x34f: {  	v3 =	vld [tilespmem:s1+$0x20];
	_ =	sdelay $0x3  }
0x350: {  	[tilespmem:s26+$0x1C790] =	vst v2  }
0x351: {  	(v2sf) =	vpush v1, $0xC;
	[tilespmem:s26+$0x1BFA0] =	vst v3;
	v2 =	vld [tilespmem:s11+$0x20]  }
0x352: {  	v3 =	vld [tilespmem:s1+$0x30]  }
0x353: {  	v38 =	vld [tilespmem:s26+$0x13F81]  }
0x354: {  	v39 =	vld [tilespmem:s26+$0x13F91]  }
0x355: {  	v40 =	vld [tilespmem:s26+$0x13FA1]  }
0x356: {  	[tilespmem:s26+$0x1C7A0] =	vst v2;
	v2 =	vld [tilespmem:s26+$0x13FB1]  }
0x357: {  	[tilespmem:s26+$0x1BFB0] =	vst v3;
	v3 =	vld [tilespmem:s11+$0x30]  }
0x358: {  	v41 =	vld [tilespmem:s26+$0x14781];
	[tilespmem:s26+$0x1BFC0] =	vst v38  }
0x359: {  	v42 =	vld [tilespmem:s26+$0x14791];
	[tilespmem:s26+$0x1BFD0] =	vst v39  }
0x35a: {  	v43 =	vld [tilespmem:s26+$0x147A1];
	[tilespmem:s26+$0x1BFE0] =	vst v40  }
0x35b: {  	[tilespmem:s26+$0x1BFF0] =	vst v2;
	v2 =	vld [tilespmem:s26+$0x147B1]  }
0x35c: {  	[tilespmem:s26+$0x1C7B0] =	vst v3;
	v3 =	vld [tilespmem:s31+$0x0]  }
0x35d: {  	[tilespmem:s26+$0x1C7C0] =	vst v41  }
0x35e: {  	[tilespmem:s26+$0x1C7D0] =	vst v42  }
0x35f: {  	[tilespmem:s26+$0x1C7E0] =	vst v43  }
0x360: {  	s13 =	spop (v2sf);
	[tilespmem:s26+$0x1C7F0] =	vst v2  }
0x361: {  	[tilespmem:s26+$0x1C000] =	vst v3;
	v2 =	vld [tilespmem:s13+$0x0]  }
0x362: {  	v3 =	vld [tilespmem:s31+$0x10];
	_ =	sdelay $0x3  }
0x363: {  	[tilespmem:s26+$0x1C800] =	vst v2  }
0x364: {  	[tilespmem:s26+$0x1C010] =	vst v3;
	v2 =	vld [tilespmem:s13+$0x10]  }
0x365: {  	v3 =	vld [tilespmem:s31+$0x20];
	_ =	sdelay $0x3  }
0x366: {  	[tilespmem:s26+$0x1C810] =	vst v2  }
0x367: {  	(v2sf) =	vpush v1, $0xD;
	[tilespmem:s26+$0x1C020] =	vst v3;
	v2 =	vld [tilespmem:s13+$0x20]  }
0x368: {  	v3 =	vld [tilespmem:s31+$0x30]  }
0x369: {  	v44 =	vld [tilespmem:s26+$0x14001]  }
0x36a: {  	v45 =	vld [tilespmem:s26+$0x14011]  }
0x36b: {  	v46 =	vld [tilespmem:s26+$0x14021]  }
0x36c: {  	[tilespmem:s26+$0x1C820] =	vst v2;
	v2 =	vld [tilespmem:s26+$0x14031]  }
0x36d: {  	[tilespmem:s26+$0x1C030] =	vst v3;
	v3 =	vld [tilespmem:s13+$0x30]  }
0x36e: {  	v47 =	vld [tilespmem:s26+$0x14801];
	[tilespmem:s26+$0x1C040] =	vst v44  }
0x36f: {  	v48 =	vld [tilespmem:s26+$0x14811];
	[tilespmem:s26+$0x1C050] =	vst v45  }
0x370: {  	v49 =	vld [tilespmem:s26+$0x14821];
	[tilespmem:s26+$0x1C060] =	vst v46  }
0x371: {  	[tilespmem:s26+$0x1C070] =	vst v2;
	v2 =	vld [tilespmem:s26+$0x14831]  }
0x372: {  	[tilespmem:s26+$0x1C830] =	vst v3;
	v3 =	vld [tilespmem:s30+$0x0]  }
0x373: {  	[tilespmem:s26+$0x1C840] =	vst v47  }
0x374: {  	[tilespmem:s26+$0x1C850] =	vst v48  }
0x375: {  	[tilespmem:s26+$0x1C860] =	vst v49  }
0x376: {  	s20 =	spop (v2sf);
	[tilespmem:s26+$0x1C870] =	vst v2  }
0x377: {  	[tilespmem:s26+$0x1C080] =	vst v3;
	v2 =	vld [tilespmem:s20+$0x0]  }
0x378: {  	v3 =	vld [tilespmem:s30+$0x10];
	_ =	sdelay $0x3  }
0x379: {  	[tilespmem:s26+$0x1C880] =	vst v2  }
0x37a: {  	[tilespmem:s26+$0x1C090] =	vst v3;
	v2 =	vld [tilespmem:s20+$0x10]  }
0x37b: {  	v3 =	vld [tilespmem:s30+$0x20];
	_ =	sdelay $0x3  }
0x37c: {  	[tilespmem:s26+$0x1C890] =	vst v2  }
0x37d: {  	(v2sf) =	vpush v1, $0xE;
	[tilespmem:s26+$0x1C0A0] =	vst v3;
	v2 =	vld [tilespmem:s20+$0x20]  }
0x37e: {  	v3 =	vld [tilespmem:s30+$0x30]  }
0x37f: {  	v50 =	vld [tilespmem:s26+$0x14081]  }
0x380: {  	v51 =	vld [tilespmem:s26+$0x14091]  }
0x381: {  	v52 =	vld [tilespmem:s26+$0x140A1]  }
0x382: {  	[tilespmem:s26+$0x1C8A0] =	vst v2;
	v2 =	vld [tilespmem:s26+$0x140B1]  }
0x383: {  	[tilespmem:s26+$0x1C0B0] =	vst v3;
	v3 =	vld [tilespmem:s20+$0x30]  }
0x384: {  	v53 =	vld [tilespmem:s26+$0x14881];
	[tilespmem:s26+$0x1C0C0] =	vst v50  }
0x385: {  	v54 =	vld [tilespmem:s26+$0x14891];
	[tilespmem:s26+$0x1C0D0] =	vst v51  }
0x386: {  	v55 =	vld [tilespmem:s26+$0x148A1];
	[tilespmem:s26+$0x1C0E0] =	vst v52  }
0x387: {  	[tilespmem:s26+$0x1C0F0] =	vst v2;
	v2 =	vld [tilespmem:s26+$0x148B1]  }
0x388: {  	[tilespmem:s26+$0x1C8B0] =	vst v3;
	v3 =	vld [tilespmem:s29+$0x0]  }
0x389: {  	[tilespmem:s26+$0x1C8C0] =	vst v53  }
0x38a: {  	[tilespmem:s26+$0x1C8D0] =	vst v54  }
0x38b: {  	[tilespmem:s26+$0x1C8E0] =	vst v55  }
0x38c: {  	s21 =	spop (v2sf);
	[tilespmem:s26+$0x1C8F0] =	vst v2  }
0x38d: {  	[tilespmem:s26+$0x1C100] =	vst v3;
	v2 =	vld [tilespmem:s21+$0x0]  }
0x38e: {  	v3 =	vld [tilespmem:s29+$0x10];
	_ =	sdelay $0x3  }
0x38f: {  	[tilespmem:s26+$0x1C900] =	vst v2  }
0x390: {  	[tilespmem:s26+$0x1C110] =	vst v3;
	v2 =	vld [tilespmem:s21+$0x10]  }
0x391: {  	v3 =	vld [tilespmem:s29+$0x20];
	_ =	sdelay $0x3  }
0x392: {  	[tilespmem:s26+$0x1C910] =	vst v2  }
0x393: {  	(v2sf) =	vpush v1, $0xF;
	[tilespmem:s26+$0x1C120] =	vst v3;
	v2 =	vld [tilespmem:s21+$0x20]  }
0x394: {  	v1 =	vld [tilespmem:s29+$0x30]  }
0x395: {  	v56 =	vld [tilespmem:s26+$0x14111]  }
0x396: {  	v57 =	vld [tilespmem:s26+$0x14121]  }
0x397: {  	v3 =	vld [tilespmem:s26+$0x14101]  }
0x398: {  	[tilespmem:s26+$0x1C920] =	vst v2;
	v2 =	vld [tilespmem:s26+$0x14131]  }
0x399: {  	[tilespmem:s26+$0x1C130] =	vst v1;
	v1 =	vld [tilespmem:s21+$0x30]  }
0x39a: {  	v58 =	vld [tilespmem:s26+$0x14911];
	[tilespmem:s26+$0x1C150] =	vst v56  }
0x39b: {  	v59 =	vld [tilespmem:s26+$0x14921];
	[tilespmem:s26+$0x1C160] =	vst v57  }
0x39c: {  	[tilespmem:s26+$0x1C140] =	vst v3;
	v3 =	vld [tilespmem:s26+$0x14901]  }
0x39d: {  	[tilespmem:s26+$0x1C170] =	vst v2;
	v2 =	vld [tilespmem:s26+$0x14931]  }
0x39e: {  	[tilespmem:s26+$0x1C930] =	vst v1;
	v1 =	vld [tilespmem:s28+$0x0]  }
0x39f: {  	[tilespmem:s26+$0x1C950] =	vst v58  }
0x3a0: {  	[tilespmem:s26+$0x1C960] =	vst v59  }
0x3a1: {  	[tilespmem:s26+$0x1C940] =	vst v3  }
0x3a2: {  	s30 =	spop (v2sf);
	[tilespmem:s26+$0x1C970] =	vst v2  }
0x3a3: {  	[tilespmem:s26+$0x1C180] =	vst v1;
	v1 =	vld [tilespmem:s30+$0x0];
	_ =	sdelay $0x3  }
0x3a4: {  	v2 =	vld [tilespmem:s28+$0x10]  }
0x3a5: {  	[tilespmem:s26+$0x1C980] =	vst v1  }
0x3a6: {  	v1 =	vld [tilespmem:s30+$0x10];
	_ =	sdelay $0x2  }
0x3a7: {  	[tilespmem:s26+$0x1C190] =	vst v2  }
0x3a8: {  	v2 =	vld [tilespmem:s28+$0x20]  }
0x3a9: {  	[tilespmem:s26+$0x1C990] =	vst v1  }
0x3aa: {  	v1 =	vld [tilespmem:s30+$0x20]  }
0x3ab: {  	v3 =	vld [tilespmem:s26+$0x14181]  }
0x3ac: {  	v60 =	vld [tilespmem:s26+$0x14191]  }
0x3ad: {  	v61 =	vld [tilespmem:s26+$0x141A1];
	[tilespmem:s26+$0x1C1A0] =	vst v2  }
0x3ae: {  	v2 =	vld [tilespmem:s28+$0x30]  }
0x3af: {  	[tilespmem:s26+$0x1C9A0] =	vst v1;
	v1 =	vld [tilespmem:s26+$0x141B1]  }
0x3b0: {  	[tilespmem:s26+$0x1C1C0] =	vst v3;
	v3 =	vld [tilespmem:s26+$0x14981]  }
0x3b1: {  	v62 =	vld [tilespmem:s26+$0x14991];
	[tilespmem:s26+$0x1C1D0] =	vst v60  }
0x3b2: {  	v63 =	vld [tilespmem:s26+$0x149A1];
	[tilespmem:s26+$0x1C1E0] =	vst v61  }
0x3b3: {  	[tilespmem:s26+$0x1C1B0] =	vst v2;
	v2 =	vld [tilespmem:s30+$0x30]  }
0x3b4: {  	p0 =	slt.u32 s25, $0x6;
	[tilespmem:s26+$0x1C1F0] =	vst v1;
	v1 =	vld [tilespmem:s26+$0x149B1]  }
.Ltmp5:
0x3b5: {  	[tilespmem:s26+$0x1C9C0] =	vst v3;
	(pc) =	sbr.rel @p0 .LBB2_9-.Ltmp5, $4  }
0x3b6: {  	[tilespmem:s26+$0x1C9D0] =	vst v62  }
0x3b7: {  	[tilespmem:s26+$0x1C9E0] =	vst v63  }
0x3b8: {  	s31 =	sadd.s32 $0x2, s25;
	[tilespmem:s26+$0x1C9B0] =	vst v2  }
0x3b9: {  	s25 =	smov.u32 s31;
	[tilespmem:s26+$0x1C9F0] =	vst v1  }
.Ltmp6:
0x3ba: {  	(pc) =	sbr.rel @p1 .LBB2_12-.Ltmp6, $4  }
0x3bb: {  	_ = 	snop  }
0x3bc: {  	s0 =	sshll.u32 s23, $0xC  }
0x3bd: {  	s0 =	sadd.s32 s12, s0  }
0x3be: {  	[hbm4b:s0+s3] =	stream.linear.scatter [tilespmem:s19], [sflag:$0x4], $0x4000, $0x38;
	[tilespmem:$0x1FB00] =	vst v63  }
.Ltmp7:
0x3bf: {  	(pc) =	sbr.rel .LBB2_2-.Ltmp7, $4  }
0x3c0: {  	s0 =	sadd.s32 s24, s10  }
0x3c1: {  	s0 =	sshrl.u32 s0, $0x3  }
0x3c2: {  	s23 =	sadd.s32 $0x1, s23;
	s0 =	sadd.s32 s4, s0  }
0x3c3: {  	[tilespmem:s15], [sflag:$0x2] =	stream.linear.gather [hbm4b:s0+s3], $0x4000, $0x38;
	[tilespmem:$0x1FB00] =	vst v63  }
.LBB2_13:
0x3c4: {  	_ =	sfence.sel $0x180000  }
0x3c5: {  	[bflag:$0x0] =	sbarrier.arrive $0xFFFF  }
0x3c6: {  	_ =	strace $0x90000047  }
0x3c7: {  	s0 =	stileid.u32;
	[bflag:$0x2] =	sbarrier.arrive $0xFFFF  }
0x3c8: {  	p0 =	sne.s32 s0, $0x0;
	s0 =	rddreg [dreg:$0x2]  }
0x3c9: {  	s0 =	sadd.s32 @!p0 $0x100000, s0  }
0x3ca: {  	[sflag:s0] =	ssyncadd.tile.s32 @!p0 $0x1;
	_ =	shalt  }
.Lfunc_end2:
_tile_overlayer_lowered:
.L_overlay_start_2:
0x3cb: {  	(tag) =	ssettag $0x2  }
0x3cc: {  	s0 =	rddreg [dreg:$0x0];
	s2 =	stileid.u32  }
0x3cd: {  	s1 =	rddreg [dreg:$0x1];
	p0 =	sne.s32 s2, $0x0  }
0x3ce: {  	s3 =	rddreg [dreg:$0x2];
	[bflag:$0x3] =	sbarrier.arrive $0xFFFF;
	s2 =	simm.s32 @!p0 $0x1C05  }
0x3cf: {  	[timem:s3], [sflag:s2] =	dma.local @!p0 [hbm:s0], s1  }
0x3d0: {  	s0 =	simm.s32 @!p0 $0x5  }
0x3d1: {  	_ =	swait.ge @!p0 [sflag:s0], s1  }
0x3d2: {  	s1 =	ssub.s32 @!p0 $0x0, s1;
	[sflag:s0] =	ssyncset.done @!p0 $0x0  }
0x3d3: {  	[sflag:s0] =	ssyncadd.s32 @!p0 s1  }
0x3d4: {  	[bflag:$0x3] =	sbarrier.arrive $0xFFFF  }
0x3d5: {  	_ =	shalt  }

</sc_bundles>
